<compile_context>
chip_gen: v7x
topology: tpu7x:2x2x1
jax: 0.10.2.dev20260603
libtpu: 0.0.44.dev20260713+nightly
codegen_flags: <defaults>
</compile_context>

<pallas_src>
import functools

import jax
import jax.numpy as jnp
from jax import lax
from jax.experimental import pallas as pl
from jax.experimental.pallas import tpu as pltpu
from jax.experimental.pallas import tpu_sc as plsc

N = 10000
NP = 10240
E = 160000
EP = 163840
NFEAT = 256
NHID = 256
NCLASS = 40
NC, NS, L = 2, 16, 16
CHUNK = 128
EDGES_PER_TILE = EP // NS
NCHUNK = EDGES_PER_TILE // CHUNK
ROWS_PER_TILE = NP // NS

_mesh = plsc.VectorSubcoreMesh(core_axis_name="c", subcore_axis_name="s")


NCHUNK_HALF = NCHUNK // 2


@functools.partial(
    pl.kernel,
    mesh=_mesh,
    out_type=[jax.ShapeDtypeStruct((NP,), jnp.float32),
              jax.ShapeDtypeStruct((NP,), jnp.float32)],
    scratch_types=[
        pltpu.MemorySpace.VMEM_SHARED((NP, 128), jnp.float32),
        pltpu.VMEM((CHUNK, 128), jnp.float32),
        pltpu.VMEM((CHUNK, 128), jnp.float32),
        pltpu.VMEM((NCHUNK_HALF, CHUNK), jnp.int32),
        pltpu.VMEM((2 * L, 128), jnp.float32),
        pltpu.VMEM((ROWS_PER_TILE,), jnp.float32),
        pltpu.SemaphoreType.DMA,
        pltpu.SemaphoreType.DMA,
        pltpu.SemaphoreType.DMA,
    ],
)
def _deg_cnt(dst_hbm, cnta_hbm, cntb_hbm, cnt_sh, ones_v, zeros_v, didx_v,
             slab_v, dvec_v, sem, zsem, isem):
    c = lax.axis_index("c")
    s = lax.axis_index("s")

    row_base = pl.multiple_of((c * NS + s) * NCHUNK_HALF, 8)
    pltpu.async_copy(dst_hbm.at[pl.ds(row_base, NCHUNK_HALF)], didx_v, isem)

    @pl.loop(0, CHUNK)
    def _(i):
        for j in range(128 // L):
            zeros_v[i, pl.ds(j * L, L)] = jnp.zeros((L,), jnp.float32)

    r0 = s * ROWS_PER_TILE

    @pl.loop(0, ROWS_PER_TILE // CHUNK)
    def _(i):
        pltpu.async_copy(zeros_v, cnt_sh.at[pl.ds(r0 + i * CHUNK, CHUNK)], zsem)

    @pl.loop(0, CHUNK)
    def _(i):
        for j in range(128 // L):
            ones_v[i, pl.ds(j * L, L)] = jnp.ones((L,), jnp.float32)

    @pl.loop(0, ROWS_PER_TILE // CHUNK)
    def _(i):
        pltpu.make_async_copy(zeros_v, cnt_sh.at[pl.ds(r0 + i * CHUNK, CHUNK)],
                              zsem).wait()

    pltpu.make_async_copy(dst_hbm.at[pl.ds(row_base, NCHUNK_HALF)], didx_v,
                          isem).wait()

    plsc.subcore_barrier()

    @pl.loop(0, NCHUNK_HALF)
    def _(k):
        pltpu.async_copy(ones_v, cnt_sh.at[didx_v.at[k]], sem, add=True)

    @pl.loop(0, NCHUNK_HALF)
    def _(k):
        pltpu.make_async_copy(ones_v, cnt_sh.at[didx_v.at[k]], sem).wait()

    plsc.subcore_barrier()

    out0 = s * ROWS_PER_TILE
    lane = lax.iota(jnp.int32, L)

    @pl.loop(0, ROWS_PER_TILE // (2 * L))
    def _(t):
        pltpu.sync_copy(cnt_sh.at[pl.ds(out0 + t * (2 * L), 2 * L)], slab_v)
        for half in range(2):
            d = jnp.zeros((L,), jnp.float32)
            for l in range(L):
                d = jnp.where(lane == l, slab_v[half * L + l, pl.ds(0, L)], d)
            dvec_v[pl.ds(t * (2 * L) + half * L, L)] = d

    @pl.when(c == 0)
    def _():
        pltpu.sync_copy(dvec_v, cnta_hbm.at[pl.ds(out0, ROWS_PER_TILE)])

    @pl.when(c == 1)
    def _():
        pltpu.sync_copy(dvec_v, cntb_hbm.at[pl.ds(out0, ROWS_PER_TILE)])


CPS = 16


@functools.partial(
    pl.kernel,
    mesh=_mesh,
    out_type=jax.ShapeDtypeStruct((NC * NP, 128), jnp.float32),
    scratch_types=[
        pltpu.MemorySpace.VMEM_SHARED((NP, 128), jnp.float32),
        pltpu.VMEM((CHUNK, 128), jnp.float32),
        pltpu.VMEM((CHUNK, 128), jnp.float32),
        pltpu.VMEM((2 * CPS, CHUNK), jnp.int32),
        pltpu.VMEM((2 * CPS, CHUNK), jnp.int32),
        pltpu.SemaphoreType.DMA,
        pltpu.SemaphoreType.DMA,
        pltpu.SemaphoreType.DMA,
        pltpu.SemaphoreType.DMA,
        pltpu.SemaphoreType.DMA,
    ],
)
def _msg_pass(h_hbm, src_hbm, dst_hbm, out_hbm, acc_sh, rows_a, rows_b,
              sidx_v, didx_v, gsa, gsb, ssa, ssb, ists):
    c = lax.axis_index("c")
    s = lax.axis_index("s")

    @pl.loop(0, CHUNK)
    def _(i):
        for j in range(128 // L):
            rows_a[i, pl.ds(j * L, L)] = jnp.zeros((L,), jnp.float32)

    r0 = s * ROWS_PER_TILE

    @pl.loop(0, ROWS_PER_TILE // CHUNK)
    def _(i):
        pltpu.sync_copy(rows_a, acc_sh.at[pl.ds(r0 + i * CHUNK, CHUNK)])

    plsc.subcore_barrier()

    row_base = s * (EDGES_PER_TILE // CHUNK)
    hoff = c * NP

    def stage_refs(sup):
        slot = pl.multiple_of((sup % 2) * CPS, CPS)
        off = pl.multiple_of(row_base + sup * CPS, CPS)
        return (src_hbm.at[pl.ds(off, CPS)], sidx_v.at[pl.ds(slot, CPS)],
                dst_hbm.at[pl.ds(off, CPS)], didx_v.at[pl.ds(slot, CPS)])

    def stage_start(sup):
        s_src, d_src, s_dst, d_dst = stage_refs(sup)
        pltpu.async_copy(s_src, d_src, ists)
        pltpu.async_copy(s_dst, d_dst, ists)

    def stage_finish(sup):
        s_src, d_src, s_dst, d_dst = stage_refs(sup)
        pltpu.make_async_copy(s_src, d_src, ists).wait()
        pltpu.make_async_copy(s_dst, d_dst, ists).wait()
        slot = (sup % 2) * CPS

        @pl.loop(0, CPS)
        def _(j):
            for jj in range(CHUNK // L):
                sidx_v[slot + j, pl.ds(jj * L, L)] = (
                    sidx_v[slot + j, pl.ds(jj * L, L)] + hoff)

    def idx_row(k):
        return ((k // CPS) % 2) * CPS + (k % CPS)

    def gather(k, buf, sem):
        pltpu.async_copy(h_hbm.at[sidx_v.at[idx_row(k)]], buf, sem)

    def scatter(k, buf, sem):
        pltpu.async_copy(buf, acc_sh.at[didx_v.at[idx_row(k)]], sem, add=True)

    stage_start(0)
    stage_finish(0)
    gather(0, rows_a, gsa)

    @pl.loop(0, NCHUNK // 2)
    def _(t):
        k = t * 2
        pltpu.make_async_copy(h_hbm.at[sidx_v.at[idx_row(k)]], rows_a, gsa).wait()

        @pl.when(t > 0)
        def _():
            pltpu.make_async_copy(rows_b, acc_sh.at[didx_v.at[idx_row(k)]],
                                  ssb).wait()

        @pl.when((k % CPS == 0) & (k < NCHUNK - CPS))
        def _():
            stage_start(k // CPS + 1)

        gather(k + 1, rows_b, gsb)
        scatter(k, rows_a, ssa)

        pltpu.make_async_copy(h_hbm.at[sidx_v.at[idx_row(k + 1)]], rows_b,
                              gsb).wait()
        scatter(k + 1, rows_b, ssb)

        pltpu.make_async_copy(rows_a, acc_sh.at[didx_v.at[idx_row(k)]],
                              ssa).wait()

        @pl.when((k % CPS == CPS - 2) & (k + 2 < NCHUNK))
        def _():
            stage_finish((k + 2) // CPS)

        @pl.when(k + 2 < NCHUNK)
        def _():
            gather(k + 2, rows_a, gsa)

    pltpu.make_async_copy(rows_b, acc_sh.at[didx_v.at[idx_row(NCHUNK - 1)]],
                          ssb).wait()

    plsc.subcore_barrier()
    pltpu.sync_copy(acc_sh.at[pl.ds(r0, ROWS_PER_TILE)],
                    out_hbm.at[pl.ds(c * NP + r0, ROWS_PER_TILE)])


BR = 2048


def _mm1_body(x_ref, w_ref, ca_ref, cb_ref, out_ref, dinv_ref):
    h = jnp.dot(x_ref[...], w_ref[...], preferred_element_type=jnp.float32)
    d = lax.rsqrt(ca_ref[...] + cb_ref[...] + 1.0)
    dinv_ref[...] = d
    out_ref[0] = h[:, :128] * d
    out_ref[1] = h[:, 128:] * d


def _mm1(xp, W1, cA, cB):
    return pl.pallas_call(
        _mm1_body,
        grid=(NP // BR,),
        in_specs=[
            pl.BlockSpec((BR, NFEAT), lambda i: (i, 0)),
            pl.BlockSpec((NFEAT, NHID), lambda i: (0, 0)),
            pl.BlockSpec((BR, 1), lambda i: (i, 0)),
            pl.BlockSpec((BR, 1), lambda i: (i, 0)),
        ],
        out_specs=[
            pl.BlockSpec((2, BR, 128), lambda i: (0, i, 0)),
            pl.BlockSpec((BR, 1), lambda i: (i, 0)),
        ],
        out_shape=[
            jax.ShapeDtypeStruct((2, NP, 128), jnp.float32),
            jax.ShapeDtypeStruct((NP, 1), jnp.float32),
        ],
    )(xp, W1, cA, cB)


def _mm2_body(acc_ref, g_ref, dinv_ref, b_ref, w_ref, out_ref):
    dinv = dinv_ref[...]
    a0 = jnp.maximum((acc_ref[0] + g_ref[0]) * dinv + b_ref[0, 0], 0.0)
    a1 = jnp.maximum((acc_ref[1] + g_ref[1]) * dinv + b_ref[1, 0], 0.0)
    p = (jnp.dot(a0, w_ref[0], preferred_element_type=jnp.float32)
         + jnp.dot(a1, w_ref[1], preferred_element_type=jnp.float32))
    out_ref[0] = p * dinv


def _mm2(acc1, g1, dinv2d, b1r, W2r):
    return pl.pallas_call(
        _mm2_body,
        grid=(NP // BR, 2),
        in_specs=[
            pl.BlockSpec((2, BR, 128), lambda i, j: (0, i, 0)),
            pl.BlockSpec((2, BR, 128), lambda i, j: (0, i, 0)),
            pl.BlockSpec((BR, 1), lambda i, j: (i, 0)),
            pl.BlockSpec((2, 1, 128), lambda i, j: (0, 0, 0)),
            pl.BlockSpec((2, 128, 128), lambda i, j: (0, 0, j)),
        ],
        out_specs=pl.BlockSpec((1, BR, 128), lambda i, j: (j, i, 0)),
        out_shape=jax.ShapeDtypeStruct((2, NP, 128), jnp.float32),
    )(acc1, g1, dinv2d, b1r, W2r)


def _mm3_body(acc_ref, g_ref, dinv_ref, b_ref, w_ref, bfc_ref, out_ref):
    dinv = dinv_ref[...]
    a0 = (acc_ref[0] + g_ref[0]) * dinv + b_ref[0, 0]
    a1 = (acc_ref[1] + g_ref[1]) * dinv + b_ref[1, 0]
    out_ref[...] = (jnp.dot(a0, w_ref[0], preferred_element_type=jnp.float32)
                    + jnp.dot(a1, w_ref[1], preferred_element_type=jnp.float32)
                    + jnp.broadcast_to(bfc_ref[...], out_ref.shape))


def _mm3(acc2, g2, dinv2d, b2r, Wfcr, bfc2d):
    return pl.pallas_call(
        _mm3_body,
        grid=(NP // BR,),
        in_specs=[
            pl.BlockSpec((2, BR, 128), lambda i: (0, i, 0)),
            pl.BlockSpec((2, BR, 128), lambda i: (0, i, 0)),
            pl.BlockSpec((BR, 1), lambda i: (i, 0)),
            pl.BlockSpec((2, 1, 128), lambda i: (0, 0, 0)),
            pl.BlockSpec((2, 128, NCLASS), lambda i: (0, 0, 0)),
            pl.BlockSpec((1, NCLASS), lambda i: (0, 0)),
        ],
        out_specs=pl.BlockSpec((BR, NCLASS), lambda i: (i, 0)),
        out_shape=jax.ShapeDtypeStruct((NP, NCLASS), jnp.float32),
    )(acc2, g2, dinv2d, b2r, Wfcr, bfc2d)


def kernel(x, edge_index, W1, b1, W2, b2, Wfc, bfc):
    x = x.astype(jnp.float32)
    src = edge_index[0].astype(jnp.int32)
    dst = edge_index[1].astype(jnp.int32)
    srcp = jnp.concatenate([src, jnp.zeros((EP - E,), jnp.int32)])
    dstp = jnp.concatenate([dst, jnp.full((EP - E,), N + 16, jnp.int32)])
    srcp = srcp.reshape(EP // CHUNK, CHUNK)
    dstp = dstp.reshape(EP // CHUNK, CHUNK)
    xp = jnp.zeros((NP, NFEAT), jnp.float32).at[:N].set(x)

    cnta, cntb = _deg_cnt(dstp)

    g1, dinv2d = _mm1(xp, W1, cnta[:, None], cntb[:, None])
    acc1 = _msg_pass(g1.reshape(NC * NP, 128), srcp, dstp)
    g2 = _mm2(acc1.reshape(2, NP, 128), g1, dinv2d,
              b1.reshape(2, 1, 128), W2.reshape(2, 128, NHID))
    acc2 = _msg_pass(g2.reshape(NC * NP, 128), srcp, dstp)
    out = _mm3(acc2.reshape(2, NP, 128), g2, dinv2d,
               b2.reshape(2, 1, 128), Wfc.reshape(2, 128, NCLASS),
               bfc.reshape(1, NCLASS))
    return out[:N]

# --- scband reference (transcript-rebuilt; emitter-appended) ---
"""Pipeline reference for scband-gcn-encoder-43593918054551 (READ-ONLY COPY).

The authoritative reference and input builder live on the scoring server;
editing this copy changes nothing except your own understanding.
"""

import jax, jax.numpy as jnp
import numpy as np

N_NODES = 10000
NFEAT = 256
NHID = 256
NCLASS = 40
N_EDGES = 160000


def gcn_conv(x, edge_index, W, b):
    N = x.shape[0]
    src = edge_index[0]
    dst = edge_index[1]
    # add self-loops (PyG GCNConv default: add_self_loops=True)
    loop = jnp.arange(N, dtype=src.dtype)
    src = jnp.concatenate([src, loop], axis=0)
    dst = jnp.concatenate([dst, loop], axis=0)
    ew = jnp.ones(src.shape[0], dtype=x.dtype)
    # symmetric normalization D^{-1/2} (A+I) D^{-1/2}
    deg = jax.ops.segment_sum(ew, dst, num_segments=N)
    deg_inv_sqrt = jnp.where(deg > 0, deg ** -0.5, 0.0)
    norm = deg_inv_sqrt[src] * deg_inv_sqrt[dst]
    h = x @ W
    msg = h[src] * norm[:, None]
    out = jax.ops.segment_sum(msg, dst, num_segments=N)
    return out + b


def setup_inputs(seed: int = 0) -> dict:
    key = jax.random.key(seed)
    k1, k2, k3, k4, k5, k6 = jax.random.split(key, 6)
    x = jax.random.normal(k1, (N_NODES, NFEAT), dtype=jnp.float32)
    edge_index = jax.random.randint(k2, (2, N_EDGES), 0, N_NODES, dtype=jnp.int64)
    s1 = (1.0 / NFEAT) ** 0.5
    s2 = (1.0 / NHID) ** 0.5
    W1 = jax.random.uniform(k3, (NFEAT, NHID), jnp.float32, -s1, s1)
    b1 = jnp.zeros((NHID,), dtype=jnp.float32)
    W2 = jax.random.uniform(k4, (NHID, NHID), jnp.float32, -s2, s2)
    b2 = jnp.zeros((NHID,), dtype=jnp.float32)
    Wfc = jax.random.uniform(k5, (NHID, NCLASS), jnp.float32, -s2, s2)
    bfc = jax.random.uniform(k6, (NCLASS,), jnp.float32, -s2, s2)
    return {"x": x, "edge_index": edge_index, "W1": W1, "b1": b1, "W2": W2, "b2": b2, "Wfc": Wfc, "bfc": bfc}


def reference(x, edge_index, W1, b1, W2, b2, Wfc, bfc):
    h = gcn_conv(x, edge_index, W1, b1)
    h = jax.nn.relu(h)
    # dropout is identity in eval mode
    h = gcn_conv(h, edge_index, W2, b2)
    out = h @ Wfc + bfc
    return out

if __name__ == "__main__":
    import jax
    _d = setup_inputs()
    print(jax.jit(kernel)(*tuple(_d.values())))

</pallas_src>

<mosaic_0001>
#map = affine_map<(d0, d1) -> (0, 0)>
module attributes {stable_mosaic.version = 14 : i64} {
  func.func @_msg_pass(%arg0: i32, %arg1: i32, %arg2: memref<20480x128xf32, #tpu.memory_space<hbm>>, %arg3: memref<1280x128xi32, #tpu.memory_space<hbm>>, %arg4: memref<1280x128xi32, #tpu.memory_space<hbm>>, %arg5: memref<20480x128xf32, #tpu.memory_space<hbm>>, %arg6: memref<10240x128xf32, #tpu.memory_space<vmem_shared>>, %arg7: memref<128x128xf32, #tpu.memory_space<vmem>>, %arg8: memref<128x128xf32, #tpu.memory_space<vmem>>, %arg9: memref<32x128xi32, #tpu.memory_space<vmem>>, %arg10: memref<32x128xi32, #tpu.memory_space<vmem>>, %arg11: memref<!tpu.dma_semaphore, #tpu.memory_space<semaphore_mem>>, %arg12: memref<!tpu.dma_semaphore, #tpu.memory_space<semaphore_mem>>, %arg13: memref<!tpu.dma_semaphore, #tpu.memory_space<semaphore_mem>>, %arg14: memref<!tpu.dma_semaphore, #tpu.memory_space<semaphore_mem>>, %arg15: memref<!tpu.dma_semaphore, #tpu.memory_space<semaphore_mem>>) attributes {dimension_semantics = [#tpu.dimension_semantics<core_parallel>, #tpu.dimension_semantics<subcore_parallel>], iteration_bounds = array<i64: 2, 16>, scalar_prefetch = 0 : i64, scratch_operands = 10 : i64, tpu.core_type = #tpu.core_type<sc_vector_subcore>, window_params = [{transform_indices = #map}, {transform_indices = #map}, {transform_indices = #map}, {transform_indices = #map}]} {
    %scan3A = arith.constant 0 : i32
    %scan3A_0 = arith.constant 128 : i32
    %scan3A_1 = arith.addi %scan3A, %scan3A_0 : i32
    %scan3A_2 = arith.constant 1 : i32
    scf.for %scan3A_80 = %scan3A to %scan3A_1 step %scan3A_2  : i32 {
      %mul3A_81 = arith.constant 1 : i32
      %mul3A_82 = arith.muli %scan3A_80, %mul3A_81 : i32
      %add3A_83 = arith.constant 0 : i32
      %add3A_84 = arith.addi %add3A_83, %mul3A_82 : i32
      %broadcast_in_dim3A = arith.constant 0.000000e+00 : f32
      %broadcast_in_dim3A_85 = vector.broadcast %broadcast_in_dim3A : f32 to vector<16xf32>
      %swap3A = arith.index_cast %add3A_84 : i32 to index
      %swap3A_86 = arith.constant 0 : index
      %swap3A_87 = tpu.vector_load %arg7[%swap3A, %swap3A_86] {strides = array<i32>} : memref<128x128xf32, #tpu.memory_space<vmem>>, vector<1x16xf32>,
      %swap3A_88 = vector.shape_cast %swap3A_87 : vector<1x16xf32> to vector<16xf32>
      %swap3A_89 = vector.shape_cast %broadcast_in_dim3A_85 : vector<16xf32> to vector<1x16xf32>
      tpu.vector_store %arg7[%swap3A, %swap3A_86], %swap3A_89 {strides = array<i32>} : memref<128x128xf32, #tpu.memory_space<vmem>>, vector<1x16xf32>,
      %broadcast_in_dim3A_90 = arith.constant 0.000000e+00 : f32
      %broadcast_in_dim3A_91 = vector.broadcast %broadcast_in_dim3A_90 : f32 to vector<16xf32>
      %swap3A_92 = arith.index_cast %add3A_84 : i32 to index
      %swap3A_93 = arith.constant 16 : index
      %swap3A_94 = tpu.vector_load %arg7[%swap3A_92, %swap3A_93] {strides = array<i32>} : memref<128x128xf32, #tpu.memory_space<vmem>>, vector<1x16xf32>,
      %swap3A_95 = vector.shape_cast %swap3A_94 : vector<1x16xf32> to vector<16xf32>
      %swap3A_96 = vector.shape_cast %broadcast_in_dim3A_91 : vector<16xf32> to vector<1x16xf32>
      tpu.vector_store %arg7[%swap3A_92, %swap3A_93], %swap3A_96 {strides = array<i32>} : memref<128x128xf32, #tpu.memory_space<vmem>>, vector<1x16xf32>,
      %broadcast_in_dim3A_97 = arith.constant 0.000000e+00 : f32
      %broadcast_in_dim3A_98 = vector.broadcast %broadcast_in_dim3A_97 : f32 to vector<16xf32>
      %swap3A_99 = arith.index_cast %add3A_84 : i32 to index
      %swap3A_100 = arith.constant 32 : index
      %swap3A_101 = tpu.vector_load %arg7[%swap3A_99, %swap3A_100] {strides = array<i32>} : memref<128x128xf32, #tpu.memory_space<vmem>>, vector<1x16xf32>,
      %swap3A_102 = vector.shape_cast %swap3A_101 : vector<1x16xf32> to vector<16xf32>
      %swap3A_103 = vector.shape_cast %broadcast_in_dim3A_98 : vector<16xf32> to vector<1x16xf32>
      tpu.vector_store %arg7[%swap3A_99, %swap3A_100], %swap3A_103 {strides = array<i32>} : memref<128x128xf32, #tpu.memory_space<vmem>>, vector<1x16xf32>,
      %broadcast_in_dim3A_104 = arith.constant 0.000000e+00 : f32
      %broadcast_in_dim3A_105 = vector.broadcast %broadcast_in_dim3A_104 : f32 to vector<16xf32>
      %swap3A_106 = arith.index_cast %add3A_84 : i32 to index
      %swap3A_107 = arith.constant 48 : index
      %swap3A_108 = tpu.vector_load %arg7[%swap3A_106, %swap3A_107] {strides = array<i32>} : memref<128x128xf32, #tpu.memory_space<vmem>>, vector<1x16xf32>,
      %swap3A_109 = vector.shape_cast %swap3A_108 : vector<1x16xf32> to vector<16xf32>
      %swap3A_110 = vector.shape_cast %broadcast_in_dim3A_105 : vector<16xf32> to vector<1x16xf32>
      tpu.vector_store %arg7[%swap3A_106, %swap3A_107], %swap3A_110 {strides = array<i32>} : memref<128x128xf32, #tpu.memory_space<vmem>>, vector<1x16xf32>,
      %broadcast_in_dim3A_111 = arith.constant 0.000000e+00 : f32
      %broadcast_in_dim3A_112 = vector.broadcast %broadcast_in_dim3A_111 : f32 to vector<16xf32>
      %swap3A_113 = arith.index_cast %add3A_84 : i32 to index
      %swap3A_114 = arith.constant 64 : index
      %swap3A_115 = tpu.vector_load %arg7[%swap3A_113, %swap3A_114] {strides = array<i32>} : memref<128x128xf32, #tpu.memory_space<vmem>>, vector<1x16xf32>,
      %swap3A_116 = vector.shape_cast %swap3A_115 : vector<1x16xf32> to vector<16xf32>
      %swap3A_117 = vector.shape_cast %broadcast_in_dim3A_112 : vector<16xf32> to vector<1x16xf32>
      tpu.vector_store %arg7[%swap3A_113, %swap3A_114], %swap3A_117 {strides = array<i32>} : memref<128x128xf32, #tpu.memory_space<vmem>>, vector<1x16xf32>,
      %broadcast_in_dim3A_118 = arith.constant 0.000000e+00 : f32
      %broadcast_in_dim3A_119 = vector.broadcast %broadcast_in_dim3A_118 : f32 to vector<16xf32>
      %swap3A_120 = arith.index_cast %add3A_84 : i32 to index
      %swap3A_121 = arith.constant 80 : index
      %swap3A_122 = tpu.vector_load %arg7[%swap3A_120, %swap3A_121] {strides = array<i32>} : memref<128x128xf32, #tpu.memory_space<vmem>>, vector<1x16xf32>,
      %swap3A_123 = vector.shape_cast %swap3A_122 : vector<1x16xf32> to vector<16xf32>
      %swap3A_124 = vector.shape_cast %broadcast_in_dim3A_119 : vector<16xf32> to vector<1x16xf32>
      tpu.vector_store %arg7[%swap3A_120, %swap3A_121], %swap3A_124 {strides = array<i32>} : memref<128x128xf32, #tpu.memory_space<vmem>>, vector<1x16xf32>,
      %broadcast_in_dim3A_125 = arith.constant 0.000000e+00 : f32
      %broadcast_in_dim3A_126 = vector.broadcast %broadcast_in_dim3A_125 : f32 to vector<16xf32>
      %swap3A_127 = arith.index_cast %add3A_84 : i32 to index
      %swap3A_128 = arith.constant 96 : index
      %swap3A_129 = tpu.vector_load %arg7[%swap3A_127, %swap3A_128] {strides = array<i32>} : memref<128x128xf32, #tpu.memory_space<vmem>>, vector<1x16xf32>,
      %swap3A_130 = vector.shape_cast %swap3A_129 : vector<1x16xf32> to vector<16xf32>
      %swap3A_131 = vector.shape_cast %broadcast_in_dim3A_126 : vector<16xf32> to vector<1x16xf32>
      tpu.vector_store %arg7[%swap3A_127, %swap3A_128], %swap3A_131 {strides = array<i32>} : memref<128x128xf32, #tpu.memory_space<vmem>>, vector<1x16xf32>,
      %broadcast_in_dim3A_132 = arith.constant 0.000000e+00 : f32
      %broadcast_in_dim3A_133 = vector.broadcast %broadcast_in_dim3A_132 : f32 to vector<16xf32>
      %swap3A_134 = arith.index_cast %add3A_84 : i32 to index
      %swap3A_135 = arith.constant 112 : index
      %swap3A_136 = tpu.vector_load %arg7[%swap3A_134, %swap3A_135] {strides = array<i32>} : memref<128x128xf32, #tpu.memory_space<vmem>>, vector<1x16xf32>,
      %swap3A_137 = vector.shape_cast %swap3A_136 : vector<1x16xf32> to vector<16xf32>
      %swap3A_138 = vector.shape_cast %broadcast_in_dim3A_133 : vector<16xf32> to vector<1x16xf32>
      tpu.vector_store %arg7[%swap3A_134, %swap3A_135], %swap3A_138 {strides = array<i32>} : memref<128x128xf32, #tpu.memory_space<vmem>>, vector<1x16xf32>,
    }
    %scan3A_3 = arith.constant 128 : i32
    %mul3A = arith.constant 640 : i32
    %mul3A_4 = arith.muli %arg1, %mul3A : i32
    %scan3A_5 = arith.constant 0 : i32
    %scan3A_6 = arith.constant 5 : i32
    %scan3A_7 = arith.addi %scan3A_5, %scan3A_6 : i32
    %scan3A_8 = arith.constant 1 : i32
    scf.for %scan3A_80 = %scan3A_5 to %scan3A_7 step %scan3A_8  : i32 {
      %mul3A_81 = arith.constant 1 : i32
      %mul3A_82 = arith.muli %scan3A_80, %mul3A_81 : i32
      %add3A_83 = arith.constant 0 : i32
      %add3A_84 = arith.addi %add3A_83, %mul3A_82 : i32
      %mul3A_85 = arith.constant 128 : i32
      %mul3A_86 = arith.muli %add3A_84, %mul3A_85 : i32
      %add3A_87 = arith.addi %mul3A_4, %mul3A_86 : i32
      "tpu.region"() ({
        %run_scoped3A = tpu.sem_alloc : memref<!tpu.dma_semaphore, #tpu.memory_space<semaphore_mem>>
        %dma_start3A_88 = arith.constant 0 : i32
        %dma_start3A_89 = tpu.memref_slice %arg6[%add3A_87, %dma_start3A_88] : memref<10240x128xf32, #tpu.memory_space<vmem_shared>> -> memref<128x128xf32, #tpu.memory_space<vmem_shared>>
        %dma_start3A_90 = arith.constant 0 : i32
        %dma_start3A_91 = tpu.memref_slice %arg6[%add3A_87, %dma_start3A_90] : memref<10240x128xf32, #tpu.memory_space<vmem_shared>> -> memref<128x128xf32, #tpu.memory_space<vmem_shared>>
        tpu.enqueue_dma source(%arg7 : memref<128x128xf32, #tpu.memory_space<vmem>>) target(%dma_start3A_91 : memref<128x128xf32, #tpu.memory_space<vmem_shared>>) target_semaphore(%run_scoped3A : memref<!tpu.dma_semaphore, #tpu.memory_space<semaphore_mem>>)
        %dma_wait3A_92 = arith.constant 0 : i32
        %dma_wait3A_93 = tpu.memref_slice %arg6[%add3A_87, %dma_wait3A_92] : memref<10240x128xf32, #tpu.memory_space<vmem_shared>> -> memref<128x128xf32, #tpu.memory_space<vmem_shared>>
        %dma_wait3A_94 = arith.constant 0 : i32
        %dma_wait3A_95 = tpu.memref_slice %arg6[%add3A_87, %dma_wait3A_94] : memref<10240x128xf32, #tpu.memory_space<vmem_shared>> -> memref<128x128xf32, #tpu.memory_space<vmem_shared>>
        tpu.wait_dma2 semaphore(%run_scoped3A : memref<!tpu.dma_semaphore, #tpu.memory_space<semaphore_mem>>) src(%arg7 : memref<128x128xf32, #tpu.memory_space<vmem>>) dst(%dma_wait3A_95 : memref<128x128xf32, #tpu.memory_space<vmem_shared>>)
        tpu.yield
      }) : () -> ()
    }
    %scan3A_9 = arith.constant 5 : i32
    %barrier3A = arith.constant 0 : index
    tpu.barrier barrier_id(%barrier3A)
    %mul3A_10 = arith.constant 80 : i32
    %mul3A_11 = arith.muli %arg1, %mul3A_10 : i32
    %mul3A_12 = arith.constant 10240 : i32
    %mul3A_13 = arith.muli %arg0, %mul3A_12 : i32
    %multiple_of3A = arith.constant 0 : i32
    %multiple_of3A_14 = tpu.assume_multiple %multiple_of3A, 16 : i32
    %add3A = arith.constant 0 : i32
    %add3A_15 = arith.addi %mul3A_11, %add3A : i32
    %multiple_of3A_16 = tpu.assume_multiple %add3A_15, 16 : i32
    %dma_start3A = arith.constant 0 : i32
    %dma_start3A_17 = tpu.memref_slice %arg9[%multiple_of3A_14, %dma_start3A] : memref<32x128xi32, #tpu.memory_space<vmem>> -> memref<16x128xi32, #tpu.memory_space<vmem>>
    %dma_start3A_18 = arith.constant 0 : i32
    %dma_start3A_19 = tpu.memref_slice %arg3[%multiple_of3A_16, %dma_start3A_18] : memref<1280x128xi32, #tpu.memory_space<hbm>> -> memref<16x128xi32, #tpu.memory_space<hbm>>
    %dma_start3A_20 = arith.constant 0 : i32
    %dma_start3A_21 = tpu.memref_slice %arg9[%multiple_of3A_14, %dma_start3A_20] : memref<32x128xi32, #tpu.memory_space<vmem>> -> memref<16x128xi32, #tpu.memory_space<vmem>>
    %dma_start3A_22 = arith.constant 0 : i32
    %dma_start3A_23 = tpu.memref_slice %arg3[%multiple_of3A_16, %dma_start3A_22] : memref<1280x128xi32, #tpu.memory_space<hbm>> -> memref<16x128xi32, #tpu.memory_space<hbm>>
    tpu.enqueue_dma source(%dma_start3A_23 : memref<16x128xi32, #tpu.memory_space<hbm>>) target(%dma_start3A_21 : memref<16x128xi32, #tpu.memory_space<vmem>>) target_semaphore(%arg15 : memref<!tpu.dma_semaphore, #tpu.memory_space<semaphore_mem>>)
    %dma_start3A_24 = arith.constant 0 : i32
    %dma_start3A_25 = tpu.memref_slice %arg10[%multiple_of3A_14, %dma_start3A_24] : memref<32x128xi32, #tpu.memory_space<vmem>> -> memref<16x128xi32, #tpu.memory_space<vmem>>
    %dma_start3A_26 = arith.constant 0 : i32
    %dma_start3A_27 = tpu.memref_slice %arg4[%multiple_of3A_16, %dma_start3A_26] : memref<1280x128xi32, #tpu.memory_space<hbm>> -> memref<16x128xi32, #tpu.memory_space<hbm>>
    %dma_start3A_28 = arith.constant 0 : i32
    %dma_start3A_29 = tpu.memref_slice %arg10[%multiple_of3A_14, %dma_start3A_28] : memref<32x128xi32, #tpu.memory_space<vmem>> -> memref<16x128xi32, #tpu.memory_space<vmem>>
    %dma_start3A_30 = arith.constant 0 : i32
    %dma_start3A_31 = tpu.memref_slice %arg4[%multiple_of3A_16, %dma_start3A_30] : memref<1280x128xi32, #tpu.memory_space<hbm>> -> memref<16x128xi32, #tpu.memory_space<hbm>>
    tpu.enqueue_dma source(%dma_start3A_31 : memref<16x128xi32, #tpu.memory_space<hbm>>) target(%dma_start3A_29 : memref<16x128xi32, #tpu.memory_space<vmem>>) target_semaphore(%arg15 : memref<!tpu.dma_semaphore, #tpu.memory_space<semaphore_mem>>)
    %multiple_of3A_32 = arith.constant 0 : i32
    %multiple_of3A_33 = tpu.assume_multiple %multiple_of3A_32, 16 : i32
    %add3A_34 = arith.constant 0 : i32
    %add3A_35 = arith.addi %mul3A_11, %add3A_34 : i32
    %multiple_of3A_36 = tpu.assume_multiple %add3A_35, 16 : i32
    %dma_wait3A = arith.constant 0 : i32
    %dma_wait3A_37 = tpu.memref_slice %arg9[%multiple_of3A_33, %dma_wait3A] : memref<32x128xi32, #tpu.memory_space<vmem>> -> memref<16x128xi32, #tpu.memory_space<vmem>>
    %dma_wait3A_38 = arith.constant 0 : i32
    %dma_wait3A_39 = tpu.memref_slice %arg3[%multiple_of3A_36, %dma_wait3A_38] : memref<1280x128xi32, #tpu.memory_space<hbm>> -> memref<16x128xi32, #tpu.memory_space<hbm>>
    %dma_wait3A_40 = arith.constant 0 : i32
    %dma_wait3A_41 = tpu.memref_slice %arg9[%multiple_of3A_33, %dma_wait3A_40] : memref<32x128xi32, #tpu.memory_space<vmem>> -> memref<16x128xi32, #tpu.memory_space<vmem>>
    %dma_wait3A_42 = arith.constant 0 : i32
    %dma_wait3A_43 = tpu.memref_slice %arg3[%multiple_of3A_36, %dma_wait3A_42] : memref<1280x128xi32, #tpu.memory_space<hbm>> -> memref<16x128xi32, #tpu.memory_space<hbm>>
    tpu.wait_dma2 semaphore(%arg15 : memref<!tpu.dma_semaphore, #tpu.memory_space<semaphore_mem>>) src(%dma_wait3A_43 : memref<16x128xi32, #tpu.memory_space<hbm>>) dst(%dma_wait3A_41 : memref<16x128xi32, #tpu.memory_space<vmem>>)
    %dma_wait3A_44 = arith.constant 0 : i32
    %dma_wait3A_45 = tpu.memref_slice %arg10[%multiple_of3A_33, %dma_wait3A_44] : memref<32x128xi32, #tpu.memory_space<vmem>> -> memref<16x128xi32, #tpu.memory_space<vmem>>
    %dma_wait3A_46 = arith.constant 0 : i32
    %dma_wait3A_47 = tpu.memref_slice %arg4[%multiple_of3A_36, %dma_wait3A_46] : memref<1280x128xi32, #tpu.memory_space<hbm>> -> memref<16x128xi32, #tpu.memory_space<hbm>>
    %dma_wait3A_48 = arith.constant 0 : i32
    %dma_wait3A_49 = tpu.memref_slice %arg10[%multiple_of3A_33, %dma_wait3A_48] : memref<32x128xi32, #tpu.memory_space<vmem>> -> memref<16x128xi32, #tpu.memory_space<vmem>>
    %dma_wait3A_50 = arith.constant 0 : i32
    %dma_wait3A_51 = tpu.memref_slice %arg4[%multiple_of3A_36, %dma_wait3A_50] : memref<1280x128xi32, #tpu.memory_space<hbm>> -> memref<16x128xi32, #tpu.memory_space<hbm>>
    tpu.wait_dma2 semaphore(%arg15 : memref<!tpu.dma_semaphore, #tpu.memory_space<semaphore_mem>>) src(%dma_wait3A_51 : memref<16x128xi32, #tpu.memory_space<hbm>>) dst(%dma_wait3A_49 : memref<16x128xi32, #tpu.memory_space<vmem>>)
    %scan3A_52 = arith.constant 0 : i32
    %scan3A_53 = arith.constant 16 : i32
    %scan3A_54 = arith.addi %scan3A_52, %scan3A_53 : i32
    %scan3A_55 = arith.constant 1 : i32
    scf.for %scan3A_80 = %scan3A_52 to %scan3A_54 step %scan3A_55  : i32 {
      %mul3A_81 = arith.constant 1 : i32
      %mul3A_82 = arith.muli %scan3A_80, %mul3A_81 : i32
      %add3A_83 = arith.constant 0 : i32
      %add3A_84 = arith.addi %add3A_83, %mul3A_82 : i32
      %add3A_85 = arith.constant 0 : i32
      %add3A_86 = arith.addi %add3A_85, %add3A_84 : i32
      %get3A = arith.index_cast %add3A_86 : i32 to index
      %get3A_87 = arith.constant 0 : index
      %get3A_88 = tpu.vector_load %arg9[%get3A, %get3A_87] {strides = array<i32>} : memref<32x128xi32, #tpu.memory_space<vmem>>, vector<1x16xi32>,
      %get3A_89 = vector.shape_cast %get3A_88 : vector<1x16xi32> to vector<16xi32>
      %add3A_90 = vector.broadcast %mul3A_13 : i32 to vector<16xi32>
      %add3A_91 = arith.addi %get3A_89, %add3A_90 : vector<16xi32>
      %add3A_92 = arith.constant 0 : i32
      %add3A_93 = arith.addi %add3A_92, %add3A_84 : i32
      %swap3A = arith.index_cast %add3A_93 : i32 to index
      %swap3A_94 = arith.constant 0 : index
      %swap3A_95 = tpu.vector_load %arg9[%swap3A, %swap3A_94] {strides = array<i32>} : memref<32x128xi32, #tpu.memory_space<vmem>>, vector<1x16xi32>,
      %swap3A_96 = vector.shape_cast %swap3A_95 : vector<1x16xi32> to vector<16xi32>
      %swap3A_97 = vector.shape_cast %add3A_91 : vector<16xi32> to vector<1x16xi32>
      tpu.vector_store %arg9[%swap3A, %swap3A_94], %swap3A_97 {strides = array<i32>} : memref<32x128xi32, #tpu.memory_space<vmem>>, vector<1x16xi32>,
      %add3A_98 = arith.constant 0 : i32
      %add3A_99 = arith.addi %add3A_98, %add3A_84 : i32
      %get3A_100 = arith.index_cast %add3A_99 : i32 to index
      %get3A_101 = arith.constant 16 : index
      %get3A_102 = tpu.vector_load %arg9[%get3A_100, %get3A_101] {strides = array<i32>} : memref<32x128xi32, #tpu.memory_space<vmem>>, vector<1x16xi32>,
      %get3A_103 = vector.shape_cast %get3A_102 : vector<1x16xi32> to vector<16xi32>
      %add3A_104 = vector.broadcast %mul3A_13 : i32 to vector<16xi32>
      %add3A_105 = arith.addi %get3A_103, %add3A_104 : vector<16xi32>
      %add3A_106 = arith.constant 0 : i32
      %add3A_107 = arith.addi %add3A_106, %add3A_84 : i32
      %swap3A_108 = arith.index_cast %add3A_107 : i32 to index
      %swap3A_109 = arith.constant 16 : index
      %swap3A_110 = tpu.vector_load %arg9[%swap3A_108, %swap3A_109] {strides = array<i32>} : memref<32x128xi32, #tpu.memory_space<vmem>>, vector<1x16xi32>,
      %swap3A_111 = vector.shape_cast %swap3A_110 : vector<1x16xi32> to vector<16xi32>
      %swap3A_112 = vector.shape_cast %add3A_105 : vector<16xi32> to vector<1x16xi32>
      tpu.vector_store %arg9[%swap3A_108, %swap3A_109], %swap3A_112 {strides = array<i32>} : memref<32x128xi32, #tpu.memory_space<vmem>>, vector<1x16xi32>,
      %add3A_113 = arith.constant 0 : i32
      %add3A_114 = arith.addi %add3A_113, %add3A_84 : i32
      %get3A_115 = arith.index_cast %add3A_114 : i32 to index
      %get3A_116 = arith.constant 32 : index
      %get3A_117 = tpu.vector_load %arg9[%get3A_115, %get3A_116] {strides = array<i32>} : memref<32x128xi32, #tpu.memory_space<vmem>>, vector<1x16xi32>,
      %get3A_118 = vector.shape_cast %get3A_117 : vector<1x16xi32> to vector<16xi32>
      %add3A_119 = vector.broadcast %mul3A_13 : i32 to vector<16xi32>
      %add3A_120 = arith.addi %get3A_118, %add3A_119 : vector<16xi32>
      %add3A_121 = arith.constant 0 : i32
      %add3A_122 = arith.addi %add3A_121, %add3A_84 : i32
      %swap3A_123 = arith.index_cast %add3A_122 : i32 to index
      %swap3A_124 = arith.constant 32 : index
      %swap3A_125 = tpu.vector_load %arg9[%swap3A_123, %swap3A_124] {strides = array<i32>} : memref<32x128xi32, #tpu.memory_space<vmem>>, vector<1x16xi32>,
      %swap3A_126 = vector.shape_cast %swap3A_125 : vector<1x16xi32> to vector<16xi32>
      %swap3A_127 = vector.shape_cast %add3A_120 : vector<16xi32> to vector<1x16xi32>
      tpu.vector_store %arg9[%swap3A_123, %swap3A_124], %swap3A_127 {strides = array<i32>} : memref<32x128xi32, #tpu.memory_space<vmem>>, vector<1x16xi32>,
      %add3A_128 = arith.constant 0 : i32
      %add3A_129 = arith.addi %add3A_128, %add3A_84 : i32
      %get3A_130 = arith.index_cast %add3A_129 : i32 to index
      %get3A_131 = arith.constant 48 : index
      %get3A_132 = tpu.vector_load %arg9[%get3A_130, %get3A_131] {strides = array<i32>} : memref<32x128xi32, #tpu.memory_space<vmem>>, vector<1x16xi32>,
      %get3A_133 = vector.shape_cast %get3A_132 : vector<1x16xi32> to vector<16xi32>
      %add3A_134 = vector.broadcast %mul3A_13 : i32 to vector<16xi32>
      %add3A_135 = arith.addi %get3A_133, %add3A_134 : vector<16xi32>
      %add3A_136 = arith.constant 0 : i32
      %add3A_137 = arith.addi %add3A_136, %add3A_84 : i32
      %swap3A_138 = arith.index_cast %add3A_137 : i32 to index
      %swap3A_139 = arith.constant 48 : index
      %swap3A_140 = tpu.vector_load %arg9[%swap3A_138, %swap3A_139] {strides = array<i32>} : memref<32x128xi32, #tpu.memory_space<vmem>>, vector<1x16xi32>,
      %swap3A_141 = vector.shape_cast %swap3A_140 : vector<1x16xi32> to vector<16xi32>
      %swap3A_142 = vector.shape_cast %add3A_135 : vector<16xi32> to vector<1x16xi32>
      tpu.vector_store %arg9[%swap3A_138, %swap3A_139], %swap3A_142 {strides = array<i32>} : memref<32x128xi32, #tpu.memory_space<vmem>>, vector<1x16xi32>,
      %add3A_143 = arith.constant 0 : i32
      %add3A_144 = arith.addi %add3A_143, %add3A_84 : i32
      %get3A_145 = arith.index_cast %add3A_144 : i32 to index
      %get3A_146 = arith.constant 64 : index
      %get3A_147 = tpu.vector_load %arg9[%get3A_145, %get3A_146] {strides = array<i32>} : memref<32x128xi32, #tpu.memory_space<vmem>>, vector<1x16xi32>,
      %get3A_148 = vector.shape_cast %get3A_147 : vector<1x16xi32> to vector<16xi32>
      %add3A_149 = vector.broadcast %mul3A_13 : i32 to vector<16xi32>
      %add3A_150 = arith.addi %get3A_148, %add3A_149 : vector<16xi32>
      %add3A_151 = arith.constant 0 : i32
      %add3A_152 = arith.addi %add3A_151, %add3A_84 : i32
      %swap3A_153 = arith.index_cast %add3A_152 : i32 to index
      %swap3A_154 = arith.constant 64 : index
      %swap3A_155 = tpu.vector_load %arg9[%swap3A_153, %swap3A_154] {strides = array<i32>} : memref<32x128xi32, #tpu.memory_space<vmem>>, vector<1x16xi32>,
      %swap3A_156 = vector.shape_cast %swap3A_155 : vector<1x16xi32> to vector<16xi32>
      %swap3A_157 = vector.shape_cast %add3A_150 : vector<16xi32> to vector<1x16xi32>
      tpu.vector_store %arg9[%swap3A_153, %swap3A_154], %swap3A_157 {strides = array<i32>} : memref<32x128xi32, #tpu.memory_space<vmem>>, vector<1x16xi32>,
      %add3A_158 = arith.constant 0 : i32
      %add3A_159 = arith.addi %add3A_158, %add3A_84 : i32
      %get3A_160 = arith.index_cast %add3A_159 : i32 to index
      %get3A_161 = arith.constant 80 : index
      %get3A_162 = tpu.vector_load %arg9[%get3A_160, %get3A_161] {strides = array<i32>} : memref<32x128xi32, #tpu.memory_space<vmem>>, vector<1x16xi32>,
      %get3A_163 = vector.shape_cast %get3A_162 : vector<1x16xi32> to vector<16xi32>
      %add3A_164 = vector.broadcast %mul3A_13 : i32 to vector<16xi32>
      %add3A_165 = arith.addi %get3A_163, %add3A_164 : vector<16xi32>
      %add3A_166 = arith.constant 0 : i32
      %add3A_167 = arith.addi %add3A_166, %add3A_84 : i32
      %swap3A_168 = arith.index_cast %add3A_167 : i32 to index
      %swap3A_169 = arith.constant 80 : index
      %swap3A_170 = tpu.vector_load %arg9[%swap3A_168, %swap3A_169] {strides = array<i32>} : memref<32x128xi32, #tpu.memory_space<vmem>>, vector<1x16xi32>,
      %swap3A_171 = vector.shape_cast %swap3A_170 : vector<1x16xi32> to vector<16xi32>
      %swap3A_172 = vector.shape_cast %add3A_165 : vector<16xi32> to vector<1x16xi32>
      tpu.vector_store %arg9[%swap3A_168, %swap3A_169], %swap3A_172 {strides = array<i32>} : memref<32x128xi32, #tpu.memory_space<vmem>>, vector<1x16xi32>,
      %add3A_173 = arith.constant 0 : i32
      %add3A_174 = arith.addi %add3A_173, %add3A_84 : i32
      %get3A_175 = arith.index_cast %add3A_174 : i32 to index
      %get3A_176 = arith.constant 96 : index
      %get3A_177 = tpu.vector_load %arg9[%get3A_175, %get3A_176] {strides = array<i32>} : memref<32x128xi32, #tpu.memory_space<vmem>>, vector<1x16xi32>,
      %get3A_178 = vector.shape_cast %get3A_177 : vector<1x16xi32> to vector<16xi32>
      %add3A_179 = vector.broadcast %mul3A_13 : i32 to vector<16xi32>
      %add3A_180 = arith.addi %get3A_178, %add3A_179 : vector<16xi32>
      %add3A_181 = arith.constant 0 : i32
      %add3A_182 = arith.addi %add3A_181, %add3A_84 : i32
      %swap3A_183 = arith.index_cast %add3A_182 : i32 to index
      %swap3A_184 = arith.constant 96 : index
      %swap3A_185 = tpu.vector_load %arg9[%swap3A_183, %swap3A_184] {strides = array<i32>} : memref<32x128xi32, #tpu.memory_space<vmem>>, vector<1x16xi32>,
      %swap3A_186 = vector.shape_cast %swap3A_185 : vector<1x16xi32> to vector<16xi32>
      %swap3A_187 = vector.shape_cast %add3A_180 : vector<16xi32> to vector<1x16xi32>
      tpu.vector_store %arg9[%swap3A_183, %swap3A_184], %swap3A_187 {strides = array<i32>} : memref<32x128xi32, #tpu.memory_space<vmem>>, vector<1x16xi32>,
      %add3A_188 = arith.constant 0 : i32
      %add3A_189 = arith.addi %add3A_188, %add3A_84 : i32
      %get3A_190 = arith.index_cast %add3A_189 : i32 to index
      %get3A_191 = arith.constant 112 : index
      %get3A_192 = tpu.vector_load %arg9[%get3A_190, %get3A_191] {strides = array<i32>} : memref<32x128xi32, #tpu.memory_space<vmem>>, vector<1x16xi32>,
      %get3A_193 = vector.shape_cast %get3A_192 : vector<1x16xi32> to vector<16xi32>
      %add3A_194 = vector.broadcast %mul3A_13 : i32 to vector<16xi32>
      %add3A_195 = arith.addi %get3A_193, %add3A_194 : vector<16xi32>
      %add3A_196 = arith.constant 0 : i32
      %add3A_197 = arith.addi %add3A_196, %add3A_84 : i32
      %swap3A_198 = arith.index_cast %add3A_197 : i32 to index
      %swap3A_199 = arith.constant 112 : index
      %swap3A_200 = tpu.vector_load %arg9[%swap3A_198, %swap3A_199] {strides = array<i32>} : memref<32x128xi32, #tpu.memory_space<vmem>>, vector<1x16xi32>,
      %swap3A_201 = vector.shape_cast %swap3A_200 : vector<1x16xi32> to vector<16xi32>
      %swap3A_202 = vector.shape_cast %add3A_195 : vector<16xi32> to vector<1x16xi32>
      tpu.vector_store %arg9[%swap3A_198, %swap3A_199], %swap3A_202 {strides = array<i32>} : memref<32x128xi32, #tpu.memory_space<vmem>>, vector<1x16xi32>,
    }
    %scan3A_56 = arith.constant 16 : i32
    %dma_start3A_57 = arith.constant 0 : i32
    %dma_start3A_58 = arith.constant 0 : i32
    %dma_start3A_59 = tpu.memref_slice %arg9[%dma_start3A_57, %dma_start3A_58] : memref<32x128xi32, #tpu.memory_space<vmem>> -> memref<1x128xi32, #tpu.memory_space<vmem>>
    %dma_start3A_60 = tpu.memref_squeeze %dma_start3A_59 : memref<1x128xi32, #tpu.memory_space<vmem>> -> memref<128xi32, #tpu.memory_space<vmem>>
    %dma_start3A_61 = arith.constant 0 : i32
    %dma_start3A_62 = arith.constant 0 : i32
    %dma_start3A_63 = tpu.memref_slice %arg2[%dma_start3A_61, %dma_start3A_62] : memref<20480x128xf32, #tpu.memory_space<hbm>> -> memref<20480x128xf32, #tpu.memory_space<hbm>>
    tpu.enqueue_indirect_dma source(%dma_start3A_63 : memref<20480x128xf32, #tpu.memory_space<hbm>>) target(%arg7 : memref<128x128xf32, #tpu.memory_space<vmem>>) offsets(%dma_start3A_60 : memref<128xi32, #tpu.memory_space<vmem>>) semaphore(%arg11 : memref<!tpu.dma_semaphore, #tpu.memory_space<semaphore_mem>>)
    %scan3A_64 = arith.constant 0 : i32
    %scan3A_65 = arith.constant 40 : i32
    %scan3A_66 = arith.addi %scan3A_64, %scan3A_65 : i32
    %scan3A_67 = arith.constant 1 : i32
    scf.for %scan3A_80 = %scan3A_64 to %scan3A_66 step %scan3A_67  : i32 {
      %mul3A_81 = arith.constant 1 : i32
      %mul3A_82 = arith.muli %scan3A_80, %mul3A_81 : i32
      %add3A_83 = arith.constant 0 : i32
      %add3A_84 = arith.addi %add3A_83, %mul3A_82 : i32
      %mul3A_85 = arith.constant 2 : i32
      %mul3A_86 = arith.muli %add3A_84, %mul3A_85 : i32
      %jit3A = arith.constant 16 : i32
      %div3A = arith.divsi %mul3A_86, %jit3A : i32
      %sign3A = arith.constant 0 : i32
      %sign3A_87 = arith.cmpi sgt, %mul3A_86, %sign3A : i32
      %sign3A_88 = arith.extui %sign3A_87 : i1 to i32
      %sign3A_89 = arith.constant 0 : i32
      %sign3A_90 = arith.cmpi slt, %mul3A_86, %sign3A_89 : i32
      %sign3A_91 = arith.extui %sign3A_90 : i1 to i32
      %sign3A_92 = arith.subi %sign3A_88, %sign3A_91 : i32
      %sign3A_93 = arith.constant 0 : i32
      %sign3A_94 = arith.cmpi sgt, %jit3A, %sign3A_93 : i32
      %sign3A_95 = arith.extui %sign3A_94 : i1 to i32
      %sign3A_96 = arith.constant 0 : i32
      %sign3A_97 = arith.cmpi slt, %jit3A, %sign3A_96 : i32
      %sign3A_98 = arith.extui %sign3A_97 : i1 to i32
      %sign3A_99 = arith.subi %sign3A_95, %sign3A_98 : i32
      %ne3A = arith.cmpi ne, %sign3A_92, %sign3A_99 : i32
      %rem3A = arith.remsi %mul3A_86, %jit3A : i32
      %ne3A_100 = arith.constant 0 : i32
      %ne3A_101 = arith.cmpi ne, %rem3A, %ne3A_100 : i32
      %and3A = arith.andi %ne3A, %ne3A_101 : i1
      %sub3A = arith.constant 1 : i32
      %sub3A_102 = arith.subi %div3A, %sub3A : i32
      %select_n3A = arith.select %and3A, %sub3A_102, %div3A : i32
      %jit3A_103 = arith.constant 2 : i32
      %eq3A = arith.constant 0 : i32
      %eq3A_104 = arith.cmpi eq, %jit3A_103, %eq3A : i32
      %jit3A_105 = arith.constant 1 : i32
      %select_n3A_106 = arith.select %eq3A_104, %jit3A_105, %jit3A_103 : i32
      %rem3A_107 = arith.remsi %select_n3A, %select_n3A_106 : i32
      %ne3A_108 = arith.constant 0 : i32
      %ne3A_109 = arith.cmpi ne, %rem3A_107, %ne3A_108 : i32
      %lt3A = arith.constant 0 : i32
      %lt3A_110 = arith.cmpi slt, %rem3A_107, %lt3A : i32
      %lt3A_111 = arith.constant 0 : i32
      %lt3A_112 = arith.cmpi slt, %select_n3A_106, %lt3A_111 : i32
      %ne3A_113 = arith.xori %lt3A_110, %lt3A_112 : i1
      %and3A_114 = arith.andi %ne3A_113, %ne3A_109 : i1
      %add3A_115 = arith.addi %rem3A_107, %select_n3A_106 : i32
      %select_n3A_116 = arith.select %and3A_114, %add3A_115, %rem3A_107 : i32
      %mul3A_117 = arith.constant 16 : i32
      %mul3A_118 = arith.muli %select_n3A_116, %mul3A_117 : i32
      %jit3A_119 = arith.constant 16 : i32
      %eq3A_120 = arith.constant 0 : i32
      %eq3A_121 = arith.cmpi eq, %jit3A_119, %eq3A_120 : i32
      %jit3A_122 = arith.constant 1 : i32
      %select_n3A_123 = arith.select %eq3A_121, %jit3A_122, %jit3A_119 : i32
      %rem3A_124 = arith.remsi %mul3A_86, %select_n3A_123 : i32
      %ne3A_125 = arith.constant 0 : i32
      %ne3A_126 = arith.cmpi ne, %rem3A_124, %ne3A_125 : i32
      %lt3A_127 = arith.constant 0 : i32
      %lt3A_128 = arith.cmpi slt, %rem3A_124, %lt3A_127 : i32
      %lt3A_129 = arith.constant 0 : i32
      %lt3A_130 = arith.cmpi slt, %select_n3A_123, %lt3A_129 : i32
      %ne3A_131 = arith.xori %lt3A_128, %lt3A_130 : i1
      %and3A_132 = arith.andi %ne3A_131, %ne3A_126 : i1
      %add3A_133 = arith.addi %rem3A_124, %select_n3A_123 : i32
      %select_n3A_134 = arith.select %and3A_132, %add3A_133, %rem3A_124 : i32
      %add3A_135 = arith.addi %mul3A_118, %select_n3A_134 : i32
      %dma_wait3A_136 = arith.constant 0 : i32
      %dma_wait3A_137 = tpu.memref_slice %arg9[%add3A_135, %dma_wait3A_136] : memref<32x128xi32, #tpu.memory_space<vmem>> -> memref<1x128xi32, #tpu.memory_space<vmem>>
      %dma_wait3A_138 = tpu.memref_squeeze %dma_wait3A_137 : memref<1x128xi32, #tpu.memory_space<vmem>> -> memref<128xi32, #tpu.memory_space<vmem>>
      %dma_wait3A_139 = arith.constant 0 : i32
      %dma_wait3A_140 = arith.constant 0 : i32
      %dma_wait3A_141 = tpu.memref_slice %arg2[%dma_wait3A_139, %dma_wait3A_140] : memref<20480x128xf32, #tpu.memory_space<hbm>> -> memref<20480x128xf32, #tpu.memory_space<hbm>>
      tpu.wait_indirect_dma semaphore(%arg11 : memref<!tpu.dma_semaphore, #tpu.memory_space<semaphore_mem>>) src(%dma_wait3A_141 : memref<20480x128xf32, #tpu.memory_space<hbm>>) dst(%arg7 : memref<128x128xf32, #tpu.memory_space<vmem>>)
      %gt3A = arith.constant 0 : i32
      %gt3A_142 = arith.cmpi sgt, %add3A_84, %gt3A : i32
      %convert_element_type3A = arith.extui %gt3A_142 : i1 to i32
      %cond3A = arith.constant 0 : i32
      %cond3A_143 = arith.cmpi ne, %convert_element_type3A, %cond3A : i32
      scf.if %cond3A_143 {
        %jit3A_532 = arith.constant 16 : i32
        %div3A_533 = arith.divsi %mul3A_86, %jit3A_532 : i32
        %sign3A_534 = arith.constant 0 : i32
        %sign3A_535 = arith.cmpi sgt, %mul3A_86, %sign3A_534 : i32
        %sign3A_536 = arith.extui %sign3A_535 : i1 to i32
        %sign3A_537 = arith.constant 0 : i32
        %sign3A_538 = arith.cmpi slt, %mul3A_86, %sign3A_537 : i32
        %sign3A_539 = arith.extui %sign3A_538 : i1 to i32
        %sign3A_540 = arith.subi %sign3A_536, %sign3A_539 : i32
        %sign3A_541 = arith.constant 0 : i32
        %sign3A_542 = arith.cmpi sgt, %jit3A_532, %sign3A_541 : i32
        %sign3A_543 = arith.extui %sign3A_542 : i1 to i32
        %sign3A_544 = arith.constant 0 : i32
        %sign3A_545 = arith.cmpi slt, %jit3A_532, %sign3A_544 : i32
        %sign3A_546 = arith.extui %sign3A_545 : i1 to i32
        %sign3A_547 = arith.subi %sign3A_543, %sign3A_546 : i32
        %ne3A_548 = arith.cmpi ne, %sign3A_540, %sign3A_547 : i32
        %rem3A_549 = arith.remsi %mul3A_86, %jit3A_532 : i32
        %ne3A_550 = arith.constant 0 : i32
        %ne3A_551 = arith.cmpi ne, %rem3A_549, %ne3A_550 : i32
        %and3A_552 = arith.andi %ne3A_548, %ne3A_551 : i1
        %sub3A_553 = arith.constant 1 : i32
        %sub3A_554 = arith.subi %div3A_533, %sub3A_553 : i32
        %select_n3A_555 = arith.select %and3A_552, %sub3A_554, %div3A_533 : i32
        %jit3A_556 = arith.constant 2 : i32
        %eq3A_557 = arith.constant 0 : i32
        %eq3A_558 = arith.cmpi eq, %jit3A_556, %eq3A_557 : i32
        %jit3A_559 = arith.constant 1 : i32
        %select_n3A_560 = arith.select %eq3A_558, %jit3A_559, %jit3A_556 : i32
        %rem3A_561 = arith.remsi %select_n3A_555, %select_n3A_560 : i32
        %ne3A_562 = arith.constant 0 : i32
        %ne3A_563 = arith.cmpi ne, %rem3A_561, %ne3A_562 : i32
        %lt3A_564 = arith.constant 0 : i32
        %lt3A_565 = arith.cmpi slt, %rem3A_561, %lt3A_564 : i32
        %lt3A_566 = arith.constant 0 : i32
        %lt3A_567 = arith.cmpi slt, %select_n3A_560, %lt3A_566 : i32
        %ne3A_568 = arith.xori %lt3A_565, %lt3A_567 : i1
        %and3A_569 = arith.andi %ne3A_568, %ne3A_563 : i1
        %add3A_570 = arith.addi %rem3A_561, %select_n3A_560 : i32
        %select_n3A_571 = arith.select %and3A_569, %add3A_570, %rem3A_561 : i32
        %mul3A_572 = arith.constant 16 : i32
        %mul3A_573 = arith.muli %select_n3A_571, %mul3A_572 : i32
        %jit3A_574 = arith.constant 16 : i32
        %eq3A_575 = arith.constant 0 : i32
        %eq3A_576 = arith.cmpi eq, %jit3A_574, %eq3A_575 : i32
        %jit3A_577 = arith.constant 1 : i32
        %select_n3A_578 = arith.select %eq3A_576, %jit3A_577, %jit3A_574 : i32
        %rem3A_579 = arith.remsi %mul3A_86, %select_n3A_578 : i32
        %ne3A_580 = arith.constant 0 : i32
        %ne3A_581 = arith.cmpi ne, %rem3A_579, %ne3A_580 : i32
        %lt3A_582 = arith.constant 0 : i32
        %lt3A_583 = arith.cmpi slt, %rem3A_579, %lt3A_582 : i32
        %lt3A_584 = arith.constant 0 : i32
        %lt3A_585 = arith.cmpi slt, %select_n3A_578, %lt3A_584 : i32
        %ne3A_586 = arith.xori %lt3A_583, %lt3A_585 : i1
        %and3A_587 = arith.andi %ne3A_586, %ne3A_581 : i1
        %add3A_588 = arith.addi %rem3A_579, %select_n3A_578 : i32
        %select_n3A_589 = arith.select %and3A_587, %add3A_588, %rem3A_579 : i32
        %add3A_590 = arith.addi %mul3A_573, %select_n3A_589 : i32
        %dma_wait3A_591 = arith.constant 0 : i32
        %dma_wait3A_592 = tpu.memref_slice %arg10[%add3A_590, %dma_wait3A_591] : memref<32x128xi32, #tpu.memory_space<vmem>> -> memref<1x128xi32, #tpu.memory_space<vmem>>
        %dma_wait3A_593 = tpu.memref_squeeze %dma_wait3A_592 : memref<1x128xi32, #tpu.memory_space<vmem>> -> memref<128xi32, #tpu.memory_space<vmem>>
        %dma_wait3A_594 = arith.constant 0 : i32
        %dma_wait3A_595 = arith.constant 0 : i32
        %dma_wait3A_596 = tpu.memref_slice %arg6[%dma_wait3A_594, %dma_wait3A_595] : memref<10240x128xf32, #tpu.memory_space<vmem_shared>> -> memref<10240x128xf32, #tpu.memory_space<vmem_shared>>
        tpu.wait_indirect_dma semaphore(%arg14 : memref<!tpu.dma_semaphore, #tpu.memory_space<semaphore_mem>>) src(%arg8 : memref<128x128xf32, #tpu.memory_space<vmem>>) dst(%dma_wait3A_596 : memref<10240x128xf32, #tpu.memory_space<vmem_shared>>)
      } else {
      }
      %jit3A_144 = arith.constant 16 : i32
      %eq3A_145 = arith.constant 0 : i32
      %eq3A_146 = arith.cmpi eq, %jit3A_144, %eq3A_145 : i32
      %jit3A_147 = arith.constant 1 : i32
      %select_n3A_148 = arith.select %eq3A_146, %jit3A_147, %jit3A_144 : i32
      %rem3A_149 = arith.remsi %mul3A_86, %select_n3A_148 : i32
      %ne3A_150 = arith.constant 0 : i32
      %ne3A_151 = arith.cmpi ne, %rem3A_149, %ne3A_150 : i32
      %lt3A_152 = arith.constant 0 : i32
      %lt3A_153 = arith.cmpi slt, %rem3A_149, %lt3A_152 : i32
      %lt3A_154 = arith.constant 0 : i32
      %lt3A_155 = arith.cmpi slt, %select_n3A_148, %lt3A_154 : i32
      %ne3A_156 = arith.xori %lt3A_153, %lt3A_155 : i1
      %and3A_157 = arith.andi %ne3A_156, %ne3A_151 : i1
      %add3A_158 = arith.addi %rem3A_149, %select_n3A_148 : i32
      %select_n3A_159 = arith.select %and3A_157, %add3A_158, %rem3A_149 : i32
      %eq3A_160 = arith.constant 0 : i32
      %eq3A_161 = arith.cmpi eq, %select_n3A_159, %eq3A_160 : i32
      %lt3A_162 = arith.constant 64 : i32
      %lt3A_163 = arith.cmpi slt, %mul3A_86, %lt3A_162 : i32
      %and3A_164 = arith.andi %eq3A_161, %lt3A_163 : i1
      %convert_element_type3A_165 = arith.extui %and3A_164 : i1 to i32
      %cond3A_166 = arith.constant 0 : i32
      %cond3A_167 = arith.cmpi ne, %convert_element_type3A_165, %cond3A_166 : i32
      scf.if %cond3A_167 {
        %jit3A_532 = arith.constant 16 : i32
        %div3A_533 = arith.divsi %mul3A_86, %jit3A_532 : i32
        %sign3A_534 = arith.constant 0 : i32
        %sign3A_535 = arith.cmpi sgt, %mul3A_86, %sign3A_534 : i32
        %sign3A_536 = arith.extui %sign3A_535 : i1 to i32
        %sign3A_537 = arith.constant 0 : i32
        %sign3A_538 = arith.cmpi slt, %mul3A_86, %sign3A_537 : i32
        %sign3A_539 = arith.extui %sign3A_538 : i1 to i32
        %sign3A_540 = arith.subi %sign3A_536, %sign3A_539 : i32
        %sign3A_541 = arith.constant 0 : i32
        %sign3A_542 = arith.cmpi sgt, %jit3A_532, %sign3A_541 : i32
        %sign3A_543 = arith.extui %sign3A_542 : i1 to i32
        %sign3A_544 = arith.constant 0 : i32
        %sign3A_545 = arith.cmpi slt, %jit3A_532, %sign3A_544 : i32
        %sign3A_546 = arith.extui %sign3A_545 : i1 to i32
        %sign3A_547 = arith.subi %sign3A_543, %sign3A_546 : i32
        %ne3A_548 = arith.cmpi ne, %sign3A_540, %sign3A_547 : i32
        %rem3A_549 = arith.remsi %mul3A_86, %jit3A_532 : i32
        %ne3A_550 = arith.constant 0 : i32
        %ne3A_551 = arith.cmpi ne, %rem3A_549, %ne3A_550 : i32
        %and3A_552 = arith.andi %ne3A_548, %ne3A_551 : i1
        %sub3A_553 = arith.constant 1 : i32
        %sub3A_554 = arith.subi %div3A_533, %sub3A_553 : i32
        %select_n3A_555 = arith.select %and3A_552, %sub3A_554, %div3A_533 : i32
        %add3A_556 = arith.constant 1 : i32
        %add3A_557 = arith.addi %select_n3A_555, %add3A_556 : i32
        %jit3A_558 = arith.constant 2 : i32
        %eq3A_559 = arith.constant 0 : i32
        %eq3A_560 = arith.cmpi eq, %jit3A_558, %eq3A_559 : i32
        %jit3A_561 = arith.constant 1 : i32
        %select_n3A_562 = arith.select %eq3A_560, %jit3A_561, %jit3A_558 : i32
        %rem3A_563 = arith.remsi %add3A_557, %select_n3A_562 : i32
        %ne3A_564 = arith.constant 0 : i32
        %ne3A_565 = arith.cmpi ne, %rem3A_563, %ne3A_564 : i32
        %lt3A_566 = arith.constant 0 : i32
        %lt3A_567 = arith.cmpi slt, %rem3A_563, %lt3A_566 : i32
        %lt3A_568 = arith.constant 0 : i32
        %lt3A_569 = arith.cmpi slt, %select_n3A_562, %lt3A_568 : i32
        %ne3A_570 = arith.xori %lt3A_567, %lt3A_569 : i1
        %and3A_571 = arith.andi %ne3A_570, %ne3A_565 : i1
        %add3A_572 = arith.addi %rem3A_563, %select_n3A_562 : i32
        %select_n3A_573 = arith.select %and3A_571, %add3A_572, %rem3A_563 : i32
        %mul3A_574 = arith.constant 16 : i32
        %mul3A_575 = arith.muli %select_n3A_573, %mul3A_574 : i32
        %multiple_of3A_576 = tpu.assume_multiple %mul3A_575, 16 : i32
        %mul3A_577 = arith.constant 16 : i32
        %mul3A_578 = arith.muli %add3A_557, %mul3A_577 : i32
        %add3A_579 = arith.addi %mul3A_11, %mul3A_578 : i32
        %multiple_of3A_580 = tpu.assume_multiple %add3A_579, 16 : i32
        %dma_start3A_581 = arith.constant 0 : i32
        %dma_start3A_582 = tpu.memref_slice %arg9[%multiple_of3A_576, %dma_start3A_581] : memref<32x128xi32, #tpu.memory_space<vmem>> -> memref<16x128xi32, #tpu.memory_space<vmem>>
        %dma_start3A_583 = arith.constant 0 : i32
        %dma_start3A_584 = tpu.memref_slice %arg3[%multiple_of3A_580, %dma_start3A_583] : memref<1280x128xi32, #tpu.memory_space<hbm>> -> memref<16x128xi32, #tpu.memory_space<hbm>>
        %dma_start3A_585 = arith.constant 0 : i32
        %dma_start3A_586 = tpu.memref_slice %arg9[%multiple_of3A_576, %dma_start3A_585] : memref<32x128xi32, #tpu.memory_space<vmem>> -> memref<16x128xi32, #tpu.memory_space<vmem>>
        %dma_start3A_587 = arith.constant 0 : i32
        %dma_start3A_588 = tpu.memref_slice %arg3[%multiple_of3A_580, %dma_start3A_587] : memref<1280x128xi32, #tpu.memory_space<hbm>> -> memref<16x128xi32, #tpu.memory_space<hbm>>
        tpu.enqueue_dma source(%dma_start3A_588 : memref<16x128xi32, #tpu.memory_space<hbm>>) target(%dma_start3A_586 : memref<16x128xi32, #tpu.memory_space<vmem>>) target_semaphore(%arg15 : memref<!tpu.dma_semaphore, #tpu.memory_space<semaphore_mem>>)
        %dma_start3A_589 = arith.constant 0 : i32
        %dma_start3A_590 = tpu.memref_slice %arg10[%multiple_of3A_576, %dma_start3A_589] : memref<32x128xi32, #tpu.memory_space<vmem>> -> memref<16x128xi32, #tpu.memory_space<vmem>>
        %dma_start3A_591 = arith.constant 0 : i32
        %dma_start3A_592 = tpu.memref_slice %arg4[%multiple_of3A_580, %dma_start3A_591] : memref<1280x128xi32, #tpu.memory_space<hbm>> -> memref<16x128xi32, #tpu.memory_space<hbm>>
        %dma_start3A_593 = arith.constant 0 : i32
        %dma_start3A_594 = tpu.memref_slice %arg10[%multiple_of3A_576, %dma_start3A_593] : memref<32x128xi32, #tpu.memory_space<vmem>> -> memref<16x128xi32, #tpu.memory_space<vmem>>
        %dma_start3A_595 = arith.constant 0 : i32
        %dma_start3A_596 = tpu.memref_slice %arg4[%multiple_of3A_580, %dma_start3A_595] : memref<1280x128xi32, #tpu.memory_space<hbm>> -> memref<16x128xi32, #tpu.memory_space<hbm>>
        tpu.enqueue_dma source(%dma_start3A_596 : memref<16x128xi32, #tpu.memory_space<hbm>>) target(%dma_start3A_594 : memref<16x128xi32, #tpu.memory_space<vmem>>) target_semaphore(%arg15 : memref<!tpu.dma_semaphore, #tpu.memory_space<semaphore_mem>>)
      } else {
      }
      %add3A_168 = arith.constant 1 : i32
      %add3A_169 = arith.addi %mul3A_86, %add3A_168 : i32
      %jit3A_170 = arith.constant 16 : i32
      %div3A_171 = arith.divsi %add3A_169, %jit3A_170 : i32
      %sign3A_172 = arith.constant 0 : i32
      %sign3A_173 = arith.cmpi sgt, %add3A_169, %sign3A_172 : i32
      %sign3A_174 = arith.extui %sign3A_173 : i1 to i32
      %sign3A_175 = arith.constant 0 : i32
      %sign3A_176 = arith.cmpi slt, %add3A_169, %sign3A_175 : i32
      %sign3A_177 = arith.extui %sign3A_176 : i1 to i32
      %sign3A_178 = arith.subi %sign3A_174, %sign3A_177 : i32
      %sign3A_179 = arith.constant 0 : i32
      %sign3A_180 = arith.cmpi sgt, %jit3A_170, %sign3A_179 : i32
      %sign3A_181 = arith.extui %sign3A_180 : i1 to i32
      %sign3A_182 = arith.constant 0 : i32
      %sign3A_183 = arith.cmpi slt, %jit3A_170, %sign3A_182 : i32
      %sign3A_184 = arith.extui %sign3A_183 : i1 to i32
      %sign3A_185 = arith.subi %sign3A_181, %sign3A_184 : i32
      %ne3A_186 = arith.cmpi ne, %sign3A_178, %sign3A_185 : i32
      %rem3A_187 = arith.remsi %add3A_169, %jit3A_170 : i32
      %ne3A_188 = arith.constant 0 : i32
      %ne3A_189 = arith.cmpi ne, %rem3A_187, %ne3A_188 : i32
      %and3A_190 = arith.andi %ne3A_186, %ne3A_189 : i1
      %sub3A_191 = arith.constant 1 : i32
      %sub3A_192 = arith.subi %div3A_171, %sub3A_191 : i32
      %select_n3A_193 = arith.select %and3A_190, %sub3A_192, %div3A_171 : i32
      %jit3A_194 = arith.constant 2 : i32
      %eq3A_195 = arith.constant 0 : i32
      %eq3A_196 = arith.cmpi eq, %jit3A_194, %eq3A_195 : i32
      %jit3A_197 = arith.constant 1 : i32
      %select_n3A_198 = arith.select %eq3A_196, %jit3A_197, %jit3A_194 : i32
      %rem3A_199 = arith.remsi %select_n3A_193, %select_n3A_198 : i32
      %ne3A_200 = arith.constant 0 : i32
      %ne3A_201 = arith.cmpi ne, %rem3A_199, %ne3A_200 : i32
      %lt3A_202 = arith.constant 0 : i32
      %lt3A_203 = arith.cmpi slt, %rem3A_199, %lt3A_202 : i32
      %lt3A_204 = arith.constant 0 : i32
      %lt3A_205 = arith.cmpi slt, %select_n3A_198, %lt3A_204 : i32
      %ne3A_206 = arith.xori %lt3A_203, %lt3A_205 : i1
      %and3A_207 = arith.andi %ne3A_206, %ne3A_201 : i1
      %add3A_208 = arith.addi %rem3A_199, %select_n3A_198 : i32
      %select_n3A_209 = arith.select %and3A_207, %add3A_208, %rem3A_199 : i32
      %mul3A_210 = arith.constant 16 : i32
      %mul3A_211 = arith.muli %select_n3A_209, %mul3A_210 : i32
      %jit3A_212 = arith.constant 16 : i32
      %eq3A_213 = arith.constant 0 : i32
      %eq3A_214 = arith.cmpi eq, %jit3A_212, %eq3A_213 : i32
      %jit3A_215 = arith.constant 1 : i32
      %select_n3A_216 = arith.select %eq3A_214, %jit3A_215, %jit3A_212 : i32
      %rem3A_217 = arith.remsi %add3A_169, %select_n3A_216 : i32
      %ne3A_218 = arith.constant 0 : i32
      %ne3A_219 = arith.cmpi ne, %rem3A_217, %ne3A_218 : i32
      %lt3A_220 = arith.constant 0 : i32
      %lt3A_221 = arith.cmpi slt, %rem3A_217, %lt3A_220 : i32
      %lt3A_222 = arith.constant 0 : i32
      %lt3A_223 = arith.cmpi slt, %select_n3A_216, %lt3A_222 : i32
      %ne3A_224 = arith.xori %lt3A_221, %lt3A_223 : i1
      %and3A_225 = arith.andi %ne3A_224, %ne3A_219 : i1
      %add3A_226 = arith.addi %rem3A_217, %select_n3A_216 : i32
      %select_n3A_227 = arith.select %and3A_225, %add3A_226, %rem3A_217 : i32
      %add3A_228 = arith.addi %mul3A_211, %select_n3A_227 : i32
      %dma_start3A_229 = arith.constant 0 : i32
      %dma_start3A_230 = tpu.memref_slice %arg9[%add3A_228, %dma_start3A_229] : memref<32x128xi32, #tpu.memory_space<vmem>> -> memref<1x128xi32, #tpu.memory_space<vmem>>
      %dma_start3A_231 = tpu.memref_squeeze %dma_start3A_230 : memref<1x128xi32, #tpu.memory_space<vmem>> -> memref<128xi32, #tpu.memory_space<vmem>>
      %dma_start3A_232 = arith.constant 0 : i32
      %dma_start3A_233 = arith.constant 0 : i32
      %dma_start3A_234 = tpu.memref_slice %arg2[%dma_start3A_232, %dma_start3A_233] : memref<20480x128xf32, #tpu.memory_space<hbm>> -> memref<20480x128xf32, #tpu.memory_space<hbm>>
      tpu.enqueue_indirect_dma source(%dma_start3A_234 : memref<20480x128xf32, #tpu.memory_space<hbm>>) target(%arg8 : memref<128x128xf32, #tpu.memory_space<vmem>>) offsets(%dma_start3A_231 : memref<128xi32, #tpu.memory_space<vmem>>) semaphore(%arg12 : memref<!tpu.dma_semaphore, #tpu.memory_space<semaphore_mem>>)
      %jit3A_235 = arith.constant 16 : i32
      %div3A_236 = arith.divsi %mul3A_86, %jit3A_235 : i32
      %sign3A_237 = arith.constant 0 : i32
      %sign3A_238 = arith.cmpi sgt, %mul3A_86, %sign3A_237 : i32
      %sign3A_239 = arith.extui %sign3A_238 : i1 to i32
      %sign3A_240 = arith.constant 0 : i32
      %sign3A_241 = arith.cmpi slt, %mul3A_86, %sign3A_240 : i32
      %sign3A_242 = arith.extui %sign3A_241 : i1 to i32
      %sign3A_243 = arith.subi %sign3A_239, %sign3A_242 : i32
      %sign3A_244 = arith.constant 0 : i32
      %sign3A_245 = arith.cmpi sgt, %jit3A_235, %sign3A_244 : i32
      %sign3A_246 = arith.extui %sign3A_245 : i1 to i32
      %sign3A_247 = arith.constant 0 : i32
      %sign3A_248 = arith.cmpi slt, %jit3A_235, %sign3A_247 : i32
      %sign3A_249 = arith.extui %sign3A_248 : i1 to i32
      %sign3A_250 = arith.subi %sign3A_246, %sign3A_249 : i32
      %ne3A_251 = arith.cmpi ne, %sign3A_243, %sign3A_250 : i32
      %rem3A_252 = arith.remsi %mul3A_86, %jit3A_235 : i32
      %ne3A_253 = arith.constant 0 : i32
      %ne3A_254 = arith.cmpi ne, %rem3A_252, %ne3A_253 : i32
      %and3A_255 = arith.andi %ne3A_251, %ne3A_254 : i1
      %sub3A_256 = arith.constant 1 : i32
      %sub3A_257 = arith.subi %div3A_236, %sub3A_256 : i32
      %select_n3A_258 = arith.select %and3A_255, %sub3A_257, %div3A_236 : i32
      %jit3A_259 = arith.constant 2 : i32
      %eq3A_260 = arith.constant 0 : i32
      %eq3A_261 = arith.cmpi eq, %jit3A_259, %eq3A_260 : i32
      %jit3A_262 = arith.constant 1 : i32
      %select_n3A_263 = arith.select %eq3A_261, %jit3A_262, %jit3A_259 : i32
      %rem3A_264 = arith.remsi %select_n3A_258, %select_n3A_263 : i32
      %ne3A_265 = arith.constant 0 : i32
      %ne3A_266 = arith.cmpi ne, %rem3A_264, %ne3A_265 : i32
      %lt3A_267 = arith.constant 0 : i32
      %lt3A_268 = arith.cmpi slt, %rem3A_264, %lt3A_267 : i32
      %lt3A_269 = arith.constant 0 : i32
      %lt3A_270 = arith.cmpi slt, %select_n3A_263, %lt3A_269 : i32
      %ne3A_271 = arith.xori %lt3A_268, %lt3A_270 : i1
      %and3A_272 = arith.andi %ne3A_271, %ne3A_266 : i1
      %add3A_273 = arith.addi %rem3A_264, %select_n3A_263 : i32
      %select_n3A_274 = arith.select %and3A_272, %add3A_273, %rem3A_264 : i32
      %mul3A_275 = arith.constant 16 : i32
      %mul3A_276 = arith.muli %select_n3A_274, %mul3A_275 : i32
      %jit3A_277 = arith.constant 16 : i32
      %eq3A_278 = arith.constant 0 : i32
      %eq3A_279 = arith.cmpi eq, %jit3A_277, %eq3A_278 : i32
      %jit3A_280 = arith.constant 1 : i32
      %select_n3A_281 = arith.select %eq3A_279, %jit3A_280, %jit3A_277 : i32
      %rem3A_282 = arith.remsi %mul3A_86, %select_n3A_281 : i32
      %ne3A_283 = arith.constant 0 : i32
      %ne3A_284 = arith.cmpi ne, %rem3A_282, %ne3A_283 : i32
      %lt3A_285 = arith.constant 0 : i32
      %lt3A_286 = arith.cmpi slt, %rem3A_282, %lt3A_285 : i32
      %lt3A_287 = arith.constant 0 : i32
      %lt3A_288 = arith.cmpi slt, %select_n3A_281, %lt3A_287 : i32
      %ne3A_289 = arith.xori %lt3A_286, %lt3A_288 : i1
      %and3A_290 = arith.andi %ne3A_289, %ne3A_284 : i1
      %add3A_291 = arith.addi %rem3A_282, %select_n3A_281 : i32
      %select_n3A_292 = arith.select %and3A_290, %add3A_291, %rem3A_282 : i32
      %add3A_293 = arith.addi %mul3A_276, %select_n3A_292 : i32
      %dma_start3A_294 = arith.constant 0 : i32
      %dma_start3A_295 = tpu.memref_slice %arg10[%add3A_293, %dma_start3A_294] : memref<32x128xi32, #tpu.memory_space<vmem>> -> memref<1x128xi32, #tpu.memory_space<vmem>>
      %dma_start3A_296 = tpu.memref_squeeze %dma_start3A_295 : memref<1x128xi32, #tpu.memory_space<vmem>> -> memref<128xi32, #tpu.memory_space<vmem>>
      %dma_start3A_297 = arith.constant 0 : i32
      %dma_start3A_298 = arith.constant 0 : i32
      %dma_start3A_299 = tpu.memref_slice %arg6[%dma_start3A_297, %dma_start3A_298] : memref<10240x128xf32, #tpu.memory_space<vmem_shared>> -> memref<10240x128xf32, #tpu.memory_space<vmem_shared>>
      tpu.enqueue_indirect_dma source(%arg7 : memref<128x128xf32, #tpu.memory_space<vmem>>) target(%dma_start3A_299 : memref<10240x128xf32, #tpu.memory_space<vmem_shared>>) offsets(%dma_start3A_296 : memref<128xi32, #tpu.memory_space<vmem>>) semaphore(%arg13 : memref<!tpu.dma_semaphore, #tpu.memory_space<semaphore_mem>>) {add = true}
      %add3A_300 = arith.constant 1 : i32
      %add3A_301 = arith.addi %mul3A_86, %add3A_300 : i32
      %jit3A_302 = arith.constant 16 : i32
      %div3A_303 = arith.divsi %add3A_301, %jit3A_302 : i32
      %sign3A_304 = arith.constant 0 : i32
      %sign3A_305 = arith.cmpi sgt, %add3A_301, %sign3A_304 : i32
      %sign3A_306 = arith.extui %sign3A_305 : i1 to i32
      %sign3A_307 = arith.constant 0 : i32
      %sign3A_308 = arith.cmpi slt, %add3A_301, %sign3A_307 : i32
      %sign3A_309 = arith.extui %sign3A_308 : i1 to i32
      %sign3A_310 = arith.subi %sign3A_306, %sign3A_309 : i32
      %sign3A_311 = arith.constant 0 : i32
      %sign3A_312 = arith.cmpi sgt, %jit3A_302, %sign3A_311 : i32
      %sign3A_313 = arith.extui %sign3A_312 : i1 to i32
      %sign3A_314 = arith.constant 0 : i32
      %sign3A_315 = arith.cmpi slt, %jit3A_302, %sign3A_314 : i32
      %sign3A_316 = arith.extui %sign3A_315 : i1 to i32
      %sign3A_317 = arith.subi %sign3A_313, %sign3A_316 : i32
      %ne3A_318 = arith.cmpi ne, %sign3A_310, %sign3A_317 : i32
      %rem3A_319 = arith.remsi %add3A_301, %jit3A_302 : i32
      %ne3A_320 = arith.constant 0 : i32
      %ne3A_321 = arith.cmpi ne, %rem3A_319, %ne3A_320 : i32
      %and3A_322 = arith.andi %ne3A_318, %ne3A_321 : i1
      %sub3A_323 = arith.constant 1 : i32
      %sub3A_324 = arith.subi %div3A_303, %sub3A_323 : i32
      %select_n3A_325 = arith.select %and3A_322, %sub3A_324, %div3A_303 : i32
      %jit3A_326 = arith.constant 2 : i32
      %eq3A_327 = arith.constant 0 : i32
      %eq3A_328 = arith.cmpi eq, %jit3A_326, %eq3A_327 : i32
      %jit3A_329 = arith.constant 1 : i32
      %select_n3A_330 = arith.select %eq3A_328, %jit3A_329, %jit3A_326 : i32
      %rem3A_331 = arith.remsi %select_n3A_325, %select_n3A_330 : i32
      %ne3A_332 = arith.constant 0 : i32
      %ne3A_333 = arith.cmpi ne, %rem3A_331, %ne3A_332 : i32
      %lt3A_334 = arith.constant 0 : i32
      %lt3A_335 = arith.cmpi slt, %rem3A_331, %lt3A_334 : i32
      %lt3A_336 = arith.constant 0 : i32
      %lt3A_337 = arith.cmpi slt, %select_n3A_330, %lt3A_336 : i32
      %ne3A_338 = arith.xori %lt3A_335, %lt3A_337 : i1
      %and3A_339 = arith.andi %ne3A_338, %ne3A_333 : i1
      %add3A_340 = arith.addi %rem3A_331, %select_n3A_330 : i32
      %select_n3A_341 = arith.select %and3A_339, %add3A_340, %rem3A_331 : i32
      %mul3A_342 = arith.constant 16 : i32
      %mul3A_343 = arith.muli %select_n3A_341, %mul3A_342 : i32
      %jit3A_344 = arith.constant 16 : i32
      %eq3A_345 = arith.constant 0 : i32
      %eq3A_346 = arith.cmpi eq, %jit3A_344, %eq3A_345 : i32
      %jit3A_347 = arith.constant 1 : i32
      %select_n3A_348 = arith.select %eq3A_346, %jit3A_347, %jit3A_344 : i32
      %rem3A_349 = arith.remsi %add3A_301, %select_n3A_348 : i32
      %ne3A_350 = arith.constant 0 : i32
      %ne3A_351 = arith.cmpi ne, %rem3A_349, %ne3A_350 : i32
      %lt3A_352 = arith.constant 0 : i32
      %lt3A_353 = arith.cmpi slt, %rem3A_349, %lt3A_352 : i32
      %lt3A_354 = arith.constant 0 : i32
      %lt3A_355 = arith.cmpi slt, %select_n3A_348, %lt3A_354 : i32
      %ne3A_356 = arith.xori %lt3A_353, %lt3A_355 : i1
      %and3A_357 = arith.andi %ne3A_356, %ne3A_351 : i1
      %add3A_358 = arith.addi %rem3A_349, %select_n3A_348 : i32
      %select_n3A_359 = arith.select %and3A_357, %add3A_358, %rem3A_349 : i32
      %add3A_360 = arith.addi %mul3A_343, %select_n3A_359 : i32
      %dma_wait3A_361 = arith.constant 0 : i32
      %dma_wait3A_362 = tpu.memref_slice %arg9[%add3A_360, %dma_wait3A_361] : memref<32x128xi32, #tpu.memory_space<vmem>> -> memref<1x128xi32, #tpu.memory_space<vmem>>
      %dma_wait3A_363 = tpu.memref_squeeze %dma_wait3A_362 : memref<1x128xi32, #tpu.memory_space<vmem>> -> memref<128xi32, #tpu.memory_space<vmem>>
      %dma_wait3A_364 = arith.constant 0 : i32
      %dma_wait3A_365 = arith.constant 0 : i32
      %dma_wait3A_366 = tpu.memref_slice %arg2[%dma_wait3A_364, %dma_wait3A_365] : memref<20480x128xf32, #tpu.memory_space<hbm>> -> memref<20480x128xf32, #tpu.memory_space<hbm>>
      tpu.wait_indirect_dma semaphore(%arg12 : memref<!tpu.dma_semaphore, #tpu.memory_space<semaphore_mem>>) src(%dma_wait3A_366 : memref<20480x128xf32, #tpu.memory_space<hbm>>) dst(%arg8 : memref<128x128xf32, #tpu.memory_space<vmem>>)
      %add3A_367 = arith.constant 1 : i32
      %add3A_368 = arith.addi %mul3A_86, %add3A_367 : i32
      %jit3A_369 = arith.constant 16 : i32
      %div3A_370 = arith.divsi %add3A_368, %jit3A_369 : i32
      %sign3A_371 = arith.constant 0 : i32
      %sign3A_372 = arith.cmpi sgt, %add3A_368, %sign3A_371 : i32
      %sign3A_373 = arith.extui %sign3A_372 : i1 to i32
      %sign3A_374 = arith.constant 0 : i32
      %sign3A_375 = arith.cmpi slt, %add3A_368, %sign3A_374 : i32
      %sign3A_376 = arith.extui %sign3A_375 : i1 to i32
      %sign3A_377 = arith.subi %sign3A_373, %sign3A_376 : i32
      %sign3A_378 = arith.constant 0 : i32
      %sign3A_379 = arith.cmpi sgt, %jit3A_369, %sign3A_378 : i32
      %sign3A_380 = arith.extui %sign3A_379 : i1 to i32
      %sign3A_381 = arith.constant 0 : i32
      %sign3A_382 = arith.cmpi slt, %jit3A_369, %sign3A_381 : i32
      %sign3A_383 = arith.extui %sign3A_382 : i1 to i32
      %sign3A_384 = arith.subi %sign3A_380, %sign3A_383 : i32
      %ne3A_385 = arith.cmpi ne, %sign3A_377, %sign3A_384 : i32
      %rem3A_386 = arith.remsi %add3A_368, %jit3A_369 : i32
      %ne3A_387 = arith.constant 0 : i32
      %ne3A_388 = arith.cmpi ne, %rem3A_386, %ne3A_387 : i32
      %and3A_389 = arith.andi %ne3A_385, %ne3A_388 : i1
      %sub3A_390 = arith.constant 1 : i32
      %sub3A_391 = arith.subi %div3A_370, %sub3A_390 : i32
      %select_n3A_392 = arith.select %and3A_389, %sub3A_391, %div3A_370 : i32
      %jit3A_393 = arith.constant 2 : i32
      %eq3A_394 = arith.constant 0 : i32
      %eq3A_395 = arith.cmpi eq, %jit3A_393, %eq3A_394 : i32
      %jit3A_396 = arith.constant 1 : i32
      %select_n3A_397 = arith.select %eq3A_395, %jit3A_396, %jit3A_393 : i32
      %rem3A_398 = arith.remsi %select_n3A_392, %select_n3A_397 : i32
      %ne3A_399 = arith.constant 0 : i32
      %ne3A_400 = arith.cmpi ne, %rem3A_398, %ne3A_399 : i32
      %lt3A_401 = arith.constant 0 : i32
      %lt3A_402 = arith.cmpi slt, %rem3A_398, %lt3A_401 : i32
      %lt3A_403 = arith.constant 0 : i32
      %lt3A_404 = arith.cmpi slt, %select_n3A_397, %lt3A_403 : i32
      %ne3A_405 = arith.xori %lt3A_402, %lt3A_404 : i1
      %and3A_406 = arith.andi %ne3A_405, %ne3A_400 : i1
      %add3A_407 = arith.addi %rem3A_398, %select_n3A_397 : i32
      %select_n3A_408 = arith.select %and3A_406, %add3A_407, %rem3A_398 : i32
      %mul3A_409 = arith.constant 16 : i32
      %mul3A_410 = arith.muli %select_n3A_408, %mul3A_409 : i32
      %jit3A_411 = arith.constant 16 : i32
      %eq3A_412 = arith.constant 0 : i32
      %eq3A_413 = arith.cmpi eq, %jit3A_411, %eq3A_412 : i32
      %jit3A_414 = arith.constant 1 : i32
      %select_n3A_415 = arith.select %eq3A_413, %jit3A_414, %jit3A_411 : i32
      %rem3A_416 = arith.remsi %add3A_368, %select_n3A_415 : i32
      %ne3A_417 = arith.constant 0 : i32
      %ne3A_418 = arith.cmpi ne, %rem3A_416, %ne3A_417 : i32
      %lt3A_419 = arith.constant 0 : i32
      %lt3A_420 = arith.cmpi slt, %rem3A_416, %lt3A_419 : i32
      %lt3A_421 = arith.constant 0 : i32
      %lt3A_422 = arith.cmpi slt, %select_n3A_415, %lt3A_421 : i32
      %ne3A_423 = arith.xori %lt3A_420, %lt3A_422 : i1
      %and3A_424 = arith.andi %ne3A_423, %ne3A_418 : i1
      %add3A_425 = arith.addi %rem3A_416, %select_n3A_415 : i32
      %select_n3A_426 = arith.select %and3A_424, %add3A_425, %rem3A_416 : i32
      %add3A_427 = arith.addi %mul3A_410, %select_n3A_426 : i32
      %dma_start3A_428 = arith.constant 0 : i32
      %dma_start3A_429 = tpu.memref_slice %arg10[%add3A_427, %dma_start3A_428] : memref<32x128xi32, #tpu.memory_space<vmem>> -> memref<1x128xi32, #tpu.memory_space<vmem>>
      %dma_start3A_430 = tpu.memref_squeeze %dma_start3A_429 : memref<1x128xi32, #tpu.memory_space<vmem>> -> memref<128xi32, #tpu.memory_space<vmem>>
      %dma_start3A_431 = arith.constant 0 : i32
      %dma_start3A_432 = arith.constant 0 : i32
      %dma_start3A_433 = tpu.memref_slice %arg6[%dma_start3A_431, %dma_start3A_432] : memref<10240x128xf32, #tpu.memory_space<vmem_shared>> -> memref<10240x128xf32, #tpu.memory_space<vmem_shared>>
      tpu.enqueue_indirect_dma source(%arg8 : memref<128x128xf32, #tpu.memory_space<vmem>>) target(%dma_start3A_433 : memref<10240x128xf32, #tpu.memory_space<vmem_shared>>) offsets(%dma_start3A_430 : memref<128xi32, #tpu.memory_space<vmem>>) semaphore(%arg14 : memref<!tpu.dma_semaphore, #tpu.memory_space<semaphore_mem>>) {add = true}
      %jit3A_434 = arith.constant 16 : i32
      %div3A_435 = arith.divsi %mul3A_86, %jit3A_434 : i32
      %sign3A_436 = arith.constant 0 : i32
      %sign3A_437 = arith.cmpi sgt, %mul3A_86, %sign3A_436 : i32
      %sign3A_438 = arith.extui %sign3A_437 : i1 to i32
      %sign3A_439 = arith.constant 0 : i32
      %sign3A_440 = arith.cmpi slt, %mul3A_86, %sign3A_439 : i32
      %sign3A_441 = arith.extui %sign3A_440 : i1 to i32
      %sign3A_442 = arith.subi %sign3A_438, %sign3A_441 : i32
      %sign3A_443 = arith.constant 0 : i32
      %sign3A_444 = arith.cmpi sgt, %jit3A_434, %sign3A_443 : i32
      %sign3A_445 = arith.extui %sign3A_444 : i1 to i32
      %sign3A_446 = arith.constant 0 : i32
      %sign3A_447 = arith.cmpi slt, %jit3A_434, %sign3A_446 : i32
      %sign3A_448 = arith.extui %sign3A_447 : i1 to i32
      %sign3A_449 = arith.subi %sign3A_445, %sign3A_448 : i32
      %ne3A_450 = arith.cmpi ne, %sign3A_442, %sign3A_449 : i32
      %rem3A_451 = arith.remsi %mul3A_86, %jit3A_434 : i32
      %ne3A_452 = arith.constant 0 : i32
      %ne3A_453 = arith.cmpi ne, %rem3A_451, %ne3A_452 : i32
      %and3A_454 = arith.andi %ne3A_450, %ne3A_453 : i1
      %sub3A_455 = arith.constant 1 : i32
      %sub3A_456 = arith.subi %div3A_435, %sub3A_455 : i32
      %select_n3A_457 = arith.select %and3A_454, %sub3A_456, %div3A_435 : i32
      %jit3A_458 = arith.constant 2 : i32
      %eq3A_459 = arith.constant 0 : i32
      %eq3A_460 = arith.cmpi eq, %jit3A_458, %eq3A_459 : i32
      %jit3A_461 = arith.constant 1 : i32
      %select_n3A_462 = arith.select %eq3A_460, %jit3A_461, %jit3A_458 : i32
      %rem3A_463 = arith.remsi %select_n3A_457, %select_n3A_462 : i32
      %ne3A_464 = arith.constant 0 : i32
      %ne3A_465 = arith.cmpi ne, %rem3A_463, %ne3A_464 : i32
      %lt3A_466 = arith.constant 0 : i32
      %lt3A_467 = arith.cmpi slt, %rem3A_463, %lt3A_466 : i32
      %lt3A_468 = arith.constant 0 : i32
      %lt3A_469 = arith.cmpi slt, %select_n3A_462, %lt3A_468 : i32
      %ne3A_470 = arith.xori %lt3A_467, %lt3A_469 : i1
      %and3A_471 = arith.andi %ne3A_470, %ne3A_465 : i1
      %add3A_472 = arith.addi %rem3A_463, %select_n3A_462 : i32
      %select_n3A_473 = arith.select %and3A_471, %add3A_472, %rem3A_463 : i32
      %mul3A_474 = arith.constant 16 : i32
      %mul3A_475 = arith.muli %select_n3A_473, %mul3A_474 : i32
      %jit3A_476 = arith.constant 16 : i32
      %eq3A_477 = arith.constant 0 : i32
      %eq3A_478 = arith.cmpi eq, %jit3A_476, %eq3A_477 : i32
      %jit3A_479 = arith.constant 1 : i32
      %select_n3A_480 = arith.select %eq3A_478, %jit3A_479, %jit3A_476 : i32
      %rem3A_481 = arith.remsi %mul3A_86, %select_n3A_480 : i32
      %ne3A_482 = arith.constant 0 : i32
      %ne3A_483 = arith.cmpi ne, %rem3A_481, %ne3A_482 : i32
      %lt3A_484 = arith.constant 0 : i32
      %lt3A_485 = arith.cmpi slt, %rem3A_481, %lt3A_484 : i32
      %lt3A_486 = arith.constant 0 : i32
      %lt3A_487 = arith.cmpi slt, %select_n3A_480, %lt3A_486 : i32
      %ne3A_488 = arith.xori %lt3A_485, %lt3A_487 : i1
      %and3A_489 = arith.andi %ne3A_488, %ne3A_483 : i1
      %add3A_490 = arith.addi %rem3A_481, %select_n3A_480 : i32
      %select_n3A_491 = arith.select %and3A_489, %add3A_490, %rem3A_481 : i32
      %add3A_492 = arith.addi %mul3A_475, %select_n3A_491 : i32
      %dma_wait3A_493 = arith.constant 0 : i32
      %dma_wait3A_494 = tpu.memref_slice %arg10[%add3A_492, %dma_wait3A_493] : memref<32x128xi32, #tpu.memory_space<vmem>> -> memref<1x128xi32, #tpu.memory_space<vmem>>
      %dma_wait3A_495 = tpu.memref_squeeze %dma_wait3A_494 : memref<1x128xi32, #tpu.memory_space<vmem>> -> memref<128xi32, #tpu.memory_space<vmem>>
      %dma_wait3A_496 = arith.constant 0 : i32
      %dma_wait3A_497 = arith.constant 0 : i32
      %dma_wait3A_498 = tpu.memref_slice %arg6[%dma_wait3A_496, %dma_wait3A_497] : memref<10240x128xf32, #tpu.memory_space<vmem_shared>> -> memref<10240x128xf32, #tpu.memory_space<vmem_shared>>
      tpu.wait_indirect_dma semaphore(%arg13 : memref<!tpu.dma_semaphore, #tpu.memory_space<semaphore_mem>>) src(%arg7 : memref<128x128xf32, #tpu.memory_space<vmem>>) dst(%dma_wait3A_498 : memref<10240x128xf32, #tpu.memory_space<vmem_shared>>)
      %jit3A_499 = arith.constant 16 : i32
      %eq3A_500 = arith.constant 0 : i32
      %eq3A_501 = arith.cmpi eq, %jit3A_499, %eq3A_500 : i32
      %jit3A_502 = arith.constant 1 : i32
      %select_n3A_503 = arith.select %eq3A_501, %jit3A_502, %jit3A_499 : i32
      %rem3A_504 = arith.remsi %mul3A_86, %select_n3A_503 : i32
      %ne3A_505 = arith.constant 0 : i32
      %ne3A_506 = arith.cmpi ne, %rem3A_504, %ne3A_505 : i32
      %lt3A_507 = arith.constant 0 : i32
      %lt3A_508 = arith.cmpi slt, %rem3A_504, %lt3A_507 : i32
      %lt3A_509 = arith.constant 0 : i32
      %lt3A_510 = arith.cmpi slt, %select_n3A_503, %lt3A_509 : i32
      %ne3A_511 = arith.xori %lt3A_508, %lt3A_510 : i1
      %and3A_512 = arith.andi %ne3A_511, %ne3A_506 : i1
      %add3A_513 = arith.addi %rem3A_504, %select_n3A_503 : i32
      %select_n3A_514 = arith.select %and3A_512, %add3A_513, %rem3A_504 : i32
      %eq3A_515 = arith.constant 14 : i32
      %eq3A_516 = arith.cmpi eq, %select_n3A_514, %eq3A_515 : i32
      %add3A_517 = arith.constant 2 : i32
      %add3A_518 = arith.addi %mul3A_86, %add3A_517 : i32
      %lt3A_519 = arith.constant 80 : i32
      %lt3A_520 = arith.cmpi slt, %add3A_518, %lt3A_519 : i32
      %and3A_521 = arith.andi %eq3A_516, %lt3A_520 : i1
      %convert_element_type3A_522 = arith.extui %and3A_521 : i1 to i32
      %cond3A_523 = arith.constant 0 : i32
      %cond3A_524 = arith.cmpi ne, %convert_element_type3A_522, %cond3A_523 : i32
      scf.if %cond3A_524 {
        %add3A_532 = arith.constant 2 : i32
        %add3A_533 = arith.addi %mul3A_86, %add3A_532 : i32
        %jit3A_534 = arith.constant 16 : i32
        %div3A_535 = arith.divsi %add3A_533, %jit3A_534 : i32
        %sign3A_536 = arith.constant 0 : i32
        %sign3A_537 = arith.cmpi sgt, %add3A_533, %sign3A_536 : i32
        %sign3A_538 = arith.extui %sign3A_537 : i1 to i32
        %sign3A_539 = arith.constant 0 : i32
        %sign3A_540 = arith.cmpi slt, %add3A_533, %sign3A_539 : i32
        %sign3A_541 = arith.extui %sign3A_540 : i1 to i32
        %sign3A_542 = arith.subi %sign3A_538, %sign3A_541 : i32
        %sign3A_543 = arith.constant 0 : i32
        %sign3A_544 = arith.cmpi sgt, %jit3A_534, %sign3A_543 : i32
        %sign3A_545 = arith.extui %sign3A_544 : i1 to i32
        %sign3A_546 = arith.constant 0 : i32
        %sign3A_547 = arith.cmpi slt, %jit3A_534, %sign3A_546 : i32
        %sign3A_548 = arith.extui %sign3A_547 : i1 to i32
        %sign3A_549 = arith.subi %sign3A_545, %sign3A_548 : i32
        %ne3A_550 = arith.cmpi ne, %sign3A_542, %sign3A_549 : i32
        %rem3A_551 = arith.remsi %add3A_533, %jit3A_534 : i32
        %ne3A_552 = arith.constant 0 : i32
        %ne3A_553 = arith.cmpi ne, %rem3A_551, %ne3A_552 : i32
        %and3A_554 = arith.andi %ne3A_550, %ne3A_553 : i1
        %sub3A_555 = arith.constant 1 : i32
        %sub3A_556 = arith.subi %div3A_535, %sub3A_555 : i32
        %select_n3A_557 = arith.select %and3A_554, %sub3A_556, %div3A_535 : i32
        %jit3A_558 = arith.constant 2 : i32
        %eq3A_559 = arith.constant 0 : i32
        %eq3A_560 = arith.cmpi eq, %jit3A_558, %eq3A_559 : i32
        %jit3A_561 = arith.constant 1 : i32
        %select_n3A_562 = arith.select %eq3A_560, %jit3A_561, %jit3A_558 : i32
        %rem3A_563 = arith.remsi %select_n3A_557, %select_n3A_562 : i32
        %ne3A_564 = arith.constant 0 : i32
        %ne3A_565 = arith.cmpi ne, %rem3A_563, %ne3A_564 : i32
        %lt3A_566 = arith.constant 0 : i32
        %lt3A_567 = arith.cmpi slt, %rem3A_563, %lt3A_566 : i32
        %lt3A_568 = arith.constant 0 : i32
        %lt3A_569 = arith.cmpi slt, %select_n3A_562, %lt3A_568 : i32
        %ne3A_570 = arith.xori %lt3A_567, %lt3A_569 : i1
        %and3A_571 = arith.andi %ne3A_570, %ne3A_565 : i1
        %add3A_572 = arith.addi %rem3A_563, %select_n3A_562 : i32
        %select_n3A_573 = arith.select %and3A_571, %add3A_572, %rem3A_563 : i32
        %mul3A_574 = arith.constant 16 : i32
        %mul3A_575 = arith.muli %select_n3A_573, %mul3A_574 : i32
        %multiple_of3A_576 = tpu.assume_multiple %mul3A_575, 16 : i32
        %mul3A_577 = arith.constant 16 : i32
        %mul3A_578 = arith.muli %select_n3A_557, %mul3A_577 : i32
        %add3A_579 = arith.addi %mul3A_11, %mul3A_578 : i32
        %multiple_of3A_580 = tpu.assume_multiple %add3A_579, 16 : i32
        %dma_wait3A_581 = arith.constant 0 : i32
        %dma_wait3A_582 = tpu.memref_slice %arg9[%multiple_of3A_576, %dma_wait3A_581] : memref<32x128xi32, #tpu.memory_space<vmem>> -> memref<16x128xi32, #tpu.memory_space<vmem>>
        %dma_wait3A_583 = arith.constant 0 : i32
        %dma_wait3A_584 = tpu.memref_slice %arg3[%multiple_of3A_580, %dma_wait3A_583] : memref<1280x128xi32, #tpu.memory_space<hbm>> -> memref<16x128xi32, #tpu.memory_space<hbm>>
        %dma_wait3A_585 = arith.constant 0 : i32
        %dma_wait3A_586 = tpu.memref_slice %arg9[%multiple_of3A_576, %dma_wait3A_585] : memref<32x128xi32, #tpu.memory_space<vmem>> -> memref<16x128xi32, #tpu.memory_space<vmem>>
        %dma_wait3A_587 = arith.constant 0 : i32
        %dma_wait3A_588 = tpu.memref_slice %arg3[%multiple_of3A_580, %dma_wait3A_587] : memref<1280x128xi32, #tpu.memory_space<hbm>> -> memref<16x128xi32, #tpu.memory_space<hbm>>
        tpu.wait_dma2 semaphore(%arg15 : memref<!tpu.dma_semaphore, #tpu.memory_space<semaphore_mem>>) src(%dma_wait3A_588 : memref<16x128xi32, #tpu.memory_space<hbm>>) dst(%dma_wait3A_586 : memref<16x128xi32, #tpu.memory_space<vmem>>)
        %dma_wait3A_589 = arith.constant 0 : i32
        %dma_wait3A_590 = tpu.memref_slice %arg10[%multiple_of3A_576, %dma_wait3A_589] : memref<32x128xi32, #tpu.memory_space<vmem>> -> memref<16x128xi32, #tpu.memory_space<vmem>>
        %dma_wait3A_591 = arith.constant 0 : i32
        %dma_wait3A_592 = tpu.memref_slice %arg4[%multiple_of3A_580, %dma_wait3A_591] : memref<1280x128xi32, #tpu.memory_space<hbm>> -> memref<16x128xi32, #tpu.memory_space<hbm>>
        %dma_wait3A_593 = arith.constant 0 : i32
        %dma_wait3A_594 = tpu.memref_slice %arg10[%multiple_of3A_576, %dma_wait3A_593] : memref<32x128xi32, #tpu.memory_space<vmem>> -> memref<16x128xi32, #tpu.memory_space<vmem>>
        %dma_wait3A_595 = arith.constant 0 : i32
        %dma_wait3A_596 = tpu.memref_slice %arg4[%multiple_of3A_580, %dma_wait3A_595] : memref<1280x128xi32, #tpu.memory_space<hbm>> -> memref<16x128xi32, #tpu.memory_space<hbm>>
        tpu.wait_dma2 semaphore(%arg15 : memref<!tpu.dma_semaphore, #tpu.memory_space<semaphore_mem>>) src(%dma_wait3A_596 : memref<16x128xi32, #tpu.memory_space<hbm>>) dst(%dma_wait3A_594 : memref<16x128xi32, #tpu.memory_space<vmem>>)
        %jit3A_597 = arith.constant 2 : i32
        %eq3A_598 = arith.constant 0 : i32
        %eq3A_599 = arith.cmpi eq, %jit3A_597, %eq3A_598 : i32
        %jit3A_600 = arith.constant 1 : i32
        %select_n3A_601 = arith.select %eq3A_599, %jit3A_600, %jit3A_597 : i32
        %rem3A_602 = arith.remsi %select_n3A_557, %select_n3A_601 : i32
        %ne3A_603 = arith.constant 0 : i32
        %ne3A_604 = arith.cmpi ne, %rem3A_602, %ne3A_603 : i32
        %lt3A_605 = arith.constant 0 : i32
        %lt3A_606 = arith.cmpi slt, %rem3A_602, %lt3A_605 : i32
        %lt3A_607 = arith.constant 0 : i32
        %lt3A_608 = arith.cmpi slt, %select_n3A_601, %lt3A_607 : i32
        %ne3A_609 = arith.xori %lt3A_606, %lt3A_608 : i1
        %and3A_610 = arith.andi %ne3A_609, %ne3A_604 : i1
        %add3A_611 = arith.addi %rem3A_602, %select_n3A_601 : i32
        %select_n3A_612 = arith.select %and3A_610, %add3A_611, %rem3A_602 : i32
        %mul3A_613 = arith.constant 16 : i32
        %mul3A_614 = arith.muli %select_n3A_612, %mul3A_613 : i32
        %scan3A_615 = arith.constant 0 : i32
        %scan3A_616 = arith.constant 16 : i32
        %scan3A_617 = arith.addi %scan3A_615, %scan3A_616 : i32
        %scan3A_618 = arith.constant 1 : i32
        scf.for %scan3A_620 = %scan3A_615 to %scan3A_617 step %scan3A_618  : i32 {
          %mul3A_621 = arith.constant 1 : i32
          %mul3A_622 = arith.muli %scan3A_620, %mul3A_621 : i32
          %add3A_623 = arith.constant 0 : i32
          %add3A_624 = arith.addi %add3A_623, %mul3A_622 : i32
          %add3A_625 = arith.addi %mul3A_614, %add3A_624 : i32
          %get3A = arith.index_cast %add3A_625 : i32 to index
          %get3A_626 = arith.constant 0 : index
          %get3A_627 = tpu.vector_load %arg9[%get3A, %get3A_626] {strides = array<i32>} : memref<32x128xi32, #tpu.memory_space<vmem>>, vector<1x16xi32>,
          %get3A_628 = vector.shape_cast %get3A_627 : vector<1x16xi32> to vector<16xi32>
          %add3A_629 = vector.broadcast %mul3A_13 : i32 to vector<16xi32>
          %add3A_630 = arith.addi %get3A_628, %add3A_629 : vector<16xi32>
          %add3A_631 = arith.addi %mul3A_614, %add3A_624 : i32
          %swap3A = arith.index_cast %add3A_631 : i32 to index
          %swap3A_632 = arith.constant 0 : index
          %swap3A_633 = tpu.vector_load %arg9[%swap3A, %swap3A_632] {strides = array<i32>} : memref<32x128xi32, #tpu.memory_space<vmem>>, vector<1x16xi32>,
          %swap3A_634 = vector.shape_cast %swap3A_633 : vector<1x16xi32> to vector<16xi32>
          %swap3A_635 = vector.shape_cast %add3A_630 : vector<16xi32> to vector<1x16xi32>
          tpu.vector_store %arg9[%swap3A, %swap3A_632], %swap3A_635 {strides = array<i32>} : memref<32x128xi32, #tpu.memory_space<vmem>>, vector<1x16xi32>,
          %add3A_636 = arith.addi %mul3A_614, %add3A_624 : i32
          %get3A_637 = arith.index_cast %add3A_636 : i32 to index
          %get3A_638 = arith.constant 16 : index
          %get3A_639 = tpu.vector_load %arg9[%get3A_637, %get3A_638] {strides = array<i32>} : memref<32x128xi32, #tpu.memory_space<vmem>>, vector<1x16xi32>,
          %get3A_640 = vector.shape_cast %get3A_639 : vector<1x16xi32> to vector<16xi32>
          %add3A_641 = vector.broadcast %mul3A_13 : i32 to vector<16xi32>
          %add3A_642 = arith.addi %get3A_640, %add3A_641 : vector<16xi32>
          %add3A_643 = arith.addi %mul3A_614, %add3A_624 : i32
          %swap3A_644 = arith.index_cast %add3A_643 : i32 to index
          %swap3A_645 = arith.constant 16 : index
          %swap3A_646 = tpu.vector_load %arg9[%swap3A_644, %swap3A_645] {strides = array<i32>} : memref<32x128xi32, #tpu.memory_space<vmem>>, vector<1x16xi32>,
          %swap3A_647 = vector.shape_cast %swap3A_646 : vector<1x16xi32> to vector<16xi32>
          %swap3A_648 = vector.shape_cast %add3A_642 : vector<16xi32> to vector<1x16xi32>
          tpu.vector_store %arg9[%swap3A_644, %swap3A_645], %swap3A_648 {strides = array<i32>} : memref<32x128xi32, #tpu.memory_space<vmem>>, vector<1x16xi32>,
          %add3A_649 = arith.addi %mul3A_614, %add3A_624 : i32
          %get3A_650 = arith.index_cast %add3A_649 : i32 to index
          %get3A_651 = arith.constant 32 : index
          %get3A_652 = tpu.vector_load %arg9[%get3A_650, %get3A_651] {strides = array<i32>} : memref<32x128xi32, #tpu.memory_space<vmem>>, vector<1x16xi32>,
          %get3A_653 = vector.shape_cast %get3A_652 : vector<1x16xi32> to vector<16xi32>
          %add3A_654 = vector.broadcast %mul3A_13 : i32 to vector<16xi32>
          %add3A_655 = arith.addi %get3A_653, %add3A_654 : vector<16xi32>
          %add3A_656 = arith.addi %mul3A_614, %add3A_624 : i32
          %swap3A_657 = arith.index_cast %add3A_656 : i32 to index
          %swap3A_658 = arith.constant 32 : index
          %swap3A_659 = tpu.vector_load %arg9[%swap3A_657, %swap3A_658] {strides = array<i32>} : memref<32x128xi32, #tpu.memory_space<vmem>>, vector<1x16xi32>,
          %swap3A_660 = vector.shape_cast %swap3A_659 : vector<1x16xi32> to vector<16xi32>
          %swap3A_661 = vector.shape_cast %add3A_655 : vector<16xi32> to vector<1x16xi32>
          tpu.vector_store %arg9[%swap3A_657, %swap3A_658], %swap3A_661 {strides = array<i32>} : memref<32x128xi32, #tpu.memory_space<vmem>>, vector<1x16xi32>,
          %add3A_662 = arith.addi %mul3A_614, %add3A_624 : i32
          %get3A_663 = arith.index_cast %add3A_662 : i32 to index
          %get3A_664 = arith.constant 48 : index
          %get3A_665 = tpu.vector_load %arg9[%get3A_663, %get3A_664] {strides = array<i32>} : memref<32x128xi32, #tpu.memory_space<vmem>>, vector<1x16xi32>,
          %get3A_666 = vector.shape_cast %get3A_665 : vector<1x16xi32> to vector<16xi32>
          %add3A_667 = vector.broadcast %mul3A_13 : i32 to vector<16xi32>
          %add3A_668 = arith.addi %get3A_666, %add3A_667 : vector<16xi32>
          %add3A_669 = arith.addi %mul3A_614, %add3A_624 : i32
          %swap3A_670 = arith.index_cast %add3A_669 : i32 to index
          %swap3A_671 = arith.constant 48 : index
          %swap3A_672 = tpu.vector_load %arg9[%swap3A_670, %swap3A_671] {strides = array<i32>} : memref<32x128xi32, #tpu.memory_space<vmem>>, vector<1x16xi32>,
          %swap3A_673 = vector.shape_cast %swap3A_672 : vector<1x16xi32> to vector<16xi32>
          %swap3A_674 = vector.shape_cast %add3A_668 : vector<16xi32> to vector<1x16xi32>
          tpu.vector_store %arg9[%swap3A_670, %swap3A_671], %swap3A_674 {strides = array<i32>} : memref<32x128xi32, #tpu.memory_space<vmem>>, vector<1x16xi32>,
          %add3A_675 = arith.addi %mul3A_614, %add3A_624 : i32
          %get3A_676 = arith.index_cast %add3A_675 : i32 to index
          %get3A_677 = arith.constant 64 : index
          %get3A_678 = tpu.vector_load %arg9[%get3A_676, %get3A_677] {strides = array<i32>} : memref<32x128xi32, #tpu.memory_space<vmem>>, vector<1x16xi32>,
          %get3A_679 = vector.shape_cast %get3A_678 : vector<1x16xi32> to vector<16xi32>
          %add3A_680 = vector.broadcast %mul3A_13 : i32 to vector<16xi32>
          %add3A_681 = arith.addi %get3A_679, %add3A_680 : vector<16xi32>
          %add3A_682 = arith.addi %mul3A_614, %add3A_624 : i32
          %swap3A_683 = arith.index_cast %add3A_682 : i32 to index
          %swap3A_684 = arith.constant 64 : index
          %swap3A_685 = tpu.vector_load %arg9[%swap3A_683, %swap3A_684] {strides = array<i32>} : memref<32x128xi32, #tpu.memory_space<vmem>>, vector<1x16xi32>,
          %swap3A_686 = vector.shape_cast %swap3A_685 : vector<1x16xi32> to vector<16xi32>
          %swap3A_687 = vector.shape_cast %add3A_681 : vector<16xi32> to vector<1x16xi32>
          tpu.vector_store %arg9[%swap3A_683, %swap3A_684], %swap3A_687 {strides = array<i32>} : memref<32x128xi32, #tpu.memory_space<vmem>>, vector<1x16xi32>,
          %add3A_688 = arith.addi %mul3A_614, %add3A_624 : i32
          %get3A_689 = arith.index_cast %add3A_688 : i32 to index
          %get3A_690 = arith.constant 80 : index
          %get3A_691 = tpu.vector_load %arg9[%get3A_689, %get3A_690] {strides = array<i32>} : memref<32x128xi32, #tpu.memory_space<vmem>>, vector<1x16xi32>,
          %get3A_692 = vector.shape_cast %get3A_691 : vector<1x16xi32> to vector<16xi32>
          %add3A_693 = vector.broadcast %mul3A_13 : i32 to vector<16xi32>
          %add3A_694 = arith.addi %get3A_692, %add3A_693 : vector<16xi32>
          %add3A_695 = arith.addi %mul3A_614, %add3A_624 : i32
          %swap3A_696 = arith.index_cast %add3A_695 : i32 to index
          %swap3A_697 = arith.constant 80 : index
          %swap3A_698 = tpu.vector_load %arg9[%swap3A_696, %swap3A_697] {strides = array<i32>} : memref<32x128xi32, #tpu.memory_space<vmem>>, vector<1x16xi32>,
          %swap3A_699 = vector.shape_cast %swap3A_698 : vector<1x16xi32> to vector<16xi32>
          %swap3A_700 = vector.shape_cast %add3A_694 : vector<16xi32> to vector<1x16xi32>
          tpu.vector_store %arg9[%swap3A_696, %swap3A_697], %swap3A_700 {strides = array<i32>} : memref<32x128xi32, #tpu.memory_space<vmem>>, vector<1x16xi32>,
          %add3A_701 = arith.addi %mul3A_614, %add3A_624 : i32
          %get3A_702 = arith.index_cast %add3A_701 : i32 to index
          %get3A_703 = arith.constant 96 : index
          %get3A_704 = tpu.vector_load %arg9[%get3A_702, %get3A_703] {strides = array<i32>} : memref<32x128xi32, #tpu.memory_space<vmem>>, vector<1x16xi32>,
          %get3A_705 = vector.shape_cast %get3A_704 : vector<1x16xi32> to vector<16xi32>
          %add3A_706 = vector.broadcast %mul3A_13 : i32 to vector<16xi32>
          %add3A_707 = arith.addi %get3A_705, %add3A_706 : vector<16xi32>
          %add3A_708 = arith.addi %mul3A_614, %add3A_624 : i32
          %swap3A_709 = arith.index_cast %add3A_708 : i32 to index
          %swap3A_710 = arith.constant 96 : index
          %swap3A_711 = tpu.vector_load %arg9[%swap3A_709, %swap3A_710] {strides = array<i32>} : memref<32x128xi32, #tpu.memory_space<vmem>>, vector<1x16xi32>,
          %swap3A_712 = vector.shape_cast %swap3A_711 : vector<1x16xi32> to vector<16xi32>
          %swap3A_713 = vector.shape_cast %add3A_707 : vector<16xi32> to vector<1x16xi32>
          tpu.vector_store %arg9[%swap3A_709, %swap3A_710], %swap3A_713 {strides = array<i32>} : memref<32x128xi32, #tpu.memory_space<vmem>>, vector<1x16xi32>,
          %add3A_714 = arith.addi %mul3A_614, %add3A_624 : i32
          %get3A_715 = arith.index_cast %add3A_714 : i32 to index
          %get3A_716 = arith.constant 112 : index
          %get3A_717 = tpu.vector_load %arg9[%get3A_715, %get3A_716] {strides = array<i32>} : memref<32x128xi32, #tpu.memory_space<vmem>>, vector<1x16xi32>,
          %get3A_718 = vector.shape_cast %get3A_717 : vector<1x16xi32> to vector<16xi32>
          %add3A_719 = vector.broadcast %mul3A_13 : i32 to vector<16xi32>
          %add3A_720 = arith.addi %get3A_718, %add3A_719 : vector<16xi32>
          %add3A_721 = arith.addi %mul3A_614, %add3A_624 : i32
          %swap3A_722 = arith.index_cast %add3A_721 : i32 to index
          %swap3A_723 = arith.constant 112 : index
          %swap3A_724 = tpu.vector_load %arg9[%swap3A_722, %swap3A_723] {strides = array<i32>} : memref<32x128xi32, #tpu.memory_space<vmem>>, vector<1x16xi32>,
          %swap3A_725 = vector.shape_cast %swap3A_724 : vector<1x16xi32> to vector<16xi32>
          %swap3A_726 = vector.shape_cast %add3A_720 : vector<16xi32> to vector<1x16xi32>
          tpu.vector_store %arg9[%swap3A_722, %swap3A_723], %swap3A_726 {strides = array<i32>} : memref<32x128xi32, #tpu.memory_space<vmem>>, vector<1x16xi32>,
        }
        %scan3A_619 = arith.constant 16 : i32
      } else {
      }
      %add3A_525 = arith.constant 2 : i32
      %add3A_526 = arith.addi %mul3A_86, %add3A_525 : i32
      %lt3A_527 = arith.constant 80 : i32
      %lt3A_528 = arith.cmpi slt, %add3A_526, %lt3A_527 : i32
      %convert_element_type3A_529 = arith.extui %lt3A_528 : i1 to i32
      %cond3A_530 = arith.constant 0 : i32
      %cond3A_531 = arith.cmpi ne, %convert_element_type3A_529, %cond3A_530 : i32
      scf.if %cond3A_531 {
        %add3A_532 = arith.constant 2 : i32
        %add3A_533 = arith.addi %mul3A_86, %add3A_532 : i32
        %jit3A_534 = arith.constant 16 : i32
        %div3A_535 = arith.divsi %add3A_533, %jit3A_534 : i32
        %sign3A_536 = arith.constant 0 : i32
        %sign3A_537 = arith.cmpi sgt, %add3A_533, %sign3A_536 : i32
        %sign3A_538 = arith.extui %sign3A_537 : i1 to i32
        %sign3A_539 = arith.constant 0 : i32
        %sign3A_540 = arith.cmpi slt, %add3A_533, %sign3A_539 : i32
        %sign3A_541 = arith.extui %sign3A_540 : i1 to i32
        %sign3A_542 = arith.subi %sign3A_538, %sign3A_541 : i32
        %sign3A_543 = arith.constant 0 : i32
        %sign3A_544 = arith.cmpi sgt, %jit3A_534, %sign3A_543 : i32
        %sign3A_545 = arith.extui %sign3A_544 : i1 to i32
        %sign3A_546 = arith.constant 0 : i32
        %sign3A_547 = arith.cmpi slt, %jit3A_534, %sign3A_546 : i32
        %sign3A_548 = arith.extui %sign3A_547 : i1 to i32
        %sign3A_549 = arith.subi %sign3A_545, %sign3A_548 : i32
        %ne3A_550 = arith.cmpi ne, %sign3A_542, %sign3A_549 : i32
        %rem3A_551 = arith.remsi %add3A_533, %jit3A_534 : i32
        %ne3A_552 = arith.constant 0 : i32
        %ne3A_553 = arith.cmpi ne, %rem3A_551, %ne3A_552 : i32
        %and3A_554 = arith.andi %ne3A_550, %ne3A_553 : i1
        %sub3A_555 = arith.constant 1 : i32
        %sub3A_556 = arith.subi %div3A_535, %sub3A_555 : i32
        %select_n3A_557 = arith.select %and3A_554, %sub3A_556, %div3A_535 : i32
        %jit3A_558 = arith.constant 2 : i32
        %eq3A_559 = arith.constant 0 : i32
        %eq3A_560 = arith.cmpi eq, %jit3A_558, %eq3A_559 : i32
        %jit3A_561 = arith.constant 1 : i32
        %select_n3A_562 = arith.select %eq3A_560, %jit3A_561, %jit3A_558 : i32
        %rem3A_563 = arith.remsi %select_n3A_557, %select_n3A_562 : i32
        %ne3A_564 = arith.constant 0 : i32
        %ne3A_565 = arith.cmpi ne, %rem3A_563, %ne3A_564 : i32
        %lt3A_566 = arith.constant 0 : i32
        %lt3A_567 = arith.cmpi slt, %rem3A_563, %lt3A_566 : i32
        %lt3A_568 = arith.constant 0 : i32
        %lt3A_569 = arith.cmpi slt, %select_n3A_562, %lt3A_568 : i32
        %ne3A_570 = arith.xori %lt3A_567, %lt3A_569 : i1
        %and3A_571 = arith.andi %ne3A_570, %ne3A_565 : i1
        %add3A_572 = arith.addi %rem3A_563, %select_n3A_562 : i32
        %select_n3A_573 = arith.select %and3A_571, %add3A_572, %rem3A_563 : i32
        %mul3A_574 = arith.constant 16 : i32
        %mul3A_575 = arith.muli %select_n3A_573, %mul3A_574 : i32
        %jit3A_576 = arith.constant 16 : i32
        %eq3A_577 = arith.constant 0 : i32
        %eq3A_578 = arith.cmpi eq, %jit3A_576, %eq3A_577 : i32
        %jit3A_579 = arith.constant 1 : i32
        %select_n3A_580 = arith.select %eq3A_578, %jit3A_579, %jit3A_576 : i32
        %rem3A_581 = arith.remsi %add3A_533, %select_n3A_580 : i32
        %ne3A_582 = arith.constant 0 : i32
        %ne3A_583 = arith.cmpi ne, %rem3A_581, %ne3A_582 : i32
        %lt3A_584 = arith.constant 0 : i32
        %lt3A_585 = arith.cmpi slt, %rem3A_581, %lt3A_584 : i32
        %lt3A_586 = arith.constant 0 : i32
        %lt3A_587 = arith.cmpi slt, %select_n3A_580, %lt3A_586 : i32
        %ne3A_588 = arith.xori %lt3A_585, %lt3A_587 : i1
        %and3A_589 = arith.andi %ne3A_588, %ne3A_583 : i1
        %add3A_590 = arith.addi %rem3A_581, %select_n3A_580 : i32
        %select_n3A_591 = arith.select %and3A_589, %add3A_590, %rem3A_581 : i32
        %add3A_592 = arith.addi %mul3A_575, %select_n3A_591 : i32
        %dma_start3A_593 = arith.constant 0 : i32
        %dma_start3A_594 = tpu.memref_slice %arg9[%add3A_592, %dma_start3A_593] : memref<32x128xi32, #tpu.memory_space<vmem>> -> memref<1x128xi32, #tpu.memory_space<vmem>>
        %dma_start3A_595 = tpu.memref_squeeze %dma_start3A_594 : memref<1x128xi32, #tpu.memory_space<vmem>> -> memref<128xi32, #tpu.memory_space<vmem>>
        %dma_start3A_596 = arith.constant 0 : i32
        %dma_start3A_597 = arith.constant 0 : i32
        %dma_start3A_598 = tpu.memref_slice %arg2[%dma_start3A_596, %dma_start3A_597] : memref<20480x128xf32, #tpu.memory_space<hbm>> -> memref<20480x128xf32, #tpu.memory_space<hbm>>
        tpu.enqueue_indirect_dma source(%dma_start3A_598 : memref<20480x128xf32, #tpu.memory_space<hbm>>) target(%arg7 : memref<128x128xf32, #tpu.memory_space<vmem>>) offsets(%dma_start3A_595 : memref<128xi32, #tpu.memory_space<vmem>>) semaphore(%arg11 : memref<!tpu.dma_semaphore, #tpu.memory_space<semaphore_mem>>)
      } else {
      }
    }
    %scan3A_68 = arith.constant 40 : i32
    %dma_wait3A_69 = arith.constant 15 : i32
    %dma_wait3A_70 = arith.constant 0 : i32
    %dma_wait3A_71 = tpu.memref_slice %arg10[%dma_wait3A_69, %dma_wait3A_70] : memref<32x128xi32, #tpu.memory_space<vmem>> -> memref<1x128xi32, #tpu.memory_space<vmem>>
    %dma_wait3A_72 = tpu.memref_squeeze %dma_wait3A_71 : memref<1x128xi32, #tpu.memory_space<vmem>> -> memref<128xi32, #tpu.memory_space<vmem>>
    %dma_wait3A_73 = arith.constant 0 : i32
    %dma_wait3A_74 = arith.constant 0 : i32
    %dma_wait3A_75 = tpu.memref_slice %arg6[%dma_wait3A_73, %dma_wait3A_74] : memref<10240x128xf32, #tpu.memory_space<vmem_shared>> -> memref<10240x128xf32, #tpu.memory_space<vmem_shared>>
    tpu.wait_indirect_dma semaphore(%arg14 : memref<!tpu.dma_semaphore, #tpu.memory_space<semaphore_mem>>) src(%arg8 : memref<128x128xf32, #tpu.memory_space<vmem>>) dst(%dma_wait3A_75 : memref<10240x128xf32, #tpu.memory_space<vmem_shared>>)
    %barrier3A_76 = arith.constant 0 : index
    tpu.barrier barrier_id(%barrier3A_76)
    %mul3A_77 = arith.constant 10240 : i32
    %mul3A_78 = arith.muli %arg0, %mul3A_77 : i32
    %add3A_79 = arith.addi %mul3A_78, %mul3A_4 : i32
    "tpu.region"() ({
      %run_scoped3A = tpu.sem_alloc : memref<!tpu.dma_semaphore, #tpu.memory_space<semaphore_mem>>
      %dma_start3A_80 = arith.constant 0 : i32
      %dma_start3A_81 = tpu.memref_slice %arg5[%add3A_79, %dma_start3A_80] : memref<20480x128xf32, #tpu.memory_space<hbm>> -> memref<640x128xf32, #tpu.memory_space<hbm>>
      %dma_start3A_82 = arith.constant 0 : i32
      %dma_start3A_83 = tpu.memref_slice %arg6[%mul3A_4, %dma_start3A_82] : memref<10240x128xf32, #tpu.memory_space<vmem_shared>> -> memref<640x128xf32, #tpu.memory_space<vmem_shared>>
      tpu.enqueue_dma source(%dma_start3A_83 : memref<640x128xf32, #tpu.memory_space<vmem_shared>>) target(%dma_start3A_81 : memref<640x128xf32, #tpu.memory_space<hbm>>) target_semaphore(%run_scoped3A : memref<!tpu.dma_semaphore, #tpu.memory_space<semaphore_mem>>)
      %dma_wait3A_84 = arith.constant 0 : i32
      %dma_wait3A_85 = tpu.memref_slice %arg5[%add3A_79, %dma_wait3A_84] : memref<20480x128xf32, #tpu.memory_space<hbm>> -> memref<640x128xf32, #tpu.memory_space<hbm>>
      %dma_wait3A_86 = arith.constant 0 : i32
      %dma_wait3A_87 = tpu.memref_slice %arg6[%mul3A_4, %dma_wait3A_86] : memref<10240x128xf32, #tpu.memory_space<vmem_shared>> -> memref<640x128xf32, #tpu.memory_space<vmem_shared>>
      tpu.wait_dma2 semaphore(%run_scoped3A : memref<!tpu.dma_semaphore, #tpu.memory_space<semaphore_mem>>) src(%dma_wait3A_87 : memref<640x128xf32, #tpu.memory_space<vmem_shared>>) dst(%dma_wait3A_85 : memref<640x128xf32, #tpu.memory_space<hbm>>)
      tpu.yield
    }) : () -> ()
    return
  }
}

#map = affine_map<(d0, d1) -> (0, 0)>
#map1 = affine_map<(d0, d1) -> (0)>
module attributes {stable_mosaic.version = 14 : i64} {
  func.func @_deg_cnt(%arg0: i32, %arg1: i32, %arg2: memref<1280x128xi32, #tpu.memory_space<hbm>>, %arg3: memref<10240xf32, #tpu.memory_space<hbm>>, %arg4: memref<10240xf32, #tpu.memory_space<hbm>>, %arg5: memref<10240x128xf32, #tpu.memory_space<vmem_shared>>, %arg6: memref<128x128xf32, #tpu.memory_space<vmem>>, %arg7: memref<128x128xf32, #tpu.memory_space<vmem>>, %arg8: memref<40x128xi32, #tpu.memory_space<vmem>>, %arg9: memref<32x128xf32, #tpu.memory_space<vmem>>, %arg10: memref<640xf32, #tpu.memory_space<vmem>>, %arg11: memref<!tpu.dma_semaphore, #tpu.memory_space<semaphore_mem>>, %arg12: memref<!tpu.dma_semaphore, #tpu.memory_space<semaphore_mem>>, %arg13: memref<!tpu.dma_semaphore, #tpu.memory_space<semaphore_mem>>) attributes {dimension_semantics = [#tpu.dimension_semantics<core_parallel>, #tpu.dimension_semantics<subcore_parallel>], iteration_bounds = array<i64: 2, 16>, scalar_prefetch = 0 : i64, scratch_operands = 9 : i64, tpu.core_type = #tpu.core_type<sc_vector_subcore>, window_params = [{transform_indices = #map}, {transform_indices = #map1}, {transform_indices = #map1}]} {
    %mul3A = arith.constant 16 : i32
    %mul3A_0 = arith.muli %arg0, %mul3A : i32
    %add3A = arith.addi %mul3A_0, %arg1 : i32
    %mul3A_1 = arith.constant 40 : i32
    %mul3A_2 = arith.muli %add3A, %mul3A_1 : i32
    %multiple_of3A = tpu.assume_multiple %mul3A_2, 8 : i32
    %dma_start3A = arith.constant 0 : i32
    %dma_start3A_3 = tpu.memref_slice %arg2[%multiple_of3A, %dma_start3A] : memref<1280x128xi32, #tpu.memory_space<hbm>> -> memref<40x128xi32, #tpu.memory_space<hbm>>
    %dma_start3A_4 = arith.constant 0 : i32
    %dma_start3A_5 = tpu.memref_slice %arg2[%multiple_of3A, %dma_start3A_4] : memref<1280x128xi32, #tpu.memory_space<hbm>> -> memref<40x128xi32, #tpu.memory_space<hbm>>
    tpu.enqueue_dma source(%dma_start3A_5 : memref<40x128xi32, #tpu.memory_space<hbm>>) target(%arg8 : memref<40x128xi32, #tpu.memory_space<vmem>>) target_semaphore(%arg13 : memref<!tpu.dma_semaphore, #tpu.memory_space<semaphore_mem>>)
    %scan3A = arith.constant 0 : i32
    %scan3A_6 = arith.constant 128 : i32
    %scan3A_7 = arith.addi %scan3A, %scan3A_6 : i32
    %scan3A_8 = arith.constant 1 : i32
    scf.for %scan3A_55 = %scan3A to %scan3A_7 step %scan3A_8  : i32 {
      %mul3A_56 = arith.constant 1 : i32
      %mul3A_57 = arith.muli %scan3A_55, %mul3A_56 : i32
      %add3A_58 = arith.constant 0 : i32
      %add3A_59 = arith.addi %add3A_58, %mul3A_57 : i32
      %broadcast_in_dim3A = arith.constant 0.000000e+00 : f32
      %broadcast_in_dim3A_60 = vector.broadcast %broadcast_in_dim3A : f32 to vector<16xf32>
      %swap3A = arith.index_cast %add3A_59 : i32 to index
      %swap3A_61 = arith.constant 0 : index
      %swap3A_62 = tpu.vector_load %arg7[%swap3A, %swap3A_61] {strides = array<i32>} : memref<128x128xf32, #tpu.memory_space<vmem>>, vector<1x16xf32>,
      %swap3A_63 = vector.shape_cast %swap3A_62 : vector<1x16xf32> to vector<16xf32>
      %swap3A_64 = vector.shape_cast %broadcast_in_dim3A_60 : vector<16xf32> to vector<1x16xf32>
      tpu.vector_store %arg7[%swap3A, %swap3A_61], %swap3A_64 {strides = array<i32>} : memref<128x128xf32, #tpu.memory_space<vmem>>, vector<1x16xf32>,
      %broadcast_in_dim3A_65 = arith.constant 0.000000e+00 : f32
      %broadcast_in_dim3A_66 = vector.broadcast %broadcast_in_dim3A_65 : f32 to vector<16xf32>
      %swap3A_67 = arith.index_cast %add3A_59 : i32 to index
      %swap3A_68 = arith.constant 16 : index
      %swap3A_69 = tpu.vector_load %arg7[%swap3A_67, %swap3A_68] {strides = array<i32>} : memref<128x128xf32, #tpu.memory_space<vmem>>, vector<1x16xf32>,
      %swap3A_70 = vector.shape_cast %swap3A_69 : vector<1x16xf32> to vector<16xf32>
      %swap3A_71 = vector.shape_cast %broadcast_in_dim3A_66 : vector<16xf32> to vector<1x16xf32>
      tpu.vector_store %arg7[%swap3A_67, %swap3A_68], %swap3A_71 {strides = array<i32>} : memref<128x128xf32, #tpu.memory_space<vmem>>, vector<1x16xf32>,
      %broadcast_in_dim3A_72 = arith.constant 0.000000e+00 : f32
      %broadcast_in_dim3A_73 = vector.broadcast %broadcast_in_dim3A_72 : f32 to vector<16xf32>
      %swap3A_74 = arith.index_cast %add3A_59 : i32 to index
      %swap3A_75 = arith.constant 32 : index
      %swap3A_76 = tpu.vector_load %arg7[%swap3A_74, %swap3A_75] {strides = array<i32>} : memref<128x128xf32, #tpu.memory_space<vmem>>, vector<1x16xf32>,
      %swap3A_77 = vector.shape_cast %swap3A_76 : vector<1x16xf32> to vector<16xf32>
      %swap3A_78 = vector.shape_cast %broadcast_in_dim3A_73 : vector<16xf32> to vector<1x16xf32>
      tpu.vector_store %arg7[%swap3A_74, %swap3A_75], %swap3A_78 {strides = array<i32>} : memref<128x128xf32, #tpu.memory_space<vmem>>, vector<1x16xf32>,
      %broadcast_in_dim3A_79 = arith.constant 0.000000e+00 : f32
      %broadcast_in_dim3A_80 = vector.broadcast %broadcast_in_dim3A_79 : f32 to vector<16xf32>
      %swap3A_81 = arith.index_cast %add3A_59 : i32 to index
      %swap3A_82 = arith.constant 48 : index
      %swap3A_83 = tpu.vector_load %arg7[%swap3A_81, %swap3A_82] {strides = array<i32>} : memref<128x128xf32, #tpu.memory_space<vmem>>, vector<1x16xf32>,
      %swap3A_84 = vector.shape_cast %swap3A_83 : vector<1x16xf32> to vector<16xf32>
      %swap3A_85 = vector.shape_cast %broadcast_in_dim3A_80 : vector<16xf32> to vector<1x16xf32>
      tpu.vector_store %arg7[%swap3A_81, %swap3A_82], %swap3A_85 {strides = array<i32>} : memref<128x128xf32, #tpu.memory_space<vmem>>, vector<1x16xf32>,
      %broadcast_in_dim3A_86 = arith.constant 0.000000e+00 : f32
      %broadcast_in_dim3A_87 = vector.broadcast %broadcast_in_dim3A_86 : f32 to vector<16xf32>
      %swap3A_88 = arith.index_cast %add3A_59 : i32 to index
      %swap3A_89 = arith.constant 64 : index
      %swap3A_90 = tpu.vector_load %arg7[%swap3A_88, %swap3A_89] {strides = array<i32>} : memref<128x128xf32, #tpu.memory_space<vmem>>, vector<1x16xf32>,
      %swap3A_91 = vector.shape_cast %swap3A_90 : vector<1x16xf32> to vector<16xf32>
      %swap3A_92 = vector.shape_cast %broadcast_in_dim3A_87 : vector<16xf32> to vector<1x16xf32>
      tpu.vector_store %arg7[%swap3A_88, %swap3A_89], %swap3A_92 {strides = array<i32>} : memref<128x128xf32, #tpu.memory_space<vmem>>, vector<1x16xf32>,
      %broadcast_in_dim3A_93 = arith.constant 0.000000e+00 : f32
      %broadcast_in_dim3A_94 = vector.broadcast %broadcast_in_dim3A_93 : f32 to vector<16xf32>
      %swap3A_95 = arith.index_cast %add3A_59 : i32 to index
      %swap3A_96 = arith.constant 80 : index
      %swap3A_97 = tpu.vector_load %arg7[%swap3A_95, %swap3A_96] {strides = array<i32>} : memref<128x128xf32, #tpu.memory_space<vmem>>, vector<1x16xf32>,
      %swap3A_98 = vector.shape_cast %swap3A_97 : vector<1x16xf32> to vector<16xf32>
      %swap3A_99 = vector.shape_cast %broadcast_in_dim3A_94 : vector<16xf32> to vector<1x16xf32>
      tpu.vector_store %arg7[%swap3A_95, %swap3A_96], %swap3A_99 {strides = array<i32>} : memref<128x128xf32, #tpu.memory_space<vmem>>, vector<1x16xf32>,
      %broadcast_in_dim3A_100 = arith.constant 0.000000e+00 : f32
      %broadcast_in_dim3A_101 = vector.broadcast %broadcast_in_dim3A_100 : f32 to vector<16xf32>
      %swap3A_102 = arith.index_cast %add3A_59 : i32 to index
      %swap3A_103 = arith.constant 96 : index
      %swap3A_104 = tpu.vector_load %arg7[%swap3A_102, %swap3A_103] {strides = array<i32>} : memref<128x128xf32, #tpu.memory_space<vmem>>, vector<1x16xf32>,
      %swap3A_105 = vector.shape_cast %swap3A_104 : vector<1x16xf32> to vector<16xf32>
      %swap3A_106 = vector.shape_cast %broadcast_in_dim3A_101 : vector<16xf32> to vector<1x16xf32>
      tpu.vector_store %arg7[%swap3A_102, %swap3A_103], %swap3A_106 {strides = array<i32>} : memref<128x128xf32, #tpu.memory_space<vmem>>, vector<1x16xf32>,
      %broadcast_in_dim3A_107 = arith.constant 0.000000e+00 : f32
      %broadcast_in_dim3A_108 = vector.broadcast %broadcast_in_dim3A_107 : f32 to vector<16xf32>
      %swap3A_109 = arith.index_cast %add3A_59 : i32 to index
      %swap3A_110 = arith.constant 112 : index
      %swap3A_111 = tpu.vector_load %arg7[%swap3A_109, %swap3A_110] {strides = array<i32>} : memref<128x128xf32, #tpu.memory_space<vmem>>, vector<1x16xf32>,
      %swap3A_112 = vector.shape_cast %swap3A_111 : vector<1x16xf32> to vector<16xf32>
      %swap3A_113 = vector.shape_cast %broadcast_in_dim3A_108 : vector<16xf32> to vector<1x16xf32>
      tpu.vector_store %arg7[%swap3A_109, %swap3A_110], %swap3A_113 {strides = array<i32>} : memref<128x128xf32, #tpu.memory_space<vmem>>, vector<1x16xf32>,
    }
    %scan3A_9 = arith.constant 128 : i32
    %mul3A_10 = arith.constant 640 : i32
    %mul3A_11 = arith.muli %arg1, %mul3A_10 : i32
    %scan3A_12 = arith.constant 0 : i32
    %scan3A_13 = arith.constant 5 : i32
    %scan3A_14 = arith.addi %scan3A_12, %scan3A_13 : i32
    %scan3A_15 = arith.constant 1 : i32
    scf.for %scan3A_55 = %scan3A_12 to %scan3A_14 step %scan3A_15  : i32 {
      %mul3A_56 = arith.constant 1 : i32
      %mul3A_57 = arith.muli %scan3A_55, %mul3A_56 : i32
      %add3A_58 = arith.constant 0 : i32
      %add3A_59 = arith.addi %add3A_58, %mul3A_57 : i32
      %mul3A_60 = arith.constant 128 : i32
      %mul3A_61 = arith.muli %add3A_59, %mul3A_60 : i32
      %add3A_62 = arith.addi %mul3A_11, %mul3A_61 : i32
      %dma_start3A_63 = arith.constant 0 : i32
      %dma_start3A_64 = tpu.memref_slice %arg5[%add3A_62, %dma_start3A_63] : memref<10240x128xf32, #tpu.memory_space<vmem_shared>> -> memref<128x128xf32, #tpu.memory_space<vmem_shared>>
      %dma_start3A_65 = arith.constant 0 : i32
      %dma_start3A_66 = tpu.memref_slice %arg5[%add3A_62, %dma_start3A_65] : memref<10240x128xf32, #tpu.memory_space<vmem_shared>> -> memref<128x128xf32, #tpu.memory_space<vmem_shared>>
      tpu.enqueue_dma source(%arg7 : memref<128x128xf32, #tpu.memory_space<vmem>>) target(%dma_start3A_66 : memref<128x128xf32, #tpu.memory_space<vmem_shared>>) target_semaphore(%arg12 : memref<!tpu.dma_semaphore, #tpu.memory_space<semaphore_mem>>)
    }
    %scan3A_16 = arith.constant 5 : i32
    %scan3A_17 = arith.constant 0 : i32
    %scan3A_18 = arith.constant 128 : i32
    %scan3A_19 = arith.addi %scan3A_17, %scan3A_18 : i32
    %scan3A_20 = arith.constant 1 : i32
    scf.for %scan3A_55 = %scan3A_17 to %scan3A_19 step %scan3A_20  : i32 {
      %mul3A_56 = arith.constant 1 : i32
      %mul3A_57 = arith.muli %scan3A_55, %mul3A_56 : i32
      %add3A_58 = arith.constant 0 : i32
      %add3A_59 = arith.addi %add3A_58, %mul3A_57 : i32
      %broadcast_in_dim3A = arith.constant 1.000000e+00 : f32
      %broadcast_in_dim3A_60 = vector.broadcast %broadcast_in_dim3A : f32 to vector<16xf32>
      %swap3A = arith.index_cast %add3A_59 : i32 to index
      %swap3A_61 = arith.constant 0 : index
      %swap3A_62 = tpu.vector_load %arg6[%swap3A, %swap3A_61] {strides = array<i32>} : memref<128x128xf32, #tpu.memory_space<vmem>>, vector<1x16xf32>,
      %swap3A_63 = vector.shape_cast %swap3A_62 : vector<1x16xf32> to vector<16xf32>
      %swap3A_64 = vector.shape_cast %broadcast_in_dim3A_60 : vector<16xf32> to vector<1x16xf32>
      tpu.vector_store %arg6[%swap3A, %swap3A_61], %swap3A_64 {strides = array<i32>} : memref<128x128xf32, #tpu.memory_space<vmem>>, vector<1x16xf32>,
      %broadcast_in_dim3A_65 = arith.constant 1.000000e+00 : f32
      %broadcast_in_dim3A_66 = vector.broadcast %broadcast_in_dim3A_65 : f32 to vector<16xf32>
      %swap3A_67 = arith.index_cast %add3A_59 : i32 to index
      %swap3A_68 = arith.constant 16 : index
      %swap3A_69 = tpu.vector_load %arg6[%swap3A_67, %swap3A_68] {strides = array<i32>} : memref<128x128xf32, #tpu.memory_space<vmem>>, vector<1x16xf32>,
      %swap3A_70 = vector.shape_cast %swap3A_69 : vector<1x16xf32> to vector<16xf32>
      %swap3A_71 = vector.shape_cast %broadcast_in_dim3A_66 : vector<16xf32> to vector<1x16xf32>
      tpu.vector_store %arg6[%swap3A_67, %swap3A_68], %swap3A_71 {strides = array<i32>} : memref<128x128xf32, #tpu.memory_space<vmem>>, vector<1x16xf32>,
      %broadcast_in_dim3A_72 = arith.constant 1.000000e+00 : f32
      %broadcast_in_dim3A_73 = vector.broadcast %broadcast_in_dim3A_72 : f32 to vector<16xf32>
      %swap3A_74 = arith.index_cast %add3A_59 : i32 to index
      %swap3A_75 = arith.constant 32 : index
      %swap3A_76 = tpu.vector_load %arg6[%swap3A_74, %swap3A_75] {strides = array<i32>} : memref<128x128xf32, #tpu.memory_space<vmem>>, vector<1x16xf32>,
      %swap3A_77 = vector.shape_cast %swap3A_76 : vector<1x16xf32> to vector<16xf32>
      %swap3A_78 = vector.shape_cast %broadcast_in_dim3A_73 : vector<16xf32> to vector<1x16xf32>
      tpu.vector_store %arg6[%swap3A_74, %swap3A_75], %swap3A_78 {strides = array<i32>} : memref<128x128xf32, #tpu.memory_space<vmem>>, vector<1x16xf32>,
      %broadcast_in_dim3A_79 = arith.constant 1.000000e+00 : f32
      %broadcast_in_dim3A_80 = vector.broadcast %broadcast_in_dim3A_79 : f32 to vector<16xf32>
      %swap3A_81 = arith.index_cast %add3A_59 : i32 to index
      %swap3A_82 = arith.constant 48 : index
      %swap3A_83 = tpu.vector_load %arg6[%swap3A_81, %swap3A_82] {strides = array<i32>} : memref<128x128xf32, #tpu.memory_space<vmem>>, vector<1x16xf32>,
      %swap3A_84 = vector.shape_cast %swap3A_83 : vector<1x16xf32> to vector<16xf32>
      %swap3A_85 = vector.shape_cast %broadcast_in_dim3A_80 : vector<16xf32> to vector<1x16xf32>
      tpu.vector_store %arg6[%swap3A_81, %swap3A_82], %swap3A_85 {strides = array<i32>} : memref<128x128xf32, #tpu.memory_space<vmem>>, vector<1x16xf32>,
      %broadcast_in_dim3A_86 = arith.constant 1.000000e+00 : f32
      %broadcast_in_dim3A_87 = vector.broadcast %broadcast_in_dim3A_86 : f32 to vector<16xf32>
      %swap3A_88 = arith.index_cast %add3A_59 : i32 to index
      %swap3A_89 = arith.constant 64 : index
      %swap3A_90 = tpu.vector_load %arg6[%swap3A_88, %swap3A_89] {strides = array<i32>} : memref<128x128xf32, #tpu.memory_space<vmem>>, vector<1x16xf32>,
      %swap3A_91 = vector.shape_cast %swap3A_90 : vector<1x16xf32> to vector<16xf32>
      %swap3A_92 = vector.shape_cast %broadcast_in_dim3A_87 : vector<16xf32> to vector<1x16xf32>
      tpu.vector_store %arg6[%swap3A_88, %swap3A_89], %swap3A_92 {strides = array<i32>} : memref<128x128xf32, #tpu.memory_space<vmem>>, vector<1x16xf32>,
      %broadcast_in_dim3A_93 = arith.constant 1.000000e+00 : f32
      %broadcast_in_dim3A_94 = vector.broadcast %broadcast_in_dim3A_93 : f32 to vector<16xf32>
      %swap3A_95 = arith.index_cast %add3A_59 : i32 to index
      %swap3A_96 = arith.constant 80 : index
      %swap3A_97 = tpu.vector_load %arg6[%swap3A_95, %swap3A_96] {strides = array<i32>} : memref<128x128xf32, #tpu.memory_space<vmem>>, vector<1x16xf32>,
      %swap3A_98 = vector.shape_cast %swap3A_97 : vector<1x16xf32> to vector<16xf32>
      %swap3A_99 = vector.shape_cast %broadcast_in_dim3A_94 : vector<16xf32> to vector<1x16xf32>
      tpu.vector_store %arg6[%swap3A_95, %swap3A_96], %swap3A_99 {strides = array<i32>} : memref<128x128xf32, #tpu.memory_space<vmem>>, vector<1x16xf32>,
      %broadcast_in_dim3A_100 = arith.constant 1.000000e+00 : f32
      %broadcast_in_dim3A_101 = vector.broadcast %broadcast_in_dim3A_100 : f32 to vector<16xf32>
      %swap3A_102 = arith.index_cast %add3A_59 : i32 to index
      %swap3A_103 = arith.constant 96 : index
      %swap3A_104 = tpu.vector_load %arg6[%swap3A_102, %swap3A_103] {strides = array<i32>} : memref<128x128xf32, #tpu.memory_space<vmem>>, vector<1x16xf32>,
      %swap3A_105 = vector.shape_cast %swap3A_104 : vector<1x16xf32> to vector<16xf32>
      %swap3A_106 = vector.shape_cast %broadcast_in_dim3A_101 : vector<16xf32> to vector<1x16xf32>
      tpu.vector_store %arg6[%swap3A_102, %swap3A_103], %swap3A_106 {strides = array<i32>} : memref<128x128xf32, #tpu.memory_space<vmem>>, vector<1x16xf32>,
      %broadcast_in_dim3A_107 = arith.constant 1.000000e+00 : f32
      %broadcast_in_dim3A_108 = vector.broadcast %broadcast_in_dim3A_107 : f32 to vector<16xf32>
      %swap3A_109 = arith.index_cast %add3A_59 : i32 to index
      %swap3A_110 = arith.constant 112 : index
      %swap3A_111 = tpu.vector_load %arg6[%swap3A_109, %swap3A_110] {strides = array<i32>} : memref<128x128xf32, #tpu.memory_space<vmem>>, vector<1x16xf32>,
      %swap3A_112 = vector.shape_cast %swap3A_111 : vector<1x16xf32> to vector<16xf32>
      %swap3A_113 = vector.shape_cast %broadcast_in_dim3A_108 : vector<16xf32> to vector<1x16xf32>
      tpu.vector_store %arg6[%swap3A_109, %swap3A_110], %swap3A_113 {strides = array<i32>} : memref<128x128xf32, #tpu.memory_space<vmem>>, vector<1x16xf32>,
    }
    %scan3A_21 = arith.constant 128 : i32
    %scan3A_22 = arith.constant 0 : i32
    %scan3A_23 = arith.constant 5 : i32
    %scan3A_24 = arith.addi %scan3A_22, %scan3A_23 : i32
    %scan3A_25 = arith.constant 1 : i32
    scf.for %scan3A_55 = %scan3A_22 to %scan3A_24 step %scan3A_25  : i32 {
      %mul3A_56 = arith.constant 1 : i32
      %mul3A_57 = arith.muli %scan3A_55, %mul3A_56 : i32
      %add3A_58 = arith.constant 0 : i32
      %add3A_59 = arith.addi %add3A_58, %mul3A_57 : i32
      %mul3A_60 = arith.constant 128 : i32
      %mul3A_61 = arith.muli %add3A_59, %mul3A_60 : i32
      %add3A_62 = arith.addi %mul3A_11, %mul3A_61 : i32
      %dma_wait3A_63 = arith.constant 0 : i32
      %dma_wait3A_64 = tpu.memref_slice %arg5[%add3A_62, %dma_wait3A_63] : memref<10240x128xf32, #tpu.memory_space<vmem_shared>> -> memref<128x128xf32, #tpu.memory_space<vmem_shared>>
      %dma_wait3A_65 = arith.constant 0 : i32
      %dma_wait3A_66 = tpu.memref_slice %arg5[%add3A_62, %dma_wait3A_65] : memref<10240x128xf32, #tpu.memory_space<vmem_shared>> -> memref<128x128xf32, #tpu.memory_space<vmem_shared>>
      tpu.wait_dma2 semaphore(%arg12 : memref<!tpu.dma_semaphore, #tpu.memory_space<semaphore_mem>>) src(%arg7 : memref<128x128xf32, #tpu.memory_space<vmem>>) dst(%dma_wait3A_66 : memref<128x128xf32, #tpu.memory_space<vmem_shared>>)
    }
    %scan3A_26 = arith.constant 5 : i32
    %dma_wait3A = arith.constant 0 : i32
    %dma_wait3A_27 = tpu.memref_slice %arg2[%multiple_of3A, %dma_wait3A] : memref<1280x128xi32, #tpu.memory_space<hbm>> -> memref<40x128xi32, #tpu.memory_space<hbm>>
    %dma_wait3A_28 = arith.constant 0 : i32
    %dma_wait3A_29 = tpu.memref_slice %arg2[%multiple_of3A, %dma_wait3A_28] : memref<1280x128xi32, #tpu.memory_space<hbm>> -> memref<40x128xi32, #tpu.memory_space<hbm>>
    tpu.wait_dma2 semaphore(%arg13 : memref<!tpu.dma_semaphore, #tpu.memory_space<semaphore_mem>>) src(%dma_wait3A_29 : memref<40x128xi32, #tpu.memory_space<hbm>>) dst(%arg8 : memref<40x128xi32, #tpu.memory_space<vmem>>)
    %barrier3A = arith.constant 0 : index
    tpu.barrier barrier_id(%barrier3A)
    %scan3A_30 = arith.constant 0 : i32
    %scan3A_31 = arith.constant 40 : i32
    %scan3A_32 = arith.addi %scan3A_30, %scan3A_31 : i32
    %scan3A_33 = arith.constant 1 : i32
    scf.for %scan3A_55 = %scan3A_30 to %scan3A_32 step %scan3A_33  : i32 {
      %mul3A_56 = arith.constant 1 : i32
      %mul3A_57 = arith.muli %scan3A_55, %mul3A_56 : i32
      %add3A_58 = arith.constant 0 : i32
      %add3A_59 = arith.addi %add3A_58, %mul3A_57 : i32
      %dma_start3A_60 = arith.constant 0 : i32
      %dma_start3A_61 = tpu.memref_slice %arg8[%add3A_59, %dma_start3A_60] : memref<40x128xi32, #tpu.memory_space<vmem>> -> memref<1x128xi32, #tpu.memory_space<vmem>>
      %dma_start3A_62 = tpu.memref_squeeze %dma_start3A_61 : memref<1x128xi32, #tpu.memory_space<vmem>> -> memref<128xi32, #tpu.memory_space<vmem>>
      %dma_start3A_63 = arith.constant 0 : i32
      %dma_start3A_64 = arith.constant 0 : i32
      %dma_start3A_65 = tpu.memref_slice %arg5[%dma_start3A_63, %dma_start3A_64] : memref<10240x128xf32, #tpu.memory_space<vmem_shared>> -> memref<10240x128xf32, #tpu.memory_space<vmem_shared>>
      tpu.enqueue_indirect_dma source(%arg6 : memref<128x128xf32, #tpu.memory_space<vmem>>) target(%dma_start3A_65 : memref<10240x128xf32, #tpu.memory_space<vmem_shared>>) offsets(%dma_start3A_62 : memref<128xi32, #tpu.memory_space<vmem>>) semaphore(%arg11 : memref<!tpu.dma_semaphore, #tpu.memory_space<semaphore_mem>>) {add = true}
    }
    %scan3A_34 = arith.constant 40 : i32
    %scan3A_35 = arith.constant 0 : i32
    %scan3A_36 = arith.constant 40 : i32
    %scan3A_37 = arith.addi %scan3A_35, %scan3A_36 : i32
    %scan3A_38 = arith.constant 1 : i32
    scf.for %scan3A_55 = %scan3A_35 to %scan3A_37 step %scan3A_38  : i32 {
      %mul3A_56 = arith.constant 1 : i32
      %mul3A_57 = arith.muli %scan3A_55, %mul3A_56 : i32
      %add3A_58 = arith.constant 0 : i32
      %add3A_59 = arith.addi %add3A_58, %mul3A_57 : i32
      %dma_wait3A_60 = arith.constant 0 : i32
      %dma_wait3A_61 = tpu.memref_slice %arg8[%add3A_59, %dma_wait3A_60] : memref<40x128xi32, #tpu.memory_space<vmem>> -> memref<1x128xi32, #tpu.memory_space<vmem>>
      %dma_wait3A_62 = tpu.memref_squeeze %dma_wait3A_61 : memref<1x128xi32, #tpu.memory_space<vmem>> -> memref<128xi32, #tpu.memory_space<vmem>>
      %dma_wait3A_63 = arith.constant 0 : i32
      %dma_wait3A_64 = arith.constant 0 : i32
      %dma_wait3A_65 = tpu.memref_slice %arg5[%dma_wait3A_63, %dma_wait3A_64] : memref<10240x128xf32, #tpu.memory_space<vmem_shared>> -> memref<10240x128xf32, #tpu.memory_space<vmem_shared>>
      tpu.wait_indirect_dma semaphore(%arg11 : memref<!tpu.dma_semaphore, #tpu.memory_space<semaphore_mem>>) src(%arg6 : memref<128x128xf32, #tpu.memory_space<vmem>>) dst(%dma_wait3A_65 : memref<10240x128xf32, #tpu.memory_space<vmem_shared>>)
    }
    %scan3A_39 = arith.constant 40 : i32
    %barrier3A_40 = arith.constant 0 : index
    tpu.barrier barrier_id(%barrier3A_40)
    %mul3A_41 = arith.constant 640 : i32
    %mul3A_42 = arith.muli %arg1, %mul3A_41 : i32
    %iota3A = tpu.iota {dimensions = array<i32: 0>} : vector<16xi32>
    %scan3A_43 = arith.constant 0 : i32
    %scan3A_44 = arith.constant 20 : i32
    %scan3A_45 = arith.addi %scan3A_43, %scan3A_44 : i32
    %scan3A_46 = arith.constant 1 : i32
    scf.for %scan3A_55 = %scan3A_43 to %scan3A_45 step %scan3A_46  : i32 {
      %mul3A_56 = arith.constant 1 : i32
      %mul3A_57 = arith.muli %scan3A_55, %mul3A_56 : i32
      %add3A_58 = arith.constant 0 : i32
      %add3A_59 = arith.addi %add3A_58, %mul3A_57 : i32
      %mul3A_60 = arith.constant 32 : i32
      %mul3A_61 = arith.muli %add3A_59, %mul3A_60 : i32
      %add3A_62 = arith.addi %mul3A_42, %mul3A_61 : i32
      "tpu.region"() ({
        %run_scoped3A = tpu.sem_alloc : memref<!tpu.dma_semaphore, #tpu.memory_space<semaphore_mem>>
        %dma_start3A_367 = arith.constant 0 : i32
        %dma_start3A_368 = tpu.memref_slice %arg5[%add3A_62, %dma_start3A_367] : memref<10240x128xf32, #tpu.memory_space<vmem_shared>> -> memref<32x128xf32, #tpu.memory_space<vmem_shared>>
        %dma_start3A_369 = arith.constant 0 : i32
        %dma_start3A_370 = tpu.memref_slice %arg5[%add3A_62, %dma_start3A_369] : memref<10240x128xf32, #tpu.memory_space<vmem_shared>> -> memref<32x128xf32, #tpu.memory_space<vmem_shared>>
        tpu.enqueue_dma source(%dma_start3A_370 : memref<32x128xf32, #tpu.memory_space<vmem_shared>>) target(%arg9 : memref<32x128xf32, #tpu.memory_space<vmem>>) target_semaphore(%run_scoped3A : memref<!tpu.dma_semaphore, #tpu.memory_space<semaphore_mem>>)
        %dma_wait3A_371 = arith.constant 0 : i32
        %dma_wait3A_372 = tpu.memref_slice %arg5[%add3A_62, %dma_wait3A_371] : memref<10240x128xf32, #tpu.memory_space<vmem_shared>> -> memref<32x128xf32, #tpu.memory_space<vmem_shared>>
        %dma_wait3A_373 = arith.constant 0 : i32
        %dma_wait3A_374 = tpu.memref_slice %arg5[%add3A_62, %dma_wait3A_373] : memref<10240x128xf32, #tpu.memory_space<vmem_shared>> -> memref<32x128xf32, #tpu.memory_space<vmem_shared>>
        tpu.wait_dma2 semaphore(%run_scoped3A : memref<!tpu.dma_semaphore, #tpu.memory_space<semaphore_mem>>) src(%dma_wait3A_374 : memref<32x128xf32, #tpu.memory_space<vmem_shared>>) dst(%arg9 : memref<32x128xf32, #tpu.memory_space<vmem>>)
        tpu.yield
      }) : () -> ()
      %broadcast_in_dim3A = arith.constant 0.000000e+00 : f32
      %broadcast_in_dim3A_63 = vector.broadcast %broadcast_in_dim3A : f32 to vector<16xf32>
      %eq3A_64 = arith.constant 0 : i32
      %eq3A_65 = vector.broadcast %eq3A_64 : i32 to vector<16xi32>
      %eq3A_66 = arith.cmpi eq, %iota3A, %eq3A_65 : vector<16xi32>
      %get3A = arith.constant 0 : i32
      %get3A_67 = arith.index_cast %get3A : i32 to index
      %get3A_68 = arith.constant 0 : index
      %get3A_69 = tpu.vector_load %arg9[%get3A_67, %get3A_68] {strides = array<i32>} : memref<32x128xf32, #tpu.memory_space<vmem>>, vector<1x16xf32>,
      %get3A_70 = vector.shape_cast %get3A_69 : vector<1x16xf32> to vector<16xf32>
      %select_n3A = arith.select %eq3A_66, %get3A_70, %broadcast_in_dim3A_63 : vector<16xi1>, vector<16xf32>
      %eq3A_71 = arith.constant 1 : i32
      %eq3A_72 = vector.broadcast %eq3A_71 : i32 to vector<16xi32>
      %eq3A_73 = arith.cmpi eq, %iota3A, %eq3A_72 : vector<16xi32>
      %get3A_74 = arith.constant 1 : i32
      %get3A_75 = arith.index_cast %get3A_74 : i32 to index
      %get3A_76 = arith.constant 0 : index
      %get3A_77 = tpu.vector_load %arg9[%get3A_75, %get3A_76] {strides = array<i32>} : memref<32x128xf32, #tpu.memory_space<vmem>>, vector<1x16xf32>,
      %get3A_78 = vector.shape_cast %get3A_77 : vector<1x16xf32> to vector<16xf32>
      %select_n3A_79 = arith.select %eq3A_73, %get3A_78, %select_n3A : vector<16xi1>, vector<16xf32>
      %eq3A_80 = arith.constant 2 : i32
      %eq3A_81 = vector.broadcast %eq3A_80 : i32 to vector<16xi32>
      %eq3A_82 = arith.cmpi eq, %iota3A, %eq3A_81 : vector<16xi32>
      %get3A_83 = arith.constant 2 : i32
      %get3A_84 = arith.index_cast %get3A_83 : i32 to index
      %get3A_85 = arith.constant 0 : index
      %get3A_86 = tpu.vector_load %arg9[%get3A_84, %get3A_85] {strides = array<i32>} : memref<32x128xf32, #tpu.memory_space<vmem>>, vector<1x16xf32>,
      %get3A_87 = vector.shape_cast %get3A_86 : vector<1x16xf32> to vector<16xf32>
      %select_n3A_88 = arith.select %eq3A_82, %get3A_87, %select_n3A_79 : vector<16xi1>, vector<16xf32>
      %eq3A_89 = arith.constant 3 : i32
      %eq3A_90 = vector.broadcast %eq3A_89 : i32 to vector<16xi32>
      %eq3A_91 = arith.cmpi eq, %iota3A, %eq3A_90 : vector<16xi32>
      %get3A_92 = arith.constant 3 : i32
      %get3A_93 = arith.index_cast %get3A_92 : i32 to index
      %get3A_94 = arith.constant 0 : index
      %get3A_95 = tpu.vector_load %arg9[%get3A_93, %get3A_94] {strides = array<i32>} : memref<32x128xf32, #tpu.memory_space<vmem>>, vector<1x16xf32>,
      %get3A_96 = vector.shape_cast %get3A_95 : vector<1x16xf32> to vector<16xf32>
      %select_n3A_97 = arith.select %eq3A_91, %get3A_96, %select_n3A_88 : vector<16xi1>, vector<16xf32>
      %eq3A_98 = arith.constant 4 : i32
      %eq3A_99 = vector.broadcast %eq3A_98 : i32 to vector<16xi32>
      %eq3A_100 = arith.cmpi eq, %iota3A, %eq3A_99 : vector<16xi32>
      %get3A_101 = arith.constant 4 : i32
      %get3A_102 = arith.index_cast %get3A_101 : i32 to index
      %get3A_103 = arith.constant 0 : index
      %get3A_104 = tpu.vector_load %arg9[%get3A_102, %get3A_103] {strides = array<i32>} : memref<32x128xf32, #tpu.memory_space<vmem>>, vector<1x16xf32>,
      %get3A_105 = vector.shape_cast %get3A_104 : vector<1x16xf32> to vector<16xf32>
      %select_n3A_106 = arith.select %eq3A_100, %get3A_105, %select_n3A_97 : vector<16xi1>, vector<16xf32>
      %eq3A_107 = arith.constant 5 : i32
      %eq3A_108 = vector.broadcast %eq3A_107 : i32 to vector<16xi32>
      %eq3A_109 = arith.cmpi eq, %iota3A, %eq3A_108 : vector<16xi32>
      %get3A_110 = arith.constant 5 : i32
      %get3A_111 = arith.index_cast %get3A_110 : i32 to index
      %get3A_112 = arith.constant 0 : index
      %get3A_113 = tpu.vector_load %arg9[%get3A_111, %get3A_112] {strides = array<i32>} : memref<32x128xf32, #tpu.memory_space<vmem>>, vector<1x16xf32>,
      %get3A_114 = vector.shape_cast %get3A_113 : vector<1x16xf32> to vector<16xf32>
      %select_n3A_115 = arith.select %eq3A_109, %get3A_114, %select_n3A_106 : vector<16xi1>, vector<16xf32>
      %eq3A_116 = arith.constant 6 : i32
      %eq3A_117 = vector.broadcast %eq3A_116 : i32 to vector<16xi32>
      %eq3A_118 = arith.cmpi eq, %iota3A, %eq3A_117 : vector<16xi32>
      %get3A_119 = arith.constant 6 : i32
      %get3A_120 = arith.index_cast %get3A_119 : i32 to index
      %get3A_121 = arith.constant 0 : index
      %get3A_122 = tpu.vector_load %arg9[%get3A_120, %get3A_121] {strides = array<i32>} : memref<32x128xf32, #tpu.memory_space<vmem>>, vector<1x16xf32>,
      %get3A_123 = vector.shape_cast %get3A_122 : vector<1x16xf32> to vector<16xf32>
      %select_n3A_124 = arith.select %eq3A_118, %get3A_123, %select_n3A_115 : vector<16xi1>, vector<16xf32>
      %eq3A_125 = arith.constant 7 : i32
      %eq3A_126 = vector.broadcast %eq3A_125 : i32 to vector<16xi32>
      %eq3A_127 = arith.cmpi eq, %iota3A, %eq3A_126 : vector<16xi32>
      %get3A_128 = arith.constant 7 : i32
      %get3A_129 = arith.index_cast %get3A_128 : i32 to index
      %get3A_130 = arith.constant 0 : index
      %get3A_131 = tpu.vector_load %arg9[%get3A_129, %get3A_130] {strides = array<i32>} : memref<32x128xf32, #tpu.memory_space<vmem>>, vector<1x16xf32>,
      %get3A_132 = vector.shape_cast %get3A_131 : vector<1x16xf32> to vector<16xf32>
      %select_n3A_133 = arith.select %eq3A_127, %get3A_132, %select_n3A_124 : vector<16xi1>, vector<16xf32>
      %eq3A_134 = arith.constant 8 : i32
      %eq3A_135 = vector.broadcast %eq3A_134 : i32 to vector<16xi32>
      %eq3A_136 = arith.cmpi eq, %iota3A, %eq3A_135 : vector<16xi32>
      %get3A_137 = arith.constant 8 : i32
      %get3A_138 = arith.index_cast %get3A_137 : i32 to index
      %get3A_139 = arith.constant 0 : index
      %get3A_140 = tpu.vector_load %arg9[%get3A_138, %get3A_139] {strides = array<i32>} : memref<32x128xf32, #tpu.memory_space<vmem>>, vector<1x16xf32>,
      %get3A_141 = vector.shape_cast %get3A_140 : vector<1x16xf32> to vector<16xf32>
      %select_n3A_142 = arith.select %eq3A_136, %get3A_141, %select_n3A_133 : vector<16xi1>, vector<16xf32>
      %eq3A_143 = arith.constant 9 : i32
      %eq3A_144 = vector.broadcast %eq3A_143 : i32 to vector<16xi32>
      %eq3A_145 = arith.cmpi eq, %iota3A, %eq3A_144 : vector<16xi32>
      %get3A_146 = arith.constant 9 : i32
      %get3A_147 = arith.index_cast %get3A_146 : i32 to index
      %get3A_148 = arith.constant 0 : index
      %get3A_149 = tpu.vector_load %arg9[%get3A_147, %get3A_148] {strides = array<i32>} : memref<32x128xf32, #tpu.memory_space<vmem>>, vector<1x16xf32>,
      %get3A_150 = vector.shape_cast %get3A_149 : vector<1x16xf32> to vector<16xf32>
      %select_n3A_151 = arith.select %eq3A_145, %get3A_150, %select_n3A_142 : vector<16xi1>, vector<16xf32>
      %eq3A_152 = arith.constant 10 : i32
      %eq3A_153 = vector.broadcast %eq3A_152 : i32 to vector<16xi32>
      %eq3A_154 = arith.cmpi eq, %iota3A, %eq3A_153 : vector<16xi32>
      %get3A_155 = arith.constant 10 : i32
      %get3A_156 = arith.index_cast %get3A_155 : i32 to index
      %get3A_157 = arith.constant 0 : index
      %get3A_158 = tpu.vector_load %arg9[%get3A_156, %get3A_157] {strides = array<i32>} : memref<32x128xf32, #tpu.memory_space<vmem>>, vector<1x16xf32>,
      %get3A_159 = vector.shape_cast %get3A_158 : vector<1x16xf32> to vector<16xf32>
      %select_n3A_160 = arith.select %eq3A_154, %get3A_159, %select_n3A_151 : vector<16xi1>, vector<16xf32>
      %eq3A_161 = arith.constant 11 : i32
      %eq3A_162 = vector.broadcast %eq3A_161 : i32 to vector<16xi32>
      %eq3A_163 = arith.cmpi eq, %iota3A, %eq3A_162 : vector<16xi32>
      %get3A_164 = arith.constant 11 : i32
      %get3A_165 = arith.index_cast %get3A_164 : i32 to index
      %get3A_166 = arith.constant 0 : index
      %get3A_167 = tpu.vector_load %arg9[%get3A_165, %get3A_166] {strides = array<i32>} : memref<32x128xf32, #tpu.memory_space<vmem>>, vector<1x16xf32>,
      %get3A_168 = vector.shape_cast %get3A_167 : vector<1x16xf32> to vector<16xf32>
      %select_n3A_169 = arith.select %eq3A_163, %get3A_168, %select_n3A_160 : vector<16xi1>, vector<16xf32>
      %eq3A_170 = arith.constant 12 : i32
      %eq3A_171 = vector.broadcast %eq3A_170 : i32 to vector<16xi32>
      %eq3A_172 = arith.cmpi eq, %iota3A, %eq3A_171 : vector<16xi32>
      %get3A_173 = arith.constant 12 : i32
      %get3A_174 = arith.index_cast %get3A_173 : i32 to index
      %get3A_175 = arith.constant 0 : index
      %get3A_176 = tpu.vector_load %arg9[%get3A_174, %get3A_175] {strides = array<i32>} : memref<32x128xf32, #tpu.memory_space<vmem>>, vector<1x16xf32>,
      %get3A_177 = vector.shape_cast %get3A_176 : vector<1x16xf32> to vector<16xf32>
      %select_n3A_178 = arith.select %eq3A_172, %get3A_177, %select_n3A_169 : vector<16xi1>, vector<16xf32>
      %eq3A_179 = arith.constant 13 : i32
      %eq3A_180 = vector.broadcast %eq3A_179 : i32 to vector<16xi32>
      %eq3A_181 = arith.cmpi eq, %iota3A, %eq3A_180 : vector<16xi32>
      %get3A_182 = arith.constant 13 : i32
      %get3A_183 = arith.index_cast %get3A_182 : i32 to index
      %get3A_184 = arith.constant 0 : index
      %get3A_185 = tpu.vector_load %arg9[%get3A_183, %get3A_184] {strides = array<i32>} : memref<32x128xf32, #tpu.memory_space<vmem>>, vector<1x16xf32>,
      %get3A_186 = vector.shape_cast %get3A_185 : vector<1x16xf32> to vector<16xf32>
      %select_n3A_187 = arith.select %eq3A_181, %get3A_186, %select_n3A_178 : vector<16xi1>, vector<16xf32>
      %eq3A_188 = arith.constant 14 : i32
      %eq3A_189 = vector.broadcast %eq3A_188 : i32 to vector<16xi32>
      %eq3A_190 = arith.cmpi eq, %iota3A, %eq3A_189 : vector<16xi32>
      %get3A_191 = arith.constant 14 : i32
      %get3A_192 = arith.index_cast %get3A_191 : i32 to index
      %get3A_193 = arith.constant 0 : index
      %get3A_194 = tpu.vector_load %arg9[%get3A_192, %get3A_193] {strides = array<i32>} : memref<32x128xf32, #tpu.memory_space<vmem>>, vector<1x16xf32>,
      %get3A_195 = vector.shape_cast %get3A_194 : vector<1x16xf32> to vector<16xf32>
      %select_n3A_196 = arith.select %eq3A_190, %get3A_195, %select_n3A_187 : vector<16xi1>, vector<16xf32>
      %eq3A_197 = arith.constant 15 : i32
      %eq3A_198 = vector.broadcast %eq3A_197 : i32 to vector<16xi32>
      %eq3A_199 = arith.cmpi eq, %iota3A, %eq3A_198 : vector<16xi32>
      %get3A_200 = arith.constant 15 : i32
      %get3A_201 = arith.index_cast %get3A_200 : i32 to index
      %get3A_202 = arith.constant 0 : index
      %get3A_203 = tpu.vector_load %arg9[%get3A_201, %get3A_202] {strides = array<i32>} : memref<32x128xf32, #tpu.memory_space<vmem>>, vector<1x16xf32>,
      %get3A_204 = vector.shape_cast %get3A_203 : vector<1x16xf32> to vector<16xf32>
      %select_n3A_205 = arith.select %eq3A_199, %get3A_204, %select_n3A_196 : vector<16xi1>, vector<16xf32>
      %mul3A_206 = arith.constant 32 : i32
      %mul3A_207 = arith.muli %add3A_59, %mul3A_206 : i32
      %add3A_208 = arith.constant 0 : i32
      %add3A_209 = arith.addi %mul3A_207, %add3A_208 : i32
      %swap3A = arith.index_cast %add3A_209 : i32 to index
      %swap3A_210 = tpu.vector_load %arg10[%swap3A] {strides = array<i32>} : memref<640xf32, #tpu.memory_space<vmem>>, vector<16xf32>,
      %swap3A_211 = vector.shape_cast %swap3A_210 : vector<16xf32> to vector<16xf32>
      %swap3A_212 = vector.shape_cast %select_n3A_205 : vector<16xf32> to vector<16xf32>
      tpu.vector_store %arg10[%swap3A], %swap3A_212 {strides = array<i32>} : memref<640xf32, #tpu.memory_space<vmem>>, vector<16xf32>,
      %broadcast_in_dim3A_213 = arith.constant 0.000000e+00 : f32
      %broadcast_in_dim3A_214 = vector.broadcast %broadcast_in_dim3A_213 : f32 to vector<16xf32>
      %eq3A_215 = arith.constant 0 : i32
      %eq3A_216 = vector.broadcast %eq3A_215 : i32 to vector<16xi32>
      %eq3A_217 = arith.cmpi eq, %iota3A, %eq3A_216 : vector<16xi32>
      %get3A_218 = arith.constant 16 : i32
      %get3A_219 = arith.index_cast %get3A_218 : i32 to index
      %get3A_220 = arith.constant 0 : index
      %get3A_221 = tpu.vector_load %arg9[%get3A_219, %get3A_220] {strides = array<i32>} : memref<32x128xf32, #tpu.memory_space<vmem>>, vector<1x16xf32>,
      %get3A_222 = vector.shape_cast %get3A_221 : vector<1x16xf32> to vector<16xf32>
      %select_n3A_223 = arith.select %eq3A_217, %get3A_222, %broadcast_in_dim3A_214 : vector<16xi1>, vector<16xf32>
      %eq3A_224 = arith.constant 1 : i32
      %eq3A_225 = vector.broadcast %eq3A_224 : i32 to vector<16xi32>
      %eq3A_226 = arith.cmpi eq, %iota3A, %eq3A_225 : vector<16xi32>
      %get3A_227 = arith.constant 17 : i32
      %get3A_228 = arith.index_cast %get3A_227 : i32 to index
      %get3A_229 = arith.constant 0 : index
      %get3A_230 = tpu.vector_load %arg9[%get3A_228, %get3A_229] {strides = array<i32>} : memref<32x128xf32, #tpu.memory_space<vmem>>, vector<1x16xf32>,
      %get3A_231 = vector.shape_cast %get3A_230 : vector<1x16xf32> to vector<16xf32>
      %select_n3A_232 = arith.select %eq3A_226, %get3A_231, %select_n3A_223 : vector<16xi1>, vector<16xf32>
      %eq3A_233 = arith.constant 2 : i32
      %eq3A_234 = vector.broadcast %eq3A_233 : i32 to vector<16xi32>
      %eq3A_235 = arith.cmpi eq, %iota3A, %eq3A_234 : vector<16xi32>
      %get3A_236 = arith.constant 18 : i32
      %get3A_237 = arith.index_cast %get3A_236 : i32 to index
      %get3A_238 = arith.constant 0 : index
      %get3A_239 = tpu.vector_load %arg9[%get3A_237, %get3A_238] {strides = array<i32>} : memref<32x128xf32, #tpu.memory_space<vmem>>, vector<1x16xf32>,
      %get3A_240 = vector.shape_cast %get3A_239 : vector<1x16xf32> to vector<16xf32>
      %select_n3A_241 = arith.select %eq3A_235, %get3A_240, %select_n3A_232 : vector<16xi1>, vector<16xf32>
      %eq3A_242 = arith.constant 3 : i32
      %eq3A_243 = vector.broadcast %eq3A_242 : i32 to vector<16xi32>
      %eq3A_244 = arith.cmpi eq, %iota3A, %eq3A_243 : vector<16xi32>
      %get3A_245 = arith.constant 19 : i32
      %get3A_246 = arith.index_cast %get3A_245 : i32 to index
      %get3A_247 = arith.constant 0 : index
      %get3A_248 = tpu.vector_load %arg9[%get3A_246, %get3A_247] {strides = array<i32>} : memref<32x128xf32, #tpu.memory_space<vmem>>, vector<1x16xf32>,
      %get3A_249 = vector.shape_cast %get3A_248 : vector<1x16xf32> to vector<16xf32>
      %select_n3A_250 = arith.select %eq3A_244, %get3A_249, %select_n3A_241 : vector<16xi1>, vector<16xf32>
      %eq3A_251 = arith.constant 4 : i32
      %eq3A_252 = vector.broadcast %eq3A_251 : i32 to vector<16xi32>
      %eq3A_253 = arith.cmpi eq, %iota3A, %eq3A_252 : vector<16xi32>
      %get3A_254 = arith.constant 20 : i32
      %get3A_255 = arith.index_cast %get3A_254 : i32 to index
      %get3A_256 = arith.constant 0 : index
      %get3A_257 = tpu.vector_load %arg9[%get3A_255, %get3A_256] {strides = array<i32>} : memref<32x128xf32, #tpu.memory_space<vmem>>, vector<1x16xf32>,
      %get3A_258 = vector.shape_cast %get3A_257 : vector<1x16xf32> to vector<16xf32>
      %select_n3A_259 = arith.select %eq3A_253, %get3A_258, %select_n3A_250 : vector<16xi1>, vector<16xf32>
      %eq3A_260 = arith.constant 5 : i32
      %eq3A_261 = vector.broadcast %eq3A_260 : i32 to vector<16xi32>
      %eq3A_262 = arith.cmpi eq, %iota3A, %eq3A_261 : vector<16xi32>
      %get3A_263 = arith.constant 21 : i32
      %get3A_264 = arith.index_cast %get3A_263 : i32 to index
      %get3A_265 = arith.constant 0 : index
      %get3A_266 = tpu.vector_load %arg9[%get3A_264, %get3A_265] {strides = array<i32>} : memref<32x128xf32, #tpu.memory_space<vmem>>, vector<1x16xf32>,
      %get3A_267 = vector.shape_cast %get3A_266 : vector<1x16xf32> to vector<16xf32>
      %select_n3A_268 = arith.select %eq3A_262, %get3A_267, %select_n3A_259 : vector<16xi1>, vector<16xf32>
      %eq3A_269 = arith.constant 6 : i32
      %eq3A_270 = vector.broadcast %eq3A_269 : i32 to vector<16xi32>
      %eq3A_271 = arith.cmpi eq, %iota3A, %eq3A_270 : vector<16xi32>
      %get3A_272 = arith.constant 22 : i32
      %get3A_273 = arith.index_cast %get3A_272 : i32 to index
      %get3A_274 = arith.constant 0 : index
      %get3A_275 = tpu.vector_load %arg9[%get3A_273, %get3A_274] {strides = array<i32>} : memref<32x128xf32, #tpu.memory_space<vmem>>, vector<1x16xf32>,
      %get3A_276 = vector.shape_cast %get3A_275 : vector<1x16xf32> to vector<16xf32>
      %select_n3A_277 = arith.select %eq3A_271, %get3A_276, %select_n3A_268 : vector<16xi1>, vector<16xf32>
      %eq3A_278 = arith.constant 7 : i32
      %eq3A_279 = vector.broadcast %eq3A_278 : i32 to vector<16xi32>
      %eq3A_280 = arith.cmpi eq, %iota3A, %eq3A_279 : vector<16xi32>
      %get3A_281 = arith.constant 23 : i32
      %get3A_282 = arith.index_cast %get3A_281 : i32 to index
      %get3A_283 = arith.constant 0 : index
      %get3A_284 = tpu.vector_load %arg9[%get3A_282, %get3A_283] {strides = array<i32>} : memref<32x128xf32, #tpu.memory_space<vmem>>, vector<1x16xf32>,
      %get3A_285 = vector.shape_cast %get3A_284 : vector<1x16xf32> to vector<16xf32>
      %select_n3A_286 = arith.select %eq3A_280, %get3A_285, %select_n3A_277 : vector<16xi1>, vector<16xf32>
      %eq3A_287 = arith.constant 8 : i32
      %eq3A_288 = vector.broadcast %eq3A_287 : i32 to vector<16xi32>
      %eq3A_289 = arith.cmpi eq, %iota3A, %eq3A_288 : vector<16xi32>
      %get3A_290 = arith.constant 24 : i32
      %get3A_291 = arith.index_cast %get3A_290 : i32 to index
      %get3A_292 = arith.constant 0 : index
      %get3A_293 = tpu.vector_load %arg9[%get3A_291, %get3A_292] {strides = array<i32>} : memref<32x128xf32, #tpu.memory_space<vmem>>, vector<1x16xf32>,
      %get3A_294 = vector.shape_cast %get3A_293 : vector<1x16xf32> to vector<16xf32>
      %select_n3A_295 = arith.select %eq3A_289, %get3A_294, %select_n3A_286 : vector<16xi1>, vector<16xf32>
      %eq3A_296 = arith.constant 9 : i32
      %eq3A_297 = vector.broadcast %eq3A_296 : i32 to vector<16xi32>
      %eq3A_298 = arith.cmpi eq, %iota3A, %eq3A_297 : vector<16xi32>
      %get3A_299 = arith.constant 25 : i32
      %get3A_300 = arith.index_cast %get3A_299 : i32 to index
      %get3A_301 = arith.constant 0 : index
      %get3A_302 = tpu.vector_load %arg9[%get3A_300, %get3A_301] {strides = array<i32>} : memref<32x128xf32, #tpu.memory_space<vmem>>, vector<1x16xf32>,
      %get3A_303 = vector.shape_cast %get3A_302 : vector<1x16xf32> to vector<16xf32>
      %select_n3A_304 = arith.select %eq3A_298, %get3A_303, %select_n3A_295 : vector<16xi1>, vector<16xf32>
      %eq3A_305 = arith.constant 10 : i32
      %eq3A_306 = vector.broadcast %eq3A_305 : i32 to vector<16xi32>
      %eq3A_307 = arith.cmpi eq, %iota3A, %eq3A_306 : vector<16xi32>
      %get3A_308 = arith.constant 26 : i32
      %get3A_309 = arith.index_cast %get3A_308 : i32 to index
      %get3A_310 = arith.constant 0 : index
      %get3A_311 = tpu.vector_load %arg9[%get3A_309, %get3A_310] {strides = array<i32>} : memref<32x128xf32, #tpu.memory_space<vmem>>, vector<1x16xf32>,
      %get3A_312 = vector.shape_cast %get3A_311 : vector<1x16xf32> to vector<16xf32>
      %select_n3A_313 = arith.select %eq3A_307, %get3A_312, %select_n3A_304 : vector<16xi1>, vector<16xf32>
      %eq3A_314 = arith.constant 11 : i32
      %eq3A_315 = vector.broadcast %eq3A_314 : i32 to vector<16xi32>
      %eq3A_316 = arith.cmpi eq, %iota3A, %eq3A_315 : vector<16xi32>
      %get3A_317 = arith.constant 27 : i32
      %get3A_318 = arith.index_cast %get3A_317 : i32 to index
      %get3A_319 = arith.constant 0 : index
      %get3A_320 = tpu.vector_load %arg9[%get3A_318, %get3A_319] {strides = array<i32>} : memref<32x128xf32, #tpu.memory_space<vmem>>, vector<1x16xf32>,
      %get3A_321 = vector.shape_cast %get3A_320 : vector<1x16xf32> to vector<16xf32>
      %select_n3A_322 = arith.select %eq3A_316, %get3A_321, %select_n3A_313 : vector<16xi1>, vector<16xf32>
      %eq3A_323 = arith.constant 12 : i32
      %eq3A_324 = vector.broadcast %eq3A_323 : i32 to vector<16xi32>
      %eq3A_325 = arith.cmpi eq, %iota3A, %eq3A_324 : vector<16xi32>
      %get3A_326 = arith.constant 28 : i32
      %get3A_327 = arith.index_cast %get3A_326 : i32 to index
      %get3A_328 = arith.constant 0 : index
      %get3A_329 = tpu.vector_load %arg9[%get3A_327, %get3A_328] {strides = array<i32>} : memref<32x128xf32, #tpu.memory_space<vmem>>, vector<1x16xf32>,
      %get3A_330 = vector.shape_cast %get3A_329 : vector<1x16xf32> to vector<16xf32>
      %select_n3A_331 = arith.select %eq3A_325, %get3A_330, %select_n3A_322 : vector<16xi1>, vector<16xf32>
      %eq3A_332 = arith.constant 13 : i32
      %eq3A_333 = vector.broadcast %eq3A_332 : i32 to vector<16xi32>
      %eq3A_334 = arith.cmpi eq, %iota3A, %eq3A_333 : vector<16xi32>
      %get3A_335 = arith.constant 29 : i32
      %get3A_336 = arith.index_cast %get3A_335 : i32 to index
      %get3A_337 = arith.constant 0 : index
      %get3A_338 = tpu.vector_load %arg9[%get3A_336, %get3A_337] {strides = array<i32>} : memref<32x128xf32, #tpu.memory_space<vmem>>, vector<1x16xf32>,
      %get3A_339 = vector.shape_cast %get3A_338 : vector<1x16xf32> to vector<16xf32>
      %select_n3A_340 = arith.select %eq3A_334, %get3A_339, %select_n3A_331 : vector<16xi1>, vector<16xf32>
      %eq3A_341 = arith.constant 14 : i32
      %eq3A_342 = vector.broadcast %eq3A_341 : i32 to vector<16xi32>
      %eq3A_343 = arith.cmpi eq, %iota3A, %eq3A_342 : vector<16xi32>
      %get3A_344 = arith.constant 30 : i32
      %get3A_345 = arith.index_cast %get3A_344 : i32 to index
      %get3A_346 = arith.constant 0 : index
      %get3A_347 = tpu.vector_load %arg9[%get3A_345, %get3A_346] {strides = array<i32>} : memref<32x128xf32, #tpu.memory_space<vmem>>, vector<1x16xf32>,
      %get3A_348 = vector.shape_cast %get3A_347 : vector<1x16xf32> to vector<16xf32>
      %select_n3A_349 = arith.select %eq3A_343, %get3A_348, %select_n3A_340 : vector<16xi1>, vector<16xf32>
      %eq3A_350 = arith.constant 15 : i32
      %eq3A_351 = vector.broadcast %eq3A_350 : i32 to vector<16xi32>
      %eq3A_352 = arith.cmpi eq, %iota3A, %eq3A_351 : vector<16xi32>
      %get3A_353 = arith.constant 31 : i32
      %get3A_354 = arith.index_cast %get3A_353 : i32 to index
      %get3A_355 = arith.constant 0 : index
      %get3A_356 = tpu.vector_load %arg9[%get3A_354, %get3A_355] {strides = array<i32>} : memref<32x128xf32, #tpu.memory_space<vmem>>, vector<1x16xf32>,
      %get3A_357 = vector.shape_cast %get3A_356 : vector<1x16xf32> to vector<16xf32>
      %select_n3A_358 = arith.select %eq3A_352, %get3A_357, %select_n3A_349 : vector<16xi1>, vector<16xf32>
      %mul3A_359 = arith.constant 32 : i32
      %mul3A_360 = arith.muli %add3A_59, %mul3A_359 : i32
      %add3A_361 = arith.constant 16 : i32
      %add3A_362 = arith.addi %mul3A_360, %add3A_361 : i32
      %swap3A_363 = arith.index_cast %add3A_362 : i32 to index
      %swap3A_364 = tpu.vector_load %arg10[%swap3A_363] {strides = array<i32>} : memref<640xf32, #tpu.memory_space<vmem>>, vector<16xf32>,
      %swap3A_365 = vector.shape_cast %swap3A_364 : vector<16xf32> to vector<16xf32>
      %swap3A_366 = vector.shape_cast %select_n3A_358 : vector<16xf32> to vector<16xf32>
      tpu.vector_store %arg10[%swap3A_363], %swap3A_366 {strides = array<i32>} : memref<640xf32, #tpu.memory_space<vmem>>, vector<16xf32>,
    }
    %scan3A_47 = arith.constant 20 : i32
    %eq3A = arith.constant 0 : i32
    %eq3A_48 = arith.cmpi eq, %arg0, %eq3A : i32
    %convert_element_type3A = arith.extui %eq3A_48 : i1 to i32
    %cond3A = arith.constant 0 : i32
    %cond3A_49 = arith.cmpi ne, %convert_element_type3A, %cond3A : i32
    scf.if %cond3A_49 {
      "tpu.region"() ({
        %run_scoped3A = tpu.sem_alloc : memref<!tpu.dma_semaphore, #tpu.memory_space<semaphore_mem>>
        %dma_start3A_55 = tpu.memref_slice %arg3[%mul3A_42] : memref<10240xf32, #tpu.memory_space<hbm>> -> memref<640xf32, #tpu.memory_space<hbm>>
        %dma_start3A_56 = tpu.memref_slice %arg3[%mul3A_42] : memref<10240xf32, #tpu.memory_space<hbm>> -> memref<640xf32, #tpu.memory_space<hbm>>
        tpu.enqueue_dma source(%arg10 : memref<640xf32, #tpu.memory_space<vmem>>) target(%dma_start3A_56 : memref<640xf32, #tpu.memory_space<hbm>>) target_semaphore(%run_scoped3A : memref<!tpu.dma_semaphore, #tpu.memory_space<semaphore_mem>>)
        %dma_wait3A_57 = tpu.memref_slice %arg3[%mul3A_42] : memref<10240xf32, #tpu.memory_space<hbm>> -> memref<640xf32, #tpu.memory_space<hbm>>
        %dma_wait3A_58 = tpu.memref_slice %arg3[%mul3A_42] : memref<10240xf32, #tpu.memory_space<hbm>> -> memref<640xf32, #tpu.memory_space<hbm>>
        tpu.wait_dma2 semaphore(%run_scoped3A : memref<!tpu.dma_semaphore, #tpu.memory_space<semaphore_mem>>) src(%arg10 : memref<640xf32, #tpu.memory_space<vmem>>) dst(%dma_wait3A_58 : memref<640xf32, #tpu.memory_space<hbm>>)
        tpu.yield
      }) : () -> ()
    } else {
    }
    %eq3A_50 = arith.constant 1 : i32
    %eq3A_51 = arith.cmpi eq, %arg0, %eq3A_50 : i32
    %convert_element_type3A_52 = arith.extui %eq3A_51 : i1 to i32
    %cond3A_53 = arith.constant 0 : i32
    %cond3A_54 = arith.cmpi ne, %convert_element_type3A_52, %cond3A_53 : i32
    scf.if %cond3A_54 {
      "tpu.region"() ({
        %run_scoped3A = tpu.sem_alloc : memref<!tpu.dma_semaphore, #tpu.memory_space<semaphore_mem>>
        %dma_start3A_55 = tpu.memref_slice %arg4[%mul3A_42] : memref<10240xf32, #tpu.memory_space<hbm>> -> memref<640xf32, #tpu.memory_space<hbm>>
        %dma_start3A_56 = tpu.memref_slice %arg4[%mul3A_42] : memref<10240xf32, #tpu.memory_space<hbm>> -> memref<640xf32, #tpu.memory_space<hbm>>
        tpu.enqueue_dma source(%arg10 : memref<640xf32, #tpu.memory_space<vmem>>) target(%dma_start3A_56 : memref<640xf32, #tpu.memory_space<hbm>>) target_semaphore(%run_scoped3A : memref<!tpu.dma_semaphore, #tpu.memory_space<semaphore_mem>>)
        %dma_wait3A_57 = tpu.memref_slice %arg4[%mul3A_42] : memref<10240xf32, #tpu.memory_space<hbm>> -> memref<640xf32, #tpu.memory_space<hbm>>
        %dma_wait3A_58 = tpu.memref_slice %arg4[%mul3A_42] : memref<10240xf32, #tpu.memory_space<hbm>> -> memref<640xf32, #tpu.memory_space<hbm>>
        tpu.wait_dma2 semaphore(%run_scoped3A : memref<!tpu.dma_semaphore, #tpu.memory_space<semaphore_mem>>) src(%arg10 : memref<640xf32, #tpu.memory_space<vmem>>) dst(%dma_wait3A_58 : memref<640xf32, #tpu.memory_space<hbm>>)
        tpu.yield
      }) : () -> ()
    } else {
    }
    return
  }
}

#map = affine_map<(d0, d1) -> (0, 0)>
module attributes {stable_mosaic.version = 14 : i64} {
  func.func @_msg_pass(%arg0: i32, %arg1: i32, %arg2: memref<20480x128xf32, #tpu.memory_space<hbm>>, %arg3: memref<1280x128xi32, #tpu.memory_space<hbm>>, %arg4: memref<1280x128xi32, #tpu.memory_space<hbm>>, %arg5: memref<20480x128xf32, #tpu.memory_space<hbm>>, %arg6: memref<10240x128xf32, #tpu.memory_space<vmem_shared>>, %arg7: memref<128x128xf32, #tpu.memory_space<vmem>>, %arg8: memref<128x128xf32, #tpu.memory_space<vmem>>, %arg9: memref<32x128xi32, #tpu.memory_space<vmem>>, %arg10: memref<32x128xi32, #tpu.memory_space<vmem>>, %arg11: memref<!tpu.dma_semaphore, #tpu.memory_space<semaphore_mem>>, %arg12: memref<!tpu.dma_semaphore, #tpu.memory_space<semaphore_mem>>, %arg13: memref<!tpu.dma_semaphore, #tpu.memory_space<semaphore_mem>>, %arg14: memref<!tpu.dma_semaphore, #tpu.memory_space<semaphore_mem>>, %arg15: memref<!tpu.dma_semaphore, #tpu.memory_space<semaphore_mem>>) attributes {dimension_semantics = [#tpu.dimension_semantics<core_parallel>, #tpu.dimension_semantics<subcore_parallel>], iteration_bounds = array<i64: 2, 16>, scalar_prefetch = 0 : i64, scratch_operands = 10 : i64, tpu.core_type = #tpu.core_type<sc_vector_subcore>, window_params = [{transform_indices = #map}, {transform_indices = #map}, {transform_indices = #map}, {transform_indices = #map}]} {
    %scan3A = arith.constant 0 : i32
    %scan3A_0 = arith.constant 128 : i32
    %scan3A_1 = arith.addi %scan3A, %scan3A_0 : i32
    %scan3A_2 = arith.constant 1 : i32
    scf.for %scan3A_80 = %scan3A to %scan3A_1 step %scan3A_2  : i32 {
      %mul3A_81 = arith.constant 1 : i32
      %mul3A_82 = arith.muli %scan3A_80, %mul3A_81 : i32
      %add3A_83 = arith.constant 0 : i32
      %add3A_84 = arith.addi %add3A_83, %mul3A_82 : i32
      %broadcast_in_dim3A = arith.constant 0.000000e+00 : f32
      %broadcast_in_dim3A_85 = vector.broadcast %broadcast_in_dim3A : f32 to vector<16xf32>
      %swap3A = arith.index_cast %add3A_84 : i32 to index
      %swap3A_86 = arith.constant 0 : index
      %swap3A_87 = tpu.vector_load %arg7[%swap3A, %swap3A_86] {strides = array<i32>} : memref<128x128xf32, #tpu.memory_space<vmem>>, vector<1x16xf32>,
      %swap3A_88 = vector.shape_cast %swap3A_87 : vector<1x16xf32> to vector<16xf32>
      %swap3A_89 = vector.shape_cast %broadcast_in_dim3A_85 : vector<16xf32> to vector<1x16xf32>
      tpu.vector_store %arg7[%swap3A, %swap3A_86], %swap3A_89 {strides = array<i32>} : memref<128x128xf32, #tpu.memory_space<vmem>>, vector<1x16xf32>,
      %broadcast_in_dim3A_90 = arith.constant 0.000000e+00 : f32
      %broadcast_in_dim3A_91 = vector.broadcast %broadcast_in_dim3A_90 : f32 to vector<16xf32>
      %swap3A_92 = arith.index_cast %add3A_84 : i32 to index
      %swap3A_93 = arith.constant 16 : index
      %swap3A_94 = tpu.vector_load %arg7[%swap3A_92, %swap3A_93] {strides = array<i32>} : memref<128x128xf32, #tpu.memory_space<vmem>>, vector<1x16xf32>,
      %swap3A_95 = vector.shape_cast %swap3A_94 : vector<1x16xf32> to vector<16xf32>
      %swap3A_96 = vector.shape_cast %broadcast_in_dim3A_91 : vector<16xf32> to vector<1x16xf32>
      tpu.vector_store %arg7[%swap3A_92, %swap3A_93], %swap3A_96 {strides = array<i32>} : memref<128x128xf32, #tpu.memory_space<vmem>>, vector<1x16xf32>,
      %broadcast_in_dim3A_97 = arith.constant 0.000000e+00 : f32
      %broadcast_in_dim3A_98 = vector.broadcast %broadcast_in_dim3A_97 : f32 to vector<16xf32>
      %swap3A_99 = arith.index_cast %add3A_84 : i32 to index
      %swap3A_100 = arith.constant 32 : index
      %swap3A_101 = tpu.vector_load %arg7[%swap3A_99, %swap3A_100] {strides = array<i32>} : memref<128x128xf32, #tpu.memory_space<vmem>>, vector<1x16xf32>,
      %swap3A_102 = vector.shape_cast %swap3A_101 : vector<1x16xf32> to vector<16xf32>
      %swap3A_103 = vector.shape_cast %broadcast_in_dim3A_98 : vector<16xf32> to vector<1x16xf32>
      tpu.vector_store %arg7[%swap3A_99, %swap3A_100], %swap3A_103 {strides = array<i32>} : memref<128x128xf32, #tpu.memory_space<vmem>>, vector<1x16xf32>,
      %broadcast_in_dim3A_104 = arith.constant 0.000000e+00 : f32
      %broadcast_in_dim3A_105 = vector.broadcast %broadcast_in_dim3A_104 : f32 to vector<16xf32>
      %swap3A_106 = arith.index_cast %add3A_84 : i32 to index
      %swap3A_107 = arith.constant 48 : index
      %swap3A_108 = tpu.vector_load %arg7[%swap3A_106, %swap3A_107] {strides = array<i32>} : memref<128x128xf32, #tpu.memory_space<vmem>>, vector<1x16xf32>,
      %swap3A_109 = vector.shape_cast %swap3A_108 : vector<1x16xf32> to vector<16xf32>
      %swap3A_110 = vector.shape_cast %broadcast_in_dim3A_105 : vector<16xf32> to vector<1x16xf32>
      tpu.vector_store %arg7[%swap3A_106, %swap3A_107], %swap3A_110 {strides = array<i32>} : memref<128x128xf32, #tpu.memory_space<vmem>>, vector<1x16xf32>,
      %broadcast_in_dim3A_111 = arith.constant 0.000000e+00 : f32
      %broadcast_in_dim3A_112 = vector.broadcast %broadcast_in_dim3A_111 : f32 to vector<16xf32>
      %swap3A_113 = arith.index_cast %add3A_84 : i32 to index
      %swap3A_114 = arith.constant 64 : index
      %swap3A_115 = tpu.vector_load %arg7[%swap3A_113, %swap3A_114] {strides = array<i32>} : memref<128x128xf32, #tpu.memory_space<vmem>>, vector<1x16xf32>,
      %swap3A_116 = vector.shape_cast %swap3A_115 : vector<1x16xf32> to vector<16xf32>
      %swap3A_117 = vector.shape_cast %broadcast_in_dim3A_112 : vector<16xf32> to vector<1x16xf32>
      tpu.vector_store %arg7[%swap3A_113, %swap3A_114], %swap3A_117 {strides = array<i32>} : memref<128x128xf32, #tpu.memory_space<vmem>>, vector<1x16xf32>,
      %broadcast_in_dim3A_118 = arith.constant 0.000000e+00 : f32
      %broadcast_in_dim3A_119 = vector.broadcast %broadcast_in_dim3A_118 : f32 to vector<16xf32>
      %swap3A_120 = arith.index_cast %add3A_84 : i32 to index
      %swap3A_121 = arith.constant 80 : index
      %swap3A_122 = tpu.vector_load %arg7[%swap3A_120, %swap3A_121] {strides = array<i32>} : memref<128x128xf32, #tpu.memory_space<vmem>>, vector<1x16xf32>,
      %swap3A_123 = vector.shape_cast %swap3A_122 : vector<1x16xf32> to vector<16xf32>
      %swap3A_124 = vector.shape_cast %broadcast_in_dim3A_119 : vector<16xf32> to vector<1x16xf32>
      tpu.vector_store %arg7[%swap3A_120, %swap3A_121], %swap3A_124 {strides = array<i32>} : memref<128x128xf32, #tpu.memory_space<vmem>>, vector<1x16xf32>,
      %broadcast_in_dim3A_125 = arith.constant 0.000000e+00 : f32
      %broadcast_in_dim3A_126 = vector.broadcast %broadcast_in_dim3A_125 : f32 to vector<16xf32>
      %swap3A_127 = arith.index_cast %add3A_84 : i32 to index
      %swap3A_128 = arith.constant 96 : index
      %swap3A_129 = tpu.vector_load %arg7[%swap3A_127, %swap3A_128] {strides = array<i32>} : memref<128x128xf32, #tpu.memory_space<vmem>>, vector<1x16xf32>,
      %swap3A_130 = vector.shape_cast %swap3A_129 : vector<1x16xf32> to vector<16xf32>
      %swap3A_131 = vector.shape_cast %broadcast_in_dim3A_126 : vector<16xf32> to vector<1x16xf32>
      tpu.vector_store %arg7[%swap3A_127, %swap3A_128], %swap3A_131 {strides = array<i32>} : memref<128x128xf32, #tpu.memory_space<vmem>>, vector<1x16xf32>,
      %broadcast_in_dim3A_132 = arith.constant 0.000000e+00 : f32
      %broadcast_in_dim3A_133 = vector.broadcast %broadcast_in_dim3A_132 : f32 to vector<16xf32>
      %swap3A_134 = arith.index_cast %add3A_84 : i32 to index
      %swap3A_135 = arith.constant 112 : index
      %swap3A_136 = tpu.vector_load %arg7[%swap3A_134, %swap3A_135] {strides = array<i32>} : memref<128x128xf32, #tpu.memory_space<vmem>>, vector<1x16xf32>,
      %swap3A_137 = vector.shape_cast %swap3A_136 : vector<1x16xf32> to vector<16xf32>
      %swap3A_138 = vector.shape_cast %broadcast_in_dim3A_133 : vector<16xf32> to vector<1x16xf32>
      tpu.vector_store %arg7[%swap3A_134, %swap3A_135], %swap3A_138 {strides = array<i32>} : memref<128x128xf32, #tpu.memory_space<vmem>>, vector<1x16xf32>,
    }
    %scan3A_3 = arith.constant 128 : i32
    %mul3A = arith.constant 640 : i32
    %mul3A_4 = arith.muli %arg1, %mul3A : i32
    %scan3A_5 = arith.constant 0 : i32
    %scan3A_6 = arith.constant 5 : i32
    %scan3A_7 = arith.addi %scan3A_5, %scan3A_6 : i32
    %scan3A_8 = arith.constant 1 : i32
    scf.for %scan3A_80 = %scan3A_5 to %scan3A_7 step %scan3A_8  : i32 {
      %mul3A_81 = arith.constant 1 : i32
      %mul3A_82 = arith.muli %scan3A_80, %mul3A_81 : i32
      %add3A_83 = arith.constant 0 : i32
      %add3A_84 = arith.addi %add3A_83, %mul3A_82 : i32
      %mul3A_85 = arith.constant 128 : i32
      %mul3A_86 = arith.muli %add3A_84, %mul3A_85 : i32
      %add3A_87 = arith.addi %mul3A_4, %mul3A_86 : i32
      "tpu.region"() ({
        %run_scoped3A = tpu.sem_alloc : memref<!tpu.dma_semaphore, #tpu.memory_space<semaphore_mem>>
        %dma_start3A_88 = arith.constant 0 : i32
        %dma_start3A_89 = tpu.memref_slice %arg6[%add3A_87, %dma_start3A_88] : memref<10240x128xf32, #tpu.memory_space<vmem_shared>> -> memref<128x128xf32, #tpu.memory_space<vmem_shared>>
        %dma_start3A_90 = arith.constant 0 : i32
        %dma_start3A_91 = tpu.memref_slice %arg6[%add3A_87, %dma_start3A_90] : memref<10240x128xf32, #tpu.memory_space<vmem_shared>> -> memref<128x128xf32, #tpu.memory_space<vmem_shared>>
        tpu.enqueue_dma source(%arg7 : memref<128x128xf32, #tpu.memory_space<vmem>>) target(%dma_start3A_91 : memref<128x128xf32, #tpu.memory_space<vmem_shared>>) target_semaphore(%run_scoped3A : memref<!tpu.dma_semaphore, #tpu.memory_space<semaphore_mem>>)
        %dma_wait3A_92 = arith.constant 0 : i32
        %dma_wait3A_93 = tpu.memref_slice %arg6[%add3A_87, %dma_wait3A_92] : memref<10240x128xf32, #tpu.memory_space<vmem_shared>> -> memref<128x128xf32, #tpu.memory_space<vmem_shared>>
        %dma_wait3A_94 = arith.constant 0 : i32
        %dma_wait3A_95 = tpu.memref_slice %arg6[%add3A_87, %dma_wait3A_94] : memref<10240x128xf32, #tpu.memory_space<vmem_shared>> -> memref<128x128xf32, #tpu.memory_space<vmem_shared>>
        tpu.wait_dma2 semaphore(%run_scoped3A : memref<!tpu.dma_semaphore, #tpu.memory_space<semaphore_mem>>) src(%arg7 : memref<128x128xf32, #tpu.memory_space<vmem>>) dst(%dma_wait3A_95 : memref<128x128xf32, #tpu.memory_space<vmem_shared>>)
        tpu.yield
      }) : () -> ()
    }
    %scan3A_9 = arith.constant 5 : i32
    %barrier3A = arith.constant 0 : index
    tpu.barrier barrier_id(%barrier3A)
    %mul3A_10 = arith.constant 80 : i32
    %mul3A_11 = arith.muli %arg1, %mul3A_10 : i32
    %mul3A_12 = arith.constant 10240 : i32
    %mul3A_13 = arith.muli %arg0, %mul3A_12 : i32
    %multiple_of3A = arith.constant 0 : i32
    %multiple_of3A_14 = tpu.assume_multiple %multiple_of3A, 16 : i32
    %add3A = arith.constant 0 : i32
    %add3A_15 = arith.addi %mul3A_11, %add3A : i32
    %multiple_of3A_16 = tpu.assume_multiple %add3A_15, 16 : i32
    %dma_start3A = arith.constant 0 : i32
    %dma_start3A_17 = tpu.memref_slice %arg9[%multiple_of3A_14, %dma_start3A] : memref<32x128xi32, #tpu.memory_space<vmem>> -> memref<16x128xi32, #tpu.memory_space<vmem>>
    %dma_start3A_18 = arith.constant 0 : i32
    %dma_start3A_19 = tpu.memref_slice %arg3[%multiple_of3A_16, %dma_start3A_18] : memref<1280x128xi32, #tpu.memory_space<hbm>> -> memref<16x128xi32, #tpu.memory_space<hbm>>
    %dma_start3A_20 = arith.constant 0 : i32
    %dma_start3A_21 = tpu.memref_slice %arg9[%multiple_of3A_14, %dma_start3A_20] : memref<32x128xi32, #tpu.memory_space<vmem>> -> memref<16x128xi32, #tpu.memory_space<vmem>>
    %dma_start3A_22 = arith.constant 0 : i32
    %dma_start3A_23 = tpu.memref_slice %arg3[%multiple_of3A_16, %dma_start3A_22] : memref<1280x128xi32, #tpu.memory_space<hbm>> -> memref<16x128xi32, #tpu.memory_space<hbm>>
    tpu.enqueue_dma source(%dma_start3A_23 : memref<16x128xi32, #tpu.memory_space<hbm>>) target(%dma_start3A_21 : memref<16x128xi32, #tpu.memory_space<vmem>>) target_semaphore(%arg15 : memref<!tpu.dma_semaphore, #tpu.memory_space<semaphore_mem>>)
    %dma_start3A_24 = arith.constant 0 : i32
    %dma_start3A_25 = tpu.memref_slice %arg10[%multiple_of3A_14, %dma_start3A_24] : memref<32x128xi32, #tpu.memory_space<vmem>> -> memref<16x128xi32, #tpu.memory_space<vmem>>
    %dma_start3A_26 = arith.constant 0 : i32
    %dma_start3A_27 = tpu.memref_slice %arg4[%multiple_of3A_16, %dma_start3A_26] : memref<1280x128xi32, #tpu.memory_space<hbm>> -> memref<16x128xi32, #tpu.memory_space<hbm>>
    %dma_start3A_28 = arith.constant 0 : i32
    %dma_start3A_29 = tpu.memref_slice %arg10[%multiple_of3A_14, %dma_start3A_28] : memref<32x128xi32, #tpu.memory_space<vmem>> -> memref<16x128xi32, #tpu.memory_space<vmem>>
    %dma_start3A_30 = arith.constant 0 : i32
    %dma_start3A_31 = tpu.memref_slice %arg4[%multiple_of3A_16, %dma_start3A_30] : memref<1280x128xi32, #tpu.memory_space<hbm>> -> memref<16x128xi32, #tpu.memory_space<hbm>>
    tpu.enqueue_dma source(%dma_start3A_31 : memref<16x128xi32, #tpu.memory_space<hbm>>) target(%dma_start3A_29 : memref<16x128xi32, #tpu.memory_space<vmem>>) target_semaphore(%arg15 : memref<!tpu.dma_semaphore, #tpu.memory_space<semaphore_mem>>)
    %multiple_of3A_32 = arith.constant 0 : i32
    %multiple_of3A_33 = tpu.assume_multiple %multiple_of3A_32, 16 : i32
    %add3A_34 = arith.constant 0 : i32
    %add3A_35 = arith.addi %mul3A_11, %add3A_34 : i32
    %multiple_of3A_36 = tpu.assume_multiple %add3A_35, 16 : i32
    %dma_wait3A = arith.constant 0 : i32
    %dma_wait3A_37 = tpu.memref_slice %arg9[%multiple_of3A_33, %dma_wait3A] : memref<32x128xi32, #tpu.memory_space<vmem>> -> memref<16x128xi32, #tpu.memory_space<vmem>>
    %dma_wait3A_38 = arith.constant 0 : i32
    %dma_wait3A_39 = tpu.memref_slice %arg3[%multiple_of3A_36, %dma_wait3A_38] : memref<1280x128xi32, #tpu.memory_space<hbm>> -> memref<16x128xi32, #tpu.memory_space<hbm>>
    %dma_wait3A_40 = arith.constant 0 : i32
    %dma_wait3A_41 = tpu.memref_slice %arg9[%multiple_of3A_33, %dma_wait3A_40] : memref<32x128xi32, #tpu.memory_space<vmem>> -> memref<16x128xi32, #tpu.memory_space<vmem>>
    %dma_wait3A_42 = arith.constant 0 : i32
    %dma_wait3A_43 = tpu.memref_slice %arg3[%multiple_of3A_36, %dma_wait3A_42] : memref<1280x128xi32, #tpu.memory_space<hbm>> -> memref<16x128xi32, #tpu.memory_space<hbm>>
    tpu.wait_dma2 semaphore(%arg15 : memref<!tpu.dma_semaphore, #tpu.memory_space<semaphore_mem>>) src(%dma_wait3A_43 : memref<16x128xi32, #tpu.memory_space<hbm>>) dst(%dma_wait3A_41 : memref<16x128xi32, #tpu.memory_space<vmem>>)
    %dma_wait3A_44 = arith.constant 0 : i32
    %dma_wait3A_45 = tpu.memref_slice %arg10[%multiple_of3A_33, %dma_wait3A_44] : memref<32x128xi32, #tpu.memory_space<vmem>> -> memref<16x128xi32, #tpu.memory_space<vmem>>
    %dma_wait3A_46 = arith.constant 0 : i32
    %dma_wait3A_47 = tpu.memref_slice %arg4[%multiple_of3A_36, %dma_wait3A_46] : memref<1280x128xi32, #tpu.memory_space<hbm>> -> memref<16x128xi32, #tpu.memory_space<hbm>>
    %dma_wait3A_48 = arith.constant 0 : i32
    %dma_wait3A_49 = tpu.memref_slice %arg10[%multiple_of3A_33, %dma_wait3A_48] : memref<32x128xi32, #tpu.memory_space<vmem>> -> memref<16x128xi32, #tpu.memory_space<vmem>>
    %dma_wait3A_50 = arith.constant 0 : i32
    %dma_wait3A_51 = tpu.memref_slice %arg4[%multiple_of3A_36, %dma_wait3A_50] : memref<1280x128xi32, #tpu.memory_space<hbm>> -> memref<16x128xi32, #tpu.memory_space<hbm>>
    tpu.wait_dma2 semaphore(%arg15 : memref<!tpu.dma_semaphore, #tpu.memory_space<semaphore_mem>>) src(%dma_wait3A_51 : memref<16x128xi32, #tpu.memory_space<hbm>>) dst(%dma_wait3A_49 : memref<16x128xi32, #tpu.memory_space<vmem>>)
    %scan3A_52 = arith.constant 0 : i32
    %scan3A_53 = arith.constant 16 : i32
    %scan3A_54 = arith.addi %scan3A_52, %scan3A_53 : i32
    %scan3A_55 = arith.constant 1 : i32
    scf.for %scan3A_80 = %scan3A_52 to %scan3A_54 step %scan3A_55  : i32 {
      %mul3A_81 = arith.constant 1 : i32
      %mul3A_82 = arith.muli %scan3A_80, %mul3A_81 : i32
      %add3A_83 = arith.constant 0 : i32
      %add3A_84 = arith.addi %add3A_83, %mul3A_82 : i32
      %add3A_85 = arith.constant 0 : i32
      %add3A_86 = arith.addi %add3A_85, %add3A_84 : i32
      %get3A = arith.index_cast %add3A_86 : i32 to index
      %get3A_87 = arith.constant 0 : index
      %get3A_88 = tpu.vector_load %arg9[%get3A, %get3A_87] {strides = array<i32>} : memref<32x128xi32, #tpu.memory_space<vmem>>, vector<1x16xi32>,
      %get3A_89 = vector.shape_cast %get3A_88 : vector<1x16xi32> to vector<16xi32>
      %add3A_90 = vector.broadcast %mul3A_13 : i32 to vector<16xi32>
      %add3A_91 = arith.addi %get3A_89, %add3A_90 : vector<16xi32>
      %add3A_92 = arith.constant 0 : i32
      %add3A_93 = arith.addi %add3A_92, %add3A_84 : i32
      %swap3A = arith.index_cast %add3A_93 : i32 to index
      %swap3A_94 = arith.constant 0 : index
      %swap3A_95 = tpu.vector_load %arg9[%swap3A, %swap3A_94] {strides = array<i32>} : memref<32x128xi32, #tpu.memory_space<vmem>>, vector<1x16xi32>,
      %swap3A_96 = vector.shape_cast %swap3A_95 : vector<1x16xi32> to vector<16xi32>
      %swap3A_97 = vector.shape_cast %add3A_91 : vector<16xi32> to vector<1x16xi32>
      tpu.vector_store %arg9[%swap3A, %swap3A_94], %swap3A_97 {strides = array<i32>} : memref<32x128xi32, #tpu.memory_space<vmem>>, vector<1x16xi32>,
      %add3A_98 = arith.constant 0 : i32
      %add3A_99 = arith.addi %add3A_98, %add3A_84 : i32
      %get3A_100 = arith.index_cast %add3A_99 : i32 to index
      %get3A_101 = arith.constant 16 : index
      %get3A_102 = tpu.vector_load %arg9[%get3A_100, %get3A_101] {strides = array<i32>} : memref<32x128xi32, #tpu.memory_space<vmem>>, vector<1x16xi32>,
      %get3A_103 = vector.shape_cast %get3A_102 : vector<1x16xi32> to vector<16xi32>
      %add3A_104 = vector.broadcast %mul3A_13 : i32 to vector<16xi32>
      %add3A_105 = arith.addi %get3A_103, %add3A_104 : vector<16xi32>
      %add3A_106 = arith.constant 0 : i32
      %add3A_107 = arith.addi %add3A_106, %add3A_84 : i32
      %swap3A_108 = arith.index_cast %add3A_107 : i32 to index
      %swap3A_109 = arith.constant 16 : index
      %swap3A_110 = tpu.vector_load %arg9[%swap3A_108, %swap3A_109] {strides = array<i32>} : memref<32x128xi32, #tpu.memory_space<vmem>>, vector<1x16xi32>,
      %swap3A_111 = vector.shape_cast %swap3A_110 : vector<1x16xi32> to vector<16xi32>
      %swap3A_112 = vector.shape_cast %add3A_105 : vector<16xi32> to vector<1x16xi32>
      tpu.vector_store %arg9[%swap3A_108, %swap3A_109], %swap3A_112 {strides = array<i32>} : memref<32x128xi32, #tpu.memory_space<vmem>>, vector<1x16xi32>,
      %add3A_113 = arith.constant 0 : i32
      %add3A_114 = arith.addi %add3A_113, %add3A_84 : i32
      %get3A_115 = arith.index_cast %add3A_114 : i32 to index
      %get3A_116 = arith.constant 32 : index
      %get3A_117 = tpu.vector_load %arg9[%get3A_115, %get3A_116] {strides = array<i32>} : memref<32x128xi32, #tpu.memory_space<vmem>>, vector<1x16xi32>,
      %get3A_118 = vector.shape_cast %get3A_117 : vector<1x16xi32> to vector<16xi32>
      %add3A_119 = vector.broadcast %mul3A_13 : i32 to vector<16xi32>
      %add3A_120 = arith.addi %get3A_118, %add3A_119 : vector<16xi32>
      %add3A_121 = arith.constant 0 : i32
      %add3A_122 = arith.addi %add3A_121, %add3A_84 : i32
      %swap3A_123 = arith.index_cast %add3A_122 : i32 to index
      %swap3A_124 = arith.constant 32 : index
      %swap3A_125 = tpu.vector_load %arg9[%swap3A_123, %swap3A_124] {strides = array<i32>} : memref<32x128xi32, #tpu.memory_space<vmem>>, vector<1x16xi32>,
      %swap3A_126 = vector.shape_cast %swap3A_125 : vector<1x16xi32> to vector<16xi32>
      %swap3A_127 = vector.shape_cast %add3A_120 : vector<16xi32> to vector<1x16xi32>
      tpu.vector_store %arg9[%swap3A_123, %swap3A_124], %swap3A_127 {strides = array<i32>} : memref<32x128xi32, #tpu.memory_space<vmem>>, vector<1x16xi32>,
      %add3A_128 = arith.constant 0 : i32
      %add3A_129 = arith.addi %add3A_128, %add3A_84 : i32
      %get3A_130 = arith.index_cast %add3A_129 : i32 to index
      %get3A_131 = arith.constant 48 : index
      %get3A_132 = tpu.vector_load %arg9[%get3A_130, %get3A_131] {strides = array<i32>} : memref<32x128xi32, #tpu.memory_space<vmem>>, vector<1x16xi32>,
      %get3A_133 = vector.shape_cast %get3A_132 : vector<1x16xi32> to vector<16xi32>
      %add3A_134 = vector.broadcast %mul3A_13 : i32 to vector<16xi32>
      %add3A_135 = arith.addi %get3A_133, %add3A_134 : vector<16xi32>
      %add3A_136 = arith.constant 0 : i32
      %add3A_137 = arith.addi %add3A_136, %add3A_84 : i32
      %swap3A_138 = arith.index_cast %add3A_137 : i32 to index
      %swap3A_139 = arith.constant 48 : index
      %swap3A_140 = tpu.vector_load %arg9[%swap3A_138, %swap3A_139] {strides = array<i32>} : memref<32x128xi32, #tpu.memory_space<vmem>>, vector<1x16xi32>,
      %swap3A_141 = vector.shape_cast %swap3A_140 : vector<1x16xi32> to vector<16xi32>
      %swap3A_142 = vector.shape_cast %add3A_135 : vector<16xi32> to vector<1x16xi32>
      tpu.vector_store %arg9[%swap3A_138, %swap3A_139], %swap3A_142 {strides = array<i32>} : memref<32x128xi32, #tpu.memory_space<vmem>>, vector<1x16xi32>,
      %add3A_143 = arith.constant 0 : i32
      %add3A_144 = arith.addi %add3A_143, %add3A_84 : i32
      %get3A_145 = arith.index_cast %add3A_144 : i32 to index
      %get3A_146 = arith.constant 64 : index
      %get3A_147 = tpu.vector_load %arg9[%get3A_145, %get3A_146] {strides = array<i32>} : memref<32x128xi32, #tpu.memory_space<vmem>>, vector<1x16xi32>,
      %get3A_148 = vector.shape_cast %get3A_147 : vector<1x16xi32> to vector<16xi32>
      %add3A_149 = vector.broadcast %mul3A_13 : i32 to vector<16xi32>
      %add3A_150 = arith.addi %get3A_148, %add3A_149 : vector<16xi32>
      %add3A_151 = arith.constant 0 : i32
      %add3A_152 = arith.addi %add3A_151, %add3A_84 : i32
      %swap3A_153 = arith.index_cast %add3A_152 : i32 to index
      %swap3A_154 = arith.constant 64 : index
      %swap3A_155 = tpu.vector_load %arg9[%swap3A_153, %swap3A_154] {strides = array<i32>} : memref<32x128xi32, #tpu.memory_space<vmem>>, vector<1x16xi32>,
      %swap3A_156 = vector.shape_cast %swap3A_155 : vector<1x16xi32> to vector<16xi32>
      %swap3A_157 = vector.shape_cast %add3A_150 : vector<16xi32> to vector<1x16xi32>
      tpu.vector_store %arg9[%swap3A_153, %swap3A_154], %swap3A_157 {strides = array<i32>} : memref<32x128xi32, #tpu.memory_space<vmem>>, vector<1x16xi32>,
      %add3A_158 = arith.constant 0 : i32
      %add3A_159 = arith.addi %add3A_158, %add3A_84 : i32
      %get3A_160 = arith.index_cast %add3A_159 : i32 to index
      %get3A_161 = arith.constant 80 : index
      %get3A_162 = tpu.vector_load %arg9[%get3A_160, %get3A_161] {strides = array<i32>} : memref<32x128xi32, #tpu.memory_space<vmem>>, vector<1x16xi32>,
      %get3A_163 = vector.shape_cast %get3A_162 : vector<1x16xi32> to vector<16xi32>
      %add3A_164 = vector.broadcast %mul3A_13 : i32 to vector<16xi32>
      %add3A_165 = arith.addi %get3A_163, %add3A_164 : vector<16xi32>
      %add3A_166 = arith.constant 0 : i32
      %add3A_167 = arith.addi %add3A_166, %add3A_84 : i32
      %swap3A_168 = arith.index_cast %add3A_167 : i32 to index
      %swap3A_169 = arith.constant 80 : index
      %swap3A_170 = tpu.vector_load %arg9[%swap3A_168, %swap3A_169] {strides = array<i32>} : memref<32x128xi32, #tpu.memory_space<vmem>>, vector<1x16xi32>,
      %swap3A_171 = vector.shape_cast %swap3A_170 : vector<1x16xi32> to vector<16xi32>
      %swap3A_172 = vector.shape_cast %add3A_165 : vector<16xi32> to vector<1x16xi32>
      tpu.vector_store %arg9[%swap3A_168, %swap3A_169], %swap3A_172 {strides = array<i32>} : memref<32x128xi32, #tpu.memory_space<vmem>>, vector<1x16xi32>,
      %add3A_173 = arith.constant 0 : i32
      %add3A_174 = arith.addi %add3A_173, %add3A_84 : i32
      %get3A_175 = arith.index_cast %add3A_174 : i32 to index
      %get3A_176 = arith.constant 96 : index
      %get3A_177 = tpu.vector_load %arg9[%get3A_175, %get3A_176] {strides = array<i32>} : memref<32x128xi32, #tpu.memory_space<vmem>>, vector<1x16xi32>,
      %get3A_178 = vector.shape_cast %get3A_177 : vector<1x16xi32> to vector<16xi32>
      %add3A_179 = vector.broadcast %mul3A_13 : i32 to vector<16xi32>
      %add3A_180 = arith.addi %get3A_178, %add3A_179 : vector<16xi32>
      %add3A_181 = arith.constant 0 : i32
      %add3A_182 = arith.addi %add3A_181, %add3A_84 : i32
      %swap3A_183 = arith.index_cast %add3A_182 : i32 to index
      %swap3A_184 = arith.constant 96 : index
      %swap3A_185 = tpu.vector_load %arg9[%swap3A_183, %swap3A_184] {strides = array<i32>} : memref<32x128xi32, #tpu.memory_space<vmem>>, vector<1x16xi32>,
      %swap3A_186 = vector.shape_cast %swap3A_185 : vector<1x16xi32> to vector<16xi32>
      %swap3A_187 = vector.shape_cast %add3A_180 : vector<16xi32> to vector<1x16xi32>
      tpu.vector_store %arg9[%swap3A_183, %swap3A_184], %swap3A_187 {strides = array<i32>} : memref<32x128xi32, #tpu.memory_space<vmem>>, vector<1x16xi32>,
      %add3A_188 = arith.constant 0 : i32
      %add3A_189 = arith.addi %add3A_188, %add3A_84 : i32
      %get3A_190 = arith.index_cast %add3A_189 : i32 to index
      %get3A_191 = arith.constant 112 : index
      %get3A_192 = tpu.vector_load %arg9[%get3A_190, %get3A_191] {strides = array<i32>} : memref<32x128xi32, #tpu.memory_space<vmem>>, vector<1x16xi32>,
      %get3A_193 = vector.shape_cast %get3A_192 : vector<1x16xi32> to vector<16xi32>
      %add3A_194 = vector.broadcast %mul3A_13 : i32 to vector<16xi32>
      %add3A_195 = arith.addi %get3A_193, %add3A_194 : vector<16xi32>
      %add3A_196 = arith.constant 0 : i32
      %add3A_197 = arith.addi %add3A_196, %add3A_84 : i32
      %swap3A_198 = arith.index_cast %add3A_197 : i32 to index
      %swap3A_199 = arith.constant 112 : index
      %swap3A_200 = tpu.vector_load %arg9[%swap3A_198, %swap3A_199] {strides = array<i32>} : memref<32x128xi32, #tpu.memory_space<vmem>>, vector<1x16xi32>,
      %swap3A_201 = vector.shape_cast %swap3A_200 : vector<1x16xi32> to vector<16xi32>
      %swap3A_202 = vector.shape_cast %add3A_195 : vector<16xi32> to vector<1x16xi32>
      tpu.vector_store %arg9[%swap3A_198, %swap3A_199], %swap3A_202 {strides = array<i32>} : memref<32x128xi32, #tpu.memory_space<vmem>>, vector<1x16xi32>,
    }
    %scan3A_56 = arith.constant 16 : i32
    %dma_start3A_57 = arith.constant 0 : i32
    %dma_start3A_58 = arith.constant 0 : i32
    %dma_start3A_59 = tpu.memref_slice %arg9[%dma_start3A_57, %dma_start3A_58] : memref<32x128xi32, #tpu.memory_space<vmem>> -> memref<1x128xi32, #tpu.memory_space<vmem>>
    %dma_start3A_60 = tpu.memref_squeeze %dma_start3A_59 : memref<1x128xi32, #tpu.memory_space<vmem>> -> memref<128xi32, #tpu.memory_space<vmem>>
    %dma_start3A_61 = arith.constant 0 : i32
    %dma_start3A_62 = arith.constant 0 : i32
    %dma_start3A_63 = tpu.memref_slice %arg2[%dma_start3A_61, %dma_start3A_62] : memref<20480x128xf32, #tpu.memory_space<hbm>> -> memref<20480x128xf32, #tpu.memory_space<hbm>>
    tpu.enqueue_indirect_dma source(%dma_start3A_63 : memref<20480x128xf32, #tpu.memory_space<hbm>>) target(%arg7 : memref<128x128xf32, #tpu.memory_space<vmem>>) offsets(%dma_start3A_60 : memref<128xi32, #tpu.memory_space<vmem>>) semaphore(%arg11 : memref<!tpu.dma_semaphore, #tpu.memory_space<semaphore_mem>>)
    %scan3A_64 = arith.constant 0 : i32
    %scan3A_65 = arith.constant 40 : i32
    %scan3A_66 = arith.addi %scan3A_64, %scan3A_65 : i32
    %scan3A_67 = arith.constant 1 : i32
    scf.for %scan3A_80 = %scan3A_64 to %scan3A_66 step %scan3A_67  : i32 {
      %mul3A_81 = arith.constant 1 : i32
      %mul3A_82 = arith.muli %scan3A_80, %mul3A_81 : i32
      %add3A_83 = arith.constant 0 : i32
      %add3A_84 = arith.addi %add3A_83, %mul3A_82 : i32
      %mul3A_85 = arith.constant 2 : i32
      %mul3A_86 = arith.muli %add3A_84, %mul3A_85 : i32
      %jit3A = arith.constant 16 : i32
      %div3A = arith.divsi %mul3A_86, %jit3A : i32
      %sign3A = arith.constant 0 : i32
      %sign3A_87 = arith.cmpi sgt, %mul3A_86, %sign3A : i32
      %sign3A_88 = arith.extui %sign3A_87 : i1 to i32
      %sign3A_89 = arith.constant 0 : i32
      %sign3A_90 = arith.cmpi slt, %mul3A_86, %sign3A_89 : i32
      %sign3A_91 = arith.extui %sign3A_90 : i1 to i32
      %sign3A_92 = arith.subi %sign3A_88, %sign3A_91 : i32
      %sign3A_93 = arith.constant 0 : i32
      %sign3A_94 = arith.cmpi sgt, %jit3A, %sign3A_93 : i32
      %sign3A_95 = arith.extui %sign3A_94 : i1 to i32
      %sign3A_96 = arith.constant 0 : i32
      %sign3A_97 = arith.cmpi slt, %jit3A, %sign3A_96 : i32
      %sign3A_98 = arith.extui %sign3A_97 : i1 to i32
      %sign3A_99 = arith.subi %sign3A_95, %sign3A_98 : i32
      %ne3A = arith.cmpi ne, %sign3A_92, %sign3A_99 : i32
      %rem3A = arith.remsi %mul3A_86, %jit3A : i32
      %ne3A_100 = arith.constant 0 : i32
      %ne3A_101 = arith.cmpi ne, %rem3A, %ne3A_100 : i32
      %and3A = arith.andi %ne3A, %ne3A_101 : i1
      %sub3A = arith.constant 1 : i32
      %sub3A_102 = arith.subi %div3A, %sub3A : i32
      %select_n3A = arith.select %and3A, %sub3A_102, %div3A : i32
      %jit3A_103 = arith.constant 2 : i32
      %eq3A = arith.constant 0 : i32
      %eq3A_104 = arith.cmpi eq, %jit3A_103, %eq3A : i32
      %jit3A_105 = arith.constant 1 : i32
      %select_n3A_106 = arith.select %eq3A_104, %jit3A_105, %jit3A_103 : i32
      %rem3A_107 = arith.remsi %select_n3A, %select_n3A_106 : i32
      %ne3A_108 = arith.constant 0 : i32
      %ne3A_109 = arith.cmpi ne, %rem3A_107, %ne3A_108 : i32
      %lt3A = arith.constant 0 : i32
      %lt3A_110 = arith.cmpi slt, %rem3A_107, %lt3A : i32
      %lt3A_111 = arith.constant 0 : i32
      %lt3A_112 = arith.cmpi slt, %select_n3A_106, %lt3A_111 : i32
      %ne3A_113 = arith.xori %lt3A_110, %lt3A_112 : i1
      %and3A_114 = arith.andi %ne3A_113, %ne3A_109 : i1
      %add3A_115 = arith.addi %rem3A_107, %select_n3A_106 : i32
      %select_n3A_116 = arith.select %and3A_114, %add3A_115, %rem3A_107 : i32
      %mul3A_117 = arith.constant 16 : i32
      %mul3A_118 = arith.muli %select_n3A_116, %mul3A_117 : i32
      %jit3A_119 = arith.constant 16 : i32
      %eq3A_120 = arith.constant 0 : i32
      %eq3A_121 = arith.cmpi eq, %jit3A_119, %eq3A_120 : i32
      %jit3A_122 = arith.constant 1 : i32
      %select_n3A_123 = arith.select %eq3A_121, %jit3A_122, %jit3A_119 : i32
      %rem3A_124 = arith.remsi %mul3A_86, %select_n3A_123 : i32
      %ne3A_125 = arith.constant 0 : i32
      %ne3A_126 = arith.cmpi ne, %rem3A_124, %ne3A_125 : i32
      %lt3A_127 = arith.constant 0 : i32
      %lt3A_128 = arith.cmpi slt, %rem3A_124, %lt3A_127 : i32
      %lt3A_129 = arith.constant 0 : i32
      %lt3A_130 = arith.cmpi slt, %select_n3A_123, %lt3A_129 : i32
      %ne3A_131 = arith.xori %lt3A_128, %lt3A_130 : i1
      %and3A_132 = arith.andi %ne3A_131, %ne3A_126 : i1
      %add3A_133 = arith.addi %rem3A_124, %select_n3A_123 : i32
      %select_n3A_134 = arith.select %and3A_132, %add3A_133, %rem3A_124 : i32
      %add3A_135 = arith.addi %mul3A_118, %select_n3A_134 : i32
      %dma_wait3A_136 = arith.constant 0 : i32
      %dma_wait3A_137 = tpu.memref_slice %arg9[%add3A_135, %dma_wait3A_136] : memref<32x128xi32, #tpu.memory_space<vmem>> -> memref<1x128xi32, #tpu.memory_space<vmem>>
      %dma_wait3A_138 = tpu.memref_squeeze %dma_wait3A_137 : memref<1x128xi32, #tpu.memory_space<vmem>> -> memref<128xi32, #tpu.memory_space<vmem>>
      %dma_wait3A_139 = arith.constant 0 : i32
      %dma_wait3A_140 = arith.constant 0 : i32
      %dma_wait3A_141 = tpu.memref_slice %arg2[%dma_wait3A_139, %dma_wait3A_140] : memref<20480x128xf32, #tpu.memory_space<hbm>> -> memref<20480x128xf32, #tpu.memory_space<hbm>>
      tpu.wait_indirect_dma semaphore(%arg11 : memref<!tpu.dma_semaphore, #tpu.memory_space<semaphore_mem>>) src(%dma_wait3A_141 : memref<20480x128xf32, #tpu.memory_space<hbm>>) dst(%arg7 : memref<128x128xf32, #tpu.memory_space<vmem>>)
      %gt3A = arith.constant 0 : i32
      %gt3A_142 = arith.cmpi sgt, %add3A_84, %gt3A : i32
      %convert_element_type3A = arith.extui %gt3A_142 : i1 to i32
      %cond3A = arith.constant 0 : i32
      %cond3A_143 = arith.cmpi ne, %convert_element_type3A, %cond3A : i32
      scf.if %cond3A_143 {
        %jit3A_532 = arith.constant 16 : i32
        %div3A_533 = arith.divsi %mul3A_86, %jit3A_532 : i32
        %sign3A_534 = arith.constant 0 : i32
        %sign3A_535 = arith.cmpi sgt, %mul3A_86, %sign3A_534 : i32
        %sign3A_536 = arith.extui %sign3A_535 : i1 to i32
        %sign3A_537 = arith.constant 0 : i32
        %sign3A_538 = arith.cmpi slt, %mul3A_86, %sign3A_537 : i32
        %sign3A_539 = arith.extui %sign3A_538 : i1 to i32
        %sign3A_540 = arith.subi %sign3A_536, %sign3A_539 : i32
        %sign3A_541 = arith.constant 0 : i32
        %sign3A_542 = arith.cmpi sgt, %jit3A_532, %sign3A_541 : i32
        %sign3A_543 = arith.extui %sign3A_542 : i1 to i32
        %sign3A_544 = arith.constant 0 : i32
        %sign3A_545 = arith.cmpi slt, %jit3A_532, %sign3A_544 : i32
        %sign3A_546 = arith.extui %sign3A_545 : i1 to i32
        %sign3A_547 = arith.subi %sign3A_543, %sign3A_546 : i32
        %ne3A_548 = arith.cmpi ne, %sign3A_540, %sign3A_547 : i32
        %rem3A_549 = arith.remsi %mul3A_86, %jit3A_532 : i32
        %ne3A_550 = arith.constant 0 : i32
        %ne3A_551 = arith.cmpi ne, %rem3A_549, %ne3A_550 : i32
        %and3A_552 = arith.andi %ne3A_548, %ne3A_551 : i1
        %sub3A_553 = arith.constant 1 : i32
        %sub3A_554 = arith.subi %div3A_533, %sub3A_553 : i32
        %select_n3A_555 = arith.select %and3A_552, %sub3A_554, %div3A_533 : i32
        %jit3A_556 = arith.constant 2 : i32
        %eq3A_557 = arith.constant 0 : i32
        %eq3A_558 = arith.cmpi eq, %jit3A_556, %eq3A_557 : i32
        %jit3A_559 = arith.constant 1 : i32
        %select_n3A_560 = arith.select %eq3A_558, %jit3A_559, %jit3A_556 : i32
        %rem3A_561 = arith.remsi %select_n3A_555, %select_n3A_560 : i32
        %ne3A_562 = arith.constant 0 : i32
        %ne3A_563 = arith.cmpi ne, %rem3A_561, %ne3A_562 : i32
        %lt3A_564 = arith.constant 0 : i32
        %lt3A_565 = arith.cmpi slt, %rem3A_561, %lt3A_564 : i32
        %lt3A_566 = arith.constant 0 : i32
        %lt3A_567 = arith.cmpi slt, %select_n3A_560, %lt3A_566 : i32
        %ne3A_568 = arith.xori %lt3A_565, %lt3A_567 : i1
        %and3A_569 = arith.andi %ne3A_568, %ne3A_563 : i1
        %add3A_570 = arith.addi %rem3A_561, %select_n3A_560 : i32
        %select_n3A_571 = arith.select %and3A_569, %add3A_570, %rem3A_561 : i32
        %mul3A_572 = arith.constant 16 : i32
        %mul3A_573 = arith.muli %select_n3A_571, %mul3A_572 : i32
        %jit3A_574 = arith.constant 16 : i32
        %eq3A_575 = arith.constant 0 : i32
        %eq3A_576 = arith.cmpi eq, %jit3A_574, %eq3A_575 : i32
        %jit3A_577 = arith.constant 1 : i32
        %select_n3A_578 = arith.select %eq3A_576, %jit3A_577, %jit3A_574 : i32
        %rem3A_579 = arith.remsi %mul3A_86, %select_n3A_578 : i32
        %ne3A_580 = arith.constant 0 : i32
        %ne3A_581 = arith.cmpi ne, %rem3A_579, %ne3A_580 : i32
        %lt3A_582 = arith.constant 0 : i32
        %lt3A_583 = arith.cmpi slt, %rem3A_579, %lt3A_582 : i32
        %lt3A_584 = arith.constant 0 : i32
        %lt3A_585 = arith.cmpi slt, %select_n3A_578, %lt3A_584 : i32
        %ne3A_586 = arith.xori %lt3A_583, %lt3A_585 : i1
        %and3A_587 = arith.andi %ne3A_586, %ne3A_581 : i1
        %add3A_588 = arith.addi %rem3A_579, %select_n3A_578 : i32
        %select_n3A_589 = arith.select %and3A_587, %add3A_588, %rem3A_579 : i32
        %add3A_590 = arith.addi %mul3A_573, %select_n3A_589 : i32
        %dma_wait3A_591 = arith.constant 0 : i32
        %dma_wait3A_592 = tpu.memref_slice %arg10[%add3A_590, %dma_wait3A_591] : memref<32x128xi32, #tpu.memory_space<vmem>> -> memref<1x128xi32, #tpu.memory_space<vmem>>
        %dma_wait3A_593 = tpu.memref_squeeze %dma_wait3A_592 : memref<1x128xi32, #tpu.memory_space<vmem>> -> memref<128xi32, #tpu.memory_space<vmem>>
        %dma_wait3A_594 = arith.constant 0 : i32
        %dma_wait3A_595 = arith.constant 0 : i32
        %dma_wait3A_596 = tpu.memref_slice %arg6[%dma_wait3A_594, %dma_wait3A_595] : memref<10240x128xf32, #tpu.memory_space<vmem_shared>> -> memref<10240x128xf32, #tpu.memory_space<vmem_shared>>
        tpu.wait_indirect_dma semaphore(%arg14 : memref<!tpu.dma_semaphore, #tpu.memory_space<semaphore_mem>>) src(%arg8 : memref<128x128xf32, #tpu.memory_space<vmem>>) dst(%dma_wait3A_596 : memref<10240x128xf32, #tpu.memory_space<vmem_shared>>)
      } else {
      }
      %jit3A_144 = arith.constant 16 : i32
      %eq3A_145 = arith.constant 0 : i32
      %eq3A_146 = arith.cmpi eq, %jit3A_144, %eq3A_145 : i32
      %jit3A_147 = arith.constant 1 : i32
      %select_n3A_148 = arith.select %eq3A_146, %jit3A_147, %jit3A_144 : i32
      %rem3A_149 = arith.remsi %mul3A_86, %select_n3A_148 : i32
      %ne3A_150 = arith.constant 0 : i32
      %ne3A_151 = arith.cmpi ne, %rem3A_149, %ne3A_150 : i32
      %lt3A_152 = arith.constant 0 : i32
      %lt3A_153 = arith.cmpi slt, %rem3A_149, %lt3A_152 : i32
      %lt3A_154 = arith.constant 0 : i32
      %lt3A_155 = arith.cmpi slt, %select_n3A_148, %lt3A_154 : i32
      %ne3A_156 = arith.xori %lt3A_153, %lt3A_155 : i1
      %and3A_157 = arith.andi %ne3A_156, %ne3A_151 : i1
      %add3A_158 = arith.addi %rem3A_149, %select_n3A_148 : i32
      %select_n3A_159 = arith.select %and3A_157, %add3A_158, %rem3A_149 : i32
      %eq3A_160 = arith.constant 0 : i32
      %eq3A_161 = arith.cmpi eq, %select_n3A_159, %eq3A_160 : i32
      %lt3A_162 = arith.constant 64 : i32
      %lt3A_163 = arith.cmpi slt, %mul3A_86, %lt3A_162 : i32
      %and3A_164 = arith.andi %eq3A_161, %lt3A_163 : i1
      %convert_element_type3A_165 = arith.extui %and3A_164 : i1 to i32
      %cond3A_166 = arith.constant 0 : i32
      %cond3A_167 = arith.cmpi ne, %convert_element_type3A_165, %cond3A_166 : i32
      scf.if %cond3A_167 {
        %jit3A_532 = arith.constant 16 : i32
        %div3A_533 = arith.divsi %mul3A_86, %jit3A_532 : i32
        %sign3A_534 = arith.constant 0 : i32
        %sign3A_535 = arith.cmpi sgt, %mul3A_86, %sign3A_534 : i32
        %sign3A_536 = arith.extui %sign3A_535 : i1 to i32
        %sign3A_537 = arith.constant 0 : i32
        %sign3A_538 = arith.cmpi slt, %mul3A_86, %sign3A_537 : i32
        %sign3A_539 = arith.extui %sign3A_538 : i1 to i32
        %sign3A_540 = arith.subi %sign3A_536, %sign3A_539 : i32
        %sign3A_541 = arith.constant 0 : i32
        %sign3A_542 = arith.cmpi sgt, %jit3A_532, %sign3A_541 : i32
        %sign3A_543 = arith.extui %sign3A_542 : i1 to i32
        %sign3A_544 = arith.constant 0 : i32
        %sign3A_545 = arith.cmpi slt, %jit3A_532, %sign3A_544 : i32
        %sign3A_546 = arith.extui %sign3A_545 : i1 to i32
        %sign3A_547 = arith.subi %sign3A_543, %sign3A_546 : i32
        %ne3A_548 = arith.cmpi ne, %sign3A_540, %sign3A_547 : i32
        %rem3A_549 = arith.remsi %mul3A_86, %jit3A_532 : i32
        %ne3A_550 = arith.constant 0 : i32
        %ne3A_551 = arith.cmpi ne, %rem3A_549, %ne3A_550 : i32
        %and3A_552 = arith.andi %ne3A_548, %ne3A_551 : i1
        %sub3A_553 = arith.constant 1 : i32
        %sub3A_554 = arith.subi %div3A_533, %sub3A_553 : i32
        %select_n3A_555 = arith.select %and3A_552, %sub3A_554, %div3A_533 : i32
        %add3A_556 = arith.constant 1 : i32
        %add3A_557 = arith.addi %select_n3A_555, %add3A_556 : i32
        %jit3A_558 = arith.constant 2 : i32
        %eq3A_559 = arith.constant 0 : i32
        %eq3A_560 = arith.cmpi eq, %jit3A_558, %eq3A_559 : i32
        %jit3A_561 = arith.constant 1 : i32
        %select_n3A_562 = arith.select %eq3A_560, %jit3A_561, %jit3A_558 : i32
        %rem3A_563 = arith.remsi %add3A_557, %select_n3A_562 : i32
        %ne3A_564 = arith.constant 0 : i32
        %ne3A_565 = arith.cmpi ne, %rem3A_563, %ne3A_564 : i32
        %lt3A_566 = arith.constant 0 : i32
        %lt3A_567 = arith.cmpi slt, %rem3A_563, %lt3A_566 : i32
        %lt3A_568 = arith.constant 0 : i32
        %lt3A_569 = arith.cmpi slt, %select_n3A_562, %lt3A_568 : i32
        %ne3A_570 = arith.xori %lt3A_567, %lt3A_569 : i1
        %and3A_571 = arith.andi %ne3A_570, %ne3A_565 : i1
        %add3A_572 = arith.addi %rem3A_563, %select_n3A_562 : i32
        %select_n3A_573 = arith.select %and3A_571, %add3A_572, %rem3A_563 : i32
        %mul3A_574 = arith.constant 16 : i32
        %mul3A_575 = arith.muli %select_n3A_573, %mul3A_574 : i32
        %multiple_of3A_576 = tpu.assume_multiple %mul3A_575, 16 : i32
        %mul3A_577 = arith.constant 16 : i32
        %mul3A_578 = arith.muli %add3A_557, %mul3A_577 : i32
        %add3A_579 = arith.addi %mul3A_11, %mul3A_578 : i32
        %multiple_of3A_580 = tpu.assume_multiple %add3A_579, 16 : i32
        %dma_start3A_581 = arith.constant 0 : i32
        %dma_start3A_582 = tpu.memref_slice %arg9[%multiple_of3A_576, %dma_start3A_581] : memref<32x128xi32, #tpu.memory_space<vmem>> -> memref<16x128xi32, #tpu.memory_space<vmem>>
        %dma_start3A_583 = arith.constant 0 : i32
        %dma_start3A_584 = tpu.memref_slice %arg3[%multiple_of3A_580, %dma_start3A_583] : memref<1280x128xi32, #tpu.memory_space<hbm>> -> memref<16x128xi32, #tpu.memory_space<hbm>>
        %dma_start3A_585 = arith.constant 0 : i32
        %dma_start3A_586 = tpu.memref_slice %arg9[%multiple_of3A_576, %dma_start3A_585] : memref<32x128xi32, #tpu.memory_space<vmem>> -> memref<16x128xi32, #tpu.memory_space<vmem>>
        %dma_start3A_587 = arith.constant 0 : i32
        %dma_start3A_588 = tpu.memref_slice %arg3[%multiple_of3A_580, %dma_start3A_587] : memref<1280x128xi32, #tpu.memory_space<hbm>> -> memref<16x128xi32, #tpu.memory_space<hbm>>
        tpu.enqueue_dma source(%dma_start3A_588 : memref<16x128xi32, #tpu.memory_space<hbm>>) target(%dma_start3A_586 : memref<16x128xi32, #tpu.memory_space<vmem>>) target_semaphore(%arg15 : memref<!tpu.dma_semaphore, #tpu.memory_space<semaphore_mem>>)
        %dma_start3A_589 = arith.constant 0 : i32
        %dma_start3A_590 = tpu.memref_slice %arg10[%multiple_of3A_576, %dma_start3A_589] : memref<32x128xi32, #tpu.memory_space<vmem>> -> memref<16x128xi32, #tpu.memory_space<vmem>>
        %dma_start3A_591 = arith.constant 0 : i32
        %dma_start3A_592 = tpu.memref_slice %arg4[%multiple_of3A_580, %dma_start3A_591] : memref<1280x128xi32, #tpu.memory_space<hbm>> -> memref<16x128xi32, #tpu.memory_space<hbm>>
        %dma_start3A_593 = arith.constant 0 : i32
        %dma_start3A_594 = tpu.memref_slice %arg10[%multiple_of3A_576, %dma_start3A_593] : memref<32x128xi32, #tpu.memory_space<vmem>> -> memref<16x128xi32, #tpu.memory_space<vmem>>
        %dma_start3A_595 = arith.constant 0 : i32
        %dma_start3A_596 = tpu.memref_slice %arg4[%multiple_of3A_580, %dma_start3A_595] : memref<1280x128xi32, #tpu.memory_space<hbm>> -> memref<16x128xi32, #tpu.memory_space<hbm>>
        tpu.enqueue_dma source(%dma_start3A_596 : memref<16x128xi32, #tpu.memory_space<hbm>>) target(%dma_start3A_594 : memref<16x128xi32, #tpu.memory_space<vmem>>) target_semaphore(%arg15 : memref<!tpu.dma_semaphore, #tpu.memory_space<semaphore_mem>>)
      } else {
      }
      %add3A_168 = arith.constant 1 : i32
      %add3A_169 = arith.addi %mul3A_86, %add3A_168 : i32
      %jit3A_170 = arith.constant 16 : i32
      %div3A_171 = arith.divsi %add3A_169, %jit3A_170 : i32
      %sign3A_172 = arith.constant 0 : i32
      %sign3A_173 = arith.cmpi sgt, %add3A_169, %sign3A_172 : i32
      %sign3A_174 = arith.extui %sign3A_173 : i1 to i32
      %sign3A_175 = arith.constant 0 : i32
      %sign3A_176 = arith.cmpi slt, %add3A_169, %sign3A_175 : i32
      %sign3A_177 = arith.extui %sign3A_176 : i1 to i32
      %sign3A_178 = arith.subi %sign3A_174, %sign3A_177 : i32
      %sign3A_179 = arith.constant 0 : i32
      %sign3A_180 = arith.cmpi sgt, %jit3A_170, %sign3A_179 : i32
      %sign3A_181 = arith.extui %sign3A_180 : i1 to i32
      %sign3A_182 = arith.constant 0 : i32
      %sign3A_183 = arith.cmpi slt, %jit3A_170, %sign3A_182 : i32
      %sign3A_184 = arith.extui %sign3A_183 : i1 to i32
      %sign3A_185 = arith.subi %sign3A_181, %sign3A_184 : i32
      %ne3A_186 = arith.cmpi ne, %sign3A_178, %sign3A_185 : i32
      %rem3A_187 = arith.remsi %add3A_169, %jit3A_170 : i32
      %ne3A_188 = arith.constant 0 : i32
      %ne3A_189 = arith.cmpi ne, %rem3A_187, %ne3A_188 : i32
      %and3A_190 = arith.andi %ne3A_186, %ne3A_189 : i1
      %sub3A_191 = arith.constant 1 : i32
      %sub3A_192 = arith.subi %div3A_171, %sub3A_191 : i32
      %select_n3A_193 = arith.select %and3A_190, %sub3A_192, %div3A_171 : i32
      %jit3A_194 = arith.constant 2 : i32
      %eq3A_195 = arith.constant 0 : i32
      %eq3A_196 = arith.cmpi eq, %jit3A_194, %eq3A_195 : i32
      %jit3A_197 = arith.constant 1 : i32
      %select_n3A_198 = arith.select %eq3A_196, %jit3A_197, %jit3A_194 : i32
      %rem3A_199 = arith.remsi %select_n3A_193, %select_n3A_198 : i32
      %ne3A_200 = arith.constant 0 : i32
      %ne3A_201 = arith.cmpi ne, %rem3A_199, %ne3A_200 : i32
      %lt3A_202 = arith.constant 0 : i32
      %lt3A_203 = arith.cmpi slt, %rem3A_199, %lt3A_202 : i32
      %lt3A_204 = arith.constant 0 : i32
      %lt3A_205 = arith.cmpi slt, %select_n3A_198, %lt3A_204 : i32
      %ne3A_206 = arith.xori %lt3A_203, %lt3A_205 : i1
      %and3A_207 = arith.andi %ne3A_206, %ne3A_201 : i1
      %add3A_208 = arith.addi %rem3A_199, %select_n3A_198 : i32
      %select_n3A_209 = arith.select %and3A_207, %add3A_208, %rem3A_199 : i32
      %mul3A_210 = arith.constant 16 : i32
      %mul3A_211 = arith.muli %select_n3A_209, %mul3A_210 : i32
      %jit3A_212 = arith.constant 16 : i32
      %eq3A_213 = arith.constant 0 : i32
      %eq3A_214 = arith.cmpi eq, %jit3A_212, %eq3A_213 : i32
      %jit3A_215 = arith.constant 1 : i32
      %select_n3A_216 = arith.select %eq3A_214, %jit3A_215, %jit3A_212 : i32
      %rem3A_217 = arith.remsi %add3A_169, %select_n3A_216 : i32
      %ne3A_218 = arith.constant 0 : i32
      %ne3A_219 = arith.cmpi ne, %rem3A_217, %ne3A_218 : i32
      %lt3A_220 = arith.constant 0 : i32
      %lt3A_221 = arith.cmpi slt, %rem3A_217, %lt3A_220 : i32
      %lt3A_222 = arith.constant 0 : i32
      %lt3A_223 = arith.cmpi slt, %select_n3A_216, %lt3A_222 : i32
      %ne3A_224 = arith.xori %lt3A_221, %lt3A_223 : i1
      %and3A_225 = arith.andi %ne3A_224, %ne3A_219 : i1
      %add3A_226 = arith.addi %rem3A_217, %select_n3A_216 : i32
      %select_n3A_227 = arith.select %and3A_225, %add3A_226, %rem3A_217 : i32
      %add3A_228 = arith.addi %mul3A_211, %select_n3A_227 : i32
      %dma_start3A_229 = arith.constant 0 : i32
      %dma_start3A_230 = tpu.memref_slice %arg9[%add3A_228, %dma_start3A_229] : memref<32x128xi32, #tpu.memory_space<vmem>> -> memref<1x128xi32, #tpu.memory_space<vmem>>
      %dma_start3A_231 = tpu.memref_squeeze %dma_start3A_230 : memref<1x128xi32, #tpu.memory_space<vmem>> -> memref<128xi32, #tpu.memory_space<vmem>>
      %dma_start3A_232 = arith.constant 0 : i32
      %dma_start3A_233 = arith.constant 0 : i32
      %dma_start3A_234 = tpu.memref_slice %arg2[%dma_start3A_232, %dma_start3A_233] : memref<20480x128xf32, #tpu.memory_space<hbm>> -> memref<20480x128xf32, #tpu.memory_space<hbm>>
      tpu.enqueue_indirect_dma source(%dma_start3A_234 : memref<20480x128xf32, #tpu.memory_space<hbm>>) target(%arg8 : memref<128x128xf32, #tpu.memory_space<vmem>>) offsets(%dma_start3A_231 : memref<128xi32, #tpu.memory_space<vmem>>) semaphore(%arg12 : memref<!tpu.dma_semaphore, #tpu.memory_space<semaphore_mem>>)
      %jit3A_235 = arith.constant 16 : i32
      %div3A_236 = arith.divsi %mul3A_86, %jit3A_235 : i32
      %sign3A_237 = arith.constant 0 : i32
      %sign3A_238 = arith.cmpi sgt, %mul3A_86, %sign3A_237 : i32
      %sign3A_239 = arith.extui %sign3A_238 : i1 to i32
      %sign3A_240 = arith.constant 0 : i32
      %sign3A_241 = arith.cmpi slt, %mul3A_86, %sign3A_240 : i32
      %sign3A_242 = arith.extui %sign3A_241 : i1 to i32
      %sign3A_243 = arith.subi %sign3A_239, %sign3A_242 : i32
      %sign3A_244 = arith.constant 0 : i32
      %sign3A_245 = arith.cmpi sgt, %jit3A_235, %sign3A_244 : i32
      %sign3A_246 = arith.extui %sign3A_245 : i1 to i32
      %sign3A_247 = arith.constant 0 : i32
      %sign3A_248 = arith.cmpi slt, %jit3A_235, %sign3A_247 : i32
      %sign3A_249 = arith.extui %sign3A_248 : i1 to i32
      %sign3A_250 = arith.subi %sign3A_246, %sign3A_249 : i32
      %ne3A_251 = arith.cmpi ne, %sign3A_243, %sign3A_250 : i32
      %rem3A_252 = arith.remsi %mul3A_86, %jit3A_235 : i32
      %ne3A_253 = arith.constant 0 : i32
      %ne3A_254 = arith.cmpi ne, %rem3A_252, %ne3A_253 : i32
      %and3A_255 = arith.andi %ne3A_251, %ne3A_254 : i1
      %sub3A_256 = arith.constant 1 : i32
      %sub3A_257 = arith.subi %div3A_236, %sub3A_256 : i32
      %select_n3A_258 = arith.select %and3A_255, %sub3A_257, %div3A_236 : i32
      %jit3A_259 = arith.constant 2 : i32
      %eq3A_260 = arith.constant 0 : i32
      %eq3A_261 = arith.cmpi eq, %jit3A_259, %eq3A_260 : i32
      %jit3A_262 = arith.constant 1 : i32
      %select_n3A_263 = arith.select %eq3A_261, %jit3A_262, %jit3A_259 : i32
      %rem3A_264 = arith.remsi %select_n3A_258, %select_n3A_263 : i32
      %ne3A_265 = arith.constant 0 : i32
      %ne3A_266 = arith.cmpi ne, %rem3A_264, %ne3A_265 : i32
      %lt3A_267 = arith.constant 0 : i32
      %lt3A_268 = arith.cmpi slt, %rem3A_264, %lt3A_267 : i32
      %lt3A_269 = arith.constant 0 : i32
      %lt3A_270 = arith.cmpi slt, %select_n3A_263, %lt3A_269 : i32
      %ne3A_271 = arith.xori %lt3A_268, %lt3A_270 : i1
      %and3A_272 = arith.andi %ne3A_271, %ne3A_266 : i1
      %add3A_273 = arith.addi %rem3A_264, %select_n3A_263 : i32
      %select_n3A_274 = arith.select %and3A_272, %add3A_273, %rem3A_264 : i32
      %mul3A_275 = arith.constant 16 : i32
      %mul3A_276 = arith.muli %select_n3A_274, %mul3A_275 : i32
      %jit3A_277 = arith.constant 16 : i32
      %eq3A_278 = arith.constant 0 : i32
      %eq3A_279 = arith.cmpi eq, %jit3A_277, %eq3A_278 : i32
      %jit3A_280 = arith.constant 1 : i32
      %select_n3A_281 = arith.select %eq3A_279, %jit3A_280, %jit3A_277 : i32
      %rem3A_282 = arith.remsi %mul3A_86, %select_n3A_281 : i32
      %ne3A_283 = arith.constant 0 : i32
      %ne3A_284 = arith.cmpi ne, %rem3A_282, %ne3A_283 : i32
      %lt3A_285 = arith.constant 0 : i32
      %lt3A_286 = arith.cmpi slt, %rem3A_282, %lt3A_285 : i32
      %lt3A_287 = arith.constant 0 : i32
      %lt3A_288 = arith.cmpi slt, %select_n3A_281, %lt3A_287 : i32
      %ne3A_289 = arith.xori %lt3A_286, %lt3A_288 : i1
      %and3A_290 = arith.andi %ne3A_289, %ne3A_284 : i1
      %add3A_291 = arith.addi %rem3A_282, %select_n3A_281 : i32
      %select_n3A_292 = arith.select %and3A_290, %add3A_291, %rem3A_282 : i32
      %add3A_293 = arith.addi %mul3A_276, %select_n3A_292 : i32
      %dma_start3A_294 = arith.constant 0 : i32
      %dma_start3A_295 = tpu.memref_slice %arg10[%add3A_293, %dma_start3A_294] : memref<32x128xi32, #tpu.memory_space<vmem>> -> memref<1x128xi32, #tpu.memory_space<vmem>>
      %dma_start3A_296 = tpu.memref_squeeze %dma_start3A_295 : memref<1x128xi32, #tpu.memory_space<vmem>> -> memref<128xi32, #tpu.memory_space<vmem>>
      %dma_start3A_297 = arith.constant 0 : i32
      %dma_start3A_298 = arith.constant 0 : i32
      %dma_start3A_299 = tpu.memref_slice %arg6[%dma_start3A_297, %dma_start3A_298] : memref<10240x128xf32, #tpu.memory_space<vmem_shared>> -> memref<10240x128xf32, #tpu.memory_space<vmem_shared>>
      tpu.enqueue_indirect_dma source(%arg7 : memref<128x128xf32, #tpu.memory_space<vmem>>) target(%dma_start3A_299 : memref<10240x128xf32, #tpu.memory_space<vmem_shared>>) offsets(%dma_start3A_296 : memref<128xi32, #tpu.memory_space<vmem>>) semaphore(%arg13 : memref<!tpu.dma_semaphore, #tpu.memory_space<semaphore_mem>>) {add = true}
      %add3A_300 = arith.constant 1 : i32
      %add3A_301 = arith.addi %mul3A_86, %add3A_300 : i32
      %jit3A_302 = arith.constant 16 : i32
      %div3A_303 = arith.divsi %add3A_301, %jit3A_302 : i32
      %sign3A_304 = arith.constant 0 : i32
      %sign3A_305 = arith.cmpi sgt, %add3A_301, %sign3A_304 : i32
      %sign3A_306 = arith.extui %sign3A_305 : i1 to i32
      %sign3A_307 = arith.constant 0 : i32
      %sign3A_308 = arith.cmpi slt, %add3A_301, %sign3A_307 : i32
      %sign3A_309 = arith.extui %sign3A_308 : i1 to i32
      %sign3A_310 = arith.subi %sign3A_306, %sign3A_309 : i32
      %sign3A_311 = arith.constant 0 : i32
      %sign3A_312 = arith.cmpi sgt, %jit3A_302, %sign3A_311 : i32
      %sign3A_313 = arith.extui %sign3A_312 : i1 to i32
      %sign3A_314 = arith.constant 0 : i32
      %sign3A_315 = arith.cmpi slt, %jit3A_302, %sign3A_314 : i32
      %sign3A_316 = arith.extui %sign3A_315 : i1 to i32
      %sign3A_317 = arith.subi %sign3A_313, %sign3A_316 : i32
      %ne3A_318 = arith.cmpi ne, %sign3A_310, %sign3A_317 : i32
      %rem3A_319 = arith.remsi %add3A_301, %jit3A_302 : i32
      %ne3A_320 = arith.constant 0 : i32
      %ne3A_321 = arith.cmpi ne, %rem3A_319, %ne3A_320 : i32
      %and3A_322 = arith.andi %ne3A_318, %ne3A_321 : i1
      %sub3A_323 = arith.constant 1 : i32
      %sub3A_324 = arith.subi %div3A_303, %sub3A_323 : i32
      %select_n3A_325 = arith.select %and3A_322, %sub3A_324, %div3A_303 : i32
      %jit3A_326 = arith.constant 2 : i32
      %eq3A_327 = arith.constant 0 : i32
      %eq3A_328 = arith.cmpi eq, %jit3A_326, %eq3A_327 : i32
      %jit3A_329 = arith.constant 1 : i32
      %select_n3A_330 = arith.select %eq3A_328, %jit3A_329, %jit3A_326 : i32
      %rem3A_331 = arith.remsi %select_n3A_325, %select_n3A_330 : i32
      %ne3A_332 = arith.constant 0 : i32
      %ne3A_333 = arith.cmpi ne, %rem3A_331, %ne3A_332 : i32
      %lt3A_334 = arith.constant 0 : i32
      %lt3A_335 = arith.cmpi slt, %rem3A_331, %lt3A_334 : i32
      %lt3A_336 = arith.constant 0 : i32
      %lt3A_337 = arith.cmpi slt, %select_n3A_330, %lt3A_336 : i32
      %ne3A_338 = arith.xori %lt3A_335, %lt3A_337 : i1
      %and3A_339 = arith.andi %ne3A_338, %ne3A_333 : i1
      %add3A_340 = arith.addi %rem3A_331, %select_n3A_330 : i32
      %select_n3A_341 = arith.select %and3A_339, %add3A_340, %rem3A_331 : i32
      %mul3A_342 = arith.constant 16 : i32
      %mul3A_343 = arith.muli %select_n3A_341, %mul3A_342 : i32
      %jit3A_344 = arith.constant 16 : i32
      %eq3A_345 = arith.constant 0 : i32
      %eq3A_346 = arith.cmpi eq, %jit3A_344, %eq3A_345 : i32
      %jit3A_347 = arith.constant 1 : i32
      %select_n3A_348 = arith.select %eq3A_346, %jit3A_347, %jit3A_344 : i32
      %rem3A_349 = arith.remsi %add3A_301, %select_n3A_348 : i32
      %ne3A_350 = arith.constant 0 : i32
      %ne3A_351 = arith.cmpi ne, %rem3A_349, %ne3A_350 : i32
      %lt3A_352 = arith.constant 0 : i32
      %lt3A_353 = arith.cmpi slt, %rem3A_349, %lt3A_352 : i32
      %lt3A_354 = arith.constant 0 : i32
      %lt3A_355 = arith.cmpi slt, %select_n3A_348, %lt3A_354 : i32
      %ne3A_356 = arith.xori %lt3A_353, %lt3A_355 : i1
      %and3A_357 = arith.andi %ne3A_356, %ne3A_351 : i1
      %add3A_358 = arith.addi %rem3A_349, %select_n3A_348 : i32
      %select_n3A_359 = arith.select %and3A_357, %add3A_358, %rem3A_349 : i32
      %add3A_360 = arith.addi %mul3A_343, %select_n3A_359 : i32
      %dma_wait3A_361 = arith.constant 0 : i32
      %dma_wait3A_362 = tpu.memref_slice %arg9[%add3A_360, %dma_wait3A_361] : memref<32x128xi32, #tpu.memory_space<vmem>> -> memref<1x128xi32, #tpu.memory_space<vmem>>
      %dma_wait3A_363 = tpu.memref_squeeze %dma_wait3A_362 : memref<1x128xi32, #tpu.memory_space<vmem>> -> memref<128xi32, #tpu.memory_space<vmem>>
      %dma_wait3A_364 = arith.constant 0 : i32
      %dma_wait3A_365 = arith.constant 0 : i32
      %dma_wait3A_366 = tpu.memref_slice %arg2[%dma_wait3A_364, %dma_wait3A_365] : memref<20480x128xf32, #tpu.memory_space<hbm>> -> memref<20480x128xf32, #tpu.memory_space<hbm>>
      tpu.wait_indirect_dma semaphore(%arg12 : memref<!tpu.dma_semaphore, #tpu.memory_space<semaphore_mem>>) src(%dma_wait3A_366 : memref<20480x128xf32, #tpu.memory_space<hbm>>) dst(%arg8 : memref<128x128xf32, #tpu.memory_space<vmem>>)
      %add3A_367 = arith.constant 1 : i32
      %add3A_368 = arith.addi %mul3A_86, %add3A_367 : i32
      %jit3A_369 = arith.constant 16 : i32
      %div3A_370 = arith.divsi %add3A_368, %jit3A_369 : i32
      %sign3A_371 = arith.constant 0 : i32
      %sign3A_372 = arith.cmpi sgt, %add3A_368, %sign3A_371 : i32
      %sign3A_373 = arith.extui %sign3A_372 : i1 to i32
      %sign3A_374 = arith.constant 0 : i32
      %sign3A_375 = arith.cmpi slt, %add3A_368, %sign3A_374 : i32
      %sign3A_376 = arith.extui %sign3A_375 : i1 to i32
      %sign3A_377 = arith.subi %sign3A_373, %sign3A_376 : i32
      %sign3A_378 = arith.constant 0 : i32
      %sign3A_379 = arith.cmpi sgt, %jit3A_369, %sign3A_378 : i32
      %sign3A_380 = arith.extui %sign3A_379 : i1 to i32
      %sign3A_381 = arith.constant 0 : i32
      %sign3A_382 = arith.cmpi slt, %jit3A_369, %sign3A_381 : i32
      %sign3A_383 = arith.extui %sign3A_382 : i1 to i32
      %sign3A_384 = arith.subi %sign3A_380, %sign3A_383 : i32
      %ne3A_385 = arith.cmpi ne, %sign3A_377, %sign3A_384 : i32
      %rem3A_386 = arith.remsi %add3A_368, %jit3A_369 : i32
      %ne3A_387 = arith.constant 0 : i32
      %ne3A_388 = arith.cmpi ne, %rem3A_386, %ne3A_387 : i32
      %and3A_389 = arith.andi %ne3A_385, %ne3A_388 : i1
      %sub3A_390 = arith.constant 1 : i32
      %sub3A_391 = arith.subi %div3A_370, %sub3A_390 : i32
      %select_n3A_392 = arith.select %and3A_389, %sub3A_391, %div3A_370 : i32
      %jit3A_393 = arith.constant 2 : i32
      %eq3A_394 = arith.constant 0 : i32
      %eq3A_395 = arith.cmpi eq, %jit3A_393, %eq3A_394 : i32
      %jit3A_396 = arith.constant 1 : i32
      %select_n3A_397 = arith.select %eq3A_395, %jit3A_396, %jit3A_393 : i32
      %rem3A_398 = arith.remsi %select_n3A_392, %select_n3A_397 : i32
      %ne3A_399 = arith.constant 0 : i32
      %ne3A_400 = arith.cmpi ne, %rem3A_398, %ne3A_399 : i32
      %lt3A_401 = arith.constant 0 : i32
      %lt3A_402 = arith.cmpi slt, %rem3A_398, %lt3A_401 : i32
      %lt3A_403 = arith.constant 0 : i32
      %lt3A_404 = arith.cmpi slt, %select_n3A_397, %lt3A_403 : i32
      %ne3A_405 = arith.xori %lt3A_402, %lt3A_404 : i1
      %and3A_406 = arith.andi %ne3A_405, %ne3A_400 : i1
      %add3A_407 = arith.addi %rem3A_398, %select_n3A_397 : i32
      %select_n3A_408 = arith.select %and3A_406, %add3A_407, %rem3A_398 : i32
      %mul3A_409 = arith.constant 16 : i32
      %mul3A_410 = arith.muli %select_n3A_408, %mul3A_409 : i32
      %jit3A_411 = arith.constant 16 : i32
      %eq3A_412 = arith.constant 0 : i32
      %eq3A_413 = arith.cmpi eq, %jit3A_411, %eq3A_412 : i32
      %jit3A_414 = arith.constant 1 : i32
      %select_n3A_415 = arith.select %eq3A_413, %jit3A_414, %jit3A_411 : i32
      %rem3A_416 = arith.remsi %add3A_368, %select_n3A_415 : i32
      %ne3A_417 = arith.constant 0 : i32
      %ne3A_418 = arith.cmpi ne, %rem3A_416, %ne3A_417 : i32
      %lt3A_419 = arith.constant 0 : i32
      %lt3A_420 = arith.cmpi slt, %rem3A_416, %lt3A_419 : i32
      %lt3A_421 = arith.constant 0 : i32
      %lt3A_422 = arith.cmpi slt, %select_n3A_415, %lt3A_421 : i32
      %ne3A_423 = arith.xori %lt3A_420, %lt3A_422 : i1
      %and3A_424 = arith.andi %ne3A_423, %ne3A_418 : i1
      %add3A_425 = arith.addi %rem3A_416, %select_n3A_415 : i32
      %select_n3A_426 = arith.select %and3A_424, %add3A_425, %rem3A_416 : i32
      %add3A_427 = arith.addi %mul3A_410, %select_n3A_426 : i32
      %dma_start3A_428 = arith.constant 0 : i32
      %dma_start3A_429 = tpu.memref_slice %arg10[%add3A_427, %dma_start3A_428] : memref<32x128xi32, #tpu.memory_space<vmem>> -> memref<1x128xi32, #tpu.memory_space<vmem>>
      %dma_start3A_430 = tpu.memref_squeeze %dma_start3A_429 : memref<1x128xi32, #tpu.memory_space<vmem>> -> memref<128xi32, #tpu.memory_space<vmem>>
      %dma_start3A_431 = arith.constant 0 : i32
      %dma_start3A_432 = arith.constant 0 : i32
      %dma_start3A_433 = tpu.memref_slice %arg6[%dma_start3A_431, %dma_start3A_432] : memref<10240x128xf32, #tpu.memory_space<vmem_shared>> -> memref<10240x128xf32, #tpu.memory_space<vmem_shared>>
      tpu.enqueue_indirect_dma source(%arg8 : memref<128x128xf32, #tpu.memory_space<vmem>>) target(%dma_start3A_433 : memref<10240x128xf32, #tpu.memory_space<vmem_shared>>) offsets(%dma_start3A_430 : memref<128xi32, #tpu.memory_space<vmem>>) semaphore(%arg14 : memref<!tpu.dma_semaphore, #tpu.memory_space<semaphore_mem>>) {add = true}
      %jit3A_434 = arith.constant 16 : i32
      %div3A_435 = arith.divsi %mul3A_86, %jit3A_434 : i32
      %sign3A_436 = arith.constant 0 : i32
      %sign3A_437 = arith.cmpi sgt, %mul3A_86, %sign3A_436 : i32
      %sign3A_438 = arith.extui %sign3A_437 : i1 to i32
      %sign3A_439 = arith.constant 0 : i32
      %sign3A_440 = arith.cmpi slt, %mul3A_86, %sign3A_439 : i32
      %sign3A_441 = arith.extui %sign3A_440 : i1 to i32
      %sign3A_442 = arith.subi %sign3A_438, %sign3A_441 : i32
      %sign3A_443 = arith.constant 0 : i32
      %sign3A_444 = arith.cmpi sgt, %jit3A_434, %sign3A_443 : i32
      %sign3A_445 = arith.extui %sign3A_444 : i1 to i32
      %sign3A_446 = arith.constant 0 : i32
      %sign3A_447 = arith.cmpi slt, %jit3A_434, %sign3A_446 : i32
      %sign3A_448 = arith.extui %sign3A_447 : i1 to i32
      %sign3A_449 = arith.subi %sign3A_445, %sign3A_448 : i32
      %ne3A_450 = arith.cmpi ne, %sign3A_442, %sign3A_449 : i32
      %rem3A_451 = arith.remsi %mul3A_86, %jit3A_434 : i32
      %ne3A_452 = arith.constant 0 : i32
      %ne3A_453 = arith.cmpi ne, %rem3A_451, %ne3A_452 : i32
      %and3A_454 = arith.andi %ne3A_450, %ne3A_453 : i1
      %sub3A_455 = arith.constant 1 : i32
      %sub3A_456 = arith.subi %div3A_435, %sub3A_455 : i32
      %select_n3A_457 = arith.select %and3A_454, %sub3A_456, %div3A_435 : i32
      %jit3A_458 = arith.constant 2 : i32
      %eq3A_459 = arith.constant 0 : i32
      %eq3A_460 = arith.cmpi eq, %jit3A_458, %eq3A_459 : i32
      %jit3A_461 = arith.constant 1 : i32
      %select_n3A_462 = arith.select %eq3A_460, %jit3A_461, %jit3A_458 : i32
      %rem3A_463 = arith.remsi %select_n3A_457, %select_n3A_462 : i32
      %ne3A_464 = arith.constant 0 : i32
      %ne3A_465 = arith.cmpi ne, %rem3A_463, %ne3A_464 : i32
      %lt3A_466 = arith.constant 0 : i32
      %lt3A_467 = arith.cmpi slt, %rem3A_463, %lt3A_466 : i32
      %lt3A_468 = arith.constant 0 : i32
      %lt3A_469 = arith.cmpi slt, %select_n3A_462, %lt3A_468 : i32
      %ne3A_470 = arith.xori %lt3A_467, %lt3A_469 : i1
      %and3A_471 = arith.andi %ne3A_470, %ne3A_465 : i1
      %add3A_472 = arith.addi %rem3A_463, %select_n3A_462 : i32
      %select_n3A_473 = arith.select %and3A_471, %add3A_472, %rem3A_463 : i32
      %mul3A_474 = arith.constant 16 : i32
      %mul3A_475 = arith.muli %select_n3A_473, %mul3A_474 : i32
      %jit3A_476 = arith.constant 16 : i32
      %eq3A_477 = arith.constant 0 : i32
      %eq3A_478 = arith.cmpi eq, %jit3A_476, %eq3A_477 : i32
      %jit3A_479 = arith.constant 1 : i32
      %select_n3A_480 = arith.select %eq3A_478, %jit3A_479, %jit3A_476 : i32
      %rem3A_481 = arith.remsi %mul3A_86, %select_n3A_480 : i32
      %ne3A_482 = arith.constant 0 : i32
      %ne3A_483 = arith.cmpi ne, %rem3A_481, %ne3A_482 : i32
      %lt3A_484 = arith.constant 0 : i32
      %lt3A_485 = arith.cmpi slt, %rem3A_481, %lt3A_484 : i32
      %lt3A_486 = arith.constant 0 : i32
      %lt3A_487 = arith.cmpi slt, %select_n3A_480, %lt3A_486 : i32
      %ne3A_488 = arith.xori %lt3A_485, %lt3A_487 : i1
      %and3A_489 = arith.andi %ne3A_488, %ne3A_483 : i1
      %add3A_490 = arith.addi %rem3A_481, %select_n3A_480 : i32
      %select_n3A_491 = arith.select %and3A_489, %add3A_490, %rem3A_481 : i32
      %add3A_492 = arith.addi %mul3A_475, %select_n3A_491 : i32
      %dma_wait3A_493 = arith.constant 0 : i32
      %dma_wait3A_494 = tpu.memref_slice %arg10[%add3A_492, %dma_wait3A_493] : memref<32x128xi32, #tpu.memory_space<vmem>> -> memref<1x128xi32, #tpu.memory_space<vmem>>
      %dma_wait3A_495 = tpu.memref_squeeze %dma_wait3A_494 : memref<1x128xi32, #tpu.memory_space<vmem>> -> memref<128xi32, #tpu.memory_space<vmem>>
      %dma_wait3A_496 = arith.constant 0 : i32
      %dma_wait3A_497 = arith.constant 0 : i32
      %dma_wait3A_498 = tpu.memref_slice %arg6[%dma_wait3A_496, %dma_wait3A_497] : memref<10240x128xf32, #tpu.memory_space<vmem_shared>> -> memref<10240x128xf32, #tpu.memory_space<vmem_shared>>
      tpu.wait_indirect_dma semaphore(%arg13 : memref<!tpu.dma_semaphore, #tpu.memory_space<semaphore_mem>>) src(%arg7 : memref<128x128xf32, #tpu.memory_space<vmem>>) dst(%dma_wait3A_498 : memref<10240x128xf32, #tpu.memory_space<vmem_shared>>)
      %jit3A_499 = arith.constant 16 : i32
      %eq3A_500 = arith.constant 0 : i32
      %eq3A_501 = arith.cmpi eq, %jit3A_499, %eq3A_500 : i32
      %jit3A_502 = arith.constant 1 : i32
      %select_n3A_503 = arith.select %eq3A_501, %jit3A_502, %jit3A_499 : i32
      %rem3A_504 = arith.remsi %mul3A_86, %select_n3A_503 : i32
      %ne3A_505 = arith.constant 0 : i32
      %ne3A_506 = arith.cmpi ne, %rem3A_504, %ne3A_505 : i32
      %lt3A_507 = arith.constant 0 : i32
      %lt3A_508 = arith.cmpi slt, %rem3A_504, %lt3A_507 : i32
      %lt3A_509 = arith.constant 0 : i32
      %lt3A_510 = arith.cmpi slt, %select_n3A_503, %lt3A_509 : i32
      %ne3A_511 = arith.xori %lt3A_508, %lt3A_510 : i1
      %and3A_512 = arith.andi %ne3A_511, %ne3A_506 : i1
      %add3A_513 = arith.addi %rem3A_504, %select_n3A_503 : i32
      %select_n3A_514 = arith.select %and3A_512, %add3A_513, %rem3A_504 : i32
      %eq3A_515 = arith.constant 14 : i32
      %eq3A_516 = arith.cmpi eq, %select_n3A_514, %eq3A_515 : i32
      %add3A_517 = arith.constant 2 : i32
      %add3A_518 = arith.addi %mul3A_86, %add3A_517 : i32
      %lt3A_519 = arith.constant 80 : i32
      %lt3A_520 = arith.cmpi slt, %add3A_518, %lt3A_519 : i32
      %and3A_521 = arith.andi %eq3A_516, %lt3A_520 : i1
      %convert_element_type3A_522 = arith.extui %and3A_521 : i1 to i32
      %cond3A_523 = arith.constant 0 : i32
      %cond3A_524 = arith.cmpi ne, %convert_element_type3A_522, %cond3A_523 : i32
      scf.if %cond3A_524 {
        %add3A_532 = arith.constant 2 : i32
        %add3A_533 = arith.addi %mul3A_86, %add3A_532 : i32
        %jit3A_534 = arith.constant 16 : i32
        %div3A_535 = arith.divsi %add3A_533, %jit3A_534 : i32
        %sign3A_536 = arith.constant 0 : i32
        %sign3A_537 = arith.cmpi sgt, %add3A_533, %sign3A_536 : i32
        %sign3A_538 = arith.extui %sign3A_537 : i1 to i32
        %sign3A_539 = arith.constant 0 : i32
        %sign3A_540 = arith.cmpi slt, %add3A_533, %sign3A_539 : i32
        %sign3A_541 = arith.extui %sign3A_540 : i1 to i32
        %sign3A_542 = arith.subi %sign3A_538, %sign3A_541 : i32
        %sign3A_543 = arith.constant 0 : i32
        %sign3A_544 = arith.cmpi sgt, %jit3A_534, %sign3A_543 : i32
        %sign3A_545 = arith.extui %sign3A_544 : i1 to i32
        %sign3A_546 = arith.constant 0 : i32
        %sign3A_547 = arith.cmpi slt, %jit3A_534, %sign3A_546 : i32
        %sign3A_548 = arith.extui %sign3A_547 : i1 to i32
        %sign3A_549 = arith.subi %sign3A_545, %sign3A_548 : i32
        %ne3A_550 = arith.cmpi ne, %sign3A_542, %sign3A_549 : i32
        %rem3A_551 = arith.remsi %add3A_533, %jit3A_534 : i32
        %ne3A_552 = arith.constant 0 : i32
        %ne3A_553 = arith.cmpi ne, %rem3A_551, %ne3A_552 : i32
        %and3A_554 = arith.andi %ne3A_550, %ne3A_553 : i1
        %sub3A_555 = arith.constant 1 : i32
        %sub3A_556 = arith.subi %div3A_535, %sub3A_555 : i32
        %select_n3A_557 = arith.select %and3A_554, %sub3A_556, %div3A_535 : i32
        %jit3A_558 = arith.constant 2 : i32
        %eq3A_559 = arith.constant 0 : i32
        %eq3A_560 = arith.cmpi eq, %jit3A_558, %eq3A_559 : i32
        %jit3A_561 = arith.constant 1 : i32
        %select_n3A_562 = arith.select %eq3A_560, %jit3A_561, %jit3A_558 : i32
        %rem3A_563 = arith.remsi %select_n3A_557, %select_n3A_562 : i32
        %ne3A_564 = arith.constant 0 : i32
        %ne3A_565 = arith.cmpi ne, %rem3A_563, %ne3A_564 : i32
        %lt3A_566 = arith.constant 0 : i32
        %lt3A_567 = arith.cmpi slt, %rem3A_563, %lt3A_566 : i32
        %lt3A_568 = arith.constant 0 : i32
        %lt3A_569 = arith.cmpi slt, %select_n3A_562, %lt3A_568 : i32
        %ne3A_570 = arith.xori %lt3A_567, %lt3A_569 : i1
        %and3A_571 = arith.andi %ne3A_570, %ne3A_565 : i1
        %add3A_572 = arith.addi %rem3A_563, %select_n3A_562 : i32
        %select_n3A_573 = arith.select %and3A_571, %add3A_572, %rem3A_563 : i32
        %mul3A_574 = arith.constant 16 : i32
        %mul3A_575 = arith.muli %select_n3A_573, %mul3A_574 : i32
        %multiple_of3A_576 = tpu.assume_multiple %mul3A_575, 16 : i32
        %mul3A_577 = arith.constant 16 : i32
        %mul3A_578 = arith.muli %select_n3A_557, %mul3A_577 : i32
        %add3A_579 = arith.addi %mul3A_11, %mul3A_578 : i32
        %multiple_of3A_580 = tpu.assume_multiple %add3A_579, 16 : i32
        %dma_wait3A_581 = arith.constant 0 : i32
        %dma_wait3A_582 = tpu.memref_slice %arg9[%multiple_of3A_576, %dma_wait3A_581] : memref<32x128xi32, #tpu.memory_space<vmem>> -> memref<16x128xi32, #tpu.memory_space<vmem>>
        %dma_wait3A_583 = arith.constant 0 : i32
        %dma_wait3A_584 = tpu.memref_slice %arg3[%multiple_of3A_580, %dma_wait3A_583] : memref<1280x128xi32, #tpu.memory_space<hbm>> -> memref<16x128xi32, #tpu.memory_space<hbm>>
        %dma_wait3A_585 = arith.constant 0 : i32
        %dma_wait3A_586 = tpu.memref_slice %arg9[%multiple_of3A_576, %dma_wait3A_585] : memref<32x128xi32, #tpu.memory_space<vmem>> -> memref<16x128xi32, #tpu.memory_space<vmem>>
        %dma_wait3A_587 = arith.constant 0 : i32
        %dma_wait3A_588 = tpu.memref_slice %arg3[%multiple_of3A_580, %dma_wait3A_587] : memref<1280x128xi32, #tpu.memory_space<hbm>> -> memref<16x128xi32, #tpu.memory_space<hbm>>
        tpu.wait_dma2 semaphore(%arg15 : memref<!tpu.dma_semaphore, #tpu.memory_space<semaphore_mem>>) src(%dma_wait3A_588 : memref<16x128xi32, #tpu.memory_space<hbm>>) dst(%dma_wait3A_586 : memref<16x128xi32, #tpu.memory_space<vmem>>)
        %dma_wait3A_589 = arith.constant 0 : i32
        %dma_wait3A_590 = tpu.memref_slice %arg10[%multiple_of3A_576, %dma_wait3A_589] : memref<32x128xi32, #tpu.memory_space<vmem>> -> memref<16x128xi32, #tpu.memory_space<vmem>>
        %dma_wait3A_591 = arith.constant 0 : i32
        %dma_wait3A_592 = tpu.memref_slice %arg4[%multiple_of3A_580, %dma_wait3A_591] : memref<1280x128xi32, #tpu.memory_space<hbm>> -> memref<16x128xi32, #tpu.memory_space<hbm>>
        %dma_wait3A_593 = arith.constant 0 : i32
        %dma_wait3A_594 = tpu.memref_slice %arg10[%multiple_of3A_576, %dma_wait3A_593] : memref<32x128xi32, #tpu.memory_space<vmem>> -> memref<16x128xi32, #tpu.memory_space<vmem>>
        %dma_wait3A_595 = arith.constant 0 : i32
        %dma_wait3A_596 = tpu.memref_slice %arg4[%multiple_of3A_580, %dma_wait3A_595] : memref<1280x128xi32, #tpu.memory_space<hbm>> -> memref<16x128xi32, #tpu.memory_space<hbm>>
        tpu.wait_dma2 semaphore(%arg15 : memref<!tpu.dma_semaphore, #tpu.memory_space<semaphore_mem>>) src(%dma_wait3A_596 : memref<16x128xi32, #tpu.memory_space<hbm>>) dst(%dma_wait3A_594 : memref<16x128xi32, #tpu.memory_space<vmem>>)
        %jit3A_597 = arith.constant 2 : i32
        %eq3A_598 = arith.constant 0 : i32
        %eq3A_599 = arith.cmpi eq, %jit3A_597, %eq3A_598 : i32
        %jit3A_600 = arith.constant 1 : i32
        %select_n3A_601 = arith.select %eq3A_599, %jit3A_600, %jit3A_597 : i32
        %rem3A_602 = arith.remsi %select_n3A_557, %select_n3A_601 : i32
        %ne3A_603 = arith.constant 0 : i32
        %ne3A_604 = arith.cmpi ne, %rem3A_602, %ne3A_603 : i32
        %lt3A_605 = arith.constant 0 : i32
        %lt3A_606 = arith.cmpi slt, %rem3A_602, %lt3A_605 : i32
        %lt3A_607 = arith.constant 0 : i32
        %lt3A_608 = arith.cmpi slt, %select_n3A_601, %lt3A_607 : i32
        %ne3A_609 = arith.xori %lt3A_606, %lt3A_608 : i1
        %and3A_610 = arith.andi %ne3A_609, %ne3A_604 : i1
        %add3A_611 = arith.addi %rem3A_602, %select_n3A_601 : i32
        %select_n3A_612 = arith.select %and3A_610, %add3A_611, %rem3A_602 : i32
        %mul3A_613 = arith.constant 16 : i32
        %mul3A_614 = arith.muli %select_n3A_612, %mul3A_613 : i32
        %scan3A_615 = arith.constant 0 : i32
        %scan3A_616 = arith.constant 16 : i32
        %scan3A_617 = arith.addi %scan3A_615, %scan3A_616 : i32
        %scan3A_618 = arith.constant 1 : i32
        scf.for %scan3A_620 = %scan3A_615 to %scan3A_617 step %scan3A_618  : i32 {
          %mul3A_621 = arith.constant 1 : i32
          %mul3A_622 = arith.muli %scan3A_620, %mul3A_621 : i32
          %add3A_623 = arith.constant 0 : i32
          %add3A_624 = arith.addi %add3A_623, %mul3A_622 : i32
          %add3A_625 = arith.addi %mul3A_614, %add3A_624 : i32
          %get3A = arith.index_cast %add3A_625 : i32 to index
          %get3A_626 = arith.constant 0 : index
          %get3A_627 = tpu.vector_load %arg9[%get3A, %get3A_626] {strides = array<i32>} : memref<32x128xi32, #tpu.memory_space<vmem>>, vector<1x16xi32>,
          %get3A_628 = vector.shape_cast %get3A_627 : vector<1x16xi32> to vector<16xi32>
          %add3A_629 = vector.broadcast %mul3A_13 : i32 to vector<16xi32>
          %add3A_630 = arith.addi %get3A_628, %add3A_629 : vector<16xi32>
          %add3A_631 = arith.addi %mul3A_614, %add3A_624 : i32
          %swap3A = arith.index_cast %add3A_631 : i32 to index
          %swap3A_632 = arith.constant 0 : index
          %swap3A_633 = tpu.vector_load %arg9[%swap3A, %swap3A_632] {strides = array<i32>} : memref<32x128xi32, #tpu.memory_space<vmem>>, vector<1x16xi32>,
          %swap3A_634 = vector.shape_cast %swap3A_633 : vector<1x16xi32> to vector<16xi32>
          %swap3A_635 = vector.shape_cast %add3A_630 : vector<16xi32> to vector<1x16xi32>
          tpu.vector_store %arg9[%swap3A, %swap3A_632], %swap3A_635 {strides = array<i32>} : memref<32x128xi32, #tpu.memory_space<vmem>>, vector<1x16xi32>,
          %add3A_636 = arith.addi %mul3A_614, %add3A_624 : i32
          %get3A_637 = arith.index_cast %add3A_636 : i32 to index
          %get3A_638 = arith.constant 16 : index
          %get3A_639 = tpu.vector_load %arg9[%get3A_637, %get3A_638] {strides = array<i32>} : memref<32x128xi32, #tpu.memory_space<vmem>>, vector<1x16xi32>,
          %get3A_640 = vector.shape_cast %get3A_639 : vector<1x16xi32> to vector<16xi32>
          %add3A_641 = vector.broadcast %mul3A_13 : i32 to vector<16xi32>
          %add3A_642 = arith.addi %get3A_640, %add3A_641 : vector<16xi32>
          %add3A_643 = arith.addi %mul3A_614, %add3A_624 : i32
          %swap3A_644 = arith.index_cast %add3A_643 : i32 to index
          %swap3A_645 = arith.constant 16 : index
          %swap3A_646 = tpu.vector_load %arg9[%swap3A_644, %swap3A_645] {strides = array<i32>} : memref<32x128xi32, #tpu.memory_space<vmem>>, vector<1x16xi32>,
          %swap3A_647 = vector.shape_cast %swap3A_646 : vector<1x16xi32> to vector<16xi32>
          %swap3A_648 = vector.shape_cast %add3A_642 : vector<16xi32> to vector<1x16xi32>
          tpu.vector_store %arg9[%swap3A_644, %swap3A_645], %swap3A_648 {strides = array<i32>} : memref<32x128xi32, #tpu.memory_space<vmem>>, vector<1x16xi32>,
          %add3A_649 = arith.addi %mul3A_614, %add3A_624 : i32
          %get3A_650 = arith.index_cast %add3A_649 : i32 to index
          %get3A_651 = arith.constant 32 : index
          %get3A_652 = tpu.vector_load %arg9[%get3A_650, %get3A_651] {strides = array<i32>} : memref<32x128xi32, #tpu.memory_space<vmem>>, vector<1x16xi32>,
          %get3A_653 = vector.shape_cast %get3A_652 : vector<1x16xi32> to vector<16xi32>
          %add3A_654 = vector.broadcast %mul3A_13 : i32 to vector<16xi32>
          %add3A_655 = arith.addi %get3A_653, %add3A_654 : vector<16xi32>
          %add3A_656 = arith.addi %mul3A_614, %add3A_624 : i32
          %swap3A_657 = arith.index_cast %add3A_656 : i32 to index
          %swap3A_658 = arith.constant 32 : index
          %swap3A_659 = tpu.vector_load %arg9[%swap3A_657, %swap3A_658] {strides = array<i32>} : memref<32x128xi32, #tpu.memory_space<vmem>>, vector<1x16xi32>,
          %swap3A_660 = vector.shape_cast %swap3A_659 : vector<1x16xi32> to vector<16xi32>
          %swap3A_661 = vector.shape_cast %add3A_655 : vector<16xi32> to vector<1x16xi32>
          tpu.vector_store %arg9[%swap3A_657, %swap3A_658], %swap3A_661 {strides = array<i32>} : memref<32x128xi32, #tpu.memory_space<vmem>>, vector<1x16xi32>,
          %add3A_662 = arith.addi %mul3A_614, %add3A_624 : i32
          %get3A_663 = arith.index_cast %add3A_662 : i32 to index
          %get3A_664 = arith.constant 48 : index
          %get3A_665 = tpu.vector_load %arg9[%get3A_663, %get3A_664] {strides = array<i32>} : memref<32x128xi32, #tpu.memory_space<vmem>>, vector<1x16xi32>,
          %get3A_666 = vector.shape_cast %get3A_665 : vector<1x16xi32> to vector<16xi32>
          %add3A_667 = vector.broadcast %mul3A_13 : i32 to vector<16xi32>
          %add3A_668 = arith.addi %get3A_666, %add3A_667 : vector<16xi32>
          %add3A_669 = arith.addi %mul3A_614, %add3A_624 : i32
          %swap3A_670 = arith.index_cast %add3A_669 : i32 to index
          %swap3A_671 = arith.constant 48 : index
          %swap3A_672 = tpu.vector_load %arg9[%swap3A_670, %swap3A_671] {strides = array<i32>} : memref<32x128xi32, #tpu.memory_space<vmem>>, vector<1x16xi32>,
          %swap3A_673 = vector.shape_cast %swap3A_672 : vector<1x16xi32> to vector<16xi32>
          %swap3A_674 = vector.shape_cast %add3A_668 : vector<16xi32> to vector<1x16xi32>
          tpu.vector_store %arg9[%swap3A_670, %swap3A_671], %swap3A_674 {strides = array<i32>} : memref<32x128xi32, #tpu.memory_space<vmem>>, vector<1x16xi32>,
          %add3A_675 = arith.addi %mul3A_614, %add3A_624 : i32
          %get3A_676 = arith.index_cast %add3A_675 : i32 to index
          %get3A_677 = arith.constant 64 : index
          %get3A_678 = tpu.vector_load %arg9[%get3A_676, %get3A_677] {strides = array<i32>} : memref<32x128xi32, #tpu.memory_space<vmem>>, vector<1x16xi32>,
          %get3A_679 = vector.shape_cast %get3A_678 : vector<1x16xi32> to vector<16xi32>
          %add3A_680 = vector.broadcast %mul3A_13 : i32 to vector<16xi32>
          %add3A_681 = arith.addi %get3A_679, %add3A_680 : vector<16xi32>
          %add3A_682 = arith.addi %mul3A_614, %add3A_624 : i32
          %swap3A_683 = arith.index_cast %add3A_682 : i32 to index
          %swap3A_684 = arith.constant 64 : index
          %swap3A_685 = tpu.vector_load %arg9[%swap3A_683, %swap3A_684] {strides = array<i32>} : memref<32x128xi32, #tpu.memory_space<vmem>>, vector<1x16xi32>,
          %swap3A_686 = vector.shape_cast %swap3A_685 : vector<1x16xi32> to vector<16xi32>
          %swap3A_687 = vector.shape_cast %add3A_681 : vector<16xi32> to vector<1x16xi32>
          tpu.vector_store %arg9[%swap3A_683, %swap3A_684], %swap3A_687 {strides = array<i32>} : memref<32x128xi32, #tpu.memory_space<vmem>>, vector<1x16xi32>,
          %add3A_688 = arith.addi %mul3A_614, %add3A_624 : i32
          %get3A_689 = arith.index_cast %add3A_688 : i32 to index
          %get3A_690 = arith.constant 80 : index
          %get3A_691 = tpu.vector_load %arg9[%get3A_689, %get3A_690] {strides = array<i32>} : memref<32x128xi32, #tpu.memory_space<vmem>>, vector<1x16xi32>,
          %get3A_692 = vector.shape_cast %get3A_691 : vector<1x16xi32> to vector<16xi32>
          %add3A_693 = vector.broadcast %mul3A_13 : i32 to vector<16xi32>
          %add3A_694 = arith.addi %get3A_692, %add3A_693 : vector<16xi32>
          %add3A_695 = arith.addi %mul3A_614, %add3A_624 : i32
          %swap3A_696 = arith.index_cast %add3A_695 : i32 to index
          %swap3A_697 = arith.constant 80 : index
          %swap3A_698 = tpu.vector_load %arg9[%swap3A_696, %swap3A_697] {strides = array<i32>} : memref<32x128xi32, #tpu.memory_space<vmem>>, vector<1x16xi32>,
          %swap3A_699 = vector.shape_cast %swap3A_698 : vector<1x16xi32> to vector<16xi32>
          %swap3A_700 = vector.shape_cast %add3A_694 : vector<16xi32> to vector<1x16xi32>
          tpu.vector_store %arg9[%swap3A_696, %swap3A_697], %swap3A_700 {strides = array<i32>} : memref<32x128xi32, #tpu.memory_space<vmem>>, vector<1x16xi32>,
          %add3A_701 = arith.addi %mul3A_614, %add3A_624 : i32
          %get3A_702 = arith.index_cast %add3A_701 : i32 to index
          %get3A_703 = arith.constant 96 : index
          %get3A_704 = tpu.vector_load %arg9[%get3A_702, %get3A_703] {strides = array<i32>} : memref<32x128xi32, #tpu.memory_space<vmem>>, vector<1x16xi32>,
          %get3A_705 = vector.shape_cast %get3A_704 : vector<1x16xi32> to vector<16xi32>
          %add3A_706 = vector.broadcast %mul3A_13 : i32 to vector<16xi32>
          %add3A_707 = arith.addi %get3A_705, %add3A_706 : vector<16xi32>
          %add3A_708 = arith.addi %mul3A_614, %add3A_624 : i32
          %swap3A_709 = arith.index_cast %add3A_708 : i32 to index
          %swap3A_710 = arith.constant 96 : index
          %swap3A_711 = tpu.vector_load %arg9[%swap3A_709, %swap3A_710] {strides = array<i32>} : memref<32x128xi32, #tpu.memory_space<vmem>>, vector<1x16xi32>,
          %swap3A_712 = vector.shape_cast %swap3A_711 : vector<1x16xi32> to vector<16xi32>
          %swap3A_713 = vector.shape_cast %add3A_707 : vector<16xi32> to vector<1x16xi32>
          tpu.vector_store %arg9[%swap3A_709, %swap3A_710], %swap3A_713 {strides = array<i32>} : memref<32x128xi32, #tpu.memory_space<vmem>>, vector<1x16xi32>,
          %add3A_714 = arith.addi %mul3A_614, %add3A_624 : i32
          %get3A_715 = arith.index_cast %add3A_714 : i32 to index
          %get3A_716 = arith.constant 112 : index
          %get3A_717 = tpu.vector_load %arg9[%get3A_715, %get3A_716] {strides = array<i32>} : memref<32x128xi32, #tpu.memory_space<vmem>>, vector<1x16xi32>,
          %get3A_718 = vector.shape_cast %get3A_717 : vector<1x16xi32> to vector<16xi32>
          %add3A_719 = vector.broadcast %mul3A_13 : i32 to vector<16xi32>
          %add3A_720 = arith.addi %get3A_718, %add3A_719 : vector<16xi32>
          %add3A_721 = arith.addi %mul3A_614, %add3A_624 : i32
          %swap3A_722 = arith.index_cast %add3A_721 : i32 to index
          %swap3A_723 = arith.constant 112 : index
          %swap3A_724 = tpu.vector_load %arg9[%swap3A_722, %swap3A_723] {strides = array<i32>} : memref<32x128xi32, #tpu.memory_space<vmem>>, vector<1x16xi32>,
          %swap3A_725 = vector.shape_cast %swap3A_724 : vector<1x16xi32> to vector<16xi32>
          %swap3A_726 = vector.shape_cast %add3A_720 : vector<16xi32> to vector<1x16xi32>
          tpu.vector_store %arg9[%swap3A_722, %swap3A_723], %swap3A_726 {strides = array<i32>} : memref<32x128xi32, #tpu.memory_space<vmem>>, vector<1x16xi32>,
        }
        %scan3A_619 = arith.constant 16 : i32
      } else {
      }
      %add3A_525 = arith.constant 2 : i32
      %add3A_526 = arith.addi %mul3A_86, %add3A_525 : i32
      %lt3A_527 = arith.constant 80 : i32
      %lt3A_528 = arith.cmpi slt, %add3A_526, %lt3A_527 : i32
      %convert_element_type3A_529 = arith.extui %lt3A_528 : i1 to i32
      %cond3A_530 = arith.constant 0 : i32
      %cond3A_531 = arith.cmpi ne, %convert_element_type3A_529, %cond3A_530 : i32
      scf.if %cond3A_531 {
        %add3A_532 = arith.constant 2 : i32
        %add3A_533 = arith.addi %mul3A_86, %add3A_532 : i32
        %jit3A_534 = arith.constant 16 : i32
        %div3A_535 = arith.divsi %add3A_533, %jit3A_534 : i32
        %sign3A_536 = arith.constant 0 : i32
        %sign3A_537 = arith.cmpi sgt, %add3A_533, %sign3A_536 : i32
        %sign3A_538 = arith.extui %sign3A_537 : i1 to i32
        %sign3A_539 = arith.constant 0 : i32
        %sign3A_540 = arith.cmpi slt, %add3A_533, %sign3A_539 : i32
        %sign3A_541 = arith.extui %sign3A_540 : i1 to i32
        %sign3A_542 = arith.subi %sign3A_538, %sign3A_541 : i32
        %sign3A_543 = arith.constant 0 : i32
        %sign3A_544 = arith.cmpi sgt, %jit3A_534, %sign3A_543 : i32
        %sign3A_545 = arith.extui %sign3A_544 : i1 to i32
        %sign3A_546 = arith.constant 0 : i32
        %sign3A_547 = arith.cmpi slt, %jit3A_534, %sign3A_546 : i32
        %sign3A_548 = arith.extui %sign3A_547 : i1 to i32
        %sign3A_549 = arith.subi %sign3A_545, %sign3A_548 : i32
        %ne3A_550 = arith.cmpi ne, %sign3A_542, %sign3A_549 : i32
        %rem3A_551 = arith.remsi %add3A_533, %jit3A_534 : i32
        %ne3A_552 = arith.constant 0 : i32
        %ne3A_553 = arith.cmpi ne, %rem3A_551, %ne3A_552 : i32
        %and3A_554 = arith.andi %ne3A_550, %ne3A_553 : i1
        %sub3A_555 = arith.constant 1 : i32
        %sub3A_556 = arith.subi %div3A_535, %sub3A_555 : i32
        %select_n3A_557 = arith.select %and3A_554, %sub3A_556, %div3A_535 : i32
        %jit3A_558 = arith.constant 2 : i32
        %eq3A_559 = arith.constant 0 : i32
        %eq3A_560 = arith.cmpi eq, %jit3A_558, %eq3A_559 : i32
        %jit3A_561 = arith.constant 1 : i32
        %select_n3A_562 = arith.select %eq3A_560, %jit3A_561, %jit3A_558 : i32
        %rem3A_563 = arith.remsi %select_n3A_557, %select_n3A_562 : i32
        %ne3A_564 = arith.constant 0 : i32
        %ne3A_565 = arith.cmpi ne, %rem3A_563, %ne3A_564 : i32
        %lt3A_566 = arith.constant 0 : i32
        %lt3A_567 = arith.cmpi slt, %rem3A_563, %lt3A_566 : i32
        %lt3A_568 = arith.constant 0 : i32
        %lt3A_569 = arith.cmpi slt, %select_n3A_562, %lt3A_568 : i32
        %ne3A_570 = arith.xori %lt3A_567, %lt3A_569 : i1
        %and3A_571 = arith.andi %ne3A_570, %ne3A_565 : i1
        %add3A_572 = arith.addi %rem3A_563, %select_n3A_562 : i32
        %select_n3A_573 = arith.select %and3A_571, %add3A_572, %rem3A_563 : i32
        %mul3A_574 = arith.constant 16 : i32
        %mul3A_575 = arith.muli %select_n3A_573, %mul3A_574 : i32
        %jit3A_576 = arith.constant 16 : i32
        %eq3A_577 = arith.constant 0 : i32
        %eq3A_578 = arith.cmpi eq, %jit3A_576, %eq3A_577 : i32
        %jit3A_579 = arith.constant 1 : i32
        %select_n3A_580 = arith.select %eq3A_578, %jit3A_579, %jit3A_576 : i32
        %rem3A_581 = arith.remsi %add3A_533, %select_n3A_580 : i32
        %ne3A_582 = arith.constant 0 : i32
        %ne3A_583 = arith.cmpi ne, %rem3A_581, %ne3A_582 : i32
        %lt3A_584 = arith.constant 0 : i32
        %lt3A_585 = arith.cmpi slt, %rem3A_581, %lt3A_584 : i32
        %lt3A_586 = arith.constant 0 : i32
        %lt3A_587 = arith.cmpi slt, %select_n3A_580, %lt3A_586 : i32
        %ne3A_588 = arith.xori %lt3A_585, %lt3A_587 : i1
        %and3A_589 = arith.andi %ne3A_588, %ne3A_583 : i1
        %add3A_590 = arith.addi %rem3A_581, %select_n3A_580 : i32
        %select_n3A_591 = arith.select %and3A_589, %add3A_590, %rem3A_581 : i32
        %add3A_592 = arith.addi %mul3A_575, %select_n3A_591 : i32
        %dma_start3A_593 = arith.constant 0 : i32
        %dma_start3A_594 = tpu.memref_slice %arg9[%add3A_592, %dma_start3A_593] : memref<32x128xi32, #tpu.memory_space<vmem>> -> memref<1x128xi32, #tpu.memory_space<vmem>>
        %dma_start3A_595 = tpu.memref_squeeze %dma_start3A_594 : memref<1x128xi32, #tpu.memory_space<vmem>> -> memref<128xi32, #tpu.memory_space<vmem>>
        %dma_start3A_596 = arith.constant 0 : i32
        %dma_start3A_597 = arith.constant 0 : i32
        %dma_start3A_598 = tpu.memref_slice %arg2[%dma_start3A_596, %dma_start3A_597] : memref<20480x128xf32, #tpu.memory_space<hbm>> -> memref<20480x128xf32, #tpu.memory_space<hbm>>
        tpu.enqueue_indirect_dma source(%dma_start3A_598 : memref<20480x128xf32, #tpu.memory_space<hbm>>) target(%arg7 : memref<128x128xf32, #tpu.memory_space<vmem>>) offsets(%dma_start3A_595 : memref<128xi32, #tpu.memory_space<vmem>>) semaphore(%arg11 : memref<!tpu.dma_semaphore, #tpu.memory_space<semaphore_mem>>)
      } else {
      }
    }
    %scan3A_68 = arith.constant 40 : i32
    %dma_wait3A_69 = arith.constant 15 : i32
    %dma_wait3A_70 = arith.constant 0 : i32
    %dma_wait3A_71 = tpu.memref_slice %arg10[%dma_wait3A_69, %dma_wait3A_70] : memref<32x128xi32, #tpu.memory_space<vmem>> -> memref<1x128xi32, #tpu.memory_space<vmem>>
    %dma_wait3A_72 = tpu.memref_squeeze %dma_wait3A_71 : memref<1x128xi32, #tpu.memory_space<vmem>> -> memref<128xi32, #tpu.memory_space<vmem>>
    %dma_wait3A_73 = arith.constant 0 : i32
    %dma_wait3A_74 = arith.constant 0 : i32
    %dma_wait3A_75 = tpu.memref_slice %arg6[%dma_wait3A_73, %dma_wait3A_74] : memref<10240x128xf32, #tpu.memory_space<vmem_shared>> -> memref<10240x128xf32, #tpu.memory_space<vmem_shared>>
    tpu.wait_indirect_dma semaphore(%arg14 : memref<!tpu.dma_semaphore, #tpu.memory_space<semaphore_mem>>) src(%arg8 : memref<128x128xf32, #tpu.memory_space<vmem>>) dst(%dma_wait3A_75 : memref<10240x128xf32, #tpu.memory_space<vmem_shared>>)
    %barrier3A_76 = arith.constant 0 : index
    tpu.barrier barrier_id(%barrier3A_76)
    %mul3A_77 = arith.constant 10240 : i32
    %mul3A_78 = arith.muli %arg0, %mul3A_77 : i32
    %add3A_79 = arith.addi %mul3A_78, %mul3A_4 : i32
    "tpu.region"() ({
      %run_scoped3A = tpu.sem_alloc : memref<!tpu.dma_semaphore, #tpu.memory_space<semaphore_mem>>
      %dma_start3A_80 = arith.constant 0 : i32
      %dma_start3A_81 = tpu.memref_slice %arg5[%add3A_79, %dma_start3A_80] : memref<20480x128xf32, #tpu.memory_space<hbm>> -> memref<640x128xf32, #tpu.memory_space<hbm>>
      %dma_start3A_82 = arith.constant 0 : i32
      %dma_start3A_83 = tpu.memref_slice %arg6[%mul3A_4, %dma_start3A_82] : memref<10240x128xf32, #tpu.memory_space<vmem_shared>> -> memref<640x128xf32, #tpu.memory_space<vmem_shared>>
      tpu.enqueue_dma source(%dma_start3A_83 : memref<640x128xf32, #tpu.memory_space<vmem_shared>>) target(%dma_start3A_81 : memref<640x128xf32, #tpu.memory_space<hbm>>) target_semaphore(%run_scoped3A : memref<!tpu.dma_semaphore, #tpu.memory_space<semaphore_mem>>)
      %dma_wait3A_84 = arith.constant 0 : i32
      %dma_wait3A_85 = tpu.memref_slice %arg5[%add3A_79, %dma_wait3A_84] : memref<20480x128xf32, #tpu.memory_space<hbm>> -> memref<640x128xf32, #tpu.memory_space<hbm>>
      %dma_wait3A_86 = arith.constant 0 : i32
      %dma_wait3A_87 = tpu.memref_slice %arg6[%mul3A_4, %dma_wait3A_86] : memref<10240x128xf32, #tpu.memory_space<vmem_shared>> -> memref<640x128xf32, #tpu.memory_space<vmem_shared>>
      tpu.wait_dma2 semaphore(%run_scoped3A : memref<!tpu.dma_semaphore, #tpu.memory_space<semaphore_mem>>) src(%dma_wait3A_87 : memref<640x128xf32, #tpu.memory_space<vmem_shared>>) dst(%dma_wait3A_85 : memref<640x128xf32, #tpu.memory_space<hbm>>)
      tpu.yield
    }) : () -> ()
    return
  }
}

module attributes {stable_mosaic.version = 14 : i64} {
  func.func @_mm1_body(%arg0: i32, %arg1: memref<2048x256xf32, #tpu.memory_space<vmem>>, %arg2: memref<256x256xf32, #tpu.memory_space<vmem>>, %arg3: memref<2048x1xf32, #tpu.memory_space<vmem>>, %arg4: memref<2048x1xf32, #tpu.memory_space<vmem>>, %arg5: memref<2x2048x128xf32, #tpu.memory_space<vmem>>, %arg6: memref<2048x1xf32, #tpu.memory_space<vmem>>) attributes {dimension_semantics = [#tpu.dimension_semantics<arbitrary>], iteration_bounds = array<i64: 5>, scalar_prefetch = 0 : i64, scratch_operands = 0 : i64, tpu.core_type = #tpu.core_type<tc>, window_params = [{transform_indices = @transform_0, window_bounds = array<i64: 2048, 256>}, {pipeline_mode = #tpu.pipeline_mode<synchronous>, transform_indices = @transform_1, window_bounds = array<i64: 256, 256>}, {transform_indices = @transform_2, window_bounds = array<i64: 2048, 1>}, {transform_indices = @transform_3, window_bounds = array<i64: 2048, 1>}, {transform_indices = @transform_4, window_bounds = array<i64: 2, 2048, 128>}, {transform_indices = @transform_5, window_bounds = array<i64: 2048, 1>}]} {
    %get3A = arith.constant 0 : index
    %get3A_0 = arith.constant 0 : index
    %get3A_1 = vector.load %arg1[%get3A, %get3A_0] : memref<2048x256xf32, #tpu.memory_space<vmem>>, vector<2048x256xf32>
    %get3A_2 = arith.constant 0 : index
    %get3A_3 = arith.constant 0 : index
    %get3A_4 = vector.load %arg2[%get3A_2, %get3A_3] : memref<256x256xf32, #tpu.memory_space<vmem>>, vector<256x256xf32>
    %dot_general3A = arith.constant dense<0.000000e+00> : vector<2048x256xf32>
    %dot_general3A_5 = tpu.matmul %get3A_1, %get3A_4, %dot_general3A {dimension_numbers = #tpu.dot_dimension_numbers<[1], [0], [0], [1], [0, 0, 1, 1], [], []>, transpose_lhs_hint = false} : vector<2048x256xf32>, vector<256x256xf32>, vector<2048x256xf32> -> vector<2048x256xf32>
    %get3A_6 = arith.constant 0 : index
    %get3A_7 = arith.constant 0 : index
    %get3A_8 = vector.load %arg3[%get3A_6, %get3A_7] : memref<2048x1xf32, #tpu.memory_space<vmem>>, vector<2048x1xf32>
    %get3A_9 = arith.constant 0 : index
    %get3A_10 = arith.constant 0 : index
    %get3A_11 = vector.load %arg4[%get3A_9, %get3A_10] : memref<2048x1xf32, #tpu.memory_space<vmem>>, vector<2048x1xf32>
    %add3A = arith.addf %get3A_8, %get3A_11 : vector<2048x1xf32>
    %add3A_12 = arith.constant 1.000000e+00 : f32
    %add3A_13 = vector.broadcast %add3A_12 : f32 to vector<2048x1xf32>
    %add3A_14 = arith.addf %add3A, %add3A_13 : vector<2048x1xf32>
    %rsqrt3A = math.rsqrt %add3A_14 : vector<2048x1xf32>
    %swap3A = arith.constant 0 : index
    %swap3A_15 = arith.constant 0 : index
    %swap3A_16 = vector.load %arg6[%swap3A, %swap3A_15] : memref<2048x1xf32, #tpu.memory_space<vmem>>, vector<2048x1xf32>
    tpu.vector_store %arg6[%swap3A, %swap3A_15], %rsqrt3A {strides = array<i32>} : memref<2048x1xf32, #tpu.memory_space<vmem>>, vector<2048x1xf32>,
    %slice3A = vector.extract_strided_slice %dot_general3A_5 {offsets = [0, 0], sizes = [2048, 128], strides = [1, 1]} : vector<2048x256xf32> to vector<2048x128xf32>
    %mul3A = vector.broadcast %rsqrt3A : vector<2048x1xf32> to vector<2048x128xf32>
    %mul3A_17 = arith.mulf %slice3A, %mul3A : vector<2048x128xf32>
    %swap3A_18 = arith.constant 0 : index
    %swap3A_19 = arith.constant 0 : index
    %swap3A_20 = arith.constant 0 : index
    %swap3A_21 = vector.load %arg5[%swap3A_18, %swap3A_19, %swap3A_20] : memref<2x2048x128xf32, #tpu.memory_space<vmem>>, vector<1x2048x128xf32>
    %swap3A_22 = vector.shape_cast %swap3A_21 : vector<1x2048x128xf32> to vector<2048x128xf32>
    %swap3A_23 = vector.shape_cast %mul3A_17 : vector<2048x128xf32> to vector<1x2048x128xf32>
    tpu.vector_store %arg5[%swap3A_18, %swap3A_19, %swap3A_20], %swap3A_23 {strides = array<i32>} : memref<2x2048x128xf32, #tpu.memory_space<vmem>>, vector<1x2048x128xf32>,
    %slice3A_24 = vector.extract_strided_slice %dot_general3A_5 {offsets = [0, 128], sizes = [2048, 128], strides = [1, 1]} : vector<2048x256xf32> to vector<2048x128xf32>
    %mul3A_25 = vector.broadcast %rsqrt3A : vector<2048x1xf32> to vector<2048x128xf32>
    %mul3A_26 = arith.mulf %slice3A_24, %mul3A_25 : vector<2048x128xf32>
    %swap3A_27 = arith.constant 1 : index
    %swap3A_28 = arith.constant 0 : index
    %swap3A_29 = arith.constant 0 : index
    %swap3A_30 = vector.load %arg5[%swap3A_27, %swap3A_28, %swap3A_29] : memref<2x2048x128xf32, #tpu.memory_space<vmem>>, vector<1x2048x128xf32>
    %swap3A_31 = vector.shape_cast %swap3A_30 : vector<1x2048x128xf32> to vector<2048x128xf32>
    %swap3A_32 = vector.shape_cast %mul3A_26 : vector<2048x128xf32> to vector<1x2048x128xf32>
    tpu.vector_store %arg5[%swap3A_27, %swap3A_28, %swap3A_29], %swap3A_32 {strides = array<i32>} : memref<2x2048x128xf32, #tpu.memory_space<vmem>>, vector<1x2048x128xf32>,
    return
  }
  func.func @transform_0(%arg0: i32) -> (i32, i32) {
    %c0_i32 = arith.constant 0 : i32
    %c0_i32_0 = arith.constant 0 : i32
    return %arg0, %c0_i32 : i32, i32
  }
  func.func @transform_1(%arg0: i32) -> (i32, i32) {
    %c0_i32 = arith.constant 0 : i32
    %c0_i32_0 = arith.constant 0 : i32
    %c0_i32_1 = arith.constant 0 : i32
    return %c0_i32, %c0_i32_0 : i32, i32
  }
  func.func @transform_2(%arg0: i32) -> (i32, i32) {
    %c0_i32 = arith.constant 0 : i32
    %c0_i32_0 = arith.constant 0 : i32
    return %arg0, %c0_i32 : i32, i32
  }
  func.func @transform_3(%arg0: i32) -> (i32, i32) {
    %c0_i32 = arith.constant 0 : i32
    %c0_i32_0 = arith.constant 0 : i32
    return %arg0, %c0_i32 : i32, i32
  }
  func.func @transform_4(%arg0: i32) -> (i32, i32, i32) {
    %c0_i32 = arith.constant 0 : i32
    %c0_i32_0 = arith.constant 0 : i32
    %c0_i32_1 = arith.constant 0 : i32
    return %c0_i32, %arg0, %c0_i32_0 : i32, i32, i32
  }
  func.func @transform_5(%arg0: i32) -> (i32, i32) {
    %c0_i32 = arith.constant 0 : i32
    %c0_i32_0 = arith.constant 0 : i32
    return %arg0, %c0_i32 : i32, i32
  }
}

module attributes {stable_mosaic.version = 14 : i64} {
  func.func @_mm2_body(%arg0: i32, %arg1: i32, %arg2: memref<2x2048x128xf32, #tpu.memory_space<vmem>>, %arg3: memref<2x2048x128xf32, #tpu.memory_space<vmem>>, %arg4: memref<2048x1xf32, #tpu.memory_space<vmem>>, %arg5: memref<2x1x128xf32, #tpu.memory_space<vmem>>, %arg6: memref<2x128x128xf32, #tpu.memory_space<vmem>>, %arg7: memref<1x2048x128xf32, #tpu.memory_space<vmem>>) attributes {dimension_semantics = [#tpu.dimension_semantics<arbitrary>, #tpu.dimension_semantics<arbitrary>], iteration_bounds = array<i64: 5, 2>, scalar_prefetch = 0 : i64, scratch_operands = 0 : i64, tpu.core_type = #tpu.core_type<tc>, window_params = [{transform_indices = @transform_0, window_bounds = array<i64: 2, 2048, 128>}, {transform_indices = @transform_1, window_bounds = array<i64: 2, 2048, 128>}, {transform_indices = @transform_2, window_bounds = array<i64: 2048, 1>}, {pipeline_mode = #tpu.pipeline_mode<synchronous>, transform_indices = @transform_3, window_bounds = array<i64: 2, 1, 128>}, {transform_indices = @transform_4, window_bounds = array<i64: 2, 128, 128>}, {transform_indices = @transform_5, window_bounds = array<i64: 1, 2048, 128>}]} {
    %get3A = arith.constant 0 : index
    %get3A_0 = arith.constant 0 : index
    %get3A_1 = vector.load %arg4[%get3A, %get3A_0] : memref<2048x1xf32, #tpu.memory_space<vmem>>, vector<2048x1xf32>
    %get3A_2 = arith.constant 0 : index
    %get3A_3 = arith.constant 0 : index
    %get3A_4 = arith.constant 0 : index
    %get3A_5 = vector.load %arg2[%get3A_2, %get3A_3, %get3A_4] : memref<2x2048x128xf32, #tpu.memory_space<vmem>>, vector<1x2048x128xf32>
    %get3A_6 = vector.shape_cast %get3A_5 : vector<1x2048x128xf32> to vector<2048x128xf32>
    %get3A_7 = arith.constant 0 : index
    %get3A_8 = arith.constant 0 : index
    %get3A_9 = arith.constant 0 : index
    %get3A_10 = vector.load %arg3[%get3A_7, %get3A_8, %get3A_9] : memref<2x2048x128xf32, #tpu.memory_space<vmem>>, vector<1x2048x128xf32>
    %get3A_11 = vector.shape_cast %get3A_10 : vector<1x2048x128xf32> to vector<2048x128xf32>
    %add3A = arith.addf %get3A_6, %get3A_11 : vector<2048x128xf32>
    %mul3A = vector.broadcast %get3A_1 : vector<2048x1xf32> to vector<2048x128xf32>
    %mul3A_12 = arith.mulf %add3A, %mul3A : vector<2048x128xf32>
    %get3A_13 = arith.constant 0 : index
    %get3A_14 = arith.constant 0 : index
    %get3A_15 = arith.constant 0 : index
    %get3A_16 = vector.load %arg5[%get3A_13, %get3A_14, %get3A_15] : memref<2x1x128xf32, #tpu.memory_space<vmem>>, vector<1x1x128xf32>
    %get3A_17 = vector.shape_cast %get3A_16 : vector<1x1x128xf32> to vector<128xf32>
    %broadcast_in_dim3A = vector.shape_cast %get3A_17 : vector<128xf32> to vector<1x128xf32>
    %add3A_18 = vector.broadcast %broadcast_in_dim3A : vector<1x128xf32> to vector<2048x128xf32>
    %add3A_19 = arith.addf %mul3A_12, %add3A_18 : vector<2048x128xf32>
    %max3A = arith.constant 0.000000e+00 : f32
    %max3A_20 = vector.broadcast %max3A : f32 to vector<2048x128xf32>
    %max3A_21 = arith.maximumf %add3A_19, %max3A_20 : vector<2048x128xf32>
    %get3A_22 = arith.constant 1 : index
    %get3A_23 = arith.constant 0 : index
    %get3A_24 = arith.constant 0 : index
    %get3A_25 = vector.load %arg2[%get3A_22, %get3A_23, %get3A_24] : memref<2x2048x128xf32, #tpu.memory_space<vmem>>, vector<1x2048x128xf32>
    %get3A_26 = vector.shape_cast %get3A_25 : vector<1x2048x128xf32> to vector<2048x128xf32>
    %get3A_27 = arith.constant 1 : index
    %get3A_28 = arith.constant 0 : index
    %get3A_29 = arith.constant 0 : index
    %get3A_30 = vector.load %arg3[%get3A_27, %get3A_28, %get3A_29] : memref<2x2048x128xf32, #tpu.memory_space<vmem>>, vector<1x2048x128xf32>
    %get3A_31 = vector.shape_cast %get3A_30 : vector<1x2048x128xf32> to vector<2048x128xf32>
    %add3A_32 = arith.addf %get3A_26, %get3A_31 : vector<2048x128xf32>
    %mul3A_33 = vector.broadcast %get3A_1 : vector<2048x1xf32> to vector<2048x128xf32>
    %mul3A_34 = arith.mulf %add3A_32, %mul3A_33 : vector<2048x128xf32>
    %get3A_35 = arith.constant 1 : index
    %get3A_36 = arith.constant 0 : index
    %get3A_37 = arith.constant 0 : index
    %get3A_38 = vector.load %arg5[%get3A_35, %get3A_36, %get3A_37] : memref<2x1x128xf32, #tpu.memory_space<vmem>>, vector<1x1x128xf32>
    %get3A_39 = vector.shape_cast %get3A_38 : vector<1x1x128xf32> to vector<128xf32>
    %broadcast_in_dim3A_40 = vector.shape_cast %get3A_39 : vector<128xf32> to vector<1x128xf32>
    %add3A_41 = vector.broadcast %broadcast_in_dim3A_40 : vector<1x128xf32> to vector<2048x128xf32>
    %add3A_42 = arith.addf %mul3A_34, %add3A_41 : vector<2048x128xf32>
    %max3A_43 = arith.constant 0.000000e+00 : f32
    %max3A_44 = vector.broadcast %max3A_43 : f32 to vector<2048x128xf32>
    %max3A_45 = arith.maximumf %add3A_42, %max3A_44 : vector<2048x128xf32>
    %get3A_46 = arith.constant 0 : index
    %get3A_47 = arith.constant 0 : index
    %get3A_48 = arith.constant 0 : index
    %get3A_49 = vector.load %arg6[%get3A_46, %get3A_47, %get3A_48] : memref<2x128x128xf32, #tpu.memory_space<vmem>>, vector<1x128x128xf32>
    %get3A_50 = vector.shape_cast %get3A_49 : vector<1x128x128xf32> to vector<128x128xf32>
    %dot_general3A = arith.constant dense<0.000000e+00> : vector<2048x128xf32>
    %dot_general3A_51 = tpu.matmul %max3A_21, %get3A_50, %dot_general3A {dimension_numbers = #tpu.dot_dimension_numbers<[1], [0], [0], [1], [0, 0, 1, 1], [], []>, transpose_lhs_hint = false} : vector<2048x128xf32>, vector<128x128xf32>, vector<2048x128xf32> -> vector<2048x128xf32>
    %get3A_52 = arith.constant 1 : index
    %get3A_53 = arith.constant 0 : index
    %get3A_54 = arith.constant 0 : index
    %get3A_55 = vector.load %arg6[%get3A_52, %get3A_53, %get3A_54] : memref<2x128x128xf32, #tpu.memory_space<vmem>>, vector<1x128x128xf32>
    %get3A_56 = vector.shape_cast %get3A_55 : vector<1x128x128xf32> to vector<128x128xf32>
    %dot_general3A_57 = arith.constant dense<0.000000e+00> : vector<2048x128xf32>
    %dot_general3A_58 = tpu.matmul %max3A_45, %get3A_56, %dot_general3A_57 {dimension_numbers = #tpu.dot_dimension_numbers<[1], [0], [0], [1], [0, 0, 1, 1], [], []>, transpose_lhs_hint = false} : vector<2048x128xf32>, vector<128x128xf32>, vector<2048x128xf32> -> vector<2048x128xf32>
    %add3A_59 = arith.addf %dot_general3A_51, %dot_general3A_58 : vector<2048x128xf32>
    %mul3A_60 = vector.broadcast %get3A_1 : vector<2048x1xf32> to vector<2048x128xf32>
    %mul3A_61 = arith.mulf %add3A_59, %mul3A_60 : vector<2048x128xf32>
    %swap3A = arith.constant 0 : index
    %swap3A_62 = arith.constant 0 : index
    %swap3A_63 = arith.constant 0 : index
    %swap3A_64 = vector.load %arg7[%swap3A, %swap3A_62, %swap3A_63] : memref<1x2048x128xf32, #tpu.memory_space<vmem>>, vector<1x2048x128xf32>
    %swap3A_65 = vector.shape_cast %swap3A_64 : vector<1x2048x128xf32> to vector<2048x128xf32>
    %swap3A_66 = vector.shape_cast %mul3A_61 : vector<2048x128xf32> to vector<1x2048x128xf32>
    tpu.vector_store %arg7[%swap3A, %swap3A_62, %swap3A_63], %swap3A_66 {strides = array<i32>} : memref<1x2048x128xf32, #tpu.memory_space<vmem>>, vector<1x2048x128xf32>,
    return
  }
  func.func @transform_0(%arg0: i32, %arg1: i32) -> (i32, i32, i32) {
    %c0_i32 = arith.constant 0 : i32
    %c0_i32_0 = arith.constant 0 : i32
    %c0_i32_1 = arith.constant 0 : i32
    return %c0_i32, %arg0, %c0_i32_0 : i32, i32, i32
  }
  func.func @transform_1(%arg0: i32, %arg1: i32) -> (i32, i32, i32) {
    %c0_i32 = arith.constant 0 : i32
    %c0_i32_0 = arith.constant 0 : i32
    %c0_i32_1 = arith.constant 0 : i32
    return %c0_i32, %arg0, %c0_i32_0 : i32, i32, i32
  }
  func.func @transform_2(%arg0: i32, %arg1: i32) -> (i32, i32) {
    %c0_i32 = arith.constant 0 : i32
    %c0_i32_0 = arith.constant 0 : i32
    return %arg0, %c0_i32 : i32, i32
  }
  func.func @transform_3(%arg0: i32, %arg1: i32) -> (i32, i32, i32) {
    %c0_i32 = arith.constant 0 : i32
    %c0_i32_0 = arith.constant 0 : i32
    %c0_i32_1 = arith.constant 0 : i32
    %c0_i32_2 = arith.constant 0 : i32
    return %c0_i32, %c0_i32_0, %c0_i32_1 : i32, i32, i32
  }
  func.func @transform_4(%arg0: i32, %arg1: i32) -> (i32, i32, i32) {
    %c0_i32 = arith.constant 0 : i32
    %c0_i32_0 = arith.constant 0 : i32
    %c0_i32_1 = arith.constant 0 : i32
    return %c0_i32, %c0_i32_0, %arg1 : i32, i32, i32
  }
  func.func @transform_5(%arg0: i32, %arg1: i32) -> (i32, i32, i32) {
    %c0_i32 = arith.constant 0 : i32
    %c0_i32_0 = arith.constant 0 : i32
    return %arg1, %arg0, %c0_i32 : i32, i32, i32
  }
}

module attributes {stable_mosaic.version = 14 : i64} {
  func.func @_mm3_body(%arg0: i32, %arg1: memref<2x2048x128xf32, #tpu.memory_space<vmem>>, %arg2: memref<2x2048x128xf32, #tpu.memory_space<vmem>>, %arg3: memref<2048x1xf32, #tpu.memory_space<vmem>>, %arg4: memref<2x1x128xf32, #tpu.memory_space<vmem>>, %arg5: memref<2x128x40xf32, #tpu.memory_space<vmem>>, %arg6: memref<1x40xf32, #tpu.memory_space<vmem>>, %arg7: memref<2048x40xf32, #tpu.memory_space<vmem>>) attributes {dimension_semantics = [#tpu.dimension_semantics<arbitrary>], iteration_bounds = array<i64: 5>, scalar_prefetch = 0 : i64, scratch_operands = 0 : i64, tpu.core_type = #tpu.core_type<tc>, window_params = [{transform_indices = @transform_0, window_bounds = array<i64: 2, 2048, 128>}, {transform_indices = @transform_1, window_bounds = array<i64: 2, 2048, 128>}, {transform_indices = @transform_2, window_bounds = array<i64: 2048, 1>}, {pipeline_mode = #tpu.pipeline_mode<synchronous>, transform_indices = @transform_3, window_bounds = array<i64: 2, 1, 128>}, {pipeline_mode = #tpu.pipeline_mode<synchronous>, transform_indices = @transform_4, window_bounds = array<i64: 2, 128, 40>}, {pipeline_mode = #tpu.pipeline_mode<synchronous>, transform_indices = @transform_5, window_bounds = array<i64: 1, 40>}, {transform_indices = @transform_6, window_bounds = array<i64: 2048, 40>}]} {
    %get3A = arith.constant 0 : index
    %get3A_0 = arith.constant 0 : index
    %get3A_1 = vector.load %arg3[%get3A, %get3A_0] : memref<2048x1xf32, #tpu.memory_space<vmem>>, vector<2048x1xf32>
    %get3A_2 = arith.constant 0 : index
    %get3A_3 = arith.constant 0 : index
    %get3A_4 = arith.constant 0 : index
    %get3A_5 = vector.load %arg1[%get3A_2, %get3A_3, %get3A_4] : memref<2x2048x128xf32, #tpu.memory_space<vmem>>, vector<1x2048x128xf32>
    %get3A_6 = vector.shape_cast %get3A_5 : vector<1x2048x128xf32> to vector<2048x128xf32>
    %get3A_7 = arith.constant 0 : index
    %get3A_8 = arith.constant 0 : index
    %get3A_9 = arith.constant 0 : index
    %get3A_10 = vector.load %arg2[%get3A_7, %get3A_8, %get3A_9] : memref<2x2048x128xf32, #tpu.memory_space<vmem>>, vector<1x2048x128xf32>
    %get3A_11 = vector.shape_cast %get3A_10 : vector<1x2048x128xf32> to vector<2048x128xf32>
    %add3A = arith.addf %get3A_6, %get3A_11 : vector<2048x128xf32>
    %mul3A = vector.broadcast %get3A_1 : vector<2048x1xf32> to vector<2048x128xf32>
    %mul3A_12 = arith.mulf %add3A, %mul3A : vector<2048x128xf32>
    %get3A_13 = arith.constant 0 : index
    %get3A_14 = arith.constant 0 : index
    %get3A_15 = arith.constant 0 : index
    %get3A_16 = vector.load %arg4[%get3A_13, %get3A_14, %get3A_15] : memref<2x1x128xf32, #tpu.memory_space<vmem>>, vector<1x1x128xf32>
    %get3A_17 = vector.shape_cast %get3A_16 : vector<1x1x128xf32> to vector<128xf32>
    %broadcast_in_dim3A = vector.shape_cast %get3A_17 : vector<128xf32> to vector<1x128xf32>
    %add3A_18 = vector.broadcast %broadcast_in_dim3A : vector<1x128xf32> to vector<2048x128xf32>
    %add3A_19 = arith.addf %mul3A_12, %add3A_18 : vector<2048x128xf32>
    %get3A_20 = arith.constant 1 : index
    %get3A_21 = arith.constant 0 : index
    %get3A_22 = arith.constant 0 : index
    %get3A_23 = vector.load %arg1[%get3A_20, %get3A_21, %get3A_22] : memref<2x2048x128xf32, #tpu.memory_space<vmem>>, vector<1x2048x128xf32>
    %get3A_24 = vector.shape_cast %get3A_23 : vector<1x2048x128xf32> to vector<2048x128xf32>
    %get3A_25 = arith.constant 1 : index
    %get3A_26 = arith.constant 0 : index
    %get3A_27 = arith.constant 0 : index
    %get3A_28 = vector.load %arg2[%get3A_25, %get3A_26, %get3A_27] : memref<2x2048x128xf32, #tpu.memory_space<vmem>>, vector<1x2048x128xf32>
    %get3A_29 = vector.shape_cast %get3A_28 : vector<1x2048x128xf32> to vector<2048x128xf32>
    %add3A_30 = arith.addf %get3A_24, %get3A_29 : vector<2048x128xf32>
    %mul3A_31 = vector.broadcast %get3A_1 : vector<2048x1xf32> to vector<2048x128xf32>
    %mul3A_32 = arith.mulf %add3A_30, %mul3A_31 : vector<2048x128xf32>
    %get3A_33 = arith.constant 1 : index
    %get3A_34 = arith.constant 0 : index
    %get3A_35 = arith.constant 0 : index
    %get3A_36 = vector.load %arg4[%get3A_33, %get3A_34, %get3A_35] : memref<2x1x128xf32, #tpu.memory_space<vmem>>, vector<1x1x128xf32>
    %get3A_37 = vector.shape_cast %get3A_36 : vector<1x1x128xf32> to vector<128xf32>
    %broadcast_in_dim3A_38 = vector.shape_cast %get3A_37 : vector<128xf32> to vector<1x128xf32>
    %add3A_39 = vector.broadcast %broadcast_in_dim3A_38 : vector<1x128xf32> to vector<2048x128xf32>
    %add3A_40 = arith.addf %mul3A_32, %add3A_39 : vector<2048x128xf32>
    %get3A_41 = arith.constant 0 : index
    %get3A_42 = arith.constant 0 : index
    %get3A_43 = arith.constant 0 : index
    %get3A_44 = vector.load %arg5[%get3A_41, %get3A_42, %get3A_43] : memref<2x128x40xf32, #tpu.memory_space<vmem>>, vector<1x128x40xf32>
    %get3A_45 = vector.shape_cast %get3A_44 : vector<1x128x40xf32> to vector<128x40xf32>
    %dot_general3A = arith.constant dense<0.000000e+00> : vector<2048x40xf32>
    %dot_general3A_46 = tpu.matmul %add3A_19, %get3A_45, %dot_general3A {dimension_numbers = #tpu.dot_dimension_numbers<[1], [0], [0], [1], [0, 0, 1, 1], [], []>, transpose_lhs_hint = false} : vector<2048x128xf32>, vector<128x40xf32>, vector<2048x40xf32> -> vector<2048x40xf32>
    %get3A_47 = arith.constant 1 : index
    %get3A_48 = arith.constant 0 : index
    %get3A_49 = arith.constant 0 : index
    %get3A_50 = vector.load %arg5[%get3A_47, %get3A_48, %get3A_49] : memref<2x128x40xf32, #tpu.memory_space<vmem>>, vector<1x128x40xf32>
    %get3A_51 = vector.shape_cast %get3A_50 : vector<1x128x40xf32> to vector<128x40xf32>
    %dot_general3A_52 = arith.constant dense<0.000000e+00> : vector<2048x40xf32>
    %dot_general3A_53 = tpu.matmul %add3A_40, %get3A_51, %dot_general3A_52 {dimension_numbers = #tpu.dot_dimension_numbers<[1], [0], [0], [1], [0, 0, 1, 1], [], []>, transpose_lhs_hint = false} : vector<2048x128xf32>, vector<128x40xf32>, vector<2048x40xf32> -> vector<2048x40xf32>
    %add3A_54 = arith.addf %dot_general3A_46, %dot_general3A_53 : vector<2048x40xf32>
    %get3A_55 = arith.constant 0 : index
    %get3A_56 = arith.constant 0 : index
    %get3A_57 = vector.load %arg6[%get3A_55, %get3A_56] : memref<1x40xf32, #tpu.memory_space<vmem>>, vector<1x40xf32>
    %broadcast_in_dim3A_58 = vector.shape_cast %get3A_57 : vector<1x40xf32> to vector<1x40xf32>
    %broadcast_in_dim3A_59 = vector.broadcast %broadcast_in_dim3A_58 : vector<1x40xf32> to vector<2048x40xf32>
    %add3A_60 = arith.addf %add3A_54, %broadcast_in_dim3A_59 : vector<2048x40xf32>
    %swap3A = arith.constant 0 : index
    %swap3A_61 = arith.constant 0 : index
    %swap3A_62 = vector.load %arg7[%swap3A, %swap3A_61] : memref<2048x40xf32, #tpu.memory_space<vmem>>, vector<2048x40xf32>
    tpu.vector_store %arg7[%swap3A, %swap3A_61], %add3A_60 {strides = array<i32>} : memref<2048x40xf32, #tpu.memory_space<vmem>>, vector<2048x40xf32>,
    return
  }
  func.func @transform_0(%arg0: i32) -> (i32, i32, i32) {
    %c0_i32 = arith.constant 0 : i32
    %c0_i32_0 = arith.constant 0 : i32
    %c0_i32_1 = arith.constant 0 : i32
    return %c0_i32, %arg0, %c0_i32_0 : i32, i32, i32
  }
  func.func @transform_1(%arg0: i32) -> (i32, i32, i32) {
    %c0_i32 = arith.constant 0 : i32
    %c0_i32_0 = arith.constant 0 : i32
    %c0_i32_1 = arith.constant 0 : i32
    return %c0_i32, %arg0, %c0_i32_0 : i32, i32, i32
  }
  func.func @transform_2(%arg0: i32) -> (i32, i32) {
    %c0_i32 = arith.constant 0 : i32
    %c0_i32_0 = arith.constant 0 : i32
    return %arg0, %c0_i32 : i32, i32
  }
  func.func @transform_3(%arg0: i32) -> (i32, i32, i32) {
    %c0_i32 = arith.constant 0 : i32
    %c0_i32_0 = arith.constant 0 : i32
    %c0_i32_1 = arith.constant 0 : i32
    %c0_i32_2 = arith.constant 0 : i32
    return %c0_i32, %c0_i32_0, %c0_i32_1 : i32, i32, i32
  }
  func.func @transform_4(%arg0: i32) -> (i32, i32, i32) {
    %c0_i32 = arith.constant 0 : i32
    %c0_i32_0 = arith.constant 0 : i32
    %c0_i32_1 = arith.constant 0 : i32
    %c0_i32_2 = arith.constant 0 : i32
    return %c0_i32, %c0_i32_0, %c0_i32_1 : i32, i32, i32
  }
  func.func @transform_5(%arg0: i32) -> (i32, i32) {
    %c0_i32 = arith.constant 0 : i32
    %c0_i32_0 = arith.constant 0 : i32
    %c0_i32_1 = arith.constant 0 : i32
    return %c0_i32, %c0_i32_0 : i32, i32
  }
  func.func @transform_6(%arg0: i32) -> (i32, i32) {
    %c0_i32 = arith.constant 0 : i32
    %c0_i32_0 = arith.constant 0 : i32
    return %arg0, %c0_i32 : i32, i32
  }
}

</mosaic_0001>

<sc_bundles>
// kernel: kernel.11.cloned.1.call-start
scs
__scs_entry_jumppad:
0x0: {  	(pc) =	sbr.rel $0x88, $3  }
0x1: {  	(tag) =	ssettag $0x0;
	lr =	simm.s32 $0x1  }
0x2: {  	[smem:$0x3F99] =	sst lr;
	_ =	strace $0xD0000000  }
0x3: {  	_ = 	snop  }
0x4: {  	_ = 	snop  }
0x5: {  	_ = 	snop  }
0x6: {  	_ = 	snop  }
0x7: {  	_ = 	snop  }
__scs_overlays_trampoline_lowered:
0x8: {  	[smem:$0x3FA8] =	sst s0  }
0x9: {  	[smem:$0x3FA9] =	sst s1  }
0xa: {  	[smem:$0x3FAA] =	sst s2  }
0xb: {  	[smem:$0x3FAB] =	sst s3  }
0xc: {  	[smem:$0x3FAC] =	sst s4  }
0xd: {  	[smem:$0x3FAD] =	sst s5  }
0xe: {  	[smem:$0x3FAE] =	sst s6  }
0xf: {  	[smem:$0x3FAF] =	sst s7  }
0x10: {  	[smem:$0x3FB0] =	sst s8  }
0x11: {  	[smem:$0x3FB1] =	sst s9;
	s0 =	simm.s32 @!p0 $0x0  }
0x12: {  	s1 =	sld [smem:$0x3F97];
	s0 =	simm.s32 @p0 $0x1  }
0x13: {  	[smem:$0x3FB2] =	sst s0;
	s0 =	simm.s32 @!p1 $0x0  }
0x14: {  	s2 =	sld [smem:$0x3F96];
	s0 =	simm.s32 @p1 $0x1  }
0x15: {  	[smem:$0x3FB3] =	sst s0;
	s0 =	simm.s32 @!p2 $0x0  }
0x16: {  	s3 =	sld [smem:$0x3FDB];
	s0 =	simm.s32 @p2 $0x1  }
0x17: {  	s4 =	simm.s32 $0x1BF5;
	[smem:$0x3FB5] =	sst s0  }
0x18: {  	s0 =	sld [smem:$0x3F98];
	_ =	swait.ge [sflag:s4], $0x0  }
0x19: {  	s7 =	sld [smem:$0x3F99]  }
0x1a: {  	s8 =	sadd.s32 $0xFFFFE003, lr  }
0x1b: {  	s9 =	sadd.s32 $0xFFFFFEF7, lr;
	s5 =	simm.s32 $0xFFFFFFFF;
	p2 =	slt.u32 s8, $0xFFFFF086  }
0x1c: {  	p1 =	slt.u32 s9, $0xF7A;
	s5 =	simm.s32 @!p2 $0x0  }
0x1d: {  	s5 =	simm.s32 @p1 $0x1;
	p0 =	seq.s32 s7, s2  }
0x1e: {  	s7 =	smul.u32 @!p0 $0xF7A, s2;
	p2 =	seq.s32 @!p0 s5, $0x0  }
0x1f: {  	s9 =	smul.u32 $0xF7A, s1;
	s8 =	simm.s32 @!p0 $0x1BF5;
	p2 =	por !p2, p0  }
0x20: {  	[sflag:s8] =	ssyncset.s32 @!p0 $0xFFFFF086;
	s6 =	sadd.s32 @!p0 s3, s7;
	s7 =	simm.s32 @!p0 $0x108  }
0x21: {  	s3 =	sadd.s32 s3, s9;
	s6 =	sadd.s32 @!p0 $0x88, s6;
	s7 =	simm.s32 @p2 $0x1082  }
0x22: {  	[simem:s7], [sflag:s8] =	dma.local @!p0 [hbm:s6], $0xF7A  }
0x23: {  	s9 =	sor.u32 $0xD0000000, s2;
	s6 =	simm.s32 $0x108;
	_ =	swait.ge @!p0 [sflag:s8], $0x0  }
0x24: {  	s3 =	sadd.s32 $0x88, s3;
	s6 =	simm.s32 @!p1 $0x1082;
	[sflag:s4] =	ssyncset.s32 $0xFFFFF086  }
0x25: {  	[simem:s6], [sflag:s4] =	dma.local [hbm:s3], $0xF7A  }
0x26: {  	[smem:$0x3F99] =	sst s1;
	(tag) =	ssettag s2;
	_ =	strace s9  }
0x27: {  	s1 =	sld [smem:$0x3FA9]  }
0x28: {  	s2 =	sld [smem:$0x3FAA]  }
0x29: {  	s4 =	sld [smem:$0x3FAC]  }
0x2a: {  	p0 =	seq.s32 s5, $0x0;
	s5 =	sld [smem:$0x3FAD]  }
0x2b: {  	s6 =	sld [smem:$0x3FAE]  }
0x2c: {  	s7 =	sld [smem:$0x3FAF]  }
0x2d: {  	s3 =	simm.s32 $0x108;
	s8 =	sld [smem:$0x3FB0]  }
0x2e: {  	s3 =	simm.s32 @!p0 $0x1082;
	s9 =	sld [smem:$0x3FB1]  }
0x2f: {  	lr =	sadd.s32 s0, s3;
	s0 =	sld [smem:$0x3FA8]  }
0x30: {  	s3 =	sld [smem:$0x3FAB]  }
0x31: {  	[smem:$0x3FB4] =	sst s10  }
0x32: {  	s10 =	sld [smem:$0x3FB2];
	_ =	sdelay $0x3  }
0x33: {  	p0 =	seq.s32 s10, $0x1;
	s10 =	sld [smem:$0x3FB4];
	_ =	sdelay $0x3  }
0x34: {  	[smem:$0x3FB4] =	sst s10  }
0x35: {  	s10 =	sld [smem:$0x3FB3];
	_ =	sdelay $0x3  }
0x36: {  	p1 =	seq.s32 s10, $0x1;
	s10 =	sld [smem:$0x3FB4];
	_ =	sdelay $0x3  }
0x37: {  	[smem:$0x3FB4] =	sst s10  }
0x38: {  	s10 =	sld [smem:$0x3FB5]  }
0x39: {  	_ = 	snop;
	(pc) =	sbr.ind lr, $3  }
0x3a: {  	_ = 	snop  }
0x3b: {  	_ = 	snop  }
0x3c: {  	p2 =	seq.s32 s10, $0x1;
	s10 =	sld [smem:$0x3FB4]  }
0x3d: {  	_ =	shalt  }
0x3e: {  	_ =	shalt  }
0x3f: {  	_ =	shalt  }
0x40: {  	_ =	shalt  }
0x41: {  	_ =	shalt  }
0x42: {  	_ =	shalt  }
0x43: {  	_ =	shalt  }
0x44: {  	_ =	shalt  }
0x45: {  	_ =	shalt  }
0x46: {  	_ =	shalt  }
0x47: {  	_ =	shalt  }
0x48: {  	_ =	shalt  }
0x49: {  	_ =	shalt  }
0x4a: {  	_ =	shalt  }
0x4b: {  	_ =	shalt  }
0x4c: {  	_ =	shalt  }
0x4d: {  	_ =	shalt  }
0x4e: {  	_ =	shalt  }
0x4f: {  	_ =	shalt  }
0x50: {  	_ =	shalt  }
0x51: {  	_ =	shalt  }
0x52: {  	_ =	shalt  }
0x53: {  	_ =	shalt  }
0x54: {  	_ =	shalt  }
0x55: {  	_ =	shalt  }
0x56: {  	_ =	shalt  }
0x57: {  	_ =	shalt  }
0x58: {  	_ =	shalt  }
0x59: {  	_ =	shalt  }
0x5a: {  	_ =	shalt  }
0x5b: {  	_ =	shalt  }
0x5c: {  	_ =	shalt  }
0x5d: {  	_ =	shalt  }
0x5e: {  	_ =	shalt  }
0x5f: {  	_ =	shalt  }
0x60: {  	_ =	shalt  }
0x61: {  	_ =	shalt  }
0x62: {  	_ =	shalt  }
0x63: {  	_ =	shalt  }
0x64: {  	_ =	shalt  }
0x65: {  	_ =	shalt  }
0x66: {  	_ =	shalt  }
0x67: {  	_ =	shalt  }
0x68: {  	_ =	shalt  }
0x69: {  	_ =	shalt  }
0x6a: {  	_ =	shalt  }
0x6b: {  	_ =	shalt  }
0x6c: {  	_ =	shalt  }
0x6d: {  	_ =	shalt  }
0x6e: {  	_ =	shalt  }
0x6f: {  	_ =	shalt  }
0x70: {  	_ =	shalt  }
0x71: {  	_ =	shalt  }
0x72: {  	_ =	shalt  }
0x73: {  	_ =	shalt  }
0x74: {  	_ =	shalt  }
0x75: {  	_ =	shalt  }
0x76: {  	_ =	shalt  }
0x77: {  	_ =	shalt  }
0x78: {  	_ =	shalt  }
0x79: {  	_ =	shalt  }
0x7a: {  	_ =	shalt  }
0x7b: {  	_ =	shalt  }
0x7c: {  	_ =	shalt  }
0x7d: {  	_ =	shalt  }
0x7e: {  	_ =	shalt  }
0x7f: {  	_ =	shalt  }
0x80: {  	_ =	shalt  }
0x81: {  	_ =	shalt  }
0x82: {  	_ =	shalt  }
0x83: {  	_ =	shalt  }
0x84: {  	_ =	shalt  }
0x85: {  	_ =	shalt  }
0x86: {  	_ =	shalt  }
0x87: {  	_ =	shalt  }
.Lfunc_end0:
.L_simem_size_0:
called_computation.1_lowered:
.L_overlay_start_0:
0x88: {  	s2 =	sld [smem:$0x3FD9]  }
0x89: {  	s3 =	sld [smem:$0x3FFE];
	_ =	sdelay $0x1  }
0x8a: {  	s1 =	srdreg.scid  }
0x8b: {  	s0 =	sand.u32 $0x1, s1  }
0x8c: {  	s17 =	sshll.u32 s0, $0xA;
	s2 =	sadd.s32 s3, s2  }
0x8d: {  	s2 =	sadd.s32 s2, s17  }
0x8e: {  	[smem:$0x3FC0] =	sst s2  }
0x8f: {  	_ = 	snop  }
0x90: {  	s2 =	sld [smem:$0x3FD0];
	(tm) =	ssettm $0x1  }
0x91: {  	s18 =	sld [smem:$0x3FFB];
	_ =	sdelay $0x3  }
0x92: {  	_ =	strace s18  }
0x93: {  	s3 =	sld [smem:$0x3FFC];
	_ =	sdelay $0x3  }
0x94: {  	_ =	strace s3  }
0x95: {  	s3 =	sld [smem:$0x3FFD];
	_ =	sdelay $0x3  }
0x96: {  	_ =	strace s3  }
0x97: {  	_ =	strace $0x8FFFFFFF  }
0x98: {  	s19 =	sld [smem:$0x3FDB];
	_ =	sdelay $0x1  }
0x99: {  	s4 =	simm.s32 $_scs_section_size  }
0x9a: {  	s5 =	simm.s32 $_size__tile_overlayer_lowered;
	s6 =	simm.s32 $_tile_overlayer_lowered  }
0x9b: {  	s22 =	simm.s32 $0x1BFF;
	s21 =	sshll.u32 s6, $0x1;
	s3 =	sadd.s32 s4, s19  }
0x9c: {  	s7 =	simm.s32 $0x0;
	s20 =	sshll.u32 s5, $0x1;
	s5 =	sadd.s32 s21, s3  }
0x9d: {  	[timem:s7], [sflag:s22] =	dma.local [hbm:s5], s20  }
0x9e: {  	_ =	swait.ge [sflag:s22], s20  }
0x9f: {  	s4 =	ssub.s32 $0x0, s20;
	[sflag:s22] =	ssyncset.done $0x0  }
0xa0: {  	[sflag:s22] =	ssyncadd.s32 s4;
	_ =	sdelay $0x1  }
0xa1: {  	s23 =	simm.s32 $0x1B8B  }
0xa2: {  	_ =	swait.ge [sflag:s23], $0x1  }
0xa3: {  	[sflag:s23] =	ssyncset.done $0x0  }
0xa4: {  	s25 =	simm.s32 $0x1B8E;
	s24 =	sld [smem:$0x3FFE];
	[sflag:s23] =	ssyncadd.s32 $0xFFFFFFFF  }
0xa5: {  	s26 =	simm.s32 $execute0_lowered;
	[smem:$0x3FD2] =	sst s25  }
0xa6: {  	s5 =	sshll.u32 s26, $0x1;
	_ =	strace $0x80000049;
	[dreg:$0x1] =	wrdreg $0xFFFFFFFF  }
0xa7: {  	s28 =	simm.s32 $_size_execute0_lowered;
	s3 =	sadd.s32 s3, s5;
	[dreg:$0x0] =	wrdreg $0x0  }
0xa8: {  	s5 =	sshll.u32 s28, $0x1;
	[dreg:$0x2] =	wrdreg s3  }
0xa9: {  	[dreg:$0x3] =	wrdreg s5  }
0xaa: {  	[dreg:$0x4] =	wrdreg $0xC0  }
0xab: {  	_ =	task [dreg:s7], $0x5FFFF  }
0xac: {  	[dreg:$0x1] =	wrdreg $0xFFFFFFFF  }
0xad: {  	[dreg:$0x0] =	wrdreg $0x60  }
0xae: {  	[dreg:$0x2] =	wrdreg s24  }
0xaf: {  	[dreg:$0x3] =	wrdreg s2  }
0xb0: {  	[dreg:$0x4] =	wrdreg $0x0  }
0xb1: {  	[dreg:$0x5] =	wrdreg $0x9  }
0xb2: {  	_ =	task.clear_ibuf [dreg:s7], $0x6FFFF;
	_ =	strace $0x90000049  }
0xb3: {  	s29 =	simm.s32 $0x9;
	_ =	strace $0x8000004B  }
0xb4: {  	_ =	swait.ge [sflag:s29], $0x1  }
0xb5: {  	[sflag:s29] =	ssyncadd.s32 $0xFFFFFFFF  }
0xb6: {  	_ =	strace $0x9000004B  }
0xb7: {  	_ =	sfence  }
0xb8: {  	s30 =	sld [smem:$0x0];
	_ =	sdelay $0x2  }
0xb9: {  	s31 =	sshll.u32 s1, $0xD;
	s1 =	sshrl.u32 s1, $0x2  }
0xba: {  	s3 =	sand.u32 $0x4000, s31;
	s1 =	sadd.s32 s1, s30  }
0xbb: {  	s0 =	sor.u32 s3, s0;
	s1 =	sshll.u32 s1, $0x11  }
0xbc: {  	s0 =	sor.u32 s1, s0  }
0xbd: {  	s0 =	sadd.s32 $0x8F2B, s0  }
0xbe: {  	[sflag:s0] =	ssyncadd.remote.s32 $0x1  }
0xbf: {  	_ =	sfence.sel $0xFFFF  }
0xc0: {  	[dreg:$0x0] =	wrdreg $0xFFFFFFFF;
	(pc) =	sbr.abs _section_cstart, $3  }
0xc1: {  	[dreg:$0x1] =	wrdreg $0xFFFFFFFF  }
0xc2: {  	_ =	task.clear_ibuf [dreg:s7], $0x2FFFF;
	_ =	strace $0x9FFFFFFF  }
0xc3: {  	(tm) =	ssettm $0x7FFFFFFF  }
tec
execute0_lowered:
.L_overlay_start_1:
0x0: {  	(tag) =	ssettag $0x1  }
0x1: {  	s0 =	rddreg [dreg:$0x0]  }
0x2: {  	s2 =	rddreg [dreg:$0x1]  }
0x3: {  	s3 =	rddreg [dreg:$0x2]  }
0x4: {  	s1 =	srdreg.scid;
	s11 =	stileid.u32  }
0x5: {  	s4 =	simm.s32 $0x0;
	s17 =	simm.s32 $0x14000;
	s18 =	simm.s32 $0x6  }
0x6: {  	s19 =	simm.s32 $0x1C000;
	s21 =	simm.s32 $0x5;
	s22 =	simm.s32 $0x80  }
0x7: {  	s23 =	simm.s32 $0x1;
	s24 =	simm.s32 $0x18000;
	s7 =	smul.u32 $0x280, s11  }
0x8: {  	s25 =	simm.s32 $0x2;
	s28 =	simm.s32 $0x4;
	s8 =	smul.u32 $0x50000, s11  }
0x9: {  	s1 =	sand.u32 $0x1, s1;
	[smem:$0x7FF] =	sst s4;
	s10 =	smul.u32 $0x500, s11  }
0xa: {  	s5 =	sadd.s32 $0x57A00, s0;
	s20 =	smul.u32 $0x2800, s1;
	s1 =	ssub.s32 $0x2, s1  }
0xb: {  	s6 =	sadd.s32 $0x1E00, s0;
	_ =	strace $0x8000004A;
	s9 =	sshrl.u32 s1, $0x1  }
0xc: {  	s26 =	sshrl.u32 s8, $0x2;
	s29 =	sadd.s32 s2, s10;
	s30 =	sadd.s32 s6, s10  }
0xd: {  	s10 =	smul.u32 $0x2800, s11;
	s7 =	sadd.s32 s7, s20;
	s1 =	ssub.s32 s1, s9  }
.Ltmp0:
0xe: {  	[dreg:$0x4] =	wrdreg s29;
	s7 =	sshll.u32 s7, $0x4;
	(pc) =	sbr.rel .LBB2_1-.Ltmp0, $4  }
0xf: {  	[dreg:$0x5] =	wrdreg s30;
	s31 =	smax.u32 s1, $0x1;
	s0 =	sadd.s32 s7, s0  }
0x10: {  	s7 =	sadd.s32 s26, s3;
	[dreg:$0x7] =	wrdreg s31;
	s26 =	simm.s32 $0x3  }
0x11: {  	s0 =	sadd.s32 $0x6E00, s0;
	s13 =	sadd.s32 $0x4000, s7;
	s14 =	sadd.s32 $0x8000, s7  }
0x12: {  	v1 =	vimm.f32 $0.0e+00;
	v0 =	vmov s20;
	s15 =	sadd.s32 $0xC000, s7;
	s16 =	sadd.s32 $0x10000, s7;
	[dreg:$0x6] =	wrdreg s0  }
.LBB2_12:
0x13: {  	_ =	swait.ge [sflag:s28], $0x4000  }
0x14: {  	[sflag:s28] =	ssyncset.done $0x0  }
0x15: {  	s0 =	stileid.u32;
	[sflag:s28] =	ssyncadd.s32 $0xFFFFC000  }
0x16: {  	s0 =	sshll.u32 s0, $0x6;
	[bflag:$0x0] =	sbarrier.arrive $0xFFFF  }
0x17: {  	s1 =	sshrl.u32 s7, $0x3;
	s0 =	sor.u32 $0x1C06, s0;
	s8 =	rddreg [dreg:$0x6]  }
0x18: {  	[hbm:s8], [sflag:s0] =	dma.local [spmem:s1], $0x2800  }
0x19: {  	_ =	swait.ge [sflag:s18], $0x2800  }
0x1a: {  	s4 =	sadd.s32 $0x1, s4;
	s31 =	rddreg [dreg:$0x7]  }
0x1b: {  	p0 =	sne.s32 s4, s31  }
.Ltmp1:
0x1c: {  	_ = 	snop;
	(pc) =	sbr.rel @!p0 .LBB2_13-.Ltmp1, $3  }
0x1d: {  	_ =	sdelay $0x1  }
0x1e: {  	[sflag:s18] =	ssyncset.done $0x0  }
0x1f: {  	[sflag:s18] =	ssyncadd.s32 $0xFFFFD800  }
.LBB2_1:
0x20: {  	s0 =	simm.s32 $0x0;
	s1 =	simm.s32 $0x200  }
.LBB2_2:
0x21: {  	p0 =	sne.s32 s1, $0xFE00;
	[tilespmem:s0+$0x14070] =	vst v1  }
0x22: {  	[tilespmem:s0+$0x14000] =	vst v1  }
0x23: {  	[tilespmem:s0+$0x14010] =	vst v1  }
.Ltmp2:
0x24: {  	[tilespmem:s0+$0x14020] =	vst v1;
	(pc) =	sbr.rel @p0 .LBB2_2-.Ltmp2, $4  }
0x25: {  	[tilespmem:s0+$0x14030] =	vst v1  }
0x26: {  	[tilespmem:s0+$0x14040] =	vst v1  }
0x27: {  	[tilespmem:s0+$0x14050] =	vst v1  }
0x28: {  	[tilespmem:s0+$0x14060] =	vst v1;
	s0 =	sshra.s32 s1, $0x2;
	s1 =	sadd.s32 $0x200, s1  }
0x29: {  	[tilespmem:s0+$0x14070] =	vst v1  }
0x2a: {  	[tilespmem:s0+$0x14000] =	vst v1  }
0x2b: {  	[tilespmem:s0+$0x14010] =	vst v1  }
0x2c: {  	[tilespmem:s0+$0x14020] =	vst v1  }
0x2d: {  	[tilespmem:s0+$0x14030] =	vst v1  }
0x2e: {  	[tilespmem:s0+$0x14040] =	vst v1  }
0x2f: {  	[tilespmem:s0+$0x14050] =	vst v1  }
0x30: {  	[tilespmem:s0+$0x14060] =	vst v1  }
0x31: {  	[spmem:s7] =	stream.linear.scatter [tilespmem:s17], [sflag:$0x6], $0x4000, $0x38;
	[tilespmem:$0x1E000] =	vst v63  }
0x32: {  	_ =	swait.ge [sflag:s18], $0x4000  }
0x33: {  	[sflag:s18] =	ssyncset.done $0x0  }
0x34: {  	[sflag:s18] =	ssyncadd.s32 $0xFFFFC000  }
0x35: {  	[spmem:s13] =	stream.linear.scatter [tilespmem:s17], [sflag:$0x6], $0x4000, $0x38;
	[tilespmem:$0x1E000] =	vst v63  }
0x36: {  	_ =	swait.ge [sflag:s18], $0x4000  }
0x37: {  	[sflag:s18] =	ssyncset.done $0x0  }
0x38: {  	[sflag:s18] =	ssyncadd.s32 $0xFFFFC000  }
0x39: {  	[spmem:s14] =	stream.linear.scatter [tilespmem:s17], [sflag:$0x6], $0x4000, $0x38;
	[tilespmem:$0x1E000] =	vst v63  }
0x3a: {  	_ =	swait.ge [sflag:s18], $0x4000  }
0x3b: {  	[sflag:s18] =	ssyncset.done $0x0  }
0x3c: {  	[sflag:s18] =	ssyncadd.s32 $0xFFFFC000  }
0x3d: {  	[spmem:s15] =	stream.linear.scatter [tilespmem:s17], [sflag:$0x6], $0x4000, $0x38;
	[tilespmem:$0x1E000] =	vst v63  }
0x3e: {  	_ =	swait.ge [sflag:s18], $0x4000  }
0x3f: {  	[sflag:s18] =	ssyncset.done $0x0  }
0x40: {  	[sflag:s18] =	ssyncadd.s32 $0xFFFFC000  }
0x41: {  	[spmem:s16] =	stream.linear.scatter [tilespmem:s17], [sflag:$0x6], $0x4000, $0x38;
	[tilespmem:$0x1E000] =	vst v63  }
0x42: {  	_ =	swait.ge [sflag:s18], $0x4000  }
0x43: {  	[sflag:s18] =	ssyncset.done $0x0  }
0x44: {  	[sflag:s18] =	ssyncadd.s32 $0xFFFFC000  }
0x45: {  	[bflag:$0x0] =	sbarrier.arrive $0xFFFF  }
0x46: {  	s30 =	simm.s32 $0x0;
	s1 =	rddreg [dreg:$0x4]  }
0x47: {  	[tilespmem:s19], [sflag:$0x5] =	stream.linear.gather [hbm4b:s1+s30], $0x800, $0x38;
	[tilespmem:$0x1E000] =	vst v63  }
0x48: {  	s8 =	simm.s32 $0x1D000;
	s31 =	rddreg [dreg:$0x5]  }
0x49: {  	[tilespmem:s8], [sflag:$0x5] =	stream.linear.gather [hbm4b:s31+s30], $0x800, $0x38;
	[tilespmem:$0x1E000] =	vst v63  }
0x4a: {  	_ =	swait.ge [sflag:s21], $0x800  }
0x4b: {  	[sflag:s21] =	ssyncset.done $0x0  }
0x4c: {  	[sflag:s21] =	ssyncadd.s32 $0xFFFFF800  }
0x4d: {  	_ =	swait.ge [sflag:s21], $0x800  }
0x4e: {  	[sflag:s21] =	ssyncset.done $0x0  }
0x4f: {  	s0 =	simm.s32 $0x0;
	[sflag:s21] =	ssyncadd.s32 $0xFFFFF800  }
0x50: {  	v4 =	vld [tilespmem:s0+$0x1C000]  }
0x51: {  	v6 =	vld [tilespmem:s0+$0x1C010]  }
0x52: {  	v5 =	vld [tilespmem:s0+$0x1C020]  }
0x53: {  	v3 =	vld [tilespmem:s0+$0x1C030]  }
0x54: {  	v2 =	vld [tilespmem:s0+$0x1C040]  }
0x55: {  	v7 =	vadd.s32 v0, v4;
	v4 =	vld [tilespmem:s0+$0x1C050]  }
0x56: {  	s1 =	simm.s32 $0x200;
	[tilespmem:s0+$0x1C000] =	vst v7;
	v7 =	vadd.s32 v0, v6;
	v6 =	vld [tilespmem:s0+$0x1C060]  }
.LBB2_4:
0x57: {  	s20 =	sshra.s32 s1, $0x2;
	p0 =	sne.s32 s1, $0x1E00;
	[tilespmem:s0+$0x1C010] =	vst v7;
	v5 =	vadd.s32 v0, v5;
	v7 =	vld [tilespmem:s0+$0x1C070]  }
0x58: {  	v8 =	vld [tilespmem:s20+$0x1C000];
	[tilespmem:s0+$0x1C020] =	vst v5;
	v3 =	vadd.s32 v0, v3  }
0x59: {  	v9 =	vld [tilespmem:s20+$0x1C010];
	[tilespmem:s0+$0x1C030] =	vst v3;
	v2 =	vadd.s32 v0, v2  }
.Ltmp3:
0x5a: {  	v5 =	vld [tilespmem:s20+$0x1C020];
	[tilespmem:s0+$0x1C040] =	vst v2;
	v2 =	vadd.s32 v0, v4;
	(pc) =	sbr.rel @p0 .LBB2_4-.Ltmp3, $4  }
0x5b: {  	v3 =	vld [tilespmem:s20+$0x1C030];
	[tilespmem:s0+$0x1C050] =	vst v2;
	v4 =	vadd.s32 v0, v6  }
0x5c: {  	v2 =	vld [tilespmem:s20+$0x1C040];
	[tilespmem:s0+$0x1C060] =	vst v4;
	v6 =	vadd.s32 v0, v7  }
0x5d: {  	v7 =	vadd.s32 v0, v8;
	v4 =	vld [tilespmem:s20+$0x1C050];
	[tilespmem:s0+$0x1C070] =	vst v6;
	s0 =	smov.u32 s20  }
0x5e: {  	s1 =	sadd.s32 $0x200, s1;
	[tilespmem:s0+$0x1C000] =	vst v7;
	v7 =	vadd.s32 v0, v9;
	v6 =	vld [tilespmem:s0+$0x1C060]  }
0x5f: {  	[tilespmem:s0+$0x1C010] =	vst v7;
	v5 =	vadd.s32 v0, v5;
	v63 =	vld [tilespmem:s0+$0x1C070]  }
0x60: {  	[tilespmem:s0+$0x1C020] =	vst v5;
	v3 =	vadd.s32 v0, v3  }
0x61: {  	[tilespmem:s0+$0x1C030] =	vst v3;
	v2 =	vadd.s32 v0, v2  }
.Ltmp4:
0x62: {  	[tilespmem:s0+$0x1C040] =	vst v2;
	v2 =	vadd.s32 v0, v4;
	(pc) =	sbr.rel .LBB2_6-.Ltmp4, $4  }
0x63: {  	[tilespmem:s0+$0x1C050] =	vst v2;
	v2 =	vadd.s32 v0, v6  }
0x64: {  	[tilespmem:s0+$0x1C060] =	vst v2;
	v2 =	vadd.s32 v0, v63  }
0x65: {  	s29 =	simm.s32 $0x0;
	s30 =	simm.s32 $0x2;
	[tilespmem:s0+$0x1C070] =	vst v2  }
0x66: {  	[tilespmem:s17], [sflag:$0x1] =	stream.indirect.gather [hbm4b:s5+s22], $0x80, s19, s22, $0xb8;
	[tilespmem:$0x1E000] =	vst v63  }
.LBB2_10:
.Ltmp5:
0x67: {  	(pc) =	sbr.rel @p0 .LBB2_12-.Ltmp5, $1  }
0x68: {  	_ =	sdelay $0x3  }
.LBB2_11:
0x69: {  	s0 =	sadd.s32 $0x2, s31  }
0x6a: {  	s0 =	sshll.u32 s0, $0x7  }
0x6b: {  	s0 =	sand.u32 $0xF00, s0  }
0x6c: {  	s29 =	sadd.s32 $0x1, s29;
	s30 =	sadd.s32 $0x2, s30;
	s0 =	sor.u32 $0x1C000, s0  }
0x6d: {  	[tilespmem:s17], [sflag:$0x1] =	stream.indirect.gather [hbm4b:s5+s22], $0x80, s0, s22, $0xb8;
	[tilespmem:$0x1E000] =	vst v63  }
.LBB2_6:
0x6e: {  	s31 =	sshll.u32 s29, $0x1  }
0x6f: {  	p0 =	sgt.u32 s29, $0x1F;
	s0 =	sand.u32 $0xE, s31  }
0x70: {  	p1 =	sne.s32 @!p0 s0, $0x0  }
0x71: {  	_ =	swait.ge [sflag:s23], $0x4000;
	s1 =	sshll.u32 s29, $0x8;
	p0 =	por p1, p0  }
0x72: {  	[sflag:s23] =	ssyncset.done $0x0;
	p1 =	seq.s32 s29, $0x0;
	s8 =	sand.u32 @!p0 $0x1800, s1  }
0x73: {  	[sflag:s23] =	ssyncadd.s32 $0xFFFFC000;
	s20 =	simm.s32 @!p1 $0x4;
	s8 =	sadd.s32 @!p0 $0x800, s8  }
0x74: {  	s12 =	simm.s32 @!p0 $0x0;
	_ =	swait.ge @!p1 [sflag:s20], $0x4000;
	s9 =	sadd.s32 @!p0 s10, s8  }
0x75: {  	[sflag:s20] =	ssyncset.done @!p1 $0x0;
	s8 =	sand.u32 @!p0 $0x800, s8;
	s9 =	sshrl.u32 @!p0 s9, $0x3  }
0x76: {  	[sflag:s20] =	ssyncadd.s32 @!p1 $0xFFFFC000;
	s20 =	sor.u32 @!p0 $0x1C000, s8;
	s11 =	sadd.s32 @!p0 s2, s9  }
0x77: {  	[tilespmem:s20], [sflag:$0x5] =	stream.linear.gather @!p0 [hbm4b:s11+s12], $0x800, $0x38;
	[tilespmem:$0x1E000] =	vst v63  }
0x78: {  	s1 =	sand.u32 $0xF00, s1;
	s8 =	sor.u32 @!p0 $0x1D000, s8;
	s9 =	sadd.s32 @!p0 s6, s9  }
0x79: {  	[tilespmem:s8], [sflag:$0x5] =	stream.linear.gather @!p0 [hbm4b:s9+s12], $0x800, $0x38;
	[tilespmem:$0x1E000] =	vst v63  }
0x7a: {  	s12 =	sor.u32 $0x1C080, s1  }
0x7b: {  	[tilespmem:s24], [sflag:$0x2] =	stream.indirect.gather [hbm4b:s5+s22], $0x80, s12, s22, $0xb8;
	[tilespmem:$0x1E000] =	vst v63  }
0x7c: {  	s20 =	sor.u32 $0x1D000, s1;
	p0 =	seq.s32 s29, $0x27  }
0x7d: {  	[spmem:s3] =	stream.indirect.scatter.add.f32 [tilespmem:s17], [sflag:$0x3], $0x80, s20, s22, $0xb8;
	[tilespmem:$0x1E000] =	vst v63  }
0x7e: {  	p1 =	sne.s32 @!p0 s0, $0xE;
	_ =	swait.ge [sflag:s25], $0x4000  }
0x7f: {  	p1 =	por p0, p1;
	[sflag:s25] =	ssyncset.done $0x0  }
.Ltmp6:
0x80: {  	s1 =	sor.u32 $0x1D080, s1;
	[sflag:s25] =	ssyncadd.s32 $0xFFFFC000;
	(pc) =	sbr.rel @p1 .LBB2_10-.Ltmp6, $4  }
0x81: {  	[spmem:s3] =	stream.indirect.scatter.add.f32 [tilespmem:s24], [sflag:$0x4], $0x80, s1, s22, $0xb8;
	[tilespmem:$0x1E000] =	vst v63  }
0x82: {  	_ =	swait.ge [sflag:s26], $0x4000  }
0x83: {  	[sflag:s26] =	ssyncset.done $0x0  }
0x84: {  	[sflag:s26] =	ssyncadd.s32 $0xFFFFC000  }
0x85: {  	s0 =	sshll.u32 s30, $0x7  }
0x86: {  	s0 =	sand.u32 $0x800, s0  }
0x87: {  	_ =	swait.ge [sflag:s21], $0x800;
	s0 =	sor.u32 $0x1C040, s0  }
0x88: {  	[sflag:s21] =	ssyncset.done $0x0;
	v2 =	vmov s0  }
0x89: {  	[sflag:s21] =	ssyncadd.s32 $0xFFFFF800  }
0x8a: {  	_ =	swait.ge [sflag:s21], $0x800  }
0x8b: {  	[sflag:s21] =	ssyncset.done $0x0  }
0x8c: {  	s0 =	simm.s32 $0x0;
	[sflag:s21] =	ssyncadd.s32 $0xFFFFF800  }
0x8d: {  	v3 =	vld.idx.msk [tilespmem:v2+s0+$0xFFFFFFC0 ss:$0x1], $0xffff;
	_ =	sdelay $0x4  }
0x8e: {  	v3 =	vadd.s32 v0, v3  }
0x8f: {  	[tilespmem:v2+s0+$0xFFFFFFC0 ss:$0x1] =	vst.idx.msk $0xffff, v3  }
0x90: {  	v3 =	vld.idx.msk [tilespmem:v2+s0+$0xFFFFFFD0 ss:$0x1], $0xffff;
	_ =	sdelay $0x4  }
0x91: {  	v3 =	vadd.s32 v0, v3  }
0x92: {  	[tilespmem:v2+s0+$0xFFFFFFD0 ss:$0x1] =	vst.idx.msk $0xffff, v3  }
0x93: {  	v3 =	vld.idx.msk [tilespmem:v2+s0+$0xFFFFFFE0 ss:$0x1], $0xffff;
	_ =	sdelay $0x4  }
0x94: {  	v3 =	vadd.s32 v0, v3  }
0x95: {  	[tilespmem:v2+s0+$0xFFFFFFE0 ss:$0x1] =	vst.idx.msk $0xffff, v3  }
0x96: {  	v3 =	vld.idx.msk [tilespmem:v2+s0+$0xFFFFFFF0 ss:$0x1], $0xffff;
	_ =	sdelay $0x4  }
0x97: {  	v3 =	vadd.s32 v0, v3  }
0x98: {  	[tilespmem:v2+s0+$0xFFFFFFF0 ss:$0x1] =	vst.idx.msk $0xffff, v3  }
0x99: {  	v3 =	vld.idx.msk [tilespmem:v2+s0+$0x0 ss:$0x1], $0xffff;
	_ =	sdelay $0x4  }
0x9a: {  	v3 =	vadd.s32 v0, v3  }
0x9b: {  	[tilespmem:v2+s0+$0x0 ss:$0x1] =	vst.idx.msk $0xffff, v3  }
0x9c: {  	v3 =	vld.idx.msk [tilespmem:v2+s0+$0x10 ss:$0x1], $0xffff;
	_ =	sdelay $0x4  }
0x9d: {  	v3 =	vadd.s32 v0, v3  }
0x9e: {  	[tilespmem:v2+s0+$0x10 ss:$0x1] =	vst.idx.msk $0xffff, v3  }
0x9f: {  	v3 =	vld.idx.msk [tilespmem:v2+s0+$0x20 ss:$0x1], $0xffff;
	_ =	sdelay $0x4  }
0xa0: {  	v3 =	vadd.s32 v0, v3  }
0xa1: {  	[tilespmem:v2+s0+$0x20 ss:$0x1] =	vst.idx.msk $0xffff, v3  }
0xa2: {  	v3 =	vld.idx.msk [tilespmem:v2+s0+$0x30 ss:$0x1], $0xffff;
	_ =	sdelay $0x4  }
0xa3: {  	s20 =	simm.s32 $0x200;
	s1 =	simm.s32 $0x400;
	v3 =	vadd.s32 v0, v3  }
.LBB2_8:
0xa4: {  	p0 =	seq.s32 s1, $0x1E00  }
0xa5: {  	[tilespmem:v2+s0+$0x30 ss:$0x1] =	vst.idx.msk $0xffff, v3;
	s0 =	sshra.s32 s20, $0x2;
	s20 =	smov.u32 s1;
	s1 =	sadd.s32 $0x200, s1  }
0xa6: {  	v3 =	vld.idx.msk [tilespmem:v2+s0+$0xFFFFFFC0 ss:$0x1], $0xffff;
	_ =	sdelay $0x5  }
0xa7: {  	v3 =	vadd.s32 v0, v3  }
0xa8: {  	[tilespmem:v2+s0+$0xFFFFFFC0 ss:$0x1] =	vst.idx.msk $0xffff, v3  }
0xa9: {  	v3 =	vld.idx.msk [tilespmem:v2+s0+$0xFFFFFFD0 ss:$0x1], $0xffff;
	_ =	sdelay $0x5  }
0xaa: {  	v3 =	vadd.s32 v0, v3  }
0xab: {  	[tilespmem:v2+s0+$0xFFFFFFD0 ss:$0x1] =	vst.idx.msk $0xffff, v3  }
0xac: {  	v3 =	vld.idx.msk [tilespmem:v2+s0+$0xFFFFFFE0 ss:$0x1], $0xffff;
	_ =	sdelay $0x5  }
0xad: {  	v3 =	vadd.s32 v0, v3  }
0xae: {  	[tilespmem:v2+s0+$0xFFFFFFE0 ss:$0x1] =	vst.idx.msk $0xffff, v3  }
0xaf: {  	v3 =	vld.idx.msk [tilespmem:v2+s0+$0xFFFFFFF0 ss:$0x1], $0xffff;
	_ =	sdelay $0x5  }
0xb0: {  	v3 =	vadd.s32 v0, v3  }
0xb1: {  	[tilespmem:v2+s0+$0xFFFFFFF0 ss:$0x1] =	vst.idx.msk $0xffff, v3  }
0xb2: {  	v3 =	vld.idx.msk [tilespmem:v2+s0+$0x0 ss:$0x1], $0xffff;
	_ =	sdelay $0x5  }
0xb3: {  	v3 =	vadd.s32 v0, v3  }
0xb4: {  	[tilespmem:v2+s0+$0x0 ss:$0x1] =	vst.idx.msk $0xffff, v3  }
0xb5: {  	v3 =	vld.idx.msk [tilespmem:v2+s0+$0x10 ss:$0x1], $0xffff;
	_ =	sdelay $0x5  }
0xb6: {  	v3 =	vadd.s32 v0, v3  }
0xb7: {  	[tilespmem:v2+s0+$0x10 ss:$0x1] =	vst.idx.msk $0xffff, v3  }
0xb8: {  	v3 =	vld.idx.msk [tilespmem:v2+s0+$0x20 ss:$0x1], $0xffff;
	_ =	sdelay $0x5  }
0xb9: {  	v3 =	vadd.s32 v0, v3  }
0xba: {  	[tilespmem:v2+s0+$0x20 ss:$0x1] =	vst.idx.msk $0xffff, v3  }
0xbb: {  	v3 =	vld.idx.msk [tilespmem:v2+s0+$0x30 ss:$0x1], $0xffff;
	_ =	sdelay $0x1  }
.Ltmp7:
0xbc: {  	(pc) =	sbr.rel @!p0 .LBB2_8-.Ltmp7, $2  }
0xbd: {  	_ =	sdelay $0x2  }
0xbe: {  	v3 =	vadd.s32 v0, v3  }
0xbf: {  	_ =	sdelay $0x3  }
0xc0: {  	s1 =	sshra.s32 s20, $0x2;
	[tilespmem:v2+s0+$0x30 ss:$0x1] =	vst.idx.msk $0xffff, v3  }
0xc1: {  	v3 =	vld.idx.msk [tilespmem:v2+s1+$0xFFFFFFC0 ss:$0x1], $0xffff;
	_ =	sdelay $0x4  }
0xc2: {  	v3 =	vadd.s32 v0, v3  }
0xc3: {  	[tilespmem:v2+s1+$0xFFFFFFC0 ss:$0x1] =	vst.idx.msk $0xffff, v3  }
0xc4: {  	v3 =	vld.idx.msk [tilespmem:v2+s1+$0xFFFFFFD0 ss:$0x1], $0xffff;
	_ =	sdelay $0x4  }
0xc5: {  	v3 =	vadd.s32 v0, v3  }
0xc6: {  	[tilespmem:v2+s1+$0xFFFFFFD0 ss:$0x1] =	vst.idx.msk $0xffff, v3  }
0xc7: {  	v3 =	vld.idx.msk [tilespmem:v2+s1+$0xFFFFFFE0 ss:$0x1], $0xffff;
	_ =	sdelay $0x4  }
0xc8: {  	v3 =	vadd.s32 v0, v3  }
0xc9: {  	[tilespmem:v2+s1+$0xFFFFFFE0 ss:$0x1] =	vst.idx.msk $0xffff, v3  }
0xca: {  	v3 =	vld.idx.msk [tilespmem:v2+s1+$0xFFFFFFF0 ss:$0x1], $0xffff;
	_ =	sdelay $0x4  }
0xcb: {  	v3 =	vadd.s32 v0, v3  }
0xcc: {  	[tilespmem:v2+s1+$0xFFFFFFF0 ss:$0x1] =	vst.idx.msk $0xffff, v3  }
0xcd: {  	v3 =	vld.idx.msk [tilespmem:v2+s1+$0x0 ss:$0x1], $0xffff;
	_ =	sdelay $0x4  }
0xce: {  	v3 =	vadd.s32 v0, v3  }
0xcf: {  	[tilespmem:v2+s1+$0x0 ss:$0x1] =	vst.idx.msk $0xffff, v3  }
0xd0: {  	v3 =	vld.idx.msk [tilespmem:v2+s1+$0x10 ss:$0x1], $0xffff;
	_ =	sdelay $0x4  }
0xd1: {  	v3 =	vadd.s32 v0, v3  }
0xd2: {  	[tilespmem:v2+s1+$0x10 ss:$0x1] =	vst.idx.msk $0xffff, v3  }
0xd3: {  	v3 =	vld.idx.msk [tilespmem:v2+s1+$0x20 ss:$0x1], $0xffff;
	_ =	sdelay $0x4  }
0xd4: {  	v3 =	vadd.s32 v0, v3  }
0xd5: {  	[tilespmem:v2+s1+$0x20 ss:$0x1] =	vst.idx.msk $0xffff, v3  }
0xd6: {  	v3 =	vld.idx.msk [tilespmem:v2+s1+$0x30 ss:$0x1], $0xffff;
	_ =	sdelay $0x1  }
.Ltmp8:
0xd7: {  	_ = 	snop;
	(pc) =	sbr.rel .LBB2_11-.Ltmp8, $3  }
0xd8: {  	_ =	sdelay $0x1  }
0xd9: {  	v3 =	vadd.s32 v0, v3  }
0xda: {  	[tilespmem:v2+s1+$0x30 ss:$0x1] =	vst.idx.msk $0xffff, v3  }
.LBB2_13:
0xdb: {  	_ =	sfence.sel $0x180000  }
0xdc: {  	[bflag:$0x0] =	sbarrier.arrive $0xFFFF  }
0xdd: {  	_ =	strace $0x9000004A  }
0xde: {  	s0 =	stileid.u32;
	[bflag:$0x2] =	sbarrier.arrive $0xFFFF  }
0xdf: {  	p0 =	sne.s32 s0, $0x0;
	s0 =	rddreg [dreg:$0x3]  }
0xe0: {  	s0 =	sadd.s32 @!p0 $0x100000, s0  }
0xe1: {  	[sflag:s0] =	ssyncadd.tile.s32 @!p0 $0x1;
	_ =	shalt  }
.Lfunc_end2:
_tile_overlayer_lowered:
.L_overlay_start_2:
0xe2: {  	(tag) =	ssettag $0x2  }
0xe3: {  	s0 =	rddreg [dreg:$0x0];
	s2 =	stileid.u32  }
0xe4: {  	s1 =	rddreg [dreg:$0x1];
	p0 =	sne.s32 s2, $0x0  }
0xe5: {  	s3 =	rddreg [dreg:$0x2];
	[bflag:$0x3] =	sbarrier.arrive $0xFFFF;
	s2 =	simm.s32 @!p0 $0x1C06  }
0xe6: {  	[timem:s3], [sflag:s2] =	dma.local @!p0 [hbm:s0], s1  }
0xe7: {  	s0 =	simm.s32 @!p0 $0x6  }
0xe8: {  	_ =	swait.ge @!p0 [sflag:s0], s1  }
0xe9: {  	s1 =	ssub.s32 @!p0 $0x0, s1;
	[sflag:s0] =	ssyncset.done @!p0 $0x0  }
0xea: {  	[sflag:s0] =	ssyncadd.s32 @!p0 s1  }
0xeb: {  	[bflag:$0x3] =	sbarrier.arrive $0xFFFF  }
0xec: {  	_ =	shalt  }

// kernel: kernel.14.cloned.1.call-start
scs
__scs_entry_jumppad:
0x0: {  	(pc) =	sbr.rel $0x88, $3  }
0x1: {  	(tag) =	ssettag $0x0;
	lr =	simm.s32 $0x1  }
0x2: {  	[smem:$0x3F99] =	sst lr;
	_ =	strace $0xD0000000  }
0x3: {  	_ = 	snop  }
0x4: {  	_ = 	snop  }
0x5: {  	_ = 	snop  }
0x6: {  	_ = 	snop  }
0x7: {  	_ = 	snop  }
__scs_overlays_trampoline_lowered:
0x8: {  	[smem:$0x3FA8] =	sst s0  }
0x9: {  	[smem:$0x3FA9] =	sst s1  }
0xa: {  	[smem:$0x3FAA] =	sst s2  }
0xb: {  	[smem:$0x3FAB] =	sst s3  }
0xc: {  	[smem:$0x3FAC] =	sst s4  }
0xd: {  	[smem:$0x3FAD] =	sst s5  }
0xe: {  	[smem:$0x3FAE] =	sst s6  }
0xf: {  	[smem:$0x3FAF] =	sst s7  }
0x10: {  	[smem:$0x3FB0] =	sst s8  }
0x11: {  	[smem:$0x3FB1] =	sst s9;
	s0 =	simm.s32 @!p0 $0x0  }
0x12: {  	s1 =	sld [smem:$0x3F97];
	s0 =	simm.s32 @p0 $0x1  }
0x13: {  	[smem:$0x3FB2] =	sst s0;
	s0 =	simm.s32 @!p1 $0x0  }
0x14: {  	s2 =	sld [smem:$0x3F96];
	s0 =	simm.s32 @p1 $0x1  }
0x15: {  	[smem:$0x3FB3] =	sst s0;
	s0 =	simm.s32 @!p2 $0x0  }
0x16: {  	s3 =	sld [smem:$0x3FDB];
	s0 =	simm.s32 @p2 $0x1  }
0x17: {  	s4 =	simm.s32 $0x1BF5;
	[smem:$0x3FB5] =	sst s0  }
0x18: {  	s0 =	sld [smem:$0x3F98];
	_ =	swait.ge [sflag:s4], $0x0  }
0x19: {  	s7 =	sld [smem:$0x3F99]  }
0x1a: {  	s8 =	sadd.s32 $0xFFFFE003, lr  }
0x1b: {  	s9 =	sadd.s32 $0xFFFFFEF7, lr;
	s5 =	simm.s32 $0xFFFFFFFF;
	p2 =	slt.u32 s8, $0xFFFFF086  }
0x1c: {  	p1 =	slt.u32 s9, $0xF7A;
	s5 =	simm.s32 @!p2 $0x0  }
0x1d: {  	s5 =	simm.s32 @p1 $0x1;
	p0 =	seq.s32 s7, s2  }
0x1e: {  	s7 =	smul.u32 @!p0 $0xF7A, s2;
	p2 =	seq.s32 @!p0 s5, $0x0  }
0x1f: {  	s9 =	smul.u32 $0xF7A, s1;
	s8 =	simm.s32 @!p0 $0x1BF5;
	p2 =	por !p2, p0  }
0x20: {  	[sflag:s8] =	ssyncset.s32 @!p0 $0xFFFFF086;
	s6 =	sadd.s32 @!p0 s3, s7;
	s7 =	simm.s32 @!p0 $0x108  }
0x21: {  	s3 =	sadd.s32 s3, s9;
	s6 =	sadd.s32 @!p0 $0x88, s6;
	s7 =	simm.s32 @p2 $0x1082  }
0x22: {  	[simem:s7], [sflag:s8] =	dma.local @!p0 [hbm:s6], $0xF7A  }
0x23: {  	s9 =	sor.u32 $0xD0000000, s2;
	s6 =	simm.s32 $0x108;
	_ =	swait.ge @!p0 [sflag:s8], $0x0  }
0x24: {  	s3 =	sadd.s32 $0x88, s3;
	s6 =	simm.s32 @!p1 $0x1082;
	[sflag:s4] =	ssyncset.s32 $0xFFFFF086  }
0x25: {  	[simem:s6], [sflag:s4] =	dma.local [hbm:s3], $0xF7A  }
0x26: {  	[smem:$0x3F99] =	sst s1;
	(tag) =	ssettag s2;
	_ =	strace s9  }
0x27: {  	s1 =	sld [smem:$0x3FA9]  }
0x28: {  	s2 =	sld [smem:$0x3FAA]  }
0x29: {  	s4 =	sld [smem:$0x3FAC]  }
0x2a: {  	p0 =	seq.s32 s5, $0x0;
	s5 =	sld [smem:$0x3FAD]  }
0x2b: {  	s6 =	sld [smem:$0x3FAE]  }
0x2c: {  	s7 =	sld [smem:$0x3FAF]  }
0x2d: {  	s3 =	simm.s32 $0x108;
	s8 =	sld [smem:$0x3FB0]  }
0x2e: {  	s3 =	simm.s32 @!p0 $0x1082;
	s9 =	sld [smem:$0x3FB1]  }
0x2f: {  	lr =	sadd.s32 s0, s3;
	s0 =	sld [smem:$0x3FA8]  }
0x30: {  	s3 =	sld [smem:$0x3FAB]  }
0x31: {  	[smem:$0x3FB4] =	sst s10  }
0x32: {  	s10 =	sld [smem:$0x3FB2];
	_ =	sdelay $0x3  }
0x33: {  	p0 =	seq.s32 s10, $0x1;
	s10 =	sld [smem:$0x3FB4];
	_ =	sdelay $0x3  }
0x34: {  	[smem:$0x3FB4] =	sst s10  }
0x35: {  	s10 =	sld [smem:$0x3FB3];
	_ =	sdelay $0x3  }
0x36: {  	p1 =	seq.s32 s10, $0x1;
	s10 =	sld [smem:$0x3FB4];
	_ =	sdelay $0x3  }
0x37: {  	[smem:$0x3FB4] =	sst s10  }
0x38: {  	s10 =	sld [smem:$0x3FB5]  }
0x39: {  	_ = 	snop;
	(pc) =	sbr.ind lr, $3  }
0x3a: {  	_ = 	snop  }
0x3b: {  	_ = 	snop  }
0x3c: {  	p2 =	seq.s32 s10, $0x1;
	s10 =	sld [smem:$0x3FB4]  }
0x3d: {  	_ =	shalt  }
0x3e: {  	_ =	shalt  }
0x3f: {  	_ =	shalt  }
0x40: {  	_ =	shalt  }
0x41: {  	_ =	shalt  }
0x42: {  	_ =	shalt  }
0x43: {  	_ =	shalt  }
0x44: {  	_ =	shalt  }
0x45: {  	_ =	shalt  }
0x46: {  	_ =	shalt  }
0x47: {  	_ =	shalt  }
0x48: {  	_ =	shalt  }
0x49: {  	_ =	shalt  }
0x4a: {  	_ =	shalt  }
0x4b: {  	_ =	shalt  }
0x4c: {  	_ =	shalt  }
0x4d: {  	_ =	shalt  }
0x4e: {  	_ =	shalt  }
0x4f: {  	_ =	shalt  }
0x50: {  	_ =	shalt  }
0x51: {  	_ =	shalt  }
0x52: {  	_ =	shalt  }
0x53: {  	_ =	shalt  }
0x54: {  	_ =	shalt  }
0x55: {  	_ =	shalt  }
0x56: {  	_ =	shalt  }
0x57: {  	_ =	shalt  }
0x58: {  	_ =	shalt  }
0x59: {  	_ =	shalt  }
0x5a: {  	_ =	shalt  }
0x5b: {  	_ =	shalt  }
0x5c: {  	_ =	shalt  }
0x5d: {  	_ =	shalt  }
0x5e: {  	_ =	shalt  }
0x5f: {  	_ =	shalt  }
0x60: {  	_ =	shalt  }
0x61: {  	_ =	shalt  }
0x62: {  	_ =	shalt  }
0x63: {  	_ =	shalt  }
0x64: {  	_ =	shalt  }
0x65: {  	_ =	shalt  }
0x66: {  	_ =	shalt  }
0x67: {  	_ =	shalt  }
0x68: {  	_ =	shalt  }
0x69: {  	_ =	shalt  }
0x6a: {  	_ =	shalt  }
0x6b: {  	_ =	shalt  }
0x6c: {  	_ =	shalt  }
0x6d: {  	_ =	shalt  }
0x6e: {  	_ =	shalt  }
0x6f: {  	_ =	shalt  }
0x70: {  	_ =	shalt  }
0x71: {  	_ =	shalt  }
0x72: {  	_ =	shalt  }
0x73: {  	_ =	shalt  }
0x74: {  	_ =	shalt  }
0x75: {  	_ =	shalt  }
0x76: {  	_ =	shalt  }
0x77: {  	_ =	shalt  }
0x78: {  	_ =	shalt  }
0x79: {  	_ =	shalt  }
0x7a: {  	_ =	shalt  }
0x7b: {  	_ =	shalt  }
0x7c: {  	_ =	shalt  }
0x7d: {  	_ =	shalt  }
0x7e: {  	_ =	shalt  }
0x7f: {  	_ =	shalt  }
0x80: {  	_ =	shalt  }
0x81: {  	_ =	shalt  }
0x82: {  	_ =	shalt  }
0x83: {  	_ =	shalt  }
0x84: {  	_ =	shalt  }
0x85: {  	_ =	shalt  }
0x86: {  	_ =	shalt  }
0x87: {  	_ =	shalt  }
.Lfunc_end0:
.L_simem_size_0:
called_computation.2_lowered:
.L_overlay_start_0:
0x88: {  	s2 =	sld [smem:$0x3FD9]  }
0x89: {  	s3 =	sld [smem:$0x3FFE];
	_ =	sdelay $0x1  }
0x8a: {  	s1 =	srdreg.scid  }
0x8b: {  	s0 =	sand.u32 $0x1, s1  }
0x8c: {  	s17 =	sshll.u32 s0, $0xA;
	s2 =	sadd.s32 s3, s2  }
0x8d: {  	s2 =	sadd.s32 s2, s17  }
0x8e: {  	[smem:$0x3FC0] =	sst s2  }
0x8f: {  	_ = 	snop  }
0x90: {  	s2 =	sld [smem:$0x3FD0];
	(tm) =	ssettm $0x1  }
0x91: {  	s18 =	sld [smem:$0x3FFB];
	_ =	sdelay $0x3  }
0x92: {  	_ =	strace s18  }
0x93: {  	s3 =	sld [smem:$0x3FFC];
	_ =	sdelay $0x3  }
0x94: {  	_ =	strace s3  }
0x95: {  	s3 =	sld [smem:$0x3FFD];
	_ =	sdelay $0x3  }
0x96: {  	_ =	strace s3  }
0x97: {  	_ =	strace $0x8FFFFFFF  }
0x98: {  	s19 =	sld [smem:$0x3FDB];
	_ =	sdelay $0x1  }
0x99: {  	s4 =	simm.s32 $_scs_section_size  }
0x9a: {  	s5 =	simm.s32 $_size__tile_overlayer_lowered;
	s6 =	simm.s32 $_tile_overlayer_lowered  }
0x9b: {  	s22 =	simm.s32 $0x1BFF;
	s21 =	sshll.u32 s6, $0x1;
	s3 =	sadd.s32 s4, s19  }
0x9c: {  	s7 =	simm.s32 $0x0;
	s20 =	sshll.u32 s5, $0x1;
	s5 =	sadd.s32 s21, s3  }
0x9d: {  	[timem:s7], [sflag:s22] =	dma.local [hbm:s5], s20  }
0x9e: {  	_ =	swait.ge [sflag:s22], s20  }
0x9f: {  	s4 =	ssub.s32 $0x0, s20;
	[sflag:s22] =	ssyncset.done $0x0  }
0xa0: {  	[sflag:s22] =	ssyncadd.s32 s4;
	_ =	sdelay $0x1  }
0xa1: {  	s23 =	simm.s32 $0x1B8B  }
0xa2: {  	_ =	swait.ge [sflag:s23], $0x1  }
0xa3: {  	[sflag:s23] =	ssyncset.done $0x0  }
0xa4: {  	s25 =	simm.s32 $0x1B8E;
	s24 =	sld [smem:$0x3FFE];
	[sflag:s23] =	ssyncadd.s32 $0xFFFFFFFF  }
0xa5: {  	s26 =	simm.s32 $execute0_lowered;
	[smem:$0x3FD2] =	sst s25  }
0xa6: {  	s5 =	sshll.u32 s26, $0x1;
	_ =	strace $0x8000004C;
	[dreg:$0x1] =	wrdreg $0xFFFFFFFF  }
0xa7: {  	s28 =	simm.s32 $_size_execute0_lowered;
	s3 =	sadd.s32 s3, s5;
	[dreg:$0x0] =	wrdreg $0x0  }
0xa8: {  	s5 =	sshll.u32 s28, $0x1;
	[dreg:$0x2] =	wrdreg s3  }
0xa9: {  	[dreg:$0x3] =	wrdreg s5  }
0xaa: {  	[dreg:$0x4] =	wrdreg $0xC0  }
0xab: {  	_ =	task [dreg:s7], $0x5FFFF  }
0xac: {  	[dreg:$0x1] =	wrdreg $0xFFFFFFFF  }
0xad: {  	[dreg:$0x0] =	wrdreg $0x60  }
0xae: {  	[dreg:$0x2] =	wrdreg s24  }
0xaf: {  	[dreg:$0x3] =	wrdreg s2  }
0xb0: {  	[dreg:$0x4] =	wrdreg $0x0  }
0xb1: {  	[dreg:$0x5] =	wrdreg $0x9  }
0xb2: {  	_ =	task.clear_ibuf [dreg:s7], $0x6FFFF;
	_ =	strace $0x9000004C  }
0xb3: {  	s29 =	simm.s32 $0x9;
	_ =	strace $0x8000004E  }
0xb4: {  	_ =	swait.ge [sflag:s29], $0x1  }
0xb5: {  	[sflag:s29] =	ssyncadd.s32 $0xFFFFFFFF  }
0xb6: {  	_ =	strace $0x9000004E  }
0xb7: {  	_ =	sfence  }
0xb8: {  	s30 =	sld [smem:$0x0];
	_ =	sdelay $0x2  }
0xb9: {  	s31 =	sshll.u32 s1, $0xD;
	s1 =	sshrl.u32 s1, $0x2  }
0xba: {  	s3 =	sand.u32 $0x4000, s31;
	s1 =	sadd.s32 s1, s30  }
0xbb: {  	s0 =	sor.u32 s3, s0;
	s1 =	sshll.u32 s1, $0x11  }
0xbc: {  	s0 =	sor.u32 s1, s0  }
0xbd: {  	s0 =	sadd.s32 $0x8F2B, s0  }
0xbe: {  	[sflag:s0] =	ssyncadd.remote.s32 $0x1  }
0xbf: {  	_ =	sfence.sel $0xFFFF  }
0xc0: {  	[dreg:$0x0] =	wrdreg $0xFFFFFFFF;
	(pc) =	sbr.abs _section_cstart, $3  }
0xc1: {  	[dreg:$0x1] =	wrdreg $0xFFFFFFFF  }
0xc2: {  	_ =	task.clear_ibuf [dreg:s7], $0x2FFFF;
	_ =	strace $0x9FFFFFFF  }
0xc3: {  	(tm) =	ssettm $0x7FFFFFFF  }
tec
execute0_lowered:
.L_overlay_start_1:
0x0: {  	(tag) =	ssettag $0x1  }
0x1: {  	s0 =	rddreg [dreg:$0x0]  }
0x2: {  	s2 =	rddreg [dreg:$0x1]  }
0x3: {  	s3 =	rddreg [dreg:$0x2]  }
0x4: {  	s1 =	srdreg.scid;
	s11 =	stileid.u32  }
0x5: {  	s4 =	simm.s32 $0x0;
	s17 =	simm.s32 $0x14000;
	s18 =	simm.s32 $0x6  }
0x6: {  	s19 =	simm.s32 $0x1C000;
	s21 =	simm.s32 $0x5;
	s22 =	simm.s32 $0x80  }
0x7: {  	s23 =	simm.s32 $0x1;
	s24 =	simm.s32 $0x18000;
	s7 =	smul.u32 $0x280, s11  }
0x8: {  	s25 =	simm.s32 $0x2;
	s28 =	simm.s32 $0x4;
	s8 =	smul.u32 $0x50000, s11  }
0x9: {  	s1 =	sand.u32 $0x1, s1;
	[smem:$0x7FF] =	sst s4;
	s10 =	smul.u32 $0x500, s11  }
0xa: {  	s5 =	sadd.s32 $0x6E00, s0;
	s20 =	smul.u32 $0x2800, s1;
	s1 =	ssub.s32 $0x2, s1  }
0xb: {  	s6 =	sadd.s32 $0x1E00, s0;
	_ =	strace $0x8000004D;
	s9 =	sshrl.u32 s1, $0x1  }
0xc: {  	s26 =	sshrl.u32 s8, $0x2;
	s29 =	sadd.s32 s2, s10;
	s30 =	sadd.s32 s6, s10  }
0xd: {  	s10 =	smul.u32 $0x2800, s11;
	s7 =	sadd.s32 s7, s20;
	s1 =	ssub.s32 s1, s9  }
.Ltmp0:
0xe: {  	[dreg:$0x4] =	wrdreg s29;
	s7 =	sshll.u32 s7, $0x4;
	(pc) =	sbr.rel .LBB2_1-.Ltmp0, $4  }
0xf: {  	[dreg:$0x5] =	wrdreg s30;
	s31 =	smax.u32 s1, $0x1;
	s0 =	sadd.s32 s7, s0  }
0x10: {  	s7 =	sadd.s32 s26, s3;
	[dreg:$0x7] =	wrdreg s31;
	s26 =	simm.s32 $0x3  }
0x11: {  	s0 =	sadd.s32 $0x56E00, s0;
	s13 =	sadd.s32 $0x4000, s7;
	s14 =	sadd.s32 $0x8000, s7  }
0x12: {  	v1 =	vimm.f32 $0.0e+00;
	v0 =	vmov s20;
	s15 =	sadd.s32 $0xC000, s7;
	s16 =	sadd.s32 $0x10000, s7;
	[dreg:$0x6] =	wrdreg s0  }
.LBB2_12:
0x13: {  	_ =	swait.ge [sflag:s28], $0x4000  }
0x14: {  	[sflag:s28] =	ssyncset.done $0x0  }
0x15: {  	s0 =	stileid.u32;
	[sflag:s28] =	ssyncadd.s32 $0xFFFFC000  }
0x16: {  	s0 =	sshll.u32 s0, $0x6;
	[bflag:$0x0] =	sbarrier.arrive $0xFFFF  }
0x17: {  	s1 =	sshrl.u32 s7, $0x3;
	s0 =	sor.u32 $0x1C06, s0;
	s8 =	rddreg [dreg:$0x6]  }
0x18: {  	[hbm:s8], [sflag:s0] =	dma.local [spmem:s1], $0x2800  }
0x19: {  	_ =	swait.ge [sflag:s18], $0x2800  }
0x1a: {  	s4 =	sadd.s32 $0x1, s4;
	s31 =	rddreg [dreg:$0x7]  }
0x1b: {  	p0 =	sne.s32 s4, s31  }
.Ltmp1:
0x1c: {  	_ = 	snop;
	(pc) =	sbr.rel @!p0 .LBB2_13-.Ltmp1, $3  }
0x1d: {  	_ =	sdelay $0x1  }
0x1e: {  	[sflag:s18] =	ssyncset.done $0x0  }
0x1f: {  	[sflag:s18] =	ssyncadd.s32 $0xFFFFD800  }
.LBB2_1:
0x20: {  	s0 =	simm.s32 $0x0;
	s1 =	simm.s32 $0x200  }
.LBB2_2:
0x21: {  	p0 =	sne.s32 s1, $0xFE00;
	[tilespmem:s0+$0x14070] =	vst v1  }
0x22: {  	[tilespmem:s0+$0x14000] =	vst v1  }
0x23: {  	[tilespmem:s0+$0x14010] =	vst v1  }
.Ltmp2:
0x24: {  	[tilespmem:s0+$0x14020] =	vst v1;
	(pc) =	sbr.rel @p0 .LBB2_2-.Ltmp2, $4  }
0x25: {  	[tilespmem:s0+$0x14030] =	vst v1  }
0x26: {  	[tilespmem:s0+$0x14040] =	vst v1  }
0x27: {  	[tilespmem:s0+$0x14050] =	vst v1  }
0x28: {  	[tilespmem:s0+$0x14060] =	vst v1;
	s0 =	sshra.s32 s1, $0x2;
	s1 =	sadd.s32 $0x200, s1  }
0x29: {  	[tilespmem:s0+$0x14070] =	vst v1  }
0x2a: {  	[tilespmem:s0+$0x14000] =	vst v1  }
0x2b: {  	[tilespmem:s0+$0x14010] =	vst v1  }
0x2c: {  	[tilespmem:s0+$0x14020] =	vst v1  }
0x2d: {  	[tilespmem:s0+$0x14030] =	vst v1  }
0x2e: {  	[tilespmem:s0+$0x14040] =	vst v1  }
0x2f: {  	[tilespmem:s0+$0x14050] =	vst v1  }
0x30: {  	[tilespmem:s0+$0x14060] =	vst v1  }
0x31: {  	[spmem:s7] =	stream.linear.scatter [tilespmem:s17], [sflag:$0x6], $0x4000, $0x38;
	[tilespmem:$0x1E000] =	vst v63  }
0x32: {  	_ =	swait.ge [sflag:s18], $0x4000  }
0x33: {  	[sflag:s18] =	ssyncset.done $0x0  }
0x34: {  	[sflag:s18] =	ssyncadd.s32 $0xFFFFC000  }
0x35: {  	[spmem:s13] =	stream.linear.scatter [tilespmem:s17], [sflag:$0x6], $0x4000, $0x38;
	[tilespmem:$0x1E000] =	vst v63  }
0x36: {  	_ =	swait.ge [sflag:s18], $0x4000  }
0x37: {  	[sflag:s18] =	ssyncset.done $0x0  }
0x38: {  	[sflag:s18] =	ssyncadd.s32 $0xFFFFC000  }
0x39: {  	[spmem:s14] =	stream.linear.scatter [tilespmem:s17], [sflag:$0x6], $0x4000, $0x38;
	[tilespmem:$0x1E000] =	vst v63  }
0x3a: {  	_ =	swait.ge [sflag:s18], $0x4000  }
0x3b: {  	[sflag:s18] =	ssyncset.done $0x0  }
0x3c: {  	[sflag:s18] =	ssyncadd.s32 $0xFFFFC000  }
0x3d: {  	[spmem:s15] =	stream.linear.scatter [tilespmem:s17], [sflag:$0x6], $0x4000, $0x38;
	[tilespmem:$0x1E000] =	vst v63  }
0x3e: {  	_ =	swait.ge [sflag:s18], $0x4000  }
0x3f: {  	[sflag:s18] =	ssyncset.done $0x0  }
0x40: {  	[sflag:s18] =	ssyncadd.s32 $0xFFFFC000  }
0x41: {  	[spmem:s16] =	stream.linear.scatter [tilespmem:s17], [sflag:$0x6], $0x4000, $0x38;
	[tilespmem:$0x1E000] =	vst v63  }
0x42: {  	_ =	swait.ge [sflag:s18], $0x4000  }
0x43: {  	[sflag:s18] =	ssyncset.done $0x0  }
0x44: {  	[sflag:s18] =	ssyncadd.s32 $0xFFFFC000  }
0x45: {  	[bflag:$0x0] =	sbarrier.arrive $0xFFFF  }
0x46: {  	s30 =	simm.s32 $0x0;
	s1 =	rddreg [dreg:$0x4]  }
0x47: {  	[tilespmem:s19], [sflag:$0x5] =	stream.linear.gather [hbm4b:s1+s30], $0x800, $0x38;
	[tilespmem:$0x1E000] =	vst v63  }
0x48: {  	s8 =	simm.s32 $0x1D000;
	s31 =	rddreg [dreg:$0x5]  }
0x49: {  	[tilespmem:s8], [sflag:$0x5] =	stream.linear.gather [hbm4b:s31+s30], $0x800, $0x38;
	[tilespmem:$0x1E000] =	vst v63  }
0x4a: {  	_ =	swait.ge [sflag:s21], $0x800  }
0x4b: {  	[sflag:s21] =	ssyncset.done $0x0  }
0x4c: {  	[sflag:s21] =	ssyncadd.s32 $0xFFFFF800  }
0x4d: {  	_ =	swait.ge [sflag:s21], $0x800  }
0x4e: {  	[sflag:s21] =	ssyncset.done $0x0  }
0x4f: {  	s0 =	simm.s32 $0x0;
	[sflag:s21] =	ssyncadd.s32 $0xFFFFF800  }
0x50: {  	v4 =	vld [tilespmem:s0+$0x1C000]  }
0x51: {  	v6 =	vld [tilespmem:s0+$0x1C010]  }
0x52: {  	v5 =	vld [tilespmem:s0+$0x1C020]  }
0x53: {  	v3 =	vld [tilespmem:s0+$0x1C030]  }
0x54: {  	v2 =	vld [tilespmem:s0+$0x1C040]  }
0x55: {  	v7 =	vadd.s32 v0, v4;
	v4 =	vld [tilespmem:s0+$0x1C050]  }
0x56: {  	s1 =	simm.s32 $0x200;
	[tilespmem:s0+$0x1C000] =	vst v7;
	v7 =	vadd.s32 v0, v6;
	v6 =	vld [tilespmem:s0+$0x1C060]  }
.LBB2_4:
0x57: {  	s20 =	sshra.s32 s1, $0x2;
	p0 =	sne.s32 s1, $0x1E00;
	[tilespmem:s0+$0x1C010] =	vst v7;
	v5 =	vadd.s32 v0, v5;
	v7 =	vld [tilespmem:s0+$0x1C070]  }
0x58: {  	v8 =	vld [tilespmem:s20+$0x1C000];
	[tilespmem:s0+$0x1C020] =	vst v5;
	v3 =	vadd.s32 v0, v3  }
0x59: {  	v9 =	vld [tilespmem:s20+$0x1C010];
	[tilespmem:s0+$0x1C030] =	vst v3;
	v2 =	vadd.s32 v0, v2  }
.Ltmp3:
0x5a: {  	v5 =	vld [tilespmem:s20+$0x1C020];
	[tilespmem:s0+$0x1C040] =	vst v2;
	v2 =	vadd.s32 v0, v4;
	(pc) =	sbr.rel @p0 .LBB2_4-.Ltmp3, $4  }
0x5b: {  	v3 =	vld [tilespmem:s20+$0x1C030];
	[tilespmem:s0+$0x1C050] =	vst v2;
	v4 =	vadd.s32 v0, v6  }
0x5c: {  	v2 =	vld [tilespmem:s20+$0x1C040];
	[tilespmem:s0+$0x1C060] =	vst v4;
	v6 =	vadd.s32 v0, v7  }
0x5d: {  	v7 =	vadd.s32 v0, v8;
	v4 =	vld [tilespmem:s20+$0x1C050];
	[tilespmem:s0+$0x1C070] =	vst v6;
	s0 =	smov.u32 s20  }
0x5e: {  	s1 =	sadd.s32 $0x200, s1;
	[tilespmem:s0+$0x1C000] =	vst v7;
	v7 =	vadd.s32 v0, v9;
	v6 =	vld [tilespmem:s0+$0x1C060]  }
0x5f: {  	[tilespmem:s0+$0x1C010] =	vst v7;
	v5 =	vadd.s32 v0, v5;
	v63 =	vld [tilespmem:s0+$0x1C070]  }
0x60: {  	[tilespmem:s0+$0x1C020] =	vst v5;
	v3 =	vadd.s32 v0, v3  }
0x61: {  	[tilespmem:s0+$0x1C030] =	vst v3;
	v2 =	vadd.s32 v0, v2  }
.Ltmp4:
0x62: {  	[tilespmem:s0+$0x1C040] =	vst v2;
	v2 =	vadd.s32 v0, v4;
	(pc) =	sbr.rel .LBB2_6-.Ltmp4, $4  }
0x63: {  	[tilespmem:s0+$0x1C050] =	vst v2;
	v2 =	vadd.s32 v0, v6  }
0x64: {  	[tilespmem:s0+$0x1C060] =	vst v2;
	v2 =	vadd.s32 v0, v63  }
0x65: {  	s29 =	simm.s32 $0x0;
	s30 =	simm.s32 $0x2;
	[tilespmem:s0+$0x1C070] =	vst v2  }
0x66: {  	[tilespmem:s17], [sflag:$0x1] =	stream.indirect.gather [hbm4b:s5+s22], $0x80, s19, s22, $0xb8;
	[tilespmem:$0x1E000] =	vst v63  }
.LBB2_10:
.Ltmp5:
0x67: {  	(pc) =	sbr.rel @p0 .LBB2_12-.Ltmp5, $1  }
0x68: {  	_ =	sdelay $0x3  }
.LBB2_11:
0x69: {  	s0 =	sadd.s32 $0x2, s31  }
0x6a: {  	s0 =	sshll.u32 s0, $0x7  }
0x6b: {  	s0 =	sand.u32 $0xF00, s0  }
0x6c: {  	s29 =	sadd.s32 $0x1, s29;
	s30 =	sadd.s32 $0x2, s30;
	s0 =	sor.u32 $0x1C000, s0  }
0x6d: {  	[tilespmem:s17], [sflag:$0x1] =	stream.indirect.gather [hbm4b:s5+s22], $0x80, s0, s22, $0xb8;
	[tilespmem:$0x1E000] =	vst v63  }
.LBB2_6:
0x6e: {  	s31 =	sshll.u32 s29, $0x1  }
0x6f: {  	p0 =	sgt.u32 s29, $0x1F;
	s0 =	sand.u32 $0xE, s31  }
0x70: {  	p1 =	sne.s32 @!p0 s0, $0x0  }
0x71: {  	_ =	swait.ge [sflag:s23], $0x4000;
	s1 =	sshll.u32 s29, $0x8;
	p0 =	por p1, p0  }
0x72: {  	[sflag:s23] =	ssyncset.done $0x0;
	p1 =	seq.s32 s29, $0x0;
	s8 =	sand.u32 @!p0 $0x1800, s1  }
0x73: {  	[sflag:s23] =	ssyncadd.s32 $0xFFFFC000;
	s20 =	simm.s32 @!p1 $0x4;
	s8 =	sadd.s32 @!p0 $0x800, s8  }
0x74: {  	s12 =	simm.s32 @!p0 $0x0;
	_ =	swait.ge @!p1 [sflag:s20], $0x4000;
	s9 =	sadd.s32 @!p0 s10, s8  }
0x75: {  	[sflag:s20] =	ssyncset.done @!p1 $0x0;
	s8 =	sand.u32 @!p0 $0x800, s8;
	s9 =	sshrl.u32 @!p0 s9, $0x3  }
0x76: {  	[sflag:s20] =	ssyncadd.s32 @!p1 $0xFFFFC000;
	s20 =	sor.u32 @!p0 $0x1C000, s8;
	s11 =	sadd.s32 @!p0 s2, s9  }
0x77: {  	[tilespmem:s20], [sflag:$0x5] =	stream.linear.gather @!p0 [hbm4b:s11+s12], $0x800, $0x38;
	[tilespmem:$0x1E000] =	vst v63  }
0x78: {  	s1 =	sand.u32 $0xF00, s1;
	s8 =	sor.u32 @!p0 $0x1D000, s8;
	s9 =	sadd.s32 @!p0 s6, s9  }
0x79: {  	[tilespmem:s8], [sflag:$0x5] =	stream.linear.gather @!p0 [hbm4b:s9+s12], $0x800, $0x38;
	[tilespmem:$0x1E000] =	vst v63  }
0x7a: {  	s12 =	sor.u32 $0x1C080, s1  }
0x7b: {  	[tilespmem:s24], [sflag:$0x2] =	stream.indirect.gather [hbm4b:s5+s22], $0x80, s12, s22, $0xb8;
	[tilespmem:$0x1E000] =	vst v63  }
0x7c: {  	s20 =	sor.u32 $0x1D000, s1;
	p0 =	seq.s32 s29, $0x27  }
0x7d: {  	[spmem:s3] =	stream.indirect.scatter.add.f32 [tilespmem:s17], [sflag:$0x3], $0x80, s20, s22, $0xb8;
	[tilespmem:$0x1E000] =	vst v63  }
0x7e: {  	p1 =	sne.s32 @!p0 s0, $0xE;
	_ =	swait.ge [sflag:s25], $0x4000  }
0x7f: {  	p1 =	por p0, p1;
	[sflag:s25] =	ssyncset.done $0x0  }
.Ltmp6:
0x80: {  	s1 =	sor.u32 $0x1D080, s1;
	[sflag:s25] =	ssyncadd.s32 $0xFFFFC000;
	(pc) =	sbr.rel @p1 .LBB2_10-.Ltmp6, $4  }
0x81: {  	[spmem:s3] =	stream.indirect.scatter.add.f32 [tilespmem:s24], [sflag:$0x4], $0x80, s1, s22, $0xb8;
	[tilespmem:$0x1E000] =	vst v63  }
0x82: {  	_ =	swait.ge [sflag:s26], $0x4000  }
0x83: {  	[sflag:s26] =	ssyncset.done $0x0  }
0x84: {  	[sflag:s26] =	ssyncadd.s32 $0xFFFFC000  }
0x85: {  	s0 =	sshll.u32 s30, $0x7  }
0x86: {  	s0 =	sand.u32 $0x800, s0  }
0x87: {  	_ =	swait.ge [sflag:s21], $0x800;
	s0 =	sor.u32 $0x1C040, s0  }
0x88: {  	[sflag:s21] =	ssyncset.done $0x0;
	v2 =	vmov s0  }
0x89: {  	[sflag:s21] =	ssyncadd.s32 $0xFFFFF800  }
0x8a: {  	_ =	swait.ge [sflag:s21], $0x800  }
0x8b: {  	[sflag:s21] =	ssyncset.done $0x0  }
0x8c: {  	s0 =	simm.s32 $0x0;
	[sflag:s21] =	ssyncadd.s32 $0xFFFFF800  }
0x8d: {  	v3 =	vld.idx.msk [tilespmem:v2+s0+$0xFFFFFFC0 ss:$0x1], $0xffff;
	_ =	sdelay $0x4  }
0x8e: {  	v3 =	vadd.s32 v0, v3  }
0x8f: {  	[tilespmem:v2+s0+$0xFFFFFFC0 ss:$0x1] =	vst.idx.msk $0xffff, v3  }
0x90: {  	v3 =	vld.idx.msk [tilespmem:v2+s0+$0xFFFFFFD0 ss:$0x1], $0xffff;
	_ =	sdelay $0x4  }
0x91: {  	v3 =	vadd.s32 v0, v3  }
0x92: {  	[tilespmem:v2+s0+$0xFFFFFFD0 ss:$0x1] =	vst.idx.msk $0xffff, v3  }
0x93: {  	v3 =	vld.idx.msk [tilespmem:v2+s0+$0xFFFFFFE0 ss:$0x1], $0xffff;
	_ =	sdelay $0x4  }
0x94: {  	v3 =	vadd.s32 v0, v3  }
0x95: {  	[tilespmem:v2+s0+$0xFFFFFFE0 ss:$0x1] =	vst.idx.msk $0xffff, v3  }
0x96: {  	v3 =	vld.idx.msk [tilespmem:v2+s0+$0xFFFFFFF0 ss:$0x1], $0xffff;
	_ =	sdelay $0x4  }
0x97: {  	v3 =	vadd.s32 v0, v3  }
0x98: {  	[tilespmem:v2+s0+$0xFFFFFFF0 ss:$0x1] =	vst.idx.msk $0xffff, v3  }
0x99: {  	v3 =	vld.idx.msk [tilespmem:v2+s0+$0x0 ss:$0x1], $0xffff;
	_ =	sdelay $0x4  }
0x9a: {  	v3 =	vadd.s32 v0, v3  }
0x9b: {  	[tilespmem:v2+s0+$0x0 ss:$0x1] =	vst.idx.msk $0xffff, v3  }
0x9c: {  	v3 =	vld.idx.msk [tilespmem:v2+s0+$0x10 ss:$0x1], $0xffff;
	_ =	sdelay $0x4  }
0x9d: {  	v3 =	vadd.s32 v0, v3  }
0x9e: {  	[tilespmem:v2+s0+$0x10 ss:$0x1] =	vst.idx.msk $0xffff, v3  }
0x9f: {  	v3 =	vld.idx.msk [tilespmem:v2+s0+$0x20 ss:$0x1], $0xffff;
	_ =	sdelay $0x4  }
0xa0: {  	v3 =	vadd.s32 v0, v3  }
0xa1: {  	[tilespmem:v2+s0+$0x20 ss:$0x1] =	vst.idx.msk $0xffff, v3  }
0xa2: {  	v3 =	vld.idx.msk [tilespmem:v2+s0+$0x30 ss:$0x1], $0xffff;
	_ =	sdelay $0x4  }
0xa3: {  	s20 =	simm.s32 $0x200;
	s1 =	simm.s32 $0x400;
	v3 =	vadd.s32 v0, v3  }
.LBB2_8:
0xa4: {  	p0 =	seq.s32 s1, $0x1E00  }
0xa5: {  	[tilespmem:v2+s0+$0x30 ss:$0x1] =	vst.idx.msk $0xffff, v3;
	s0 =	sshra.s32 s20, $0x2;
	s20 =	smov.u32 s1;
	s1 =	sadd.s32 $0x200, s1  }
0xa6: {  	v3 =	vld.idx.msk [tilespmem:v2+s0+$0xFFFFFFC0 ss:$0x1], $0xffff;
	_ =	sdelay $0x5  }
0xa7: {  	v3 =	vadd.s32 v0, v3  }
0xa8: {  	[tilespmem:v2+s0+$0xFFFFFFC0 ss:$0x1] =	vst.idx.msk $0xffff, v3  }
0xa9: {  	v3 =	vld.idx.msk [tilespmem:v2+s0+$0xFFFFFFD0 ss:$0x1], $0xffff;
	_ =	sdelay $0x5  }
0xaa: {  	v3 =	vadd.s32 v0, v3  }
0xab: {  	[tilespmem:v2+s0+$0xFFFFFFD0 ss:$0x1] =	vst.idx.msk $0xffff, v3  }
0xac: {  	v3 =	vld.idx.msk [tilespmem:v2+s0+$0xFFFFFFE0 ss:$0x1], $0xffff;
	_ =	sdelay $0x5  }
0xad: {  	v3 =	vadd.s32 v0, v3  }
0xae: {  	[tilespmem:v2+s0+$0xFFFFFFE0 ss:$0x1] =	vst.idx.msk $0xffff, v3  }
0xaf: {  	v3 =	vld.idx.msk [tilespmem:v2+s0+$0xFFFFFFF0 ss:$0x1], $0xffff;
	_ =	sdelay $0x5  }
0xb0: {  	v3 =	vadd.s32 v0, v3  }
0xb1: {  	[tilespmem:v2+s0+$0xFFFFFFF0 ss:$0x1] =	vst.idx.msk $0xffff, v3  }
0xb2: {  	v3 =	vld.idx.msk [tilespmem:v2+s0+$0x0 ss:$0x1], $0xffff;
	_ =	sdelay $0x5  }
0xb3: {  	v3 =	vadd.s32 v0, v3  }
0xb4: {  	[tilespmem:v2+s0+$0x0 ss:$0x1] =	vst.idx.msk $0xffff, v3  }
0xb5: {  	v3 =	vld.idx.msk [tilespmem:v2+s0+$0x10 ss:$0x1], $0xffff;
	_ =	sdelay $0x5  }
0xb6: {  	v3 =	vadd.s32 v0, v3  }
0xb7: {  	[tilespmem:v2+s0+$0x10 ss:$0x1] =	vst.idx.msk $0xffff, v3  }
0xb8: {  	v3 =	vld.idx.msk [tilespmem:v2+s0+$0x20 ss:$0x1], $0xffff;
	_ =	sdelay $0x5  }
0xb9: {  	v3 =	vadd.s32 v0, v3  }
0xba: {  	[tilespmem:v2+s0+$0x20 ss:$0x1] =	vst.idx.msk $0xffff, v3  }
0xbb: {  	v3 =	vld.idx.msk [tilespmem:v2+s0+$0x30 ss:$0x1], $0xffff;
	_ =	sdelay $0x1  }
.Ltmp7:
0xbc: {  	(pc) =	sbr.rel @!p0 .LBB2_8-.Ltmp7, $2  }
0xbd: {  	_ =	sdelay $0x2  }
0xbe: {  	v3 =	vadd.s32 v0, v3  }
0xbf: {  	_ =	sdelay $0x3  }
0xc0: {  	s1 =	sshra.s32 s20, $0x2;
	[tilespmem:v2+s0+$0x30 ss:$0x1] =	vst.idx.msk $0xffff, v3  }
0xc1: {  	v3 =	vld.idx.msk [tilespmem:v2+s1+$0xFFFFFFC0 ss:$0x1], $0xffff;
	_ =	sdelay $0x4  }
0xc2: {  	v3 =	vadd.s32 v0, v3  }
0xc3: {  	[tilespmem:v2+s1+$0xFFFFFFC0 ss:$0x1] =	vst.idx.msk $0xffff, v3  }
0xc4: {  	v3 =	vld.idx.msk [tilespmem:v2+s1+$0xFFFFFFD0 ss:$0x1], $0xffff;
	_ =	sdelay $0x4  }
0xc5: {  	v3 =	vadd.s32 v0, v3  }
0xc6: {  	[tilespmem:v2+s1+$0xFFFFFFD0 ss:$0x1] =	vst.idx.msk $0xffff, v3  }
0xc7: {  	v3 =	vld.idx.msk [tilespmem:v2+s1+$0xFFFFFFE0 ss:$0x1], $0xffff;
	_ =	sdelay $0x4  }
0xc8: {  	v3 =	vadd.s32 v0, v3  }
0xc9: {  	[tilespmem:v2+s1+$0xFFFFFFE0 ss:$0x1] =	vst.idx.msk $0xffff, v3  }
0xca: {  	v3 =	vld.idx.msk [tilespmem:v2+s1+$0xFFFFFFF0 ss:$0x1], $0xffff;
	_ =	sdelay $0x4  }
0xcb: {  	v3 =	vadd.s32 v0, v3  }
0xcc: {  	[tilespmem:v2+s1+$0xFFFFFFF0 ss:$0x1] =	vst.idx.msk $0xffff, v3  }
0xcd: {  	v3 =	vld.idx.msk [tilespmem:v2+s1+$0x0 ss:$0x1], $0xffff;
	_ =	sdelay $0x4  }
0xce: {  	v3 =	vadd.s32 v0, v3  }
0xcf: {  	[tilespmem:v2+s1+$0x0 ss:$0x1] =	vst.idx.msk $0xffff, v3  }
0xd0: {  	v3 =	vld.idx.msk [tilespmem:v2+s1+$0x10 ss:$0x1], $0xffff;
	_ =	sdelay $0x4  }
0xd1: {  	v3 =	vadd.s32 v0, v3  }
0xd2: {  	[tilespmem:v2+s1+$0x10 ss:$0x1] =	vst.idx.msk $0xffff, v3  }
0xd3: {  	v3 =	vld.idx.msk [tilespmem:v2+s1+$0x20 ss:$0x1], $0xffff;
	_ =	sdelay $0x4  }
0xd4: {  	v3 =	vadd.s32 v0, v3  }
0xd5: {  	[tilespmem:v2+s1+$0x20 ss:$0x1] =	vst.idx.msk $0xffff, v3  }
0xd6: {  	v3 =	vld.idx.msk [tilespmem:v2+s1+$0x30 ss:$0x1], $0xffff;
	_ =	sdelay $0x1  }
.Ltmp8:
0xd7: {  	_ = 	snop;
	(pc) =	sbr.rel .LBB2_11-.Ltmp8, $3  }
0xd8: {  	_ =	sdelay $0x1  }
0xd9: {  	v3 =	vadd.s32 v0, v3  }
0xda: {  	[tilespmem:v2+s1+$0x30 ss:$0x1] =	vst.idx.msk $0xffff, v3  }
.LBB2_13:
0xdb: {  	_ =	sfence.sel $0x180000  }
0xdc: {  	[bflag:$0x0] =	sbarrier.arrive $0xFFFF  }
0xdd: {  	_ =	strace $0x9000004D  }
0xde: {  	s0 =	stileid.u32;
	[bflag:$0x2] =	sbarrier.arrive $0xFFFF  }
0xdf: {  	p0 =	sne.s32 s0, $0x0;
	s0 =	rddreg [dreg:$0x3]  }
0xe0: {  	s0 =	sadd.s32 @!p0 $0x100000, s0  }
0xe1: {  	[sflag:s0] =	ssyncadd.tile.s32 @!p0 $0x1;
	_ =	shalt  }
.Lfunc_end2:
_tile_overlayer_lowered:
.L_overlay_start_2:
0xe2: {  	(tag) =	ssettag $0x2  }
0xe3: {  	s0 =	rddreg [dreg:$0x0];
	s2 =	stileid.u32  }
0xe4: {  	s1 =	rddreg [dreg:$0x1];
	p0 =	sne.s32 s2, $0x0  }
0xe5: {  	s3 =	rddreg [dreg:$0x2];
	[bflag:$0x3] =	sbarrier.arrive $0xFFFF;
	s2 =	simm.s32 @!p0 $0x1C06  }
0xe6: {  	[timem:s3], [sflag:s2] =	dma.local @!p0 [hbm:s0], s1  }
0xe7: {  	s0 =	simm.s32 @!p0 $0x6  }
0xe8: {  	_ =	swait.ge @!p0 [sflag:s0], s1  }
0xe9: {  	s1 =	ssub.s32 @!p0 $0x0, s1;
	[sflag:s0] =	ssyncset.done @!p0 $0x0  }
0xea: {  	[sflag:s0] =	ssyncadd.s32 @!p0 s1  }
0xeb: {  	[bflag:$0x3] =	sbarrier.arrive $0xFFFF  }
0xec: {  	_ =	shalt  }

// kernel: kernel.8.cloned.1.call-start
scs
__scs_entry_jumppad:
0x0: {  	(pc) =	sbr.rel $0x88, $3  }
0x1: {  	(tag) =	ssettag $0x0;
	lr =	simm.s32 $0x1  }
0x2: {  	[smem:$0x3F99] =	sst lr;
	_ =	strace $0xD0000000  }
0x3: {  	_ = 	snop  }
0x4: {  	_ = 	snop  }
0x5: {  	_ = 	snop  }
0x6: {  	_ = 	snop  }
0x7: {  	_ = 	snop  }
__scs_overlays_trampoline_lowered:
0x8: {  	[smem:$0x3FA8] =	sst s0  }
0x9: {  	[smem:$0x3FA9] =	sst s1  }
0xa: {  	[smem:$0x3FAA] =	sst s2  }
0xb: {  	[smem:$0x3FAB] =	sst s3  }
0xc: {  	[smem:$0x3FAC] =	sst s4  }
0xd: {  	[smem:$0x3FAD] =	sst s5  }
0xe: {  	[smem:$0x3FAE] =	sst s6  }
0xf: {  	[smem:$0x3FAF] =	sst s7  }
0x10: {  	[smem:$0x3FB0] =	sst s8  }
0x11: {  	[smem:$0x3FB1] =	sst s9;
	s0 =	simm.s32 @!p0 $0x0  }
0x12: {  	s1 =	sld [smem:$0x3F97];
	s0 =	simm.s32 @p0 $0x1  }
0x13: {  	[smem:$0x3FB2] =	sst s0;
	s0 =	simm.s32 @!p1 $0x0  }
0x14: {  	s2 =	sld [smem:$0x3F96];
	s0 =	simm.s32 @p1 $0x1  }
0x15: {  	[smem:$0x3FB3] =	sst s0;
	s0 =	simm.s32 @!p2 $0x0  }
0x16: {  	s3 =	sld [smem:$0x3FDB];
	s0 =	simm.s32 @p2 $0x1  }
0x17: {  	s4 =	simm.s32 $0x1BF5;
	[smem:$0x3FB5] =	sst s0  }
0x18: {  	s0 =	sld [smem:$0x3F98];
	_ =	swait.ge [sflag:s4], $0x0  }
0x19: {  	s7 =	sld [smem:$0x3F99]  }
0x1a: {  	s8 =	sadd.s32 $0xFFFFE003, lr  }
0x1b: {  	s9 =	sadd.s32 $0xFFFFFEF7, lr;
	s5 =	simm.s32 $0xFFFFFFFF;
	p2 =	slt.u32 s8, $0xFFFFF086  }
0x1c: {  	p1 =	slt.u32 s9, $0xF7A;
	s5 =	simm.s32 @!p2 $0x0  }
0x1d: {  	s5 =	simm.s32 @p1 $0x1;
	p0 =	seq.s32 s7, s2  }
0x1e: {  	s7 =	smul.u32 @!p0 $0xF7A, s2;
	p2 =	seq.s32 @!p0 s5, $0x0  }
0x1f: {  	s9 =	smul.u32 $0xF7A, s1;
	s8 =	simm.s32 @!p0 $0x1BF5;
	p2 =	por !p2, p0  }
0x20: {  	[sflag:s8] =	ssyncset.s32 @!p0 $0xFFFFF086;
	s6 =	sadd.s32 @!p0 s3, s7;
	s7 =	simm.s32 @!p0 $0x108  }
0x21: {  	s3 =	sadd.s32 s3, s9;
	s6 =	sadd.s32 @!p0 $0x88, s6;
	s7 =	simm.s32 @p2 $0x1082  }
0x22: {  	[simem:s7], [sflag:s8] =	dma.local @!p0 [hbm:s6], $0xF7A  }
0x23: {  	s9 =	sor.u32 $0xD0000000, s2;
	s6 =	simm.s32 $0x108;
	_ =	swait.ge @!p0 [sflag:s8], $0x0  }
0x24: {  	s3 =	sadd.s32 $0x88, s3;
	s6 =	simm.s32 @!p1 $0x1082;
	[sflag:s4] =	ssyncset.s32 $0xFFFFF086  }
0x25: {  	[simem:s6], [sflag:s4] =	dma.local [hbm:s3], $0xF7A  }
0x26: {  	[smem:$0x3F99] =	sst s1;
	(tag) =	ssettag s2;
	_ =	strace s9  }
0x27: {  	s1 =	sld [smem:$0x3FA9]  }
0x28: {  	s2 =	sld [smem:$0x3FAA]  }
0x29: {  	s4 =	sld [smem:$0x3FAC]  }
0x2a: {  	p0 =	seq.s32 s5, $0x0;
	s5 =	sld [smem:$0x3FAD]  }
0x2b: {  	s6 =	sld [smem:$0x3FAE]  }
0x2c: {  	s7 =	sld [smem:$0x3FAF]  }
0x2d: {  	s3 =	simm.s32 $0x108;
	s8 =	sld [smem:$0x3FB0]  }
0x2e: {  	s3 =	simm.s32 @!p0 $0x1082;
	s9 =	sld [smem:$0x3FB1]  }
0x2f: {  	lr =	sadd.s32 s0, s3;
	s0 =	sld [smem:$0x3FA8]  }
0x30: {  	s3 =	sld [smem:$0x3FAB]  }
0x31: {  	[smem:$0x3FB4] =	sst s10  }
0x32: {  	s10 =	sld [smem:$0x3FB2];
	_ =	sdelay $0x3  }
0x33: {  	p0 =	seq.s32 s10, $0x1;
	s10 =	sld [smem:$0x3FB4];
	_ =	sdelay $0x3  }
0x34: {  	[smem:$0x3FB4] =	sst s10  }
0x35: {  	s10 =	sld [smem:$0x3FB3];
	_ =	sdelay $0x3  }
0x36: {  	p1 =	seq.s32 s10, $0x1;
	s10 =	sld [smem:$0x3FB4];
	_ =	sdelay $0x3  }
0x37: {  	[smem:$0x3FB4] =	sst s10  }
0x38: {  	s10 =	sld [smem:$0x3FB5]  }
0x39: {  	_ = 	snop;
	(pc) =	sbr.ind lr, $3  }
0x3a: {  	_ = 	snop  }
0x3b: {  	_ = 	snop  }
0x3c: {  	p2 =	seq.s32 s10, $0x1;
	s10 =	sld [smem:$0x3FB4]  }
0x3d: {  	_ =	shalt  }
0x3e: {  	_ =	shalt  }
0x3f: {  	_ =	shalt  }
0x40: {  	_ =	shalt  }
0x41: {  	_ =	shalt  }
0x42: {  	_ =	shalt  }
0x43: {  	_ =	shalt  }
0x44: {  	_ =	shalt  }
0x45: {  	_ =	shalt  }
0x46: {  	_ =	shalt  }
0x47: {  	_ =	shalt  }
0x48: {  	_ =	shalt  }
0x49: {  	_ =	shalt  }
0x4a: {  	_ =	shalt  }
0x4b: {  	_ =	shalt  }
0x4c: {  	_ =	shalt  }
0x4d: {  	_ =	shalt  }
0x4e: {  	_ =	shalt  }
0x4f: {  	_ =	shalt  }
0x50: {  	_ =	shalt  }
0x51: {  	_ =	shalt  }
0x52: {  	_ =	shalt  }
0x53: {  	_ =	shalt  }
0x54: {  	_ =	shalt  }
0x55: {  	_ =	shalt  }
0x56: {  	_ =	shalt  }
0x57: {  	_ =	shalt  }
0x58: {  	_ =	shalt  }
0x59: {  	_ =	shalt  }
0x5a: {  	_ =	shalt  }
0x5b: {  	_ =	shalt  }
0x5c: {  	_ =	shalt  }
0x5d: {  	_ =	shalt  }
0x5e: {  	_ =	shalt  }
0x5f: {  	_ =	shalt  }
0x60: {  	_ =	shalt  }
0x61: {  	_ =	shalt  }
0x62: {  	_ =	shalt  }
0x63: {  	_ =	shalt  }
0x64: {  	_ =	shalt  }
0x65: {  	_ =	shalt  }
0x66: {  	_ =	shalt  }
0x67: {  	_ =	shalt  }
0x68: {  	_ =	shalt  }
0x69: {  	_ =	shalt  }
0x6a: {  	_ =	shalt  }
0x6b: {  	_ =	shalt  }
0x6c: {  	_ =	shalt  }
0x6d: {  	_ =	shalt  }
0x6e: {  	_ =	shalt  }
0x6f: {  	_ =	shalt  }
0x70: {  	_ =	shalt  }
0x71: {  	_ =	shalt  }
0x72: {  	_ =	shalt  }
0x73: {  	_ =	shalt  }
0x74: {  	_ =	shalt  }
0x75: {  	_ =	shalt  }
0x76: {  	_ =	shalt  }
0x77: {  	_ =	shalt  }
0x78: {  	_ =	shalt  }
0x79: {  	_ =	shalt  }
0x7a: {  	_ =	shalt  }
0x7b: {  	_ =	shalt  }
0x7c: {  	_ =	shalt  }
0x7d: {  	_ =	shalt  }
0x7e: {  	_ =	shalt  }
0x7f: {  	_ =	shalt  }
0x80: {  	_ =	shalt  }
0x81: {  	_ =	shalt  }
0x82: {  	_ =	shalt  }
0x83: {  	_ =	shalt  }
0x84: {  	_ =	shalt  }
0x85: {  	_ =	shalt  }
0x86: {  	_ =	shalt  }
0x87: {  	_ =	shalt  }
.Lfunc_end0:
.L_simem_size_0:
called_computation_lowered:
.L_overlay_start_0:
0x88: {  	s2 =	sld [smem:$0x3FD9]  }
0x89: {  	s3 =	sld [smem:$0x3FFE];
	_ =	sdelay $0x1  }
0x8a: {  	s1 =	srdreg.scid  }
0x8b: {  	s0 =	sand.u32 $0x1, s1  }
0x8c: {  	s16 =	sshll.u32 s0, $0xA;
	s2 =	sadd.s32 s3, s2  }
0x8d: {  	s2 =	sadd.s32 s2, s16  }
0x8e: {  	[smem:$0x3FC0] =	sst s2  }
0x8f: {  	_ = 	snop  }
0x90: {  	(tm) =	ssettm $0x1  }
0x91: {  	s17 =	sld [smem:$0x3FFB];
	_ =	sdelay $0x3  }
0x92: {  	_ =	strace s17  }
0x93: {  	s2 =	sld [smem:$0x3FFC];
	_ =	sdelay $0x3  }
0x94: {  	_ =	strace s2  }
0x95: {  	s2 =	sld [smem:$0x3FFD];
	_ =	sdelay $0x3  }
0x96: {  	_ =	strace s2  }
0x97: {  	_ =	strace $0x8FFFFFFF  }
0x98: {  	s18 =	sld [smem:$0x3FDB];
	_ =	sdelay $0x1  }
0x99: {  	s19 =	simm.s32 $_scs_section_size  }
0x9a: {  	s4 =	simm.s32 $_size__tile_overlayer_lowered;
	s5 =	simm.s32 $_tile_overlayer_lowered  }
0x9b: {  	s22 =	simm.s32 $0x1BFF;
	s21 =	sshll.u32 s5, $0x1;
	s2 =	sadd.s32 s19, s18  }
0x9c: {  	s6 =	simm.s32 $0x0;
	s20 =	sshll.u32 s4, $0x1;
	s4 =	sadd.s32 s21, s2  }
0x9d: {  	[timem:s6], [sflag:s22] =	dma.local [hbm:s4], s20  }
0x9e: {  	_ =	swait.ge [sflag:s22], s20  }
0x9f: {  	s3 =	ssub.s32 $0x0, s20;
	[sflag:s22] =	ssyncset.done $0x0  }
0xa0: {  	[sflag:s22] =	ssyncadd.s32 s3;
	_ =	sdelay $0x1  }
0xa1: {  	s23 =	simm.s32 $0x1B8B  }
0xa2: {  	_ =	swait.ge [sflag:s23], $0x1  }
0xa3: {  	[sflag:s23] =	ssyncset.done $0x0  }
0xa4: {  	s25 =	simm.s32 $0x1B8E;
	s24 =	sld [smem:$0x3FFE];
	[sflag:s23] =	ssyncadd.s32 $0xFFFFFFFF  }
0xa5: {  	s26 =	simm.s32 $execute0_lowered;
	[smem:$0x3FD2] =	sst s25  }
0xa6: {  	s4 =	sshll.u32 s26, $0x1;
	_ =	strace $0x80000046;
	[dreg:$0x1] =	wrdreg $0xFFFFFFFF  }
0xa7: {  	s28 =	simm.s32 $_size_execute0_lowered;
	s2 =	sadd.s32 s2, s4;
	[dreg:$0x0] =	wrdreg $0x0  }
0xa8: {  	s4 =	sshll.u32 s28, $0x1;
	[dreg:$0x2] =	wrdreg s2  }
0xa9: {  	[dreg:$0x3] =	wrdreg s4  }
0xaa: {  	[dreg:$0x4] =	wrdreg $0xC0  }
0xab: {  	_ =	task [dreg:s6], $0x5FFFF  }
0xac: {  	[dreg:$0x1] =	wrdreg $0xFFFFFFFF  }
0xad: {  	[dreg:$0x0] =	wrdreg $0x60  }
0xae: {  	[dreg:$0x2] =	wrdreg s24  }
0xaf: {  	[dreg:$0x3] =	wrdreg $0x0  }
0xb0: {  	[dreg:$0x4] =	wrdreg $0x9  }
0xb1: {  	_ =	task.clear_ibuf [dreg:s6], $0x5FFFF;
	_ =	strace $0x90000046  }
0xb2: {  	s29 =	simm.s32 $0x9;
	_ =	strace $0x80000048  }
0xb3: {  	_ =	swait.ge [sflag:s29], $0x1  }
0xb4: {  	[sflag:s29] =	ssyncadd.s32 $0xFFFFFFFF  }
0xb5: {  	_ =	strace $0x90000048  }
0xb6: {  	_ =	sfence  }
0xb7: {  	s30 =	sld [smem:$0x0];
	_ =	sdelay $0x2  }
0xb8: {  	s31 =	sshll.u32 s1, $0xD;
	s1 =	sshrl.u32 s1, $0x2  }
0xb9: {  	s3 =	sand.u32 $0x4000, s31;
	s1 =	sadd.s32 s1, s30  }
0xba: {  	s0 =	sor.u32 s3, s0;
	s1 =	sshll.u32 s1, $0x11  }
0xbb: {  	s0 =	sor.u32 s1, s0  }
0xbc: {  	s0 =	sadd.s32 $0x8F2B, s0  }
0xbd: {  	[sflag:s0] =	ssyncadd.remote.s32 $0x1  }
0xbe: {  	_ =	sfence.sel $0xFFFF  }
0xbf: {  	[dreg:$0x0] =	wrdreg $0xFFFFFFFF;
	(pc) =	sbr.abs _section_cstart, $3  }
0xc0: {  	[dreg:$0x1] =	wrdreg $0xFFFFFFFF  }
0xc1: {  	_ =	task.clear_ibuf [dreg:s6], $0x2FFFF;
	_ =	strace $0x9FFFFFFF  }
0xc2: {  	(tm) =	ssettm $0x7FFFFFFF  }
0xc3: {  	_ =	shalt  }
tec
execute0_lowered:
.L_overlay_start_1:
0x0: {  	(tag) =	ssettag $0x1  }
0x1: {  	s0 =	srdreg.scid  }
0x2: {  	s1 =	rddreg [dreg:$0x0];
	s8 =	stileid.u32  }
0x3: {  	s2 =	rddreg [dreg:$0x1];
	s12 =	simm.s32 $0x1C000;
	s13 =	simm.s32 $0x18000  }
0x4: {  	s14 =	simm.s32 $0x2;
	s15 =	simm.s32 $0x3;
	s16 =	simm.s32 $0x80  }
0x5: {  	s17 =	simm.s32 $0x14000;
	s21 =	simm.s32 $0x1D100;
	s22 =	simm.s32 $0x1D180  }
0x6: {  	s23 =	simm.s32 $0x1D200;
	s24 =	simm.s32 $0x1D280;
	s28 =	simm.s32 $0x1  }
0x7: {  	s29 =	simm.s32 $0x1D400;
	s30 =	simm.s32 $0x4;
	s6 =	smul.u32 $0x50000, s8  }
0x8: {  	s31 =	simm.s32 $0x1E400;
	s0 =	sand.u32 $0x1, s0;
	s25 =	smul.u32 $0x280, s8  }
0x9: {  	s3 =	sshll.u32 s0, $0x4;
	s5 =	ssub.s32 $0x2, s0;
	p0 =	seq.s32 s0, $0x1  }
0xa: {  	s4 =	sor.u32 s8, s3;
	s3 =	simm.s32 $0x0;
	s7 =	sshrl.u32 s5, $0x1  }
0xb: {  	s6 =	sshrl.u32 s6, $0x2;
	s26 =	sshrl.u32 s25, $0x3;
	s25 =	simm.s32 $0x1D300  }
0xc: {  	v0 =	vimm.f32 $0.0e+00;
	v1 =	vimm.f32 $1.000000000e+00;
	s4 =	smul.u32 $0x280, s4;
	[smem:$0x7FF] =	sst s3;
	s5 =	ssub.s32 s5, s7  }
0xd: {  	vm0 =	vmmov $0x1;
	vm1 =	vmmov $0x3;
	vm2 =	vmmov $0x7;
	s18 =	sadd.s32 s6, s2;
	_ =	strace $0x80000047;
	s6 =	smax.u32 s5, $0x1  }
0xe: {  	vm3 =	vmmov $0xf;
	vm4 =	vmmov $0x1f;
	vm5 =	vmmov $0x3f;
	s5 =	simm.s32 $0x7400;
	s7 =	sadd.s32 $0x4000, s18;
	s8 =	sadd.s32 $0x8000, s18  }
0xf: {  	vm6 =	vmmov $0x7f;
	vm7 =	vmmov $0xff;
	vm8 =	vmmov $0x1ff;
	s9 =	sadd.s32 $0xC000, s18;
	s4 =	sadd.s32 s4, s1;
	s5 =	simm.s32 @!p0 $0x6E00  }
0x10: {  	vm9 =	vmmov $0x3ff;
	vm10 =	vmmov $0x7ff;
	vm11 =	vmmov $0xfff;
	s10 =	sadd.s32 $0x10000, s18;
	s4 =	sadd.s32 $0x1E00, s4;
	s1 =	sadd.s32 s5, s1  }
0x11: {  	vm12 =	vmmov $0x1fff;
	vm13 =	vmmov $0x3fff;
	vm14 =	vmmov $0x7fff;
	s11 =	sadd.s32 s1, s26;
	s26 =	simm.s32 $0x1D380;
	s1 =	simm.s32 $0x0  }
.LBB2_1:
0x12: {  	[tilespmem:s12], [sflag:$0x3] =	stream.linear.gather [hbm4b:s4+s3], $0x1400, $0x38;
	[tilespmem:$0x1E680] =	vst v63  }
0x13: {  	s0 =	simm.s32 $0x0;
	s5 =	simm.s32 $0x200  }
.LBB2_2:
0x14: {  	p0 =	sne.s32 s5, $0xFE00;
	[tilespmem:s0+$0x18070] =	vst v0  }
0x15: {  	[tilespmem:s0+$0x18000] =	vst v0  }
0x16: {  	[tilespmem:s0+$0x18010] =	vst v0  }
.Ltmp0:
0x17: {  	[tilespmem:s0+$0x18020] =	vst v0;
	(pc) =	sbr.rel @p0 .LBB2_2-.Ltmp0, $4  }
0x18: {  	[tilespmem:s0+$0x18030] =	vst v0  }
0x19: {  	[tilespmem:s0+$0x18040] =	vst v0  }
0x1a: {  	[tilespmem:s0+$0x18050] =	vst v0  }
0x1b: {  	[tilespmem:s0+$0x18060] =	vst v0;
	s0 =	sshra.s32 s5, $0x2;
	s5 =	sadd.s32 $0x200, s5  }
0x1c: {  	[tilespmem:s0+$0x18070] =	vst v0  }
0x1d: {  	[tilespmem:s0+$0x18000] =	vst v0  }
0x1e: {  	[tilespmem:s0+$0x18010] =	vst v0  }
0x1f: {  	[tilespmem:s0+$0x18020] =	vst v0  }
0x20: {  	[tilespmem:s0+$0x18030] =	vst v0  }
0x21: {  	[tilespmem:s0+$0x18040] =	vst v0  }
0x22: {  	[tilespmem:s0+$0x18050] =	vst v0  }
0x23: {  	[tilespmem:s0+$0x18060] =	vst v0  }
0x24: {  	[spmem:s18] =	stream.linear.scatter [tilespmem:s13], [sflag:$0x2], $0x4000, $0x38;
	[tilespmem:$0x1E680] =	vst v63  }
0x25: {  	_ = 	snop  }
0x26: {  	[spmem:s7] =	stream.linear.scatter [tilespmem:s13], [sflag:$0x2], $0x4000, $0x38;
	[tilespmem:$0x1E680] =	vst v63  }
0x27: {  	_ = 	snop  }
0x28: {  	[spmem:s8] =	stream.linear.scatter [tilespmem:s13], [sflag:$0x2], $0x4000, $0x38;
	[tilespmem:$0x1E680] =	vst v63  }
0x29: {  	_ = 	snop  }
0x2a: {  	[spmem:s9] =	stream.linear.scatter [tilespmem:s13], [sflag:$0x2], $0x4000, $0x38;
	[tilespmem:$0x1E680] =	vst v63  }
0x2b: {  	s0 =	simm.s32 $0x0;
	s5 =	simm.s32 $0x200  }
0x2c: {  	[spmem:s10] =	stream.linear.scatter [tilespmem:s13], [sflag:$0x2], $0x4000, $0x38;
	[tilespmem:$0x1E680] =	vst v63  }
.LBB2_4:
0x2d: {  	p0 =	sne.s32 s5, $0xFE00;
	[tilespmem:s0+$0x14070] =	vst v1  }
0x2e: {  	[tilespmem:s0+$0x14000] =	vst v1  }
0x2f: {  	[tilespmem:s0+$0x14010] =	vst v1  }
.Ltmp1:
0x30: {  	[tilespmem:s0+$0x14020] =	vst v1;
	(pc) =	sbr.rel @p0 .LBB2_4-.Ltmp1, $4  }
0x31: {  	[tilespmem:s0+$0x14030] =	vst v1  }
0x32: {  	[tilespmem:s0+$0x14040] =	vst v1  }
0x33: {  	[tilespmem:s0+$0x14050] =	vst v1  }
0x34: {  	[tilespmem:s0+$0x14060] =	vst v1;
	s0 =	sshra.s32 s5, $0x2;
	s5 =	sadd.s32 $0x200, s5  }
0x35: {  	[tilespmem:s0+$0x14070] =	vst v1  }
0x36: {  	[tilespmem:s0+$0x14000] =	vst v1  }
0x37: {  	[tilespmem:s0+$0x14010] =	vst v1  }
0x38: {  	[tilespmem:s0+$0x14020] =	vst v1  }
0x39: {  	[tilespmem:s0+$0x14030] =	vst v1  }
0x3a: {  	[tilespmem:s0+$0x14040] =	vst v1  }
0x3b: {  	[tilespmem:s0+$0x14050] =	vst v1  }
0x3c: {  	[tilespmem:s0+$0x14060] =	vst v1  }
0x3d: {  	_ =	swait.ge [sflag:s14], $0x4000  }
0x3e: {  	[sflag:s14] =	ssyncset.done $0x0  }
0x3f: {  	[sflag:s14] =	ssyncadd.s32 $0xFFFFC000  }
0x40: {  	_ =	swait.ge [sflag:s14], $0x4000  }
0x41: {  	[sflag:s14] =	ssyncset.done $0x0  }
0x42: {  	[sflag:s14] =	ssyncadd.s32 $0xFFFFC000  }
0x43: {  	_ =	swait.ge [sflag:s14], $0x4000  }
0x44: {  	[sflag:s14] =	ssyncset.done $0x0  }
0x45: {  	[sflag:s14] =	ssyncadd.s32 $0xFFFFC000  }
0x46: {  	_ =	swait.ge [sflag:s14], $0x4000  }
0x47: {  	[sflag:s14] =	ssyncset.done $0x0  }
0x48: {  	[sflag:s14] =	ssyncadd.s32 $0xFFFFC000  }
0x49: {  	_ =	swait.ge [sflag:s14], $0x4000  }
0x4a: {  	[sflag:s14] =	ssyncset.done $0x0  }
0x4b: {  	[sflag:s14] =	ssyncadd.s32 $0xFFFFC000  }
0x4c: {  	_ =	swait.ge [sflag:s15], $0x1400  }
0x4d: {  	[sflag:s15] =	ssyncset.done $0x0  }
0x4e: {  	[sflag:s15] =	ssyncadd.s32 $0xFFFFEC00  }
0x4f: {  	[bflag:$0x0] =	sbarrier.arrive $0xFFFF  }
0x50: {  	[spmem:s2] =	stream.indirect.scatter.add.f32 [tilespmem:s17], [sflag:$0x1], $0x80, s12, s16, $0xb8;
	[tilespmem:$0x1E680] =	vst v63  }
0x51: {  	s5 =	simm.s32 $0x1C080  }
0x52: {  	[spmem:s2] =	stream.indirect.scatter.add.f32 [tilespmem:s17], [sflag:$0x1], $0x80, s5, s16, $0xb8;
	[tilespmem:$0x1E680] =	vst v63  }
0x53: {  	s19 =	simm.s32 $0x1C100  }
0x54: {  	[spmem:s2] =	stream.indirect.scatter.add.f32 [tilespmem:s17], [sflag:$0x1], $0x80, s19, s16, $0xb8;
	[tilespmem:$0x1E680] =	vst v63  }
0x55: {  	s20 =	simm.s32 $0x1C180  }
0x56: {  	[spmem:s2] =	stream.indirect.scatter.add.f32 [tilespmem:s17], [sflag:$0x1], $0x80, s20, s16, $0xb8;
	[tilespmem:$0x1E680] =	vst v63  }
0x57: {  	s5 =	simm.s32 $0x1C200  }
0x58: {  	[spmem:s2] =	stream.indirect.scatter.add.f32 [tilespmem:s17], [sflag:$0x1], $0x80, s5, s16, $0xb8;
	[tilespmem:$0x1E680] =	vst v63  }
0x59: {  	s19 =	simm.s32 $0x1C280  }
0x5a: {  	[spmem:s2] =	stream.indirect.scatter.add.f32 [tilespmem:s17], [sflag:$0x1], $0x80, s19, s16, $0xb8;
	[tilespmem:$0x1E680] =	vst v63  }
0x5b: {  	s20 =	simm.s32 $0x1C300  }
0x5c: {  	[spmem:s2] =	stream.indirect.scatter.add.f32 [tilespmem:s17], [sflag:$0x1], $0x80, s20, s16, $0xb8;
	[tilespmem:$0x1E680] =	vst v63  }
0x5d: {  	s5 =	simm.s32 $0x1C380  }
0x5e: {  	[spmem:s2] =	stream.indirect.scatter.add.f32 [tilespmem:s17], [sflag:$0x1], $0x80, s5, s16, $0xb8;
	[tilespmem:$0x1E680] =	vst v63  }
0x5f: {  	s19 =	simm.s32 $0x1C400  }
0x60: {  	[spmem:s2] =	stream.indirect.scatter.add.f32 [tilespmem:s17], [sflag:$0x1], $0x80, s19, s16, $0xb8;
	[tilespmem:$0x1E680] =	vst v63  }
0x61: {  	s20 =	simm.s32 $0x1C480  }
0x62: {  	[spmem:s2] =	stream.indirect.scatter.add.f32 [tilespmem:s17], [sflag:$0x1], $0x80, s20, s16, $0xb8;
	[tilespmem:$0x1E680] =	vst v63  }
0x63: {  	s5 =	simm.s32 $0x1C500  }
0x64: {  	[spmem:s2] =	stream.indirect.scatter.add.f32 [tilespmem:s17], [sflag:$0x1], $0x80, s5, s16, $0xb8;
	[tilespmem:$0x1E680] =	vst v63  }
0x65: {  	s19 =	simm.s32 $0x1C580  }
0x66: {  	[spmem:s2] =	stream.indirect.scatter.add.f32 [tilespmem:s17], [sflag:$0x1], $0x80, s19, s16, $0xb8;
	[tilespmem:$0x1E680] =	vst v63  }
0x67: {  	s20 =	simm.s32 $0x1C600  }
0x68: {  	[spmem:s2] =	stream.indirect.scatter.add.f32 [tilespmem:s17], [sflag:$0x1], $0x80, s20, s16, $0xb8;
	[tilespmem:$0x1E680] =	vst v63  }
0x69: {  	s5 =	simm.s32 $0x1C680  }
0x6a: {  	[spmem:s2] =	stream.indirect.scatter.add.f32 [tilespmem:s17], [sflag:$0x1], $0x80, s5, s16, $0xb8;
	[tilespmem:$0x1E680] =	vst v63  }
0x6b: {  	s19 =	simm.s32 $0x1C700  }
0x6c: {  	[spmem:s2] =	stream.indirect.scatter.add.f32 [tilespmem:s17], [sflag:$0x1], $0x80, s19, s16, $0xb8;
	[tilespmem:$0x1E680] =	vst v63  }
0x6d: {  	s20 =	simm.s32 $0x1C780  }
0x6e: {  	[spmem:s2] =	stream.indirect.scatter.add.f32 [tilespmem:s17], [sflag:$0x1], $0x80, s20, s16, $0xb8;
	[tilespmem:$0x1E680] =	vst v63  }
0x6f: {  	s5 =	simm.s32 $0x1C800  }
0x70: {  	[spmem:s2] =	stream.indirect.scatter.add.f32 [tilespmem:s17], [sflag:$0x1], $0x80, s5, s16, $0xb8;
	[tilespmem:$0x1E680] =	vst v63  }
0x71: {  	s19 =	simm.s32 $0x1C880  }
0x72: {  	[spmem:s2] =	stream.indirect.scatter.add.f32 [tilespmem:s17], [sflag:$0x1], $0x80, s19, s16, $0xb8;
	[tilespmem:$0x1E680] =	vst v63  }
0x73: {  	s20 =	simm.s32 $0x1C900  }
0x74: {  	[spmem:s2] =	stream.indirect.scatter.add.f32 [tilespmem:s17], [sflag:$0x1], $0x80, s20, s16, $0xb8;
	[tilespmem:$0x1E680] =	vst v63  }
0x75: {  	s5 =	simm.s32 $0x1C980  }
0x76: {  	[spmem:s2] =	stream.indirect.scatter.add.f32 [tilespmem:s17], [sflag:$0x1], $0x80, s5, s16, $0xb8;
	[tilespmem:$0x1E680] =	vst v63  }
0x77: {  	s19 =	simm.s32 $0x1CA00  }
0x78: {  	[spmem:s2] =	stream.indirect.scatter.add.f32 [tilespmem:s17], [sflag:$0x1], $0x80, s19, s16, $0xb8;
	[tilespmem:$0x1E680] =	vst v63  }
0x79: {  	s20 =	simm.s32 $0x1CA80  }
0x7a: {  	[spmem:s2] =	stream.indirect.scatter.add.f32 [tilespmem:s17], [sflag:$0x1], $0x80, s20, s16, $0xb8;
	[tilespmem:$0x1E680] =	vst v63  }
0x7b: {  	s5 =	simm.s32 $0x1CB00  }
0x7c: {  	[spmem:s2] =	stream.indirect.scatter.add.f32 [tilespmem:s17], [sflag:$0x1], $0x80, s5, s16, $0xb8;
	[tilespmem:$0x1E680] =	vst v63  }
0x7d: {  	s19 =	simm.s32 $0x1CB80  }
0x7e: {  	[spmem:s2] =	stream.indirect.scatter.add.f32 [tilespmem:s17], [sflag:$0x1], $0x80, s19, s16, $0xb8;
	[tilespmem:$0x1E680] =	vst v63  }
0x7f: {  	s20 =	simm.s32 $0x1CC00  }
0x80: {  	[spmem:s2] =	stream.indirect.scatter.add.f32 [tilespmem:s17], [sflag:$0x1], $0x80, s20, s16, $0xb8;
	[tilespmem:$0x1E680] =	vst v63  }
0x81: {  	s5 =	simm.s32 $0x1CC80  }
0x82: {  	[spmem:s2] =	stream.indirect.scatter.add.f32 [tilespmem:s17], [sflag:$0x1], $0x80, s5, s16, $0xb8;
	[tilespmem:$0x1E680] =	vst v63  }
0x83: {  	s19 =	simm.s32 $0x1CD00  }
0x84: {  	[spmem:s2] =	stream.indirect.scatter.add.f32 [tilespmem:s17], [sflag:$0x1], $0x80, s19, s16, $0xb8;
	[tilespmem:$0x1E680] =	vst v63  }
0x85: {  	s20 =	simm.s32 $0x1CD80  }
0x86: {  	[spmem:s2] =	stream.indirect.scatter.add.f32 [tilespmem:s17], [sflag:$0x1], $0x80, s20, s16, $0xb8;
	[tilespmem:$0x1E680] =	vst v63  }
0x87: {  	s5 =	simm.s32 $0x1CE00  }
0x88: {  	[spmem:s2] =	stream.indirect.scatter.add.f32 [tilespmem:s17], [sflag:$0x1], $0x80, s5, s16, $0xb8;
	[tilespmem:$0x1E680] =	vst v63  }
0x89: {  	s19 =	simm.s32 $0x1CE80  }
0x8a: {  	[spmem:s2] =	stream.indirect.scatter.add.f32 [tilespmem:s17], [sflag:$0x1], $0x80, s19, s16, $0xb8;
	[tilespmem:$0x1E680] =	vst v63  }
0x8b: {  	s20 =	simm.s32 $0x1CF00  }
0x8c: {  	[spmem:s2] =	stream.indirect.scatter.add.f32 [tilespmem:s17], [sflag:$0x1], $0x80, s20, s16, $0xb8;
	[tilespmem:$0x1E680] =	vst v63  }
0x8d: {  	s5 =	simm.s32 $0x1CF80  }
0x8e: {  	[spmem:s2] =	stream.indirect.scatter.add.f32 [tilespmem:s17], [sflag:$0x1], $0x80, s5, s16, $0xb8;
	[tilespmem:$0x1E680] =	vst v63  }
0x8f: {  	s19 =	simm.s32 $0x1D000  }
0x90: {  	[spmem:s2] =	stream.indirect.scatter.add.f32 [tilespmem:s17], [sflag:$0x1], $0x80, s19, s16, $0xb8;
	[tilespmem:$0x1E680] =	vst v63  }
0x91: {  	s20 =	simm.s32 $0x1D080  }
0x92: {  	[spmem:s2] =	stream.indirect.scatter.add.f32 [tilespmem:s17], [sflag:$0x1], $0x80, s20, s16, $0xb8;
	[tilespmem:$0x1E680] =	vst v63  }
0x93: {  	_ = 	snop  }
0x94: {  	[spmem:s2] =	stream.indirect.scatter.add.f32 [tilespmem:s17], [sflag:$0x1], $0x80, s21, s16, $0xb8;
	[tilespmem:$0x1E680] =	vst v63  }
0x95: {  	_ = 	snop  }
0x96: {  	[spmem:s2] =	stream.indirect.scatter.add.f32 [tilespmem:s17], [sflag:$0x1], $0x80, s22, s16, $0xb8;
	[tilespmem:$0x1E680] =	vst v63  }
0x97: {  	_ = 	snop  }
0x98: {  	[spmem:s2] =	stream.indirect.scatter.add.f32 [tilespmem:s17], [sflag:$0x1], $0x80, s23, s16, $0xb8;
	[tilespmem:$0x1E680] =	vst v63  }
0x99: {  	_ = 	snop  }
0x9a: {  	[spmem:s2] =	stream.indirect.scatter.add.f32 [tilespmem:s17], [sflag:$0x1], $0x80, s24, s16, $0xb8;
	[tilespmem:$0x1E680] =	vst v63  }
0x9b: {  	_ = 	snop  }
0x9c: {  	[spmem:s2] =	stream.indirect.scatter.add.f32 [tilespmem:s17], [sflag:$0x1], $0x80, s25, s16, $0xb8;
	[tilespmem:$0x1E680] =	vst v63  }
0x9d: {  	_ = 	snop  }
0x9e: {  	[spmem:s2] =	stream.indirect.scatter.add.f32 [tilespmem:s17], [sflag:$0x1], $0x80, s26, s16, $0xb8;
	[tilespmem:$0x1E680] =	vst v63  }
0x9f: {  	_ =	swait.ge [sflag:s28], $0x4000  }
0xa0: {  	s0 =	simm.s32 $0x27;
	[sflag:s28] =	ssyncset.done $0x0  }
.LBB2_6:
0xa1: {  	p0 =	sne.s32 s0, $0x1;
	s0 =	sadd.s32 $0xFFFFFFFF, s0;
	[sflag:s28] =	ssyncadd.s32 $0xFFFFC000  }
.Ltmp2:
0xa2: {  	(pc) =	sbr.rel @p0 .LBB2_6-.Ltmp2, $3  }
0xa3: {  	_ =	sdelay $0x1  }
0xa4: {  	_ =	swait.ge [sflag:s28], $0x4000  }
0xa5: {  	[sflag:s28] =	ssyncset.done $0x0  }
0xa6: {  	[sflag:s28] =	ssyncadd.s32 $0xFFFFC000  }
0xa7: {  	[bflag:$0x0] =	sbarrier.arrive $0xFFFF  }
0xa8: {  	[tilespmem:s29], [sflag:$0x4] =	stream.linear.gather [spmem:s18], $0x1000, $0x38;
	[tilespmem:$0x1E680] =	vst v63  }
0xa9: {  	_ =	swait.ge [sflag:s30], $0x1000  }
0xaa: {  	[sflag:s30] =	ssyncset.done $0x0  }
0xab: {  	[sflag:s30] =	ssyncadd.s32 $0xFFFFF000  }
0xac: {  	v2 =	vld [tilespmem:$0x1D400]  }
0xad: {  	v3 =	vld [tilespmem:$0x1D480]  }
0xae: {  	v4 =	vld [tilespmem:$0x1D500]  }
0xaf: {  	v5 =	vld [tilespmem:$0x1D580]  }
0xb0: {  	v6 =	vld [tilespmem:$0x1D600]  }
0xb1: {  	v7 =	vld [tilespmem:$0x1D680]  }
0xb2: {  	v2 =	vsel vm0, v2, v3;
	v3 =	vld [tilespmem:$0x1D700]  }
0xb3: {  	v2 =	vsel vm1, v2, v4;
	v4 =	vld [tilespmem:$0x1D780]  }
0xb4: {  	v2 =	vsel vm2, v2, v5;
	v5 =	vld [tilespmem:$0x1D800]  }
0xb5: {  	v2 =	vsel vm3, v2, v6;
	v6 =	vld [tilespmem:$0x1D880]  }
0xb6: {  	v2 =	vsel vm4, v2, v7;
	v7 =	vld [tilespmem:$0x1D900]  }
0xb7: {  	v2 =	vsel vm5, v2, v3;
	v3 =	vld [tilespmem:$0x1D980]  }
0xb8: {  	v2 =	vsel vm6, v2, v4;
	v4 =	vld [tilespmem:$0x1DA00]  }
0xb9: {  	v2 =	vsel vm7, v2, v5;
	v5 =	vld [tilespmem:$0x1DA80]  }
0xba: {  	v2 =	vsel vm8, v2, v6;
	v6 =	vld [tilespmem:$0x1DB00]  }
0xbb: {  	v2 =	vsel vm9, v2, v7;
	v7 =	vld [tilespmem:$0x1DB80]  }
0xbc: {  	v2 =	vsel vm10, v2, v3  }
0xbd: {  	v2 =	vsel vm11, v2, v4  }
0xbe: {  	v2 =	vsel vm12, v2, v5  }
0xbf: {  	v2 =	vsel vm13, v2, v6  }
0xc0: {  	s19 =	simm.s32 $0x0;
	v2 =	vsel vm14, v2, v7  }
0xc1: {  	[tilespmem:s19+$0x1E400] =	vst v2  }
0xc2: {  	v2 =	vld [tilespmem:$0x1DC00]  }
0xc3: {  	v3 =	vld [tilespmem:$0x1DC80]  }
0xc4: {  	v4 =	vld [tilespmem:$0x1DD00]  }
0xc5: {  	v5 =	vld [tilespmem:$0x1DD80]  }
0xc6: {  	v6 =	vld [tilespmem:$0x1DE00]  }
0xc7: {  	v7 =	vld [tilespmem:$0x1DE80]  }
0xc8: {  	v2 =	vsel vm0, v2, v3;
	v3 =	vld [tilespmem:$0x1DF00]  }
0xc9: {  	v2 =	vsel vm1, v2, v4;
	v4 =	vld [tilespmem:$0x1DF80]  }
0xca: {  	v2 =	vsel vm2, v2, v5;
	v5 =	vld [tilespmem:$0x1E000]  }
0xcb: {  	v2 =	vsel vm3, v2, v6;
	v6 =	vld [tilespmem:$0x1E080]  }
0xcc: {  	v2 =	vsel vm4, v2, v7;
	v7 =	vld [tilespmem:$0x1E100]  }
0xcd: {  	v8 =	vld [tilespmem:$0x1E180];
	v2 =	vsel vm5, v2, v3  }
0xce: {  	v3 =	vsel vm6, v2, v4  }
0xcf: {  	v2 =	vld [tilespmem:$0x1E200];
	v4 =	vsel vm7, v3, v5  }
0xd0: {  	v3 =	vld [tilespmem:$0x1E280];
	v5 =	vsel vm8, v4, v6  }
0xd1: {  	v4 =	vld [tilespmem:$0x1E300];
	v6 =	vsel vm9, v5, v7  }
0xd2: {  	s0 =	simm.s32 $0x80;
	s5 =	smov.u32 s18;
	v5 =	vld [tilespmem:$0x1E380];
	v6 =	vsel vm10, v6, v8  }
.LBB2_8:
0xd3: {  	p0 =	sne.s32 s0, $0x980  }
0xd4: {  	s5 =	sadd.s32 $0x1000, s5;
	s20 =	smov.u32 s0;
	s0 =	sadd.s32 $0x80, s0  }
0xd5: {  	v2 =	vsel vm11, v6, v2  }
0xd6: {  	v2 =	vsel vm12, v2, v3  }
0xd7: {  	v2 =	vsel vm13, v2, v4  }
0xd8: {  	v2 =	vsel vm14, v2, v5  }
0xd9: {  	[tilespmem:s19+$0x1E410] =	vst v2  }
0xda: {  	[tilespmem:s29], [sflag:$0x4] =	stream.linear.gather [spmem:s5], $0x1000, $0x38;
	[tilespmem:$0x1E680] =	vst v63  }
0xdb: {  	_ =	swait.ge [sflag:s30], $0x1000  }
0xdc: {  	[sflag:s30] =	ssyncset.done $0x0  }
0xdd: {  	[sflag:s30] =	ssyncadd.s32 $0xFFFFF000  }
0xde: {  	v2 =	vld [tilespmem:$0x1D400]  }
0xdf: {  	v3 =	vld [tilespmem:$0x1D480]  }
0xe0: {  	v4 =	vld [tilespmem:$0x1D500]  }
0xe1: {  	v5 =	vld [tilespmem:$0x1D580]  }
0xe2: {  	v6 =	vld [tilespmem:$0x1D600]  }
0xe3: {  	v7 =	vld [tilespmem:$0x1D680]  }
0xe4: {  	v2 =	vsel vm0, v2, v3;
	v3 =	vld [tilespmem:$0x1D700]  }
0xe5: {  	v2 =	vsel vm1, v2, v4;
	v4 =	vld [tilespmem:$0x1D780]  }
0xe6: {  	v2 =	vsel vm2, v2, v5;
	v5 =	vld [tilespmem:$0x1D800]  }
0xe7: {  	v2 =	vsel vm3, v2, v6;
	v6 =	vld [tilespmem:$0x1D880]  }
0xe8: {  	v2 =	vsel vm4, v2, v7;
	v7 =	vld [tilespmem:$0x1D900]  }
0xe9: {  	v2 =	vsel vm5, v2, v3;
	v3 =	vld [tilespmem:$0x1D980]  }
0xea: {  	v2 =	vsel vm6, v2, v4;
	v4 =	vld [tilespmem:$0x1DA00]  }
0xeb: {  	v2 =	vsel vm7, v2, v5;
	v5 =	vld [tilespmem:$0x1DA80]  }
0xec: {  	v2 =	vsel vm8, v2, v6;
	v6 =	vld [tilespmem:$0x1DB00]  }
0xed: {  	v2 =	vsel vm9, v2, v7;
	v7 =	vld [tilespmem:$0x1DB80]  }
0xee: {  	v2 =	vsel vm10, v2, v3  }
0xef: {  	v2 =	vsel vm11, v2, v4  }
0xf0: {  	v2 =	vsel vm12, v2, v5  }
0xf1: {  	v2 =	vsel vm13, v2, v6  }
0xf2: {  	s19 =	sshra.s32 s20, $0x2;
	v2 =	vsel vm14, v2, v7  }
0xf3: {  	[tilespmem:s19+$0x1E400] =	vst v2  }
0xf4: {  	v2 =	vld [tilespmem:$0x1DC00]  }
0xf5: {  	v3 =	vld [tilespmem:$0x1DC80]  }
0xf6: {  	v4 =	vld [tilespmem:$0x1DD00]  }
0xf7: {  	v5 =	vld [tilespmem:$0x1DD80]  }
0xf8: {  	v6 =	vld [tilespmem:$0x1DE00]  }
0xf9: {  	v7 =	vld [tilespmem:$0x1DE80]  }
0xfa: {  	v2 =	vsel vm0, v2, v3;
	v3 =	vld [tilespmem:$0x1DF00]  }
0xfb: {  	v2 =	vsel vm1, v2, v4;
	v4 =	vld [tilespmem:$0x1DF80]  }
0xfc: {  	v2 =	vsel vm2, v2, v5;
	v5 =	vld [tilespmem:$0x1E000]  }
0xfd: {  	v2 =	vsel vm3, v2, v6;
	v6 =	vld [tilespmem:$0x1E080]  }
0xfe: {  	v2 =	vsel vm4, v2, v7;
	v7 =	vld [tilespmem:$0x1E100]  }
0xff: {  	v2 =	vsel vm5, v2, v3;
	v8 =	vld [tilespmem:$0x1E180]  }
.Ltmp3:
0x100: {  	v3 =	vsel vm6, v2, v4;
	v2 =	vld [tilespmem:$0x1E200];
	(pc) =	sbr.rel @p0 .LBB2_8-.Ltmp3, $4  }
0x101: {  	v4 =	vsel vm7, v3, v5;
	v3 =	vld [tilespmem:$0x1E280]  }
0x102: {  	v5 =	vsel vm8, v4, v6;
	v4 =	vld [tilespmem:$0x1E300]  }
0x103: {  	v6 =	vsel vm9, v5, v7;
	v5 =	vld [tilespmem:$0x1E380]  }
0x104: {  	v6 =	vsel vm10, v6, v8  }
0x105: {  	v2 =	vsel vm11, v6, v2  }
0x106: {  	v2 =	vsel vm12, v2, v3  }
0x107: {  	s1 =	sadd.s32 $0x1, s1;
	v2 =	vsel vm13, v2, v4  }
0x108: {  	p0 =	sne.s32 s1, s6;
	v2 =	vsel vm14, v2, v5  }
.Ltmp4:
0x109: {  	[tilespmem:s19+$0x1E410] =	vst v2;
	(pc) =	sbr.rel @p0 .LBB2_1-.Ltmp4, $4  }
0x10a: {  	[hbm4b:s11+s3] =	stream.linear.scatter [tilespmem:s31], [sflag:$0x4], $0x280, $0x38;
	[tilespmem:$0x1E680] =	vst v63  }
0x10b: {  	_ =	swait.ge [sflag:s30], $0x280  }
0x10c: {  	[sflag:s30] =	ssyncset.done $0x0  }
0x10d: {  	[sflag:s30] =	ssyncadd.s32 $0xFFFFFD80  }
0x10e: {  	_ =	sfence.sel $0x180000  }
0x10f: {  	[bflag:$0x0] =	sbarrier.arrive $0xFFFF  }
0x110: {  	_ =	strace $0x90000047  }
0x111: {  	s0 =	stileid.u32;
	[bflag:$0x2] =	sbarrier.arrive $0xFFFF  }
0x112: {  	p0 =	sne.s32 s0, $0x0;
	s0 =	rddreg [dreg:$0x2]  }
0x113: {  	s0 =	sadd.s32 @!p0 $0x100000, s0  }
0x114: {  	[sflag:s0] =	ssyncadd.tile.s32 @!p0 $0x1;
	_ =	shalt  }
.Lfunc_end2:
_tile_overlayer_lowered:
.L_overlay_start_2:
0x115: {  	(tag) =	ssettag $0x2  }
0x116: {  	s0 =	rddreg [dreg:$0x0];
	s2 =	stileid.u32  }
0x117: {  	s1 =	rddreg [dreg:$0x1];
	p0 =	sne.s32 s2, $0x0  }
0x118: {  	s3 =	rddreg [dreg:$0x2];
	[bflag:$0x3] =	sbarrier.arrive $0xFFFF;
	s2 =	simm.s32 @!p0 $0x1C04  }
0x119: {  	[timem:s3], [sflag:s2] =	dma.local @!p0 [hbm:s0], s1  }
0x11a: {  	s0 =	simm.s32 @!p0 $0x4  }
0x11b: {  	_ =	swait.ge @!p0 [sflag:s0], s1  }
0x11c: {  	s1 =	ssub.s32 @!p0 $0x0, s1;
	[sflag:s0] =	ssyncset.done @!p0 $0x0  }
0x11d: {  	[sflag:s0] =	ssyncadd.s32 @!p0 s1  }
0x11e: {  	[bflag:$0x3] =	sbarrier.arrive $0xFFFF  }
0x11f: {  	_ =	shalt  }

</sc_bundles>
